<compile_context>
chip_gen: v7x
topology: tpu7x:2x2x1
jax: 0.10.2.dev20260603
libtpu: 0.0.44.dev20260713+nightly
codegen_flags: <defaults>
</compile_context>

<pallas_src>
import functools

import jax
import jax.numpy as jnp
import numpy as np
from jax import lax
from jax.experimental import pallas as pl
from jax.experimental.pallas import tpu as pltpu
from jax.experimental.pallas import tpu_sc as plsc

_LEVELS = [8, 8, 8, 5, 5, 5]
_NQ = 8
_EPS = 1e-3

_F = np.float32
_lev = np.array(_LEVELS, np.float32)
_hl = ((_lev - _F(1)) * _F(1.0 + _EPS) / _F(2)).astype(np.float32)
_off = np.where(_lev % 2 == 0, _F(0.5), _F(0.0)).astype(np.float32)
_shift = np.arctanh(_off / _hl).astype(np.float32)
_hw = np.floor(_lev / 2).astype(np.float32)
_basis = np.array([1, 8, 64, 512, 2560, 12800], np.float32)
_A = (_F(2) * _hl).astype(np.float32)
_B = (-(_hl + _off)).astype(np.float32)
_b0 = (_F(-2) * _shift).astype(np.float32)
_MAGIC = float(_F(12582912.0))
_K0 = float(_F(np.sum(_hw.astype(np.float64) * _basis.astype(np.float64))))
_AI = [(_F(-2) * np.power(_lev - _F(1), _F(i))).astype(np.float32)
       for i in range(_NQ)]
_QS = [(np.power(_lev - _F(1), _F(-i)) / _hw).astype(np.float32)
       for i in range(_NQ)]

_lev8 = np.array(_LEVELS + [2, 2], np.float32)
_hl8 = ((_lev8 - _F(1)) * _F(1.0 + _EPS) / _F(2)).astype(np.float32)
_off8 = np.where(_lev8 % 2 == 0, _F(0.5), _F(0.0)).astype(np.float32)
_shift8 = np.arctanh(_off8 / _hl8).astype(np.float32)
_C8 = np.stack([_hl8, _off8, _shift8], axis=1)

_NC = 2
_NS = 16
_LANES = 16


def _fsq_fused_body(x_ref, win_ref, bin_ref, wout_ref, c_ref,
                    out_ref, idx_ref, q_scr):
    g = pl.program_id(0)
    hl = c_ref[:, 0:1]
    off = c_ref[:, 1:2]
    shift = c_ref[:, 2:3]
    basis = c_ref[:, 4:5]
    k0 = c_ref[0:1, 21:22]
    row = jax.lax.broadcasted_iota(jnp.int32, (8, 1), 0)

    @pl.when(g > 0)
    def _drain():
        out_ref[...] = jax.lax.dot_general(
            q_scr[...], wout_ref[...], (((0,), (0,)), ((), ())),
            preferred_element_type=jnp.float32)

    z = jax.lax.dot_general(
        x_ref[...], win_ref[...], (((1,), (0,)), ((), ())),
        preferred_element_type=jnp.float32)
    zT = z.T + bin_ref[...]

    r = jnp.tanh(zT + shift) * hl - off
    q = jnp.zeros_like(r)
    idx_rows = []
    for i in range(_NQ):
        inv = c_ref[:, 5 + i:6 + i]
        qs = c_ref[:, 13 + i:14 + i]
        zb = jnp.tanh(r * inv + shift) * hl - off
        rnd = jnp.round(zb)
        idxf = jnp.sum(rnd * basis, axis=0) + k0[0]
        idx_rows.append(idxf.astype(jnp.int32))
        quant = rnd * qs
        r = r - quant
        q = q + quant

    q_scr[...] = jnp.where(row == 6, 1.0, q)
    idx_ref[...] = jnp.stack(idx_rows, axis=0)


def _zin_body(x_ref, win_ref, bin_ref, c_ref, rT_ref):
    hl = c_ref[:, 0:1]
    off = c_ref[:, 1:2]
    shift = c_ref[:, 2:3]
    z = jax.lax.dot_general(
        x_ref[...], win_ref[...], (((1,), (0,)), ((), ())),
        preferred_element_type=jnp.float32)
    zT = z.T + bin_ref[...]
    rT_ref[...] = jnp.tanh(zT + shift) * hl - off


def _sc_fsq_body(TW, rT_hbm, qT_hbm, idxT_hbm, z_v, q_v, idx_v):
    wid = lax.axis_index("s") * _NC + lax.axis_index("c")
    base = wid * TW
    for c in range(6):
        pltpu.sync_copy(rT_hbm.at[c, pl.ds(base, TW)], z_v.at[c])

    def one(sl):
        r0 = [z_v[c, sl] for c in range(6)]
        r = list(r0)
        for i in range(_NQ):
            acc = None
            for c in range(6):
                e = jnp.exp(r[c] * _AI[i][c] + _b0[c])
                zb = _A[c] / (e + _F(1.0)) + _B[c]
                rnd = (zb + _F(_MAGIC)) - _F(_MAGIC)
                term = rnd if _basis[c] == 1.0 else rnd * _basis[c]
                acc = term if acc is None else acc + term
                r[c] = r[c] - rnd * _QS[i][c]
            idx_v[i, sl] = (acc + _F(_K0)).astype(jnp.int32)
        for c in range(6):
            q_v[c, sl] = r0[c] - r[c]

    def chunk(t, carry):
        one(pl.ds(t * (2 * _LANES), _LANES))
        one(pl.ds(t * (2 * _LANES) + _LANES, _LANES))
        return carry

    lax.fori_loop(0, TW // (2 * _LANES), chunk, 0)

    for c in range(6):
        pltpu.sync_copy(q_v.at[c], qT_hbm.at[c, pl.ds(base, TW)])
    for i in range(_NQ):
        pltpu.sync_copy(idx_v.at[i], idxT_hbm.at[i, pl.ds(base, TW)])


def _proj_out_body(qT_ref, wout_ref, out_ref):
    q6 = qT_ref[...]
    blk = q6.shape[1]
    q8 = jnp.concatenate(
        [q6, jnp.ones((1, blk), jnp.float32),
         jnp.zeros((1, blk), jnp.float32)], axis=0)
    out_ref[...] = jax.lax.dot_general(
        q8, wout_ref[...], (((0,), (0,)), ((), ())),
        preferred_element_type=jnp.float32)


def _proj_out_body2(prev_ref, qT_ref, wout_ref, out_ref):
    del prev_ref
    _proj_out_body(qT_ref, wout_ref, out_ref)


_SC_BLKS = 2


def kernel(x, W_in, b_in, W_out, b_out):
    B, N, D = x.shape
    T = B * N
    x2 = x.reshape(T, D)
    win8 = jnp.zeros((D, 8), jnp.float32).at[:, :6].set(W_in)
    bin8 = jnp.zeros((8, 1), jnp.float32).at[:6, 0].set(b_in)
    wout8 = jnp.zeros((8, D), jnp.float32).at[:6, :].set(W_out).at[6, :].set(b_out)
    c8 = jnp.asarray(_C8)

    lev = jnp.array(_LEVELS + [2, 2], dtype=jnp.float32)
    half_l = (lev - 1.0) * (1.0 + _EPS) / 2.0
    offset = jnp.where(jnp.mod(lev, 2.0) == 0.0, 0.5, 0.0)
    shift = jnp.arctanh(offset / half_l)
    hw = jnp.floor(lev / 2.0)
    basis = jnp.concatenate([
        jnp.array(np.concatenate(([1], np.cumprod(_LEVELS[:-1]))),
                  dtype=jnp.float32),
        jnp.zeros((2,), jnp.float32)])
    invs = [(lev - 1.0) ** float(i) for i in range(_NQ)]
    qss = [((lev - 1.0) ** (-float(i))) / hw for i in range(_NQ)]
    k0col = jnp.full((8,), jnp.sum(hw * basis), jnp.float32)
    cols = [half_l, offset, shift, hw, basis] + invs + qss + [k0col]
    cols += [jnp.zeros((8,), jnp.float32)] * (24 - len(cols))
    consts = jnp.stack(cols, axis=1)

    BLK = 2048
    nblk = T // BLK
    ntc = nblk - _SC_BLKS
    TSC = _SC_BLKS * BLK
    TW = TSC // (_NC * _NS)
    last_tc = ntc - 1

    out0, idxT0 = pl.pallas_call(
        _fsq_fused_body,
        grid=(ntc + 1,),
        in_specs=[
            pl.BlockSpec((BLK, D), lambda i: (jnp.minimum(i, last_tc), 0)),
            pl.BlockSpec((D, 8), lambda i: (0, 0)),
            pl.BlockSpec((8, 1), lambda i: (0, 0)),
            pl.BlockSpec((8, D), lambda i: (0, 0)),
            pl.BlockSpec((8, 24), lambda i: (0, 0)),
        ],
        out_specs=[
            pl.BlockSpec((BLK, D), lambda i: (jnp.maximum(i - 1, 0), 0)),
            pl.BlockSpec((8, BLK), lambda i: (0, jnp.minimum(i, last_tc))),
        ],
        out_shape=[
            jax.ShapeDtypeStruct((T, D), jnp.float32),
            jax.ShapeDtypeStruct((8, T), jnp.int32),
        ],
        scratch_shapes=[pltpu.VMEM((8, BLK), jnp.float32)],
    )(x2, win8, bin8, wout8, consts)

    rT = pl.pallas_call(
        _zin_body,
        grid=(_SC_BLKS,),
        in_specs=[
            pl.BlockSpec((BLK, D), lambda i: (ntc + i, 0)),
            pl.BlockSpec((D, 8), lambda i: (0, 0)),
            pl.BlockSpec((8, 1), lambda i: (0, 0)),
            pl.BlockSpec((8, 3), lambda i: (0, 0)),
        ],
        out_specs=pl.BlockSpec((8, BLK), lambda i: (0, i)),
        out_shape=jax.ShapeDtypeStruct((8, TSC), jnp.float32),
    )(x2, win8, bin8, c8)

    mesh = plsc.VectorSubcoreMesh(core_axis_name="c", subcore_axis_name="s")
    sc_fn = functools.partial(
        pl.kernel,
        mesh=mesh,
        out_type=[
            jax.ShapeDtypeStruct((6, TSC), jnp.float32),
            jax.ShapeDtypeStruct((8, TSC), jnp.int32),
        ],
        scratch_types=[
            pltpu.VMEM((6, TW), jnp.float32),
            pltpu.VMEM((6, TW), jnp.float32),
            pltpu.VMEM((8, TW), jnp.int32),
        ],
    )(functools.partial(_sc_fsq_body, TW))
    qT, idxT1 = sc_fn(rT)

    out = pl.pallas_call(
        _proj_out_body2,
        grid=(_SC_BLKS,),
        in_specs=[
            pl.BlockSpec(memory_space=pl.ANY),
            pl.BlockSpec((6, BLK), lambda i: (0, i)),
            pl.BlockSpec((8, D), lambda i: (0, 0)),
        ],
        out_specs=pl.BlockSpec((BLK, D), lambda i: (ntc + i, 0)),
        out_shape=jax.ShapeDtypeStruct((T, D), jnp.float32),
        input_output_aliases={0: 0},
    )(out0, qT, wout8)

    idxT = jnp.concatenate([idxT0[:, :ntc * BLK], idxT1], axis=1)
    return out.reshape(B, N, D), idxT.T.reshape(B, N, _NQ)

# --- scband reference (transcript-rebuilt; emitter-appended) ---
"""Pipeline reference for scband-residual-fsq-19877108645910 (READ-ONLY COPY).

The authoritative reference and input builder live on the scoring server;
editing this copy changes nothing except your own understanding.
"""

import jax, jax.numpy as jnp
import numpy as np

LEVELS = [8, 8, 8, 5, 5, 5]
NUM_Q = 8
DIM = 768
CODE_DIM = len(LEVELS)


def setup_inputs(seed: int = 0) -> dict:
    key = jax.random.key(seed)
    k1, k2, k3 = jax.random.split(key, 3)
    x = jax.random.normal(k1, (16, 1024, DIM), dtype=jnp.float32)
    W_in = jax.random.normal(k2, (DIM, CODE_DIM), dtype=jnp.float32) * 0.02
    b_in = jnp.zeros((CODE_DIM,), dtype=jnp.float32)
    W_out = jax.random.normal(k3, (CODE_DIM, DIM), dtype=jnp.float32) * 0.02
    b_out = jnp.zeros((DIM,), dtype=jnp.float32)
    return {"x": x, "W_in": W_in, "b_in": b_in, "W_out": W_out, "b_out": b_out}


def _bound(z, levels, eps=1e-3):
    # FSQ.bound: tanh squashing into [-l/2, l/2] per dim
    half_l = (levels - 1.0) * (1.0 + eps) / 2.0
    offset = jnp.where(jnp.mod(levels, 2.0) == 0.0, 0.5, 0.0)
    shift = jnp.arctanh(offset / half_l)
    return jnp.tanh(z + shift) * half_l - offset


def _round_ste(z):
    return z + jax.lax.stop_gradient(jnp.round(z) - z)


def reference(x, W_in, b_in, W_out, b_out):
    levels = jnp.array(LEVELS, dtype=jnp.float32)
    basis = jnp.array(np.concatenate(([1], np.cumprod(LEVELS[:-1]))), dtype=jnp.float32)
    half_width = jnp.floor(levels / 2.0)

    # project_in (dim != codebook_dim -> Linear)
    z = jnp.einsum('bnd,dc->bnc', x, W_in) + b_in

    residual = _bound(z, levels)
    quantized_out = jnp.zeros_like(residual)
    all_indices = []
    for i in range(NUM_Q):
        scale = (levels - 1.0) ** (-float(i))
        # FSQ forward on residual / scale
        zb = _bound(residual / scale, levels)
        codes = _round_ste(zb) / half_width
        # codes_to_indices
        zhat = codes * half_width + half_width
        idx = jnp.sum(zhat * basis, axis=-1).astype(jnp.int32)
        quantized = codes * scale
        residual = residual - jax.lax.stop_gradient(quantized)
        quantized_out = quantized_out + quantized
        all_indices.append(idx)

    out = jnp.einsum('bnc,cd->bnd', quantized_out, W_out) + b_out
    indices = jnp.stack(all_indices, axis=-1)
    return out, indices

if __name__ == "__main__":
    import jax
    _d = setup_inputs()
    print(jax.jit(kernel)(*tuple(_d.values())))

</pallas_src>

<mosaic_0001>
#map = affine_map<(d0, d1) -> (0, 0)>
module attributes {stable_mosaic.version = 14 : i64} {
  func.func @_sc_fsq_body(%arg0: i32, %arg1: i32, %arg2: memref<8x4096xf32, #tpu.memory_space<hbm>>, %arg3: memref<6x4096xf32, #tpu.memory_space<hbm>>, %arg4: memref<8x4096xi32, #tpu.memory_space<hbm>>, %arg5: memref<6x128xf32, #tpu.memory_space<vmem>>, %arg6: memref<6x128xf32, #tpu.memory_space<vmem>>, %arg7: memref<8x128xi32, #tpu.memory_space<vmem>>) attributes {dimension_semantics = [#tpu.dimension_semantics<core_parallel>, #tpu.dimension_semantics<subcore_parallel>], iteration_bounds = array<i64: 2, 16>, scalar_prefetch = 0 : i64, scratch_operands = 3 : i64, tpu.core_type = #tpu.core_type<sc_vector_subcore>, window_params = [{transform_indices = #map}, {transform_indices = #map}, {transform_indices = #map}]} {
    %mul3A = arith.constant 2 : i32
    %mul3A_0 = arith.muli %arg1, %mul3A : i32
    %add3A = arith.addi %mul3A_0, %arg0 : i32
    %mul3A_1 = arith.constant 128 : i32
    %mul3A_2 = arith.muli %add3A, %mul3A_1 : i32
    %run_scoped3A = arith.constant 0 : i32
    %run_scoped3A_3 = arith.constant 0 : i32
    "tpu.region"() ({
      %run_scoped3A_47 = tpu.sem_alloc : memref<!tpu.dma_semaphore, #tpu.memory_space<semaphore_mem>>
      %dma_start3A = arith.constant 0 : i32
      %dma_start3A_48 = tpu.memref_slice %arg5[%run_scoped3A_3, %dma_start3A] : memref<6x128xf32, #tpu.memory_space<vmem>> -> memref<1x128xf32, #tpu.memory_space<vmem>>
      %dma_start3A_49 = tpu.memref_squeeze %dma_start3A_48 : memref<1x128xf32, #tpu.memory_space<vmem>> -> memref<128xf32, #tpu.memory_space<vmem>>
      %dma_start3A_50 = tpu.memref_slice %arg2[%run_scoped3A, %mul3A_2] : memref<8x4096xf32, #tpu.memory_space<hbm>> -> memref<1x128xf32, #tpu.memory_space<hbm>>
      %dma_start3A_51 = tpu.memref_squeeze %dma_start3A_50 : memref<1x128xf32, #tpu.memory_space<hbm>> -> memref<128xf32, #tpu.memory_space<hbm>>
      %dma_start3A_52 = arith.constant 0 : i32
      %dma_start3A_53 = tpu.memref_slice %arg5[%run_scoped3A_3, %dma_start3A_52] : memref<6x128xf32, #tpu.memory_space<vmem>> -> memref<1x128xf32, #tpu.memory_space<vmem>>
      %dma_start3A_54 = tpu.memref_squeeze %dma_start3A_53 : memref<1x128xf32, #tpu.memory_space<vmem>> -> memref<128xf32, #tpu.memory_space<vmem>>
      %dma_start3A_55 = tpu.memref_slice %arg2[%run_scoped3A, %mul3A_2] : memref<8x4096xf32, #tpu.memory_space<hbm>> -> memref<1x128xf32, #tpu.memory_space<hbm>>
      %dma_start3A_56 = tpu.memref_squeeze %dma_start3A_55 : memref<1x128xf32, #tpu.memory_space<hbm>> -> memref<128xf32, #tpu.memory_space<hbm>>
      tpu.enqueue_dma source(%dma_start3A_56 : memref<128xf32, #tpu.memory_space<hbm>>) target(%dma_start3A_54 : memref<128xf32, #tpu.memory_space<vmem>>) target_semaphore(%run_scoped3A_47 : memref<!tpu.dma_semaphore, #tpu.memory_space<semaphore_mem>>)
      %dma_wait3A = arith.constant 0 : i32
      %dma_wait3A_57 = tpu.memref_slice %arg5[%run_scoped3A_3, %dma_wait3A] : memref<6x128xf32, #tpu.memory_space<vmem>> -> memref<1x128xf32, #tpu.memory_space<vmem>>
      %dma_wait3A_58 = tpu.memref_squeeze %dma_wait3A_57 : memref<1x128xf32, #tpu.memory_space<vmem>> -> memref<128xf32, #tpu.memory_space<vmem>>
      %dma_wait3A_59 = tpu.memref_slice %arg2[%run_scoped3A, %mul3A_2] : memref<8x4096xf32, #tpu.memory_space<hbm>> -> memref<1x128xf32, #tpu.memory_space<hbm>>
      %dma_wait3A_60 = tpu.memref_squeeze %dma_wait3A_59 : memref<1x128xf32, #tpu.memory_space<hbm>> -> memref<128xf32, #tpu.memory_space<hbm>>
      %dma_wait3A_61 = arith.constant 0 : i32
      %dma_wait3A_62 = tpu.memref_slice %arg5[%run_scoped3A_3, %dma_wait3A_61] : memref<6x128xf32, #tpu.memory_space<vmem>> -> memref<1x128xf32, #tpu.memory_space<vmem>>
      %dma_wait3A_63 = tpu.memref_squeeze %dma_wait3A_62 : memref<1x128xf32, #tpu.memory_space<vmem>> -> memref<128xf32, #tpu.memory_space<vmem>>
      %dma_wait3A_64 = tpu.memref_slice %arg2[%run_scoped3A, %mul3A_2] : memref<8x4096xf32, #tpu.memory_space<hbm>> -> memref<1x128xf32, #tpu.memory_space<hbm>>
      %dma_wait3A_65 = tpu.memref_squeeze %dma_wait3A_64 : memref<1x128xf32, #tpu.memory_space<hbm>> -> memref<128xf32, #tpu.memory_space<hbm>>
      tpu.wait_dma2 semaphore(%run_scoped3A_47 : memref<!tpu.dma_semaphore, #tpu.memory_space<semaphore_mem>>) src(%dma_wait3A_65 : memref<128xf32, #tpu.memory_space<hbm>>) dst(%dma_wait3A_63 : memref<128xf32, #tpu.memory_space<vmem>>)
      tpu.yield
    }) : () -> ()
    %run_scoped3A_4 = arith.constant 1 : i32
    %run_scoped3A_5 = arith.constant 1 : i32
    "tpu.region"() ({
      %run_scoped3A_47 = tpu.sem_alloc : memref<!tpu.dma_semaphore, #tpu.memory_space<semaphore_mem>>
      %dma_start3A = arith.constant 0 : i32
      %dma_start3A_48 = tpu.memref_slice %arg5[%run_scoped3A_5, %dma_start3A] : memref<6x128xf32, #tpu.memory_space<vmem>> -> memref<1x128xf32, #tpu.memory_space<vmem>>
      %dma_start3A_49 = tpu.memref_squeeze %dma_start3A_48 : memref<1x128xf32, #tpu.memory_space<vmem>> -> memref<128xf32, #tpu.memory_space<vmem>>
      %dma_start3A_50 = tpu.memref_slice %arg2[%run_scoped3A_4, %mul3A_2] : memref<8x4096xf32, #tpu.memory_space<hbm>> -> memref<1x128xf32, #tpu.memory_space<hbm>>
      %dma_start3A_51 = tpu.memref_squeeze %dma_start3A_50 : memref<1x128xf32, #tpu.memory_space<hbm>> -> memref<128xf32, #tpu.memory_space<hbm>>
      %dma_start3A_52 = arith.constant 0 : i32
      %dma_start3A_53 = tpu.memref_slice %arg5[%run_scoped3A_5, %dma_start3A_52] : memref<6x128xf32, #tpu.memory_space<vmem>> -> memref<1x128xf32, #tpu.memory_space<vmem>>
      %dma_start3A_54 = tpu.memref_squeeze %dma_start3A_53 : memref<1x128xf32, #tpu.memory_space<vmem>> -> memref<128xf32, #tpu.memory_space<vmem>>
      %dma_start3A_55 = tpu.memref_slice %arg2[%run_scoped3A_4, %mul3A_2] : memref<8x4096xf32, #tpu.memory_space<hbm>> -> memref<1x128xf32, #tpu.memory_space<hbm>>
      %dma_start3A_56 = tpu.memref_squeeze %dma_start3A_55 : memref<1x128xf32, #tpu.memory_space<hbm>> -> memref<128xf32, #tpu.memory_space<hbm>>
      tpu.enqueue_dma source(%dma_start3A_56 : memref<128xf32, #tpu.memory_space<hbm>>) target(%dma_start3A_54 : memref<128xf32, #tpu.memory_space<vmem>>) target_semaphore(%run_scoped3A_47 : memref<!tpu.dma_semaphore, #tpu.memory_space<semaphore_mem>>)
      %dma_wait3A = arith.constant 0 : i32
      %dma_wait3A_57 = tpu.memref_slice %arg5[%run_scoped3A_5, %dma_wait3A] : memref<6x128xf32, #tpu.memory_space<vmem>> -> memref<1x128xf32, #tpu.memory_space<vmem>>
      %dma_wait3A_58 = tpu.memref_squeeze %dma_wait3A_57 : memref<1x128xf32, #tpu.memory_space<vmem>> -> memref<128xf32, #tpu.memory_space<vmem>>
      %dma_wait3A_59 = tpu.memref_slice %arg2[%run_scoped3A_4, %mul3A_2] : memref<8x4096xf32, #tpu.memory_space<hbm>> -> memref<1x128xf32, #tpu.memory_space<hbm>>
      %dma_wait3A_60 = tpu.memref_squeeze %dma_wait3A_59 : memref<1x128xf32, #tpu.memory_space<hbm>> -> memref<128xf32, #tpu.memory_space<hbm>>
      %dma_wait3A_61 = arith.constant 0 : i32
      %dma_wait3A_62 = tpu.memref_slice %arg5[%run_scoped3A_5, %dma_wait3A_61] : memref<6x128xf32, #tpu.memory_space<vmem>> -> memref<1x128xf32, #tpu.memory_space<vmem>>
      %dma_wait3A_63 = tpu.memref_squeeze %dma_wait3A_62 : memref<1x128xf32, #tpu.memory_space<vmem>> -> memref<128xf32, #tpu.memory_space<vmem>>
      %dma_wait3A_64 = tpu.memref_slice %arg2[%run_scoped3A_4, %mul3A_2] : memref<8x4096xf32, #tpu.memory_space<hbm>> -> memref<1x128xf32, #tpu.memory_space<hbm>>
      %dma_wait3A_65 = tpu.memref_squeeze %dma_wait3A_64 : memref<1x128xf32, #tpu.memory_space<hbm>> -> memref<128xf32, #tpu.memory_space<hbm>>
      tpu.wait_dma2 semaphore(%run_scoped3A_47 : memref<!tpu.dma_semaphore, #tpu.memory_space<semaphore_mem>>) src(%dma_wait3A_65 : memref<128xf32, #tpu.memory_space<hbm>>) dst(%dma_wait3A_63 : memref<128xf32, #tpu.memory_space<vmem>>)
      tpu.yield
    }) : () -> ()
    %run_scoped3A_6 = arith.constant 2 : i32
    %run_scoped3A_7 = arith.constant 2 : i32
    "tpu.region"() ({
      %run_scoped3A_47 = tpu.sem_alloc : memref<!tpu.dma_semaphore, #tpu.memory_space<semaphore_mem>>
      %dma_start3A = arith.constant 0 : i32
      %dma_start3A_48 = tpu.memref_slice %arg5[%run_scoped3A_7, %dma_start3A] : memref<6x128xf32, #tpu.memory_space<vmem>> -> memref<1x128xf32, #tpu.memory_space<vmem>>
      %dma_start3A_49 = tpu.memref_squeeze %dma_start3A_48 : memref<1x128xf32, #tpu.memory_space<vmem>> -> memref<128xf32, #tpu.memory_space<vmem>>
      %dma_start3A_50 = tpu.memref_slice %arg2[%run_scoped3A_6, %mul3A_2] : memref<8x4096xf32, #tpu.memory_space<hbm>> -> memref<1x128xf32, #tpu.memory_space<hbm>>
      %dma_start3A_51 = tpu.memref_squeeze %dma_start3A_50 : memref<1x128xf32, #tpu.memory_space<hbm>> -> memref<128xf32, #tpu.memory_space<hbm>>
      %dma_start3A_52 = arith.constant 0 : i32
      %dma_start3A_53 = tpu.memref_slice %arg5[%run_scoped3A_7, %dma_start3A_52] : memref<6x128xf32, #tpu.memory_space<vmem>> -> memref<1x128xf32, #tpu.memory_space<vmem>>
      %dma_start3A_54 = tpu.memref_squeeze %dma_start3A_53 : memref<1x128xf32, #tpu.memory_space<vmem>> -> memref<128xf32, #tpu.memory_space<vmem>>
      %dma_start3A_55 = tpu.memref_slice %arg2[%run_scoped3A_6, %mul3A_2] : memref<8x4096xf32, #tpu.memory_space<hbm>> -> memref<1x128xf32, #tpu.memory_space<hbm>>
      %dma_start3A_56 = tpu.memref_squeeze %dma_start3A_55 : memref<1x128xf32, #tpu.memory_space<hbm>> -> memref<128xf32, #tpu.memory_space<hbm>>
      tpu.enqueue_dma source(%dma_start3A_56 : memref<128xf32, #tpu.memory_space<hbm>>) target(%dma_start3A_54 : memref<128xf32, #tpu.memory_space<vmem>>) target_semaphore(%run_scoped3A_47 : memref<!tpu.dma_semaphore, #tpu.memory_space<semaphore_mem>>)
      %dma_wait3A = arith.constant 0 : i32
      %dma_wait3A_57 = tpu.memref_slice %arg5[%run_scoped3A_7, %dma_wait3A] : memref<6x128xf32, #tpu.memory_space<vmem>> -> memref<1x128xf32, #tpu.memory_space<vmem>>
      %dma_wait3A_58 = tpu.memref_squeeze %dma_wait3A_57 : memref<1x128xf32, #tpu.memory_space<vmem>> -> memref<128xf32, #tpu.memory_space<vmem>>
      %dma_wait3A_59 = tpu.memref_slice %arg2[%run_scoped3A_6, %mul3A_2] : memref<8x4096xf32, #tpu.memory_space<hbm>> -> memref<1x128xf32, #tpu.memory_space<hbm>>
      %dma_wait3A_60 = tpu.memref_squeeze %dma_wait3A_59 : memref<1x128xf32, #tpu.memory_space<hbm>> -> memref<128xf32, #tpu.memory_space<hbm>>
      %dma_wait3A_61 = arith.constant 0 : i32
      %dma_wait3A_62 = tpu.memref_slice %arg5[%run_scoped3A_7, %dma_wait3A_61] : memref<6x128xf32, #tpu.memory_space<vmem>> -> memref<1x128xf32, #tpu.memory_space<vmem>>
      %dma_wait3A_63 = tpu.memref_squeeze %dma_wait3A_62 : memref<1x128xf32, #tpu.memory_space<vmem>> -> memref<128xf32, #tpu.memory_space<vmem>>
      %dma_wait3A_64 = tpu.memref_slice %arg2[%run_scoped3A_6, %mul3A_2] : memref<8x4096xf32, #tpu.memory_space<hbm>> -> memref<1x128xf32, #tpu.memory_space<hbm>>
      %dma_wait3A_65 = tpu.memref_squeeze %dma_wait3A_64 : memref<1x128xf32, #tpu.memory_space<hbm>> -> memref<128xf32, #tpu.memory_space<hbm>>
      tpu.wait_dma2 semaphore(%run_scoped3A_47 : memref<!tpu.dma_semaphore, #tpu.memory_space<semaphore_mem>>) src(%dma_wait3A_65 : memref<128xf32, #tpu.memory_space<hbm>>) dst(%dma_wait3A_63 : memref<128xf32, #tpu.memory_space<vmem>>)
      tpu.yield
    }) : () -> ()
    %run_scoped3A_8 = arith.constant 3 : i32
    %run_scoped3A_9 = arith.constant 3 : i32
    "tpu.region"() ({
      %run_scoped3A_47 = tpu.sem_alloc : memref<!tpu.dma_semaphore, #tpu.memory_space<semaphore_mem>>
      %dma_start3A = arith.constant 0 : i32
      %dma_start3A_48 = tpu.memref_slice %arg5[%run_scoped3A_9, %dma_start3A] : memref<6x128xf32, #tpu.memory_space<vmem>> -> memref<1x128xf32, #tpu.memory_space<vmem>>
      %dma_start3A_49 = tpu.memref_squeeze %dma_start3A_48 : memref<1x128xf32, #tpu.memory_space<vmem>> -> memref<128xf32, #tpu.memory_space<vmem>>
      %dma_start3A_50 = tpu.memref_slice %arg2[%run_scoped3A_8, %mul3A_2] : memref<8x4096xf32, #tpu.memory_space<hbm>> -> memref<1x128xf32, #tpu.memory_space<hbm>>
      %dma_start3A_51 = tpu.memref_squeeze %dma_start3A_50 : memref<1x128xf32, #tpu.memory_space<hbm>> -> memref<128xf32, #tpu.memory_space<hbm>>
      %dma_start3A_52 = arith.constant 0 : i32
      %dma_start3A_53 = tpu.memref_slice %arg5[%run_scoped3A_9, %dma_start3A_52] : memref<6x128xf32, #tpu.memory_space<vmem>> -> memref<1x128xf32, #tpu.memory_space<vmem>>
      %dma_start3A_54 = tpu.memref_squeeze %dma_start3A_53 : memref<1x128xf32, #tpu.memory_space<vmem>> -> memref<128xf32, #tpu.memory_space<vmem>>
      %dma_start3A_55 = tpu.memref_slice %arg2[%run_scoped3A_8, %mul3A_2] : memref<8x4096xf32, #tpu.memory_space<hbm>> -> memref<1x128xf32, #tpu.memory_space<hbm>>
      %dma_start3A_56 = tpu.memref_squeeze %dma_start3A_55 : memref<1x128xf32, #tpu.memory_space<hbm>> -> memref<128xf32, #tpu.memory_space<hbm>>
      tpu.enqueue_dma source(%dma_start3A_56 : memref<128xf32, #tpu.memory_space<hbm>>) target(%dma_start3A_54 : memref<128xf32, #tpu.memory_space<vmem>>) target_semaphore(%run_scoped3A_47 : memref<!tpu.dma_semaphore, #tpu.memory_space<semaphore_mem>>)
      %dma_wait3A = arith.constant 0 : i32
      %dma_wait3A_57 = tpu.memref_slice %arg5[%run_scoped3A_9, %dma_wait3A] : memref<6x128xf32, #tpu.memory_space<vmem>> -> memref<1x128xf32, #tpu.memory_space<vmem>>
      %dma_wait3A_58 = tpu.memref_squeeze %dma_wait3A_57 : memref<1x128xf32, #tpu.memory_space<vmem>> -> memref<128xf32, #tpu.memory_space<vmem>>
      %dma_wait3A_59 = tpu.memref_slice %arg2[%run_scoped3A_8, %mul3A_2] : memref<8x4096xf32, #tpu.memory_space<hbm>> -> memref<1x128xf32, #tpu.memory_space<hbm>>
      %dma_wait3A_60 = tpu.memref_squeeze %dma_wait3A_59 : memref<1x128xf32, #tpu.memory_space<hbm>> -> memref<128xf32, #tpu.memory_space<hbm>>
      %dma_wait3A_61 = arith.constant 0 : i32
      %dma_wait3A_62 = tpu.memref_slice %arg5[%run_scoped3A_9, %dma_wait3A_61] : memref<6x128xf32, #tpu.memory_space<vmem>> -> memref<1x128xf32, #tpu.memory_space<vmem>>
      %dma_wait3A_63 = tpu.memref_squeeze %dma_wait3A_62 : memref<1x128xf32, #tpu.memory_space<vmem>> -> memref<128xf32, #tpu.memory_space<vmem>>
      %dma_wait3A_64 = tpu.memref_slice %arg2[%run_scoped3A_8, %mul3A_2] : memref<8x4096xf32, #tpu.memory_space<hbm>> -> memref<1x128xf32, #tpu.memory_space<hbm>>
      %dma_wait3A_65 = tpu.memref_squeeze %dma_wait3A_64 : memref<1x128xf32, #tpu.memory_space<hbm>> -> memref<128xf32, #tpu.memory_space<hbm>>
      tpu.wait_dma2 semaphore(%run_scoped3A_47 : memref<!tpu.dma_semaphore, #tpu.memory_space<semaphore_mem>>) src(%dma_wait3A_65 : memref<128xf32, #tpu.memory_space<hbm>>) dst(%dma_wait3A_63 : memref<128xf32, #tpu.memory_space<vmem>>)
      tpu.yield
    }) : () -> ()
    %run_scoped3A_10 = arith.constant 4 : i32
    %run_scoped3A_11 = arith.constant 4 : i32
    "tpu.region"() ({
      %run_scoped3A_47 = tpu.sem_alloc : memref<!tpu.dma_semaphore, #tpu.memory_space<semaphore_mem>>
      %dma_start3A = arith.constant 0 : i32
      %dma_start3A_48 = tpu.memref_slice %arg5[%run_scoped3A_11, %dma_start3A] : memref<6x128xf32, #tpu.memory_space<vmem>> -> memref<1x128xf32, #tpu.memory_space<vmem>>
      %dma_start3A_49 = tpu.memref_squeeze %dma_start3A_48 : memref<1x128xf32, #tpu.memory_space<vmem>> -> memref<128xf32, #tpu.memory_space<vmem>>
      %dma_start3A_50 = tpu.memref_slice %arg2[%run_scoped3A_10, %mul3A_2] : memref<8x4096xf32, #tpu.memory_space<hbm>> -> memref<1x128xf32, #tpu.memory_space<hbm>>
      %dma_start3A_51 = tpu.memref_squeeze %dma_start3A_50 : memref<1x128xf32, #tpu.memory_space<hbm>> -> memref<128xf32, #tpu.memory_space<hbm>>
      %dma_start3A_52 = arith.constant 0 : i32
      %dma_start3A_53 = tpu.memref_slice %arg5[%run_scoped3A_11, %dma_start3A_52] : memref<6x128xf32, #tpu.memory_space<vmem>> -> memref<1x128xf32, #tpu.memory_space<vmem>>
      %dma_start3A_54 = tpu.memref_squeeze %dma_start3A_53 : memref<1x128xf32, #tpu.memory_space<vmem>> -> memref<128xf32, #tpu.memory_space<vmem>>
      %dma_start3A_55 = tpu.memref_slice %arg2[%run_scoped3A_10, %mul3A_2] : memref<8x4096xf32, #tpu.memory_space<hbm>> -> memref<1x128xf32, #tpu.memory_space<hbm>>
      %dma_start3A_56 = tpu.memref_squeeze %dma_start3A_55 : memref<1x128xf32, #tpu.memory_space<hbm>> -> memref<128xf32, #tpu.memory_space<hbm>>
      tpu.enqueue_dma source(%dma_start3A_56 : memref<128xf32, #tpu.memory_space<hbm>>) target(%dma_start3A_54 : memref<128xf32, #tpu.memory_space<vmem>>) target_semaphore(%run_scoped3A_47 : memref<!tpu.dma_semaphore, #tpu.memory_space<semaphore_mem>>)
      %dma_wait3A = arith.constant 0 : i32
      %dma_wait3A_57 = tpu.memref_slice %arg5[%run_scoped3A_11, %dma_wait3A] : memref<6x128xf32, #tpu.memory_space<vmem>> -> memref<1x128xf32, #tpu.memory_space<vmem>>
      %dma_wait3A_58 = tpu.memref_squeeze %dma_wait3A_57 : memref<1x128xf32, #tpu.memory_space<vmem>> -> memref<128xf32, #tpu.memory_space<vmem>>
      %dma_wait3A_59 = tpu.memref_slice %arg2[%run_scoped3A_10, %mul3A_2] : memref<8x4096xf32, #tpu.memory_space<hbm>> -> memref<1x128xf32, #tpu.memory_space<hbm>>
      %dma_wait3A_60 = tpu.memref_squeeze %dma_wait3A_59 : memref<1x128xf32, #tpu.memory_space<hbm>> -> memref<128xf32, #tpu.memory_space<hbm>>
      %dma_wait3A_61 = arith.constant 0 : i32
      %dma_wait3A_62 = tpu.memref_slice %arg5[%run_scoped3A_11, %dma_wait3A_61] : memref<6x128xf32, #tpu.memory_space<vmem>> -> memref<1x128xf32, #tpu.memory_space<vmem>>
      %dma_wait3A_63 = tpu.memref_squeeze %dma_wait3A_62 : memref<1x128xf32, #tpu.memory_space<vmem>> -> memref<128xf32, #tpu.memory_space<vmem>>
      %dma_wait3A_64 = tpu.memref_slice %arg2[%run_scoped3A_10, %mul3A_2] : memref<8x4096xf32, #tpu.memory_space<hbm>> -> memref<1x128xf32, #tpu.memory_space<hbm>>
      %dma_wait3A_65 = tpu.memref_squeeze %dma_wait3A_64 : memref<1x128xf32, #tpu.memory_space<hbm>> -> memref<128xf32, #tpu.memory_space<hbm>>
      tpu.wait_dma2 semaphore(%run_scoped3A_47 : memref<!tpu.dma_semaphore, #tpu.memory_space<semaphore_mem>>) src(%dma_wait3A_65 : memref<128xf32, #tpu.memory_space<hbm>>) dst(%dma_wait3A_63 : memref<128xf32, #tpu.memory_space<vmem>>)
      tpu.yield
    }) : () -> ()
    %run_scoped3A_12 = arith.constant 5 : i32
    %run_scoped3A_13 = arith.constant 5 : i32
    "tpu.region"() ({
      %run_scoped3A_47 = tpu.sem_alloc : memref<!tpu.dma_semaphore, #tpu.memory_space<semaphore_mem>>
      %dma_start3A = arith.constant 0 : i32
      %dma_start3A_48 = tpu.memref_slice %arg5[%run_scoped3A_13, %dma_start3A] : memref<6x128xf32, #tpu.memory_space<vmem>> -> memref<1x128xf32, #tpu.memory_space<vmem>>
      %dma_start3A_49 = tpu.memref_squeeze %dma_start3A_48 : memref<1x128xf32, #tpu.memory_space<vmem>> -> memref<128xf32, #tpu.memory_space<vmem>>
      %dma_start3A_50 = tpu.memref_slice %arg2[%run_scoped3A_12, %mul3A_2] : memref<8x4096xf32, #tpu.memory_space<hbm>> -> memref<1x128xf32, #tpu.memory_space<hbm>>
      %dma_start3A_51 = tpu.memref_squeeze %dma_start3A_50 : memref<1x128xf32, #tpu.memory_space<hbm>> -> memref<128xf32, #tpu.memory_space<hbm>>
      %dma_start3A_52 = arith.constant 0 : i32
      %dma_start3A_53 = tpu.memref_slice %arg5[%run_scoped3A_13, %dma_start3A_52] : memref<6x128xf32, #tpu.memory_space<vmem>> -> memref<1x128xf32, #tpu.memory_space<vmem>>
      %dma_start3A_54 = tpu.memref_squeeze %dma_start3A_53 : memref<1x128xf32, #tpu.memory_space<vmem>> -> memref<128xf32, #tpu.memory_space<vmem>>
      %dma_start3A_55 = tpu.memref_slice %arg2[%run_scoped3A_12, %mul3A_2] : memref<8x4096xf32, #tpu.memory_space<hbm>> -> memref<1x128xf32, #tpu.memory_space<hbm>>
      %dma_start3A_56 = tpu.memref_squeeze %dma_start3A_55 : memref<1x128xf32, #tpu.memory_space<hbm>> -> memref<128xf32, #tpu.memory_space<hbm>>
      tpu.enqueue_dma source(%dma_start3A_56 : memref<128xf32, #tpu.memory_space<hbm>>) target(%dma_start3A_54 : memref<128xf32, #tpu.memory_space<vmem>>) target_semaphore(%run_scoped3A_47 : memref<!tpu.dma_semaphore, #tpu.memory_space<semaphore_mem>>)
      %dma_wait3A = arith.constant 0 : i32
      %dma_wait3A_57 = tpu.memref_slice %arg5[%run_scoped3A_13, %dma_wait3A] : memref<6x128xf32, #tpu.memory_space<vmem>> -> memref<1x128xf32, #tpu.memory_space<vmem>>
      %dma_wait3A_58 = tpu.memref_squeeze %dma_wait3A_57 : memref<1x128xf32, #tpu.memory_space<vmem>> -> memref<128xf32, #tpu.memory_space<vmem>>
      %dma_wait3A_59 = tpu.memref_slice %arg2[%run_scoped3A_12, %mul3A_2] : memref<8x4096xf32, #tpu.memory_space<hbm>> -> memref<1x128xf32, #tpu.memory_space<hbm>>
      %dma_wait3A_60 = tpu.memref_squeeze %dma_wait3A_59 : memref<1x128xf32, #tpu.memory_space<hbm>> -> memref<128xf32, #tpu.memory_space<hbm>>
      %dma_wait3A_61 = arith.constant 0 : i32
      %dma_wait3A_62 = tpu.memref_slice %arg5[%run_scoped3A_13, %dma_wait3A_61] : memref<6x128xf32, #tpu.memory_space<vmem>> -> memref<1x128xf32, #tpu.memory_space<vmem>>
      %dma_wait3A_63 = tpu.memref_squeeze %dma_wait3A_62 : memref<1x128xf32, #tpu.memory_space<vmem>> -> memref<128xf32, #tpu.memory_space<vmem>>
      %dma_wait3A_64 = tpu.memref_slice %arg2[%run_scoped3A_12, %mul3A_2] : memref<8x4096xf32, #tpu.memory_space<hbm>> -> memref<1x128xf32, #tpu.memory_space<hbm>>
      %dma_wait3A_65 = tpu.memref_squeeze %dma_wait3A_64 : memref<1x128xf32, #tpu.memory_space<hbm>> -> memref<128xf32, #tpu.memory_space<hbm>>
      tpu.wait_dma2 semaphore(%run_scoped3A_47 : memref<!tpu.dma_semaphore, #tpu.memory_space<semaphore_mem>>) src(%dma_wait3A_65 : memref<128xf32, #tpu.memory_space<hbm>>) dst(%dma_wait3A_63 : memref<128xf32, #tpu.memory_space<vmem>>)
      tpu.yield
    }) : () -> ()
    %scan3A = arith.constant 0 : i32
    %scan3A_14 = arith.constant 0 : i32
    %scan3A_15 = arith.constant 4 : i32
    %scan3A_16 = arith.addi %scan3A_14, %scan3A_15 : i32
    %scan3A_17 = arith.constant 1 : i32
    scf.for %scan3A_47 = %scan3A_14 to %scan3A_16 step %scan3A_17  : i32 {
      %mul3A_48 = arith.constant 32 : i32
      %mul3A_49 = arith.muli %scan3A_47, %mul3A_48 : i32
      %get3A = arith.constant 0 : i32
      %get3A_50 = arith.index_cast %get3A : i32 to index
      %get3A_51 = arith.index_cast %mul3A_49 : i32 to index
      %get3A_52 = tpu.vector_load %arg5[%get3A_50, %get3A_51] {strides = array<i32>} : memref<6x128xf32, #tpu.memory_space<vmem>>, vector<1x16xf32>,
      %get3A_53 = vector.shape_cast %get3A_52 : vector<1x16xf32> to vector<16xf32>
      %get3A_54 = arith.constant 1 : i32
      %get3A_55 = arith.index_cast %get3A_54 : i32 to index
      %get3A_56 = arith.index_cast %mul3A_49 : i32 to index
      %get3A_57 = tpu.vector_load %arg5[%get3A_55, %get3A_56] {strides = array<i32>} : memref<6x128xf32, #tpu.memory_space<vmem>>, vector<1x16xf32>,
      %get3A_58 = vector.shape_cast %get3A_57 : vector<1x16xf32> to vector<16xf32>
      %get3A_59 = arith.constant 2 : i32
      %get3A_60 = arith.index_cast %get3A_59 : i32 to index
      %get3A_61 = arith.index_cast %mul3A_49 : i32 to index
      %get3A_62 = tpu.vector_load %arg5[%get3A_60, %get3A_61] {strides = array<i32>} : memref<6x128xf32, #tpu.memory_space<vmem>>, vector<1x16xf32>,
      %get3A_63 = vector.shape_cast %get3A_62 : vector<1x16xf32> to vector<16xf32>
      %get3A_64 = arith.constant 3 : i32
      %get3A_65 = arith.index_cast %get3A_64 : i32 to index
      %get3A_66 = arith.index_cast %mul3A_49 : i32 to index
      %get3A_67 = tpu.vector_load %arg5[%get3A_65, %get3A_66] {strides = array<i32>} : memref<6x128xf32, #tpu.memory_space<vmem>>, vector<1x16xf32>,
      %get3A_68 = vector.shape_cast %get3A_67 : vector<1x16xf32> to vector<16xf32>
      %get3A_69 = arith.constant 4 : i32
      %get3A_70 = arith.index_cast %get3A_69 : i32 to index
      %get3A_71 = arith.index_cast %mul3A_49 : i32 to index
      %get3A_72 = tpu.vector_load %arg5[%get3A_70, %get3A_71] {strides = array<i32>} : memref<6x128xf32, #tpu.memory_space<vmem>>, vector<1x16xf32>,
      %get3A_73 = vector.shape_cast %get3A_72 : vector<1x16xf32> to vector<16xf32>
      %get3A_74 = arith.constant 5 : i32
      %get3A_75 = arith.index_cast %get3A_74 : i32 to index
      %get3A_76 = arith.index_cast %mul3A_49 : i32 to index
      %get3A_77 = tpu.vector_load %arg5[%get3A_75, %get3A_76] {strides = array<i32>} : memref<6x128xf32, #tpu.memory_space<vmem>>, vector<1x16xf32>,
      %get3A_78 = vector.shape_cast %get3A_77 : vector<1x16xf32> to vector<16xf32>
      %mul3A_79 = arith.constant -2.000000e+00 : f32
      %mul3A_80 = vector.broadcast %mul3A_79 : f32 to vector<16xf32>
      %mul3A_81 = arith.mulf %get3A_53, %mul3A_80 : vector<16xf32>
      %add3A_82 = arith.constant -0.287390709 : f32
      %add3A_83 = vector.broadcast %add3A_82 : f32 to vector<16xf32>
      %add3A_84 = arith.addf %mul3A_81, %add3A_83 : vector<16xf32>
      %exp3A = math.exp %add3A_84 : vector<16xf32>
      %add3A_85 = arith.constant 1.000000e+00 : f32
      %add3A_86 = vector.broadcast %add3A_85 : f32 to vector<16xf32>
      %add3A_87 = arith.addf %exp3A, %add3A_86 : vector<16xf32>
      %div3A = arith.constant 7.00700045 : f32
      %div3A_88 = vector.broadcast %div3A : f32 to vector<16xf32>
      %div3A_89 = arith.divf %div3A_88, %add3A_87 : vector<16xf32>
      %add3A_90 = arith.constant -4.003500e+00 : f32
      %add3A_91 = vector.broadcast %add3A_90 : f32 to vector<16xf32>
      %add3A_92 = arith.addf %div3A_89, %add3A_91 : vector<16xf32>
      %add3A_93 = arith.constant 0x4B400000 : f32
      %add3A_94 = vector.broadcast %add3A_93 : f32 to vector<16xf32>
      %add3A_95 = arith.addf %add3A_92, %add3A_94 : vector<16xf32>
      %sub3A = arith.constant 0x4B400000 : f32
      %sub3A_96 = vector.broadcast %sub3A : f32 to vector<16xf32>
      %sub3A_97 = arith.subf %add3A_95, %sub3A_96 : vector<16xf32>
      %mul3A_98 = arith.constant 2.500000e-01 : f32
      %mul3A_99 = vector.broadcast %mul3A_98 : f32 to vector<16xf32>
      %mul3A_100 = arith.mulf %sub3A_97, %mul3A_99 : vector<16xf32>
      %sub3A_101 = arith.subf %get3A_53, %mul3A_100 : vector<16xf32>
      %mul3A_102 = arith.constant -2.000000e+00 : f32
      %mul3A_103 = vector.broadcast %mul3A_102 : f32 to vector<16xf32>
      %mul3A_104 = arith.mulf %get3A_58, %mul3A_103 : vector<16xf32>
      %add3A_105 = arith.constant -0.287390709 : f32
      %add3A_106 = vector.broadcast %add3A_105 : f32 to vector<16xf32>
      %add3A_107 = arith.addf %mul3A_104, %add3A_106 : vector<16xf32>
      %exp3A_108 = math.exp %add3A_107 : vector<16xf32>
      %add3A_109 = arith.constant 1.000000e+00 : f32
      %add3A_110 = vector.broadcast %add3A_109 : f32 to vector<16xf32>
      %add3A_111 = arith.addf %exp3A_108, %add3A_110 : vector<16xf32>
      %div3A_112 = arith.constant 7.00700045 : f32
      %div3A_113 = vector.broadcast %div3A_112 : f32 to vector<16xf32>
      %div3A_114 = arith.divf %div3A_113, %add3A_111 : vector<16xf32>
      %add3A_115 = arith.constant -4.003500e+00 : f32
      %add3A_116 = vector.broadcast %add3A_115 : f32 to vector<16xf32>
      %add3A_117 = arith.addf %div3A_114, %add3A_116 : vector<16xf32>
      %add3A_118 = arith.constant 0x4B400000 : f32
      %add3A_119 = vector.broadcast %add3A_118 : f32 to vector<16xf32>
      %add3A_120 = arith.addf %add3A_117, %add3A_119 : vector<16xf32>
      %sub3A_121 = arith.constant 0x4B400000 : f32
      %sub3A_122 = vector.broadcast %sub3A_121 : f32 to vector<16xf32>
      %sub3A_123 = arith.subf %add3A_120, %sub3A_122 : vector<16xf32>
      %mul3A_124 = arith.constant 8.000000e+00 : f32
      %mul3A_125 = vector.broadcast %mul3A_124 : f32 to vector<16xf32>
      %mul3A_126 = arith.mulf %sub3A_123, %mul3A_125 : vector<16xf32>
      %add3A_127 = arith.addf %sub3A_97, %mul3A_126 : vector<16xf32>
      %mul3A_128 = arith.constant 2.500000e-01 : f32
      %mul3A_129 = vector.broadcast %mul3A_128 : f32 to vector<16xf32>
      %mul3A_130 = arith.mulf %sub3A_123, %mul3A_129 : vector<16xf32>
      %sub3A_131 = arith.subf %get3A_58, %mul3A_130 : vector<16xf32>
      %mul3A_132 = arith.constant -2.000000e+00 : f32
      %mul3A_133 = vector.broadcast %mul3A_132 : f32 to vector<16xf32>
      %mul3A_134 = arith.mulf %get3A_63, %mul3A_133 : vector<16xf32>
      %add3A_135 = arith.constant -0.287390709 : f32
      %add3A_136 = vector.broadcast %add3A_135 : f32 to vector<16xf32>
      %add3A_137 = arith.addf %mul3A_134, %add3A_136 : vector<16xf32>
      %exp3A_138 = math.exp %add3A_137 : vector<16xf32>
      %add3A_139 = arith.constant 1.000000e+00 : f32
      %add3A_140 = vector.broadcast %add3A_139 : f32 to vector<16xf32>
      %add3A_141 = arith.addf %exp3A_138, %add3A_140 : vector<16xf32>
      %div3A_142 = arith.constant 7.00700045 : f32
      %div3A_143 = vector.broadcast %div3A_142 : f32 to vector<16xf32>
      %div3A_144 = arith.divf %div3A_143, %add3A_141 : vector<16xf32>
      %add3A_145 = arith.constant -4.003500e+00 : f32
      %add3A_146 = vector.broadcast %add3A_145 : f32 to vector<16xf32>
      %add3A_147 = arith.addf %div3A_144, %add3A_146 : vector<16xf32>
      %add3A_148 = arith.constant 0x4B400000 : f32
      %add3A_149 = vector.broadcast %add3A_148 : f32 to vector<16xf32>
      %add3A_150 = arith.addf %add3A_147, %add3A_149 : vector<16xf32>
      %sub3A_151 = arith.constant 0x4B400000 : f32
      %sub3A_152 = vector.broadcast %sub3A_151 : f32 to vector<16xf32>
      %sub3A_153 = arith.subf %add3A_150, %sub3A_152 : vector<16xf32>
      %mul3A_154 = arith.constant 6.400000e+01 : f32
      %mul3A_155 = vector.broadcast %mul3A_154 : f32 to vector<16xf32>
      %mul3A_156 = arith.mulf %sub3A_153, %mul3A_155 : vector<16xf32>
      %add3A_157 = arith.addf %add3A_127, %mul3A_156 : vector<16xf32>
      %mul3A_158 = arith.constant 2.500000e-01 : f32
      %mul3A_159 = vector.broadcast %mul3A_158 : f32 to vector<16xf32>
      %mul3A_160 = arith.mulf %sub3A_153, %mul3A_159 : vector<16xf32>
      %sub3A_161 = arith.subf %get3A_63, %mul3A_160 : vector<16xf32>
      %mul3A_162 = arith.constant -2.000000e+00 : f32
      %mul3A_163 = vector.broadcast %mul3A_162 : f32 to vector<16xf32>
      %mul3A_164 = arith.mulf %get3A_68, %mul3A_163 : vector<16xf32>
      %add3A_165 = arith.constant -0.000000e+00 : f32
      %add3A_166 = vector.broadcast %add3A_165 : f32 to vector<16xf32>
      %add3A_167 = arith.addf %mul3A_164, %add3A_166 : vector<16xf32>
      %exp3A_168 = math.exp %add3A_167 : vector<16xf32>
      %add3A_169 = arith.constant 1.000000e+00 : f32
      %add3A_170 = vector.broadcast %add3A_169 : f32 to vector<16xf32>
      %add3A_171 = arith.addf %exp3A_168, %add3A_170 : vector<16xf32>
      %div3A_172 = arith.constant 4.004000e+00 : f32
      %div3A_173 = vector.broadcast %div3A_172 : f32 to vector<16xf32>
      %div3A_174 = arith.divf %div3A_173, %add3A_171 : vector<16xf32>
      %add3A_175 = arith.constant -2.002000e+00 : f32
      %add3A_176 = vector.broadcast %add3A_175 : f32 to vector<16xf32>
      %add3A_177 = arith.addf %div3A_174, %add3A_176 : vector<16xf32>
      %add3A_178 = arith.constant 0x4B400000 : f32
      %add3A_179 = vector.broadcast %add3A_178 : f32 to vector<16xf32>
      %add3A_180 = arith.addf %add3A_177, %add3A_179 : vector<16xf32>
      %sub3A_181 = arith.constant 0x4B400000 : f32
      %sub3A_182 = vector.broadcast %sub3A_181 : f32 to vector<16xf32>
      %sub3A_183 = arith.subf %add3A_180, %sub3A_182 : vector<16xf32>
      %mul3A_184 = arith.constant 5.120000e+02 : f32
      %mul3A_185 = vector.broadcast %mul3A_184 : f32 to vector<16xf32>
      %mul3A_186 = arith.mulf %sub3A_183, %mul3A_185 : vector<16xf32>
      %add3A_187 = arith.addf %add3A_157, %mul3A_186 : vector<16xf32>
      %mul3A_188 = arith.constant 5.000000e-01 : f32
      %mul3A_189 = vector.broadcast %mul3A_188 : f32 to vector<16xf32>
      %mul3A_190 = arith.mulf %sub3A_183, %mul3A_189 : vector<16xf32>
      %sub3A_191 = arith.subf %get3A_68, %mul3A_190 : vector<16xf32>
      %mul3A_192 = arith.constant -2.000000e+00 : f32
      %mul3A_193 = vector.broadcast %mul3A_192 : f32 to vector<16xf32>
      %mul3A_194 = arith.mulf %get3A_73, %mul3A_193 : vector<16xf32>
      %add3A_195 = arith.constant -0.000000e+00 : f32
      %add3A_196 = vector.broadcast %add3A_195 : f32 to vector<16xf32>
      %add3A_197 = arith.addf %mul3A_194, %add3A_196 : vector<16xf32>
      %exp3A_198 = math.exp %add3A_197 : vector<16xf32>
      %add3A_199 = arith.constant 1.000000e+00 : f32
      %add3A_200 = vector.broadcast %add3A_199 : f32 to vector<16xf32>
      %add3A_201 = arith.addf %exp3A_198, %add3A_200 : vector<16xf32>
      %div3A_202 = arith.constant 4.004000e+00 : f32
      %div3A_203 = vector.broadcast %div3A_202 : f32 to vector<16xf32>
      %div3A_204 = arith.divf %div3A_203, %add3A_201 : vector<16xf32>
      %add3A_205 = arith.constant -2.002000e+00 : f32
      %add3A_206 = vector.broadcast %add3A_205 : f32 to vector<16xf32>
      %add3A_207 = arith.addf %div3A_204, %add3A_206 : vector<16xf32>
      %add3A_208 = arith.constant 0x4B400000 : f32
      %add3A_209 = vector.broadcast %add3A_208 : f32 to vector<16xf32>
      %add3A_210 = arith.addf %add3A_207, %add3A_209 : vector<16xf32>
      %sub3A_211 = arith.constant 0x4B400000 : f32
      %sub3A_212 = vector.broadcast %sub3A_211 : f32 to vector<16xf32>
      %sub3A_213 = arith.subf %add3A_210, %sub3A_212 : vector<16xf32>
      %mul3A_214 = arith.constant 2.560000e+03 : f32
      %mul3A_215 = vector.broadcast %mul3A_214 : f32 to vector<16xf32>
      %mul3A_216 = arith.mulf %sub3A_213, %mul3A_215 : vector<16xf32>
      %add3A_217 = arith.addf %add3A_187, %mul3A_216 : vector<16xf32>
      %mul3A_218 = arith.constant 5.000000e-01 : f32
      %mul3A_219 = vector.broadcast %mul3A_218 : f32 to vector<16xf32>
      %mul3A_220 = arith.mulf %sub3A_213, %mul3A_219 : vector<16xf32>
      %sub3A_221 = arith.subf %get3A_73, %mul3A_220 : vector<16xf32>
      %mul3A_222 = arith.constant -2.000000e+00 : f32
      %mul3A_223 = vector.broadcast %mul3A_222 : f32 to vector<16xf32>
      %mul3A_224 = arith.mulf %get3A_78, %mul3A_223 : vector<16xf32>
      %add3A_225 = arith.constant -0.000000e+00 : f32
      %add3A_226 = vector.broadcast %add3A_225 : f32 to vector<16xf32>
      %add3A_227 = arith.addf %mul3A_224, %add3A_226 : vector<16xf32>
      %exp3A_228 = math.exp %add3A_227 : vector<16xf32>
      %add3A_229 = arith.constant 1.000000e+00 : f32
      %add3A_230 = vector.broadcast %add3A_229 : f32 to vector<16xf32>
      %add3A_231 = arith.addf %exp3A_228, %add3A_230 : vector<16xf32>
      %div3A_232 = arith.constant 4.004000e+00 : f32
      %div3A_233 = vector.broadcast %div3A_232 : f32 to vector<16xf32>
      %div3A_234 = arith.divf %div3A_233, %add3A_231 : vector<16xf32>
      %add3A_235 = arith.constant -2.002000e+00 : f32
      %add3A_236 = vector.broadcast %add3A_235 : f32 to vector<16xf32>
      %add3A_237 = arith.addf %div3A_234, %add3A_236 : vector<16xf32>
      %add3A_238 = arith.constant 0x4B400000 : f32
      %add3A_239 = vector.broadcast %add3A_238 : f32 to vector<16xf32>
      %add3A_240 = arith.addf %add3A_237, %add3A_239 : vector<16xf32>
      %sub3A_241 = arith.constant 0x4B400000 : f32
      %sub3A_242 = vector.broadcast %sub3A_241 : f32 to vector<16xf32>
      %sub3A_243 = arith.subf %add3A_240, %sub3A_242 : vector<16xf32>
      %mul3A_244 = arith.constant 1.280000e+04 : f32
      %mul3A_245 = vector.broadcast %mul3A_244 : f32 to vector<16xf32>
      %mul3A_246 = arith.mulf %sub3A_243, %mul3A_245 : vector<16xf32>
      %add3A_247 = arith.addf %add3A_217, %mul3A_246 : vector<16xf32>
      %mul3A_248 = arith.constant 5.000000e-01 : f32
      %mul3A_249 = vector.broadcast %mul3A_248 : f32 to vector<16xf32>
      %mul3A_250 = arith.mulf %sub3A_243, %mul3A_249 : vector<16xf32>
      %sub3A_251 = arith.subf %get3A_78, %mul3A_250 : vector<16xf32>
      %add3A_252 = arith.constant 3.203600e+04 : f32
      %add3A_253 = vector.broadcast %add3A_252 : f32 to vector<16xf32>
      %add3A_254 = arith.addf %add3A_247, %add3A_253 : vector<16xf32>
      %convert_element_type3A = arith.fptosi %add3A_254 : vector<16xf32> to vector<16xi32>
      %swap3A = arith.constant 0 : i32
      %swap3A_255 = arith.index_cast %swap3A : i32 to index
      %swap3A_256 = arith.index_cast %mul3A_49 : i32 to index
      %swap3A_257 = tpu.vector_load %arg7[%swap3A_255, %swap3A_256] {strides = array<i32>} : memref<8x128xi32, #tpu.memory_space<vmem>>, vector<1x16xi32>,
      %swap3A_258 = vector.shape_cast %swap3A_257 : vector<1x16xi32> to vector<16xi32>
      %swap3A_259 = vector.shape_cast %convert_element_type3A : vector<16xi32> to vector<1x16xi32>
      tpu.vector_store %arg7[%swap3A_255, %swap3A_256], %swap3A_259 {strides = array<i32>} : memref<8x128xi32, #tpu.memory_space<vmem>>, vector<1x16xi32>,
      %mul3A_260 = arith.constant -1.400000e+01 : f32
      %mul3A_261 = vector.broadcast %mul3A_260 : f32 to vector<16xf32>
      %mul3A_262 = arith.mulf %sub3A_101, %mul3A_261 : vector<16xf32>
      %add3A_263 = arith.constant -0.287390709 : f32
      %add3A_264 = vector.broadcast %add3A_263 : f32 to vector<16xf32>
      %add3A_265 = arith.addf %mul3A_262, %add3A_264 : vector<16xf32>
      %exp3A_266 = math.exp %add3A_265 : vector<16xf32>
      %add3A_267 = arith.constant 1.000000e+00 : f32
      %add3A_268 = vector.broadcast %add3A_267 : f32 to vector<16xf32>
      %add3A_269 = arith.addf %exp3A_266, %add3A_268 : vector<16xf32>
      %div3A_270 = arith.constant 7.00700045 : f32
      %div3A_271 = vector.broadcast %div3A_270 : f32 to vector<16xf32>
      %div3A_272 = arith.divf %div3A_271, %add3A_269 : vector<16xf32>
      %add3A_273 = arith.constant -4.003500e+00 : f32
      %add3A_274 = vector.broadcast %add3A_273 : f32 to vector<16xf32>
      %add3A_275 = arith.addf %div3A_272, %add3A_274 : vector<16xf32>
      %add3A_276 = arith.constant 0x4B400000 : f32
      %add3A_277 = vector.broadcast %add3A_276 : f32 to vector<16xf32>
      %add3A_278 = arith.addf %add3A_275, %add3A_277 : vector<16xf32>
      %sub3A_279 = arith.constant 0x4B400000 : f32
      %sub3A_280 = vector.broadcast %sub3A_279 : f32 to vector<16xf32>
      %sub3A_281 = arith.subf %add3A_278, %sub3A_280 : vector<16xf32>
      %mul3A_282 = arith.constant 0.0357142873 : f32
      %mul3A_283 = vector.broadcast %mul3A_282 : f32 to vector<16xf32>
      %mul3A_284 = arith.mulf %sub3A_281, %mul3A_283 : vector<16xf32>
      %sub3A_285 = arith.subf %sub3A_101, %mul3A_284 : vector<16xf32>
      %mul3A_286 = arith.constant -1.400000e+01 : f32
      %mul3A_287 = vector.broadcast %mul3A_286 : f32 to vector<16xf32>
      %mul3A_288 = arith.mulf %sub3A_131, %mul3A_287 : vector<16xf32>
      %add3A_289 = arith.constant -0.287390709 : f32
      %add3A_290 = vector.broadcast %add3A_289 : f32 to vector<16xf32>
      %add3A_291 = arith.addf %mul3A_288, %add3A_290 : vector<16xf32>
      %exp3A_292 = math.exp %add3A_291 : vector<16xf32>
      %add3A_293 = arith.constant 1.000000e+00 : f32
      %add3A_294 = vector.broadcast %add3A_293 : f32 to vector<16xf32>
      %add3A_295 = arith.addf %exp3A_292, %add3A_294 : vector<16xf32>
      %div3A_296 = arith.constant 7.00700045 : f32
      %div3A_297 = vector.broadcast %div3A_296 : f32 to vector<16xf32>
      %div3A_298 = arith.divf %div3A_297, %add3A_295 : vector<16xf32>
      %add3A_299 = arith.constant -4.003500e+00 : f32
      %add3A_300 = vector.broadcast %add3A_299 : f32 to vector<16xf32>
      %add3A_301 = arith.addf %div3A_298, %add3A_300 : vector<16xf32>
      %add3A_302 = arith.constant 0x4B400000 : f32
      %add3A_303 = vector.broadcast %add3A_302 : f32 to vector<16xf32>
      %add3A_304 = arith.addf %add3A_301, %add3A_303 : vector<16xf32>
      %sub3A_305 = arith.constant 0x4B400000 : f32
      %sub3A_306 = vector.broadcast %sub3A_305 : f32 to vector<16xf32>
      %sub3A_307 = arith.subf %add3A_304, %sub3A_306 : vector<16xf32>
      %mul3A_308 = arith.constant 8.000000e+00 : f32
      %mul3A_309 = vector.broadcast %mul3A_308 : f32 to vector<16xf32>
      %mul3A_310 = arith.mulf %sub3A_307, %mul3A_309 : vector<16xf32>
      %add3A_311 = arith.addf %sub3A_281, %mul3A_310 : vector<16xf32>
      %mul3A_312 = arith.constant 0.0357142873 : f32
      %mul3A_313 = vector.broadcast %mul3A_312 : f32 to vector<16xf32>
      %mul3A_314 = arith.mulf %sub3A_307, %mul3A_313 : vector<16xf32>
      %sub3A_315 = arith.subf %sub3A_131, %mul3A_314 : vector<16xf32>
      %mul3A_316 = arith.constant -1.400000e+01 : f32
      %mul3A_317 = vector.broadcast %mul3A_316 : f32 to vector<16xf32>
      %mul3A_318 = arith.mulf %sub3A_161, %mul3A_317 : vector<16xf32>
      %add3A_319 = arith.constant -0.287390709 : f32
      %add3A_320 = vector.broadcast %add3A_319 : f32 to vector<16xf32>
      %add3A_321 = arith.addf %mul3A_318, %add3A_320 : vector<16xf32>
      %exp3A_322 = math.exp %add3A_321 : vector<16xf32>
      %add3A_323 = arith.constant 1.000000e+00 : f32
      %add3A_324 = vector.broadcast %add3A_323 : f32 to vector<16xf32>
      %add3A_325 = arith.addf %exp3A_322, %add3A_324 : vector<16xf32>
      %div3A_326 = arith.constant 7.00700045 : f32
      %div3A_327 = vector.broadcast %div3A_326 : f32 to vector<16xf32>
      %div3A_328 = arith.divf %div3A_327, %add3A_325 : vector<16xf32>
      %add3A_329 = arith.constant -4.003500e+00 : f32
      %add3A_330 = vector.broadcast %add3A_329 : f32 to vector<16xf32>
      %add3A_331 = arith.addf %div3A_328, %add3A_330 : vector<16xf32>
      %add3A_332 = arith.constant 0x4B400000 : f32
      %add3A_333 = vector.broadcast %add3A_332 : f32 to vector<16xf32>
      %add3A_334 = arith.addf %add3A_331, %add3A_333 : vector<16xf32>
      %sub3A_335 = arith.constant 0x4B400000 : f32
      %sub3A_336 = vector.broadcast %sub3A_335 : f32 to vector<16xf32>
      %sub3A_337 = arith.subf %add3A_334, %sub3A_336 : vector<16xf32>
      %mul3A_338 = arith.constant 6.400000e+01 : f32
      %mul3A_339 = vector.broadcast %mul3A_338 : f32 to vector<16xf32>
      %mul3A_340 = arith.mulf %sub3A_337, %mul3A_339 : vector<16xf32>
      %add3A_341 = arith.addf %add3A_311, %mul3A_340 : vector<16xf32>
      %mul3A_342 = arith.constant 0.0357142873 : f32
      %mul3A_343 = vector.broadcast %mul3A_342 : f32 to vector<16xf32>
      %mul3A_344 = arith.mulf %sub3A_337, %mul3A_343 : vector<16xf32>
      %sub3A_345 = arith.subf %sub3A_161, %mul3A_344 : vector<16xf32>
      %mul3A_346 = arith.constant -8.000000e+00 : f32
      %mul3A_347 = vector.broadcast %mul3A_346 : f32 to vector<16xf32>
      %mul3A_348 = arith.mulf %sub3A_191, %mul3A_347 : vector<16xf32>
      %add3A_349 = arith.constant -0.000000e+00 : f32
      %add3A_350 = vector.broadcast %add3A_349 : f32 to vector<16xf32>
      %add3A_351 = arith.addf %mul3A_348, %add3A_350 : vector<16xf32>
      %exp3A_352 = math.exp %add3A_351 : vector<16xf32>
      %add3A_353 = arith.constant 1.000000e+00 : f32
      %add3A_354 = vector.broadcast %add3A_353 : f32 to vector<16xf32>
      %add3A_355 = arith.addf %exp3A_352, %add3A_354 : vector<16xf32>
      %div3A_356 = arith.constant 4.004000e+00 : f32
      %div3A_357 = vector.broadcast %div3A_356 : f32 to vector<16xf32>
      %div3A_358 = arith.divf %div3A_357, %add3A_355 : vector<16xf32>
      %add3A_359 = arith.constant -2.002000e+00 : f32
      %add3A_360 = vector.broadcast %add3A_359 : f32 to vector<16xf32>
      %add3A_361 = arith.addf %div3A_358, %add3A_360 : vector<16xf32>
      %add3A_362 = arith.constant 0x4B400000 : f32
      %add3A_363 = vector.broadcast %add3A_362 : f32 to vector<16xf32>
      %add3A_364 = arith.addf %add3A_361, %add3A_363 : vector<16xf32>
      %sub3A_365 = arith.constant 0x4B400000 : f32
      %sub3A_366 = vector.broadcast %sub3A_365 : f32 to vector<16xf32>
      %sub3A_367 = arith.subf %add3A_364, %sub3A_366 : vector<16xf32>
      %mul3A_368 = arith.constant 5.120000e+02 : f32
      %mul3A_369 = vector.broadcast %mul3A_368 : f32 to vector<16xf32>
      %mul3A_370 = arith.mulf %sub3A_367, %mul3A_369 : vector<16xf32>
      %add3A_371 = arith.addf %add3A_341, %mul3A_370 : vector<16xf32>
      %mul3A_372 = arith.constant 1.250000e-01 : f32
      %mul3A_373 = vector.broadcast %mul3A_372 : f32 to vector<16xf32>
      %mul3A_374 = arith.mulf %sub3A_367, %mul3A_373 : vector<16xf32>
      %sub3A_375 = arith.subf %sub3A_191, %mul3A_374 : vector<16xf32>
      %mul3A_376 = arith.constant -8.000000e+00 : f32
      %mul3A_377 = vector.broadcast %mul3A_376 : f32 to vector<16xf32>
      %mul3A_378 = arith.mulf %sub3A_221, %mul3A_377 : vector<16xf32>
      %add3A_379 = arith.constant -0.000000e+00 : f32
      %add3A_380 = vector.broadcast %add3A_379 : f32 to vector<16xf32>
      %add3A_381 = arith.addf %mul3A_378, %add3A_380 : vector<16xf32>
      %exp3A_382 = math.exp %add3A_381 : vector<16xf32>
      %add3A_383 = arith.constant 1.000000e+00 : f32
      %add3A_384 = vector.broadcast %add3A_383 : f32 to vector<16xf32>
      %add3A_385 = arith.addf %exp3A_382, %add3A_384 : vector<16xf32>
      %div3A_386 = arith.constant 4.004000e+00 : f32
      %div3A_387 = vector.broadcast %div3A_386 : f32 to vector<16xf32>
      %div3A_388 = arith.divf %div3A_387, %add3A_385 : vector<16xf32>
      %add3A_389 = arith.constant -2.002000e+00 : f32
      %add3A_390 = vector.broadcast %add3A_389 : f32 to vector<16xf32>
      %add3A_391 = arith.addf %div3A_388, %add3A_390 : vector<16xf32>
      %add3A_392 = arith.constant 0x4B400000 : f32
      %add3A_393 = vector.broadcast %add3A_392 : f32 to vector<16xf32>
      %add3A_394 = arith.addf %add3A_391, %add3A_393 : vector<16xf32>
      %sub3A_395 = arith.constant 0x4B400000 : f32
      %sub3A_396 = vector.broadcast %sub3A_395 : f32 to vector<16xf32>
      %sub3A_397 = arith.subf %add3A_394, %sub3A_396 : vector<16xf32>
      %mul3A_398 = arith.constant 2.560000e+03 : f32
      %mul3A_399 = vector.broadcast %mul3A_398 : f32 to vector<16xf32>
      %mul3A_400 = arith.mulf %sub3A_397, %mul3A_399 : vector<16xf32>
      %add3A_401 = arith.addf %add3A_371, %mul3A_400 : vector<16xf32>
      %mul3A_402 = arith.constant 1.250000e-01 : f32
      %mul3A_403 = vector.broadcast %mul3A_402 : f32 to vector<16xf32>
      %mul3A_404 = arith.mulf %sub3A_397, %mul3A_403 : vector<16xf32>
      %sub3A_405 = arith.subf %sub3A_221, %mul3A_404 : vector<16xf32>
      %mul3A_406 = arith.constant -8.000000e+00 : f32
      %mul3A_407 = vector.broadcast %mul3A_406 : f32 to vector<16xf32>
      %mul3A_408 = arith.mulf %sub3A_251, %mul3A_407 : vector<16xf32>
      %add3A_409 = arith.constant -0.000000e+00 : f32
      %add3A_410 = vector.broadcast %add3A_409 : f32 to vector<16xf32>
      %add3A_411 = arith.addf %mul3A_408, %add3A_410 : vector<16xf32>
      %exp3A_412 = math.exp %add3A_411 : vector<16xf32>
      %add3A_413 = arith.constant 1.000000e+00 : f32
      %add3A_414 = vector.broadcast %add3A_413 : f32 to vector<16xf32>
      %add3A_415 = arith.addf %exp3A_412, %add3A_414 : vector<16xf32>
      %div3A_416 = arith.constant 4.004000e+00 : f32
      %div3A_417 = vector.broadcast %div3A_416 : f32 to vector<16xf32>
      %div3A_418 = arith.divf %div3A_417, %add3A_415 : vector<16xf32>
      %add3A_419 = arith.constant -2.002000e+00 : f32
      %add3A_420 = vector.broadcast %add3A_419 : f32 to vector<16xf32>
      %add3A_421 = arith.addf %div3A_418, %add3A_420 : vector<16xf32>
      %add3A_422 = arith.constant 0x4B400000 : f32
      %add3A_423 = vector.broadcast %add3A_422 : f32 to vector<16xf32>
      %add3A_424 = arith.addf %add3A_421, %add3A_423 : vector<16xf32>
      %sub3A_425 = arith.constant 0x4B400000 : f32
      %sub3A_426 = vector.broadcast %sub3A_425 : f32 to vector<16xf32>
      %sub3A_427 = arith.subf %add3A_424, %sub3A_426 : vector<16xf32>
      %mul3A_428 = arith.constant 1.280000e+04 : f32
      %mul3A_429 = vector.broadcast %mul3A_428 : f32 to vector<16xf32>
      %mul3A_430 = arith.mulf %sub3A_427, %mul3A_429 : vector<16xf32>
      %add3A_431 = arith.addf %add3A_401, %mul3A_430 : vector<16xf32>
      %mul3A_432 = arith.constant 1.250000e-01 : f32
      %mul3A_433 = vector.broadcast %mul3A_432 : f32 to vector<16xf32>
      %mul3A_434 = arith.mulf %sub3A_427, %mul3A_433 : vector<16xf32>
      %sub3A_435 = arith.subf %sub3A_251, %mul3A_434 : vector<16xf32>
      %add3A_436 = arith.constant 3.203600e+04 : f32
      %add3A_437 = vector.broadcast %add3A_436 : f32 to vector<16xf32>
      %add3A_438 = arith.addf %add3A_431, %add3A_437 : vector<16xf32>
      %convert_element_type3A_439 = arith.fptosi %add3A_438 : vector<16xf32> to vector<16xi32>
      %swap3A_440 = arith.constant 1 : i32
      %swap3A_441 = arith.index_cast %swap3A_440 : i32 to index
      %swap3A_442 = arith.index_cast %mul3A_49 : i32 to index
      %swap3A_443 = tpu.vector_load %arg7[%swap3A_441, %swap3A_442] {strides = array<i32>} : memref<8x128xi32, #tpu.memory_space<vmem>>, vector<1x16xi32>,
      %swap3A_444 = vector.shape_cast %swap3A_443 : vector<1x16xi32> to vector<16xi32>
      %swap3A_445 = vector.shape_cast %convert_element_type3A_439 : vector<16xi32> to vector<1x16xi32>
      tpu.vector_store %arg7[%swap3A_441, %swap3A_442], %swap3A_445 {strides = array<i32>} : memref<8x128xi32, #tpu.memory_space<vmem>>, vector<1x16xi32>,
      %mul3A_446 = arith.constant -9.800000e+01 : f32
      %mul3A_447 = vector.broadcast %mul3A_446 : f32 to vector<16xf32>
      %mul3A_448 = arith.mulf %sub3A_285, %mul3A_447 : vector<16xf32>
      %add3A_449 = arith.constant -0.287390709 : f32
      %add3A_450 = vector.broadcast %add3A_449 : f32 to vector<16xf32>
      %add3A_451 = arith.addf %mul3A_448, %add3A_450 : vector<16xf32>
      %exp3A_452 = math.exp %add3A_451 : vector<16xf32>
      %add3A_453 = arith.constant 1.000000e+00 : f32
      %add3A_454 = vector.broadcast %add3A_453 : f32 to vector<16xf32>
      %add3A_455 = arith.addf %exp3A_452, %add3A_454 : vector<16xf32>
      %div3A_456 = arith.constant 7.00700045 : f32
      %div3A_457 = vector.broadcast %div3A_456 : f32 to vector<16xf32>
      %div3A_458 = arith.divf %div3A_457, %add3A_455 : vector<16xf32>
      %add3A_459 = arith.constant -4.003500e+00 : f32
      %add3A_460 = vector.broadcast %add3A_459 : f32 to vector<16xf32>
      %add3A_461 = arith.addf %div3A_458, %add3A_460 : vector<16xf32>
      %add3A_462 = arith.constant 0x4B400000 : f32
      %add3A_463 = vector.broadcast %add3A_462 : f32 to vector<16xf32>
      %add3A_464 = arith.addf %add3A_461, %add3A_463 : vector<16xf32>
      %sub3A_465 = arith.constant 0x4B400000 : f32
      %sub3A_466 = vector.broadcast %sub3A_465 : f32 to vector<16xf32>
      %sub3A_467 = arith.subf %add3A_464, %sub3A_466 : vector<16xf32>
      %mul3A_468 = arith.constant 0.00510204118 : f32
      %mul3A_469 = vector.broadcast %mul3A_468 : f32 to vector<16xf32>
      %mul3A_470 = arith.mulf %sub3A_467, %mul3A_469 : vector<16xf32>
      %sub3A_471 = arith.subf %sub3A_285, %mul3A_470 : vector<16xf32>
      %mul3A_472 = arith.constant -9.800000e+01 : f32
      %mul3A_473 = vector.broadcast %mul3A_472 : f32 to vector<16xf32>
      %mul3A_474 = arith.mulf %sub3A_315, %mul3A_473 : vector<16xf32>
      %add3A_475 = arith.constant -0.287390709 : f32
      %add3A_476 = vector.broadcast %add3A_475 : f32 to vector<16xf32>
      %add3A_477 = arith.addf %mul3A_474, %add3A_476 : vector<16xf32>
      %exp3A_478 = math.exp %add3A_477 : vector<16xf32>
      %add3A_479 = arith.constant 1.000000e+00 : f32
      %add3A_480 = vector.broadcast %add3A_479 : f32 to vector<16xf32>
      %add3A_481 = arith.addf %exp3A_478, %add3A_480 : vector<16xf32>
      %div3A_482 = arith.constant 7.00700045 : f32
      %div3A_483 = vector.broadcast %div3A_482 : f32 to vector<16xf32>
      %div3A_484 = arith.divf %div3A_483, %add3A_481 : vector<16xf32>
      %add3A_485 = arith.constant -4.003500e+00 : f32
      %add3A_486 = vector.broadcast %add3A_485 : f32 to vector<16xf32>
      %add3A_487 = arith.addf %div3A_484, %add3A_486 : vector<16xf32>
      %add3A_488 = arith.constant 0x4B400000 : f32
      %add3A_489 = vector.broadcast %add3A_488 : f32 to vector<16xf32>
      %add3A_490 = arith.addf %add3A_487, %add3A_489 : vector<16xf32>
      %sub3A_491 = arith.constant 0x4B400000 : f32
      %sub3A_492 = vector.broadcast %sub3A_491 : f32 to vector<16xf32>
      %sub3A_493 = arith.subf %add3A_490, %sub3A_492 : vector<16xf32>
      %mul3A_494 = arith.constant 8.000000e+00 : f32
      %mul3A_495 = vector.broadcast %mul3A_494 : f32 to vector<16xf32>
      %mul3A_496 = arith.mulf %sub3A_493, %mul3A_495 : vector<16xf32>
      %add3A_497 = arith.addf %sub3A_467, %mul3A_496 : vector<16xf32>
      %mul3A_498 = arith.constant 0.00510204118 : f32
      %mul3A_499 = vector.broadcast %mul3A_498 : f32 to vector<16xf32>
      %mul3A_500 = arith.mulf %sub3A_493, %mul3A_499 : vector<16xf32>
      %sub3A_501 = arith.subf %sub3A_315, %mul3A_500 : vector<16xf32>
      %mul3A_502 = arith.constant -9.800000e+01 : f32
      %mul3A_503 = vector.broadcast %mul3A_502 : f32 to vector<16xf32>
      %mul3A_504 = arith.mulf %sub3A_345, %mul3A_503 : vector<16xf32>
      %add3A_505 = arith.constant -0.287390709 : f32
      %add3A_506 = vector.broadcast %add3A_505 : f32 to vector<16xf32>
      %add3A_507 = arith.addf %mul3A_504, %add3A_506 : vector<16xf32>
      %exp3A_508 = math.exp %add3A_507 : vector<16xf32>
      %add3A_509 = arith.constant 1.000000e+00 : f32
      %add3A_510 = vector.broadcast %add3A_509 : f32 to vector<16xf32>
      %add3A_511 = arith.addf %exp3A_508, %add3A_510 : vector<16xf32>
      %div3A_512 = arith.constant 7.00700045 : f32
      %div3A_513 = vector.broadcast %div3A_512 : f32 to vector<16xf32>
      %div3A_514 = arith.divf %div3A_513, %add3A_511 : vector<16xf32>
      %add3A_515 = arith.constant -4.003500e+00 : f32
      %add3A_516 = vector.broadcast %add3A_515 : f32 to vector<16xf32>
      %add3A_517 = arith.addf %div3A_514, %add3A_516 : vector<16xf32>
      %add3A_518 = arith.constant 0x4B400000 : f32
      %add3A_519 = vector.broadcast %add3A_518 : f32 to vector<16xf32>
      %add3A_520 = arith.addf %add3A_517, %add3A_519 : vector<16xf32>
      %sub3A_521 = arith.constant 0x4B400000 : f32
      %sub3A_522 = vector.broadcast %sub3A_521 : f32 to vector<16xf32>
      %sub3A_523 = arith.subf %add3A_520, %sub3A_522 : vector<16xf32>
      %mul3A_524 = arith.constant 6.400000e+01 : f32
      %mul3A_525 = vector.broadcast %mul3A_524 : f32 to vector<16xf32>
      %mul3A_526 = arith.mulf %sub3A_523, %mul3A_525 : vector<16xf32>
      %add3A_527 = arith.addf %add3A_497, %mul3A_526 : vector<16xf32>
      %mul3A_528 = arith.constant 0.00510204118 : f32
      %mul3A_529 = vector.broadcast %mul3A_528 : f32 to vector<16xf32>
      %mul3A_530 = arith.mulf %sub3A_523, %mul3A_529 : vector<16xf32>
      %sub3A_531 = arith.subf %sub3A_345, %mul3A_530 : vector<16xf32>
      %mul3A_532 = arith.constant -3.200000e+01 : f32
      %mul3A_533 = vector.broadcast %mul3A_532 : f32 to vector<16xf32>
      %mul3A_534 = arith.mulf %sub3A_375, %mul3A_533 : vector<16xf32>
      %add3A_535 = arith.constant -0.000000e+00 : f32
      %add3A_536 = vector.broadcast %add3A_535 : f32 to vector<16xf32>
      %add3A_537 = arith.addf %mul3A_534, %add3A_536 : vector<16xf32>
      %exp3A_538 = math.exp %add3A_537 : vector<16xf32>
      %add3A_539 = arith.constant 1.000000e+00 : f32
      %add3A_540 = vector.broadcast %add3A_539 : f32 to vector<16xf32>
      %add3A_541 = arith.addf %exp3A_538, %add3A_540 : vector<16xf32>
      %div3A_542 = arith.constant 4.004000e+00 : f32
      %div3A_543 = vector.broadcast %div3A_542 : f32 to vector<16xf32>
      %div3A_544 = arith.divf %div3A_543, %add3A_541 : vector<16xf32>
      %add3A_545 = arith.constant -2.002000e+00 : f32
      %add3A_546 = vector.broadcast %add3A_545 : f32 to vector<16xf32>
      %add3A_547 = arith.addf %div3A_544, %add3A_546 : vector<16xf32>
      %add3A_548 = arith.constant 0x4B400000 : f32
      %add3A_549 = vector.broadcast %add3A_548 : f32 to vector<16xf32>
      %add3A_550 = arith.addf %add3A_547, %add3A_549 : vector<16xf32>
      %sub3A_551 = arith.constant 0x4B400000 : f32
      %sub3A_552 = vector.broadcast %sub3A_551 : f32 to vector<16xf32>
      %sub3A_553 = arith.subf %add3A_550, %sub3A_552 : vector<16xf32>
      %mul3A_554 = arith.constant 5.120000e+02 : f32
      %mul3A_555 = vector.broadcast %mul3A_554 : f32 to vector<16xf32>
      %mul3A_556 = arith.mulf %sub3A_553, %mul3A_555 : vector<16xf32>
      %add3A_557 = arith.addf %add3A_527, %mul3A_556 : vector<16xf32>
      %mul3A_558 = arith.constant 3.125000e-02 : f32
      %mul3A_559 = vector.broadcast %mul3A_558 : f32 to vector<16xf32>
      %mul3A_560 = arith.mulf %sub3A_553, %mul3A_559 : vector<16xf32>
      %sub3A_561 = arith.subf %sub3A_375, %mul3A_560 : vector<16xf32>
      %mul3A_562 = arith.constant -3.200000e+01 : f32
      %mul3A_563 = vector.broadcast %mul3A_562 : f32 to vector<16xf32>
      %mul3A_564 = arith.mulf %sub3A_405, %mul3A_563 : vector<16xf32>
      %add3A_565 = arith.constant -0.000000e+00 : f32
      %add3A_566 = vector.broadcast %add3A_565 : f32 to vector<16xf32>
      %add3A_567 = arith.addf %mul3A_564, %add3A_566 : vector<16xf32>
      %exp3A_568 = math.exp %add3A_567 : vector<16xf32>
      %add3A_569 = arith.constant 1.000000e+00 : f32
      %add3A_570 = vector.broadcast %add3A_569 : f32 to vector<16xf32>
      %add3A_571 = arith.addf %exp3A_568, %add3A_570 : vector<16xf32>
      %div3A_572 = arith.constant 4.004000e+00 : f32
      %div3A_573 = vector.broadcast %div3A_572 : f32 to vector<16xf32>
      %div3A_574 = arith.divf %div3A_573, %add3A_571 : vector<16xf32>
      %add3A_575 = arith.constant -2.002000e+00 : f32
      %add3A_576 = vector.broadcast %add3A_575 : f32 to vector<16xf32>
      %add3A_577 = arith.addf %div3A_574, %add3A_576 : vector<16xf32>
      %add3A_578 = arith.constant 0x4B400000 : f32
      %add3A_579 = vector.broadcast %add3A_578 : f32 to vector<16xf32>
      %add3A_580 = arith.addf %add3A_577, %add3A_579 : vector<16xf32>
      %sub3A_581 = arith.constant 0x4B400000 : f32
      %sub3A_582 = vector.broadcast %sub3A_581 : f32 to vector<16xf32>
      %sub3A_583 = arith.subf %add3A_580, %sub3A_582 : vector<16xf32>
      %mul3A_584 = arith.constant 2.560000e+03 : f32
      %mul3A_585 = vector.broadcast %mul3A_584 : f32 to vector<16xf32>
      %mul3A_586 = arith.mulf %sub3A_583, %mul3A_585 : vector<16xf32>
      %add3A_587 = arith.addf %add3A_557, %mul3A_586 : vector<16xf32>
      %mul3A_588 = arith.constant 3.125000e-02 : f32
      %mul3A_589 = vector.broadcast %mul3A_588 : f32 to vector<16xf32>
      %mul3A_590 = arith.mulf %sub3A_583, %mul3A_589 : vector<16xf32>
      %sub3A_591 = arith.subf %sub3A_405, %mul3A_590 : vector<16xf32>
      %mul3A_592 = arith.constant -3.200000e+01 : f32
      %mul3A_593 = vector.broadcast %mul3A_592 : f32 to vector<16xf32>
      %mul3A_594 = arith.mulf %sub3A_435, %mul3A_593 : vector<16xf32>
      %add3A_595 = arith.constant -0.000000e+00 : f32
      %add3A_596 = vector.broadcast %add3A_595 : f32 to vector<16xf32>
      %add3A_597 = arith.addf %mul3A_594, %add3A_596 : vector<16xf32>
      %exp3A_598 = math.exp %add3A_597 : vector<16xf32>
      %add3A_599 = arith.constant 1.000000e+00 : f32
      %add3A_600 = vector.broadcast %add3A_599 : f32 to vector<16xf32>
      %add3A_601 = arith.addf %exp3A_598, %add3A_600 : vector<16xf32>
      %div3A_602 = arith.constant 4.004000e+00 : f32
      %div3A_603 = vector.broadcast %div3A_602 : f32 to vector<16xf32>
      %div3A_604 = arith.divf %div3A_603, %add3A_601 : vector<16xf32>
      %add3A_605 = arith.constant -2.002000e+00 : f32
      %add3A_606 = vector.broadcast %add3A_605 : f32 to vector<16xf32>
      %add3A_607 = arith.addf %div3A_604, %add3A_606 : vector<16xf32>
      %add3A_608 = arith.constant 0x4B400000 : f32
      %add3A_609 = vector.broadcast %add3A_608 : f32 to vector<16xf32>
      %add3A_610 = arith.addf %add3A_607, %add3A_609 : vector<16xf32>
      %sub3A_611 = arith.constant 0x4B400000 : f32
      %sub3A_612 = vector.broadcast %sub3A_611 : f32 to vector<16xf32>
      %sub3A_613 = arith.subf %add3A_610, %sub3A_612 : vector<16xf32>
      %mul3A_614 = arith.constant 1.280000e+04 : f32
      %mul3A_615 = vector.broadcast %mul3A_614 : f32 to vector<16xf32>
      %mul3A_616 = arith.mulf %sub3A_613, %mul3A_615 : vector<16xf32>
      %add3A_617 = arith.addf %add3A_587, %mul3A_616 : vector<16xf32>
      %mul3A_618 = arith.constant 3.125000e-02 : f32
      %mul3A_619 = vector.broadcast %mul3A_618 : f32 to vector<16xf32>
      %mul3A_620 = arith.mulf %sub3A_613, %mul3A_619 : vector<16xf32>
      %sub3A_621 = arith.subf %sub3A_435, %mul3A_620 : vector<16xf32>
      %add3A_622 = arith.constant 3.203600e+04 : f32
      %add3A_623 = vector.broadcast %add3A_622 : f32 to vector<16xf32>
      %add3A_624 = arith.addf %add3A_617, %add3A_623 : vector<16xf32>
      %convert_element_type3A_625 = arith.fptosi %add3A_624 : vector<16xf32> to vector<16xi32>
      %swap3A_626 = arith.constant 2 : i32
      %swap3A_627 = arith.index_cast %swap3A_626 : i32 to index
      %swap3A_628 = arith.index_cast %mul3A_49 : i32 to index
      %swap3A_629 = tpu.vector_load %arg7[%swap3A_627, %swap3A_628] {strides = array<i32>} : memref<8x128xi32, #tpu.memory_space<vmem>>, vector<1x16xi32>,
      %swap3A_630 = vector.shape_cast %swap3A_629 : vector<1x16xi32> to vector<16xi32>
      %swap3A_631 = vector.shape_cast %convert_element_type3A_625 : vector<16xi32> to vector<1x16xi32>
      tpu.vector_store %arg7[%swap3A_627, %swap3A_628], %swap3A_631 {strides = array<i32>} : memref<8x128xi32, #tpu.memory_space<vmem>>, vector<1x16xi32>,
      %mul3A_632 = arith.constant -6.860000e+02 : f32
      %mul3A_633 = vector.broadcast %mul3A_632 : f32 to vector<16xf32>
      %mul3A_634 = arith.mulf %sub3A_471, %mul3A_633 : vector<16xf32>
      %add3A_635 = arith.constant -0.287390709 : f32
      %add3A_636 = vector.broadcast %add3A_635 : f32 to vector<16xf32>
      %add3A_637 = arith.addf %mul3A_634, %add3A_636 : vector<16xf32>
      %exp3A_638 = math.exp %add3A_637 : vector<16xf32>
      %add3A_639 = arith.constant 1.000000e+00 : f32
      %add3A_640 = vector.broadcast %add3A_639 : f32 to vector<16xf32>
      %add3A_641 = arith.addf %exp3A_638, %add3A_640 : vector<16xf32>
      %div3A_642 = arith.constant 7.00700045 : f32
      %div3A_643 = vector.broadcast %div3A_642 : f32 to vector<16xf32>
      %div3A_644 = arith.divf %div3A_643, %add3A_641 : vector<16xf32>
      %add3A_645 = arith.constant -4.003500e+00 : f32
      %add3A_646 = vector.broadcast %add3A_645 : f32 to vector<16xf32>
      %add3A_647 = arith.addf %div3A_644, %add3A_646 : vector<16xf32>
      %add3A_648 = arith.constant 0x4B400000 : f32
      %add3A_649 = vector.broadcast %add3A_648 : f32 to vector<16xf32>
      %add3A_650 = arith.addf %add3A_647, %add3A_649 : vector<16xf32>
      %sub3A_651 = arith.constant 0x4B400000 : f32
      %sub3A_652 = vector.broadcast %sub3A_651 : f32 to vector<16xf32>
      %sub3A_653 = arith.subf %add3A_650, %sub3A_652 : vector<16xf32>
      %mul3A_654 = arith.constant 7.288630e-04 : f32
      %mul3A_655 = vector.broadcast %mul3A_654 : f32 to vector<16xf32>
      %mul3A_656 = arith.mulf %sub3A_653, %mul3A_655 : vector<16xf32>
      %sub3A_657 = arith.subf %sub3A_471, %mul3A_656 : vector<16xf32>
      %mul3A_658 = arith.constant -6.860000e+02 : f32
      %mul3A_659 = vector.broadcast %mul3A_658 : f32 to vector<16xf32>
      %mul3A_660 = arith.mulf %sub3A_501, %mul3A_659 : vector<16xf32>
      %add3A_661 = arith.constant -0.287390709 : f32
      %add3A_662 = vector.broadcast %add3A_661 : f32 to vector<16xf32>
      %add3A_663 = arith.addf %mul3A_660, %add3A_662 : vector<16xf32>
      %exp3A_664 = math.exp %add3A_663 : vector<16xf32>
      %add3A_665 = arith.constant 1.000000e+00 : f32
      %add3A_666 = vector.broadcast %add3A_665 : f32 to vector<16xf32>
      %add3A_667 = arith.addf %exp3A_664, %add3A_666 : vector<16xf32>
      %div3A_668 = arith.constant 7.00700045 : f32
      %div3A_669 = vector.broadcast %div3A_668 : f32 to vector<16xf32>
      %div3A_670 = arith.divf %div3A_669, %add3A_667 : vector<16xf32>
      %add3A_671 = arith.constant -4.003500e+00 : f32
      %add3A_672 = vector.broadcast %add3A_671 : f32 to vector<16xf32>
      %add3A_673 = arith.addf %div3A_670, %add3A_672 : vector<16xf32>
      %add3A_674 = arith.constant 0x4B400000 : f32
      %add3A_675 = vector.broadcast %add3A_674 : f32 to vector<16xf32>
      %add3A_676 = arith.addf %add3A_673, %add3A_675 : vector<16xf32>
      %sub3A_677 = arith.constant 0x4B400000 : f32
      %sub3A_678 = vector.broadcast %sub3A_677 : f32 to vector<16xf32>
      %sub3A_679 = arith.subf %add3A_676, %sub3A_678 : vector<16xf32>
      %mul3A_680 = arith.constant 8.000000e+00 : f32
      %mul3A_681 = vector.broadcast %mul3A_680 : f32 to vector<16xf32>
      %mul3A_682 = arith.mulf %sub3A_679, %mul3A_681 : vector<16xf32>
      %add3A_683 = arith.addf %sub3A_653, %mul3A_682 : vector<16xf32>
      %mul3A_684 = arith.constant 7.288630e-04 : f32
      %mul3A_685 = vector.broadcast %mul3A_684 : f32 to vector<16xf32>
      %mul3A_686 = arith.mulf %sub3A_679, %mul3A_685 : vector<16xf32>
      %sub3A_687 = arith.subf %sub3A_501, %mul3A_686 : vector<16xf32>
      %mul3A_688 = arith.constant -6.860000e+02 : f32
      %mul3A_689 = vector.broadcast %mul3A_688 : f32 to vector<16xf32>
      %mul3A_690 = arith.mulf %sub3A_531, %mul3A_689 : vector<16xf32>
      %add3A_691 = arith.constant -0.287390709 : f32
      %add3A_692 = vector.broadcast %add3A_691 : f32 to vector<16xf32>
      %add3A_693 = arith.addf %mul3A_690, %add3A_692 : vector<16xf32>
      %exp3A_694 = math.exp %add3A_693 : vector<16xf32>
      %add3A_695 = arith.constant 1.000000e+00 : f32
      %add3A_696 = vector.broadcast %add3A_695 : f32 to vector<16xf32>
      %add3A_697 = arith.addf %exp3A_694, %add3A_696 : vector<16xf32>
      %div3A_698 = arith.constant 7.00700045 : f32
      %div3A_699 = vector.broadcast %div3A_698 : f32 to vector<16xf32>
      %div3A_700 = arith.divf %div3A_699, %add3A_697 : vector<16xf32>
      %add3A_701 = arith.constant -4.003500e+00 : f32
      %add3A_702 = vector.broadcast %add3A_701 : f32 to vector<16xf32>
      %add3A_703 = arith.addf %div3A_700, %add3A_702 : vector<16xf32>
      %add3A_704 = arith.constant 0x4B400000 : f32
      %add3A_705 = vector.broadcast %add3A_704 : f32 to vector<16xf32>
      %add3A_706 = arith.addf %add3A_703, %add3A_705 : vector<16xf32>
      %sub3A_707 = arith.constant 0x4B400000 : f32
      %sub3A_708 = vector.broadcast %sub3A_707 : f32 to vector<16xf32>
      %sub3A_709 = arith.subf %add3A_706, %sub3A_708 : vector<16xf32>
      %mul3A_710 = arith.constant 6.400000e+01 : f32
      %mul3A_711 = vector.broadcast %mul3A_710 : f32 to vector<16xf32>
      %mul3A_712 = arith.mulf %sub3A_709, %mul3A_711 : vector<16xf32>
      %add3A_713 = arith.addf %add3A_683, %mul3A_712 : vector<16xf32>
      %mul3A_714 = arith.constant 7.288630e-04 : f32
      %mul3A_715 = vector.broadcast %mul3A_714 : f32 to vector<16xf32>
      %mul3A_716 = arith.mulf %sub3A_709, %mul3A_715 : vector<16xf32>
      %sub3A_717 = arith.subf %sub3A_531, %mul3A_716 : vector<16xf32>
      %mul3A_718 = arith.constant -1.280000e+02 : f32
      %mul3A_719 = vector.broadcast %mul3A_718 : f32 to vector<16xf32>
      %mul3A_720 = arith.mulf %sub3A_561, %mul3A_719 : vector<16xf32>
      %add3A_721 = arith.constant -0.000000e+00 : f32
      %add3A_722 = vector.broadcast %add3A_721 : f32 to vector<16xf32>
      %add3A_723 = arith.addf %mul3A_720, %add3A_722 : vector<16xf32>
      %exp3A_724 = math.exp %add3A_723 : vector<16xf32>
      %add3A_725 = arith.constant 1.000000e+00 : f32
      %add3A_726 = vector.broadcast %add3A_725 : f32 to vector<16xf32>
      %add3A_727 = arith.addf %exp3A_724, %add3A_726 : vector<16xf32>
      %div3A_728 = arith.constant 4.004000e+00 : f32
      %div3A_729 = vector.broadcast %div3A_728 : f32 to vector<16xf32>
      %div3A_730 = arith.divf %div3A_729, %add3A_727 : vector<16xf32>
      %add3A_731 = arith.constant -2.002000e+00 : f32
      %add3A_732 = vector.broadcast %add3A_731 : f32 to vector<16xf32>
      %add3A_733 = arith.addf %div3A_730, %add3A_732 : vector<16xf32>
      %add3A_734 = arith.constant 0x4B400000 : f32
      %add3A_735 = vector.broadcast %add3A_734 : f32 to vector<16xf32>
      %add3A_736 = arith.addf %add3A_733, %add3A_735 : vector<16xf32>
      %sub3A_737 = arith.constant 0x4B400000 : f32
      %sub3A_738 = vector.broadcast %sub3A_737 : f32 to vector<16xf32>
      %sub3A_739 = arith.subf %add3A_736, %sub3A_738 : vector<16xf32>
      %mul3A_740 = arith.constant 5.120000e+02 : f32
      %mul3A_741 = vector.broadcast %mul3A_740 : f32 to vector<16xf32>
      %mul3A_742 = arith.mulf %sub3A_739, %mul3A_741 : vector<16xf32>
      %add3A_743 = arith.addf %add3A_713, %mul3A_742 : vector<16xf32>
      %mul3A_744 = arith.constant 7.812500e-03 : f32
      %mul3A_745 = vector.broadcast %mul3A_744 : f32 to vector<16xf32>
      %mul3A_746 = arith.mulf %sub3A_739, %mul3A_745 : vector<16xf32>
      %sub3A_747 = arith.subf %sub3A_561, %mul3A_746 : vector<16xf32>
      %mul3A_748 = arith.constant -1.280000e+02 : f32
      %mul3A_749 = vector.broadcast %mul3A_748 : f32 to vector<16xf32>
      %mul3A_750 = arith.mulf %sub3A_591, %mul3A_749 : vector<16xf32>
      %add3A_751 = arith.constant -0.000000e+00 : f32
      %add3A_752 = vector.broadcast %add3A_751 : f32 to vector<16xf32>
      %add3A_753 = arith.addf %mul3A_750, %add3A_752 : vector<16xf32>
      %exp3A_754 = math.exp %add3A_753 : vector<16xf32>
      %add3A_755 = arith.constant 1.000000e+00 : f32
      %add3A_756 = vector.broadcast %add3A_755 : f32 to vector<16xf32>
      %add3A_757 = arith.addf %exp3A_754, %add3A_756 : vector<16xf32>
      %div3A_758 = arith.constant 4.004000e+00 : f32
      %div3A_759 = vector.broadcast %div3A_758 : f32 to vector<16xf32>
      %div3A_760 = arith.divf %div3A_759, %add3A_757 : vector<16xf32>
      %add3A_761 = arith.constant -2.002000e+00 : f32
      %add3A_762 = vector.broadcast %add3A_761 : f32 to vector<16xf32>
      %add3A_763 = arith.addf %div3A_760, %add3A_762 : vector<16xf32>
      %add3A_764 = arith.constant 0x4B400000 : f32
      %add3A_765 = vector.broadcast %add3A_764 : f32 to vector<16xf32>
      %add3A_766 = arith.addf %add3A_763, %add3A_765 : vector<16xf32>
      %sub3A_767 = arith.constant 0x4B400000 : f32
      %sub3A_768 = vector.broadcast %sub3A_767 : f32 to vector<16xf32>
      %sub3A_769 = arith.subf %add3A_766, %sub3A_768 : vector<16xf32>
      %mul3A_770 = arith.constant 2.560000e+03 : f32
      %mul3A_771 = vector.broadcast %mul3A_770 : f32 to vector<16xf32>
      %mul3A_772 = arith.mulf %sub3A_769, %mul3A_771 : vector<16xf32>
      %add3A_773 = arith.addf %add3A_743, %mul3A_772 : vector<16xf32>
      %mul3A_774 = arith.constant 7.812500e-03 : f32
      %mul3A_775 = vector.broadcast %mul3A_774 : f32 to vector<16xf32>
      %mul3A_776 = arith.mulf %sub3A_769, %mul3A_775 : vector<16xf32>
      %sub3A_777 = arith.subf %sub3A_591, %mul3A_776 : vector<16xf32>
      %mul3A_778 = arith.constant -1.280000e+02 : f32
      %mul3A_779 = vector.broadcast %mul3A_778 : f32 to vector<16xf32>
      %mul3A_780 = arith.mulf %sub3A_621, %mul3A_779 : vector<16xf32>
      %add3A_781 = arith.constant -0.000000e+00 : f32
      %add3A_782 = vector.broadcast %add3A_781 : f32 to vector<16xf32>
      %add3A_783 = arith.addf %mul3A_780, %add3A_782 : vector<16xf32>
      %exp3A_784 = math.exp %add3A_783 : vector<16xf32>
      %add3A_785 = arith.constant 1.000000e+00 : f32
      %add3A_786 = vector.broadcast %add3A_785 : f32 to vector<16xf32>
      %add3A_787 = arith.addf %exp3A_784, %add3A_786 : vector<16xf32>
      %div3A_788 = arith.constant 4.004000e+00 : f32
      %div3A_789 = vector.broadcast %div3A_788 : f32 to vector<16xf32>
      %div3A_790 = arith.divf %div3A_789, %add3A_787 : vector<16xf32>
      %add3A_791 = arith.constant -2.002000e+00 : f32
      %add3A_792 = vector.broadcast %add3A_791 : f32 to vector<16xf32>
      %add3A_793 = arith.addf %div3A_790, %add3A_792 : vector<16xf32>
      %add3A_794 = arith.constant 0x4B400000 : f32
      %add3A_795 = vector.broadcast %add3A_794 : f32 to vector<16xf32>
      %add3A_796 = arith.addf %add3A_793, %add3A_795 : vector<16xf32>
      %sub3A_797 = arith.constant 0x4B400000 : f32
      %sub3A_798 = vector.broadcast %sub3A_797 : f32 to vector<16xf32>
      %sub3A_799 = arith.subf %add3A_796, %sub3A_798 : vector<16xf32>
      %mul3A_800 = arith.constant 1.280000e+04 : f32
      %mul3A_801 = vector.broadcast %mul3A_800 : f32 to vector<16xf32>
      %mul3A_802 = arith.mulf %sub3A_799, %mul3A_801 : vector<16xf32>
      %add3A_803 = arith.addf %add3A_773, %mul3A_802 : vector<16xf32>
      %mul3A_804 = arith.constant 7.812500e-03 : f32
      %mul3A_805 = vector.broadcast %mul3A_804 : f32 to vector<16xf32>
      %mul3A_806 = arith.mulf %sub3A_799, %mul3A_805 : vector<16xf32>
      %sub3A_807 = arith.subf %sub3A_621, %mul3A_806 : vector<16xf32>
      %add3A_808 = arith.constant 3.203600e+04 : f32
      %add3A_809 = vector.broadcast %add3A_808 : f32 to vector<16xf32>
      %add3A_810 = arith.addf %add3A_803, %add3A_809 : vector<16xf32>
      %convert_element_type3A_811 = arith.fptosi %add3A_810 : vector<16xf32> to vector<16xi32>
      %swap3A_812 = arith.constant 3 : i32
      %swap3A_813 = arith.index_cast %swap3A_812 : i32 to index
      %swap3A_814 = arith.index_cast %mul3A_49 : i32 to index
      %swap3A_815 = tpu.vector_load %arg7[%swap3A_813, %swap3A_814] {strides = array<i32>} : memref<8x128xi32, #tpu.memory_space<vmem>>, vector<1x16xi32>,
      %swap3A_816 = vector.shape_cast %swap3A_815 : vector<1x16xi32> to vector<16xi32>
      %swap3A_817 = vector.shape_cast %convert_element_type3A_811 : vector<16xi32> to vector<1x16xi32>
      tpu.vector_store %arg7[%swap3A_813, %swap3A_814], %swap3A_817 {strides = array<i32>} : memref<8x128xi32, #tpu.memory_space<vmem>>, vector<1x16xi32>,
      %mul3A_818 = arith.constant -4.802000e+03 : f32
      %mul3A_819 = vector.broadcast %mul3A_818 : f32 to vector<16xf32>
      %mul3A_820 = arith.mulf %sub3A_657, %mul3A_819 : vector<16xf32>
      %add3A_821 = arith.constant -0.287390709 : f32
      %add3A_822 = vector.broadcast %add3A_821 : f32 to vector<16xf32>
      %add3A_823 = arith.addf %mul3A_820, %add3A_822 : vector<16xf32>
      %exp3A_824 = math.exp %add3A_823 : vector<16xf32>
      %add3A_825 = arith.constant 1.000000e+00 : f32
      %add3A_826 = vector.broadcast %add3A_825 : f32 to vector<16xf32>
      %add3A_827 = arith.addf %exp3A_824, %add3A_826 : vector<16xf32>
      %div3A_828 = arith.constant 7.00700045 : f32
      %div3A_829 = vector.broadcast %div3A_828 : f32 to vector<16xf32>
      %div3A_830 = arith.divf %div3A_829, %add3A_827 : vector<16xf32>
      %add3A_831 = arith.constant -4.003500e+00 : f32
      %add3A_832 = vector.broadcast %add3A_831 : f32 to vector<16xf32>
      %add3A_833 = arith.addf %div3A_830, %add3A_832 : vector<16xf32>
      %add3A_834 = arith.constant 0x4B400000 : f32
      %add3A_835 = vector.broadcast %add3A_834 : f32 to vector<16xf32>
      %add3A_836 = arith.addf %add3A_833, %add3A_835 : vector<16xf32>
      %sub3A_837 = arith.constant 0x4B400000 : f32
      %sub3A_838 = vector.broadcast %sub3A_837 : f32 to vector<16xf32>
      %sub3A_839 = arith.subf %add3A_836, %sub3A_838 : vector<16xf32>
      %mul3A_840 = arith.constant 1.04123283E-4 : f32
      %mul3A_841 = vector.broadcast %mul3A_840 : f32 to vector<16xf32>
      %mul3A_842 = arith.mulf %sub3A_839, %mul3A_841 : vector<16xf32>
      %sub3A_843 = arith.subf %sub3A_657, %mul3A_842 : vector<16xf32>
      %mul3A_844 = arith.constant -4.802000e+03 : f32
      %mul3A_845 = vector.broadcast %mul3A_844 : f32 to vector<16xf32>
      %mul3A_846 = arith.mulf %sub3A_687, %mul3A_845 : vector<16xf32>
      %add3A_847 = arith.constant -0.287390709 : f32
      %add3A_848 = vector.broadcast %add3A_847 : f32 to vector<16xf32>
      %add3A_849 = arith.addf %mul3A_846, %add3A_848 : vector<16xf32>
      %exp3A_850 = math.exp %add3A_849 : vector<16xf32>
      %add3A_851 = arith.constant 1.000000e+00 : f32
      %add3A_852 = vector.broadcast %add3A_851 : f32 to vector<16xf32>
      %add3A_853 = arith.addf %exp3A_850, %add3A_852 : vector<16xf32>
      %div3A_854 = arith.constant 7.00700045 : f32
      %div3A_855 = vector.broadcast %div3A_854 : f32 to vector<16xf32>
      %div3A_856 = arith.divf %div3A_855, %add3A_853 : vector<16xf32>
      %add3A_857 = arith.constant -4.003500e+00 : f32
      %add3A_858 = vector.broadcast %add3A_857 : f32 to vector<16xf32>
      %add3A_859 = arith.addf %div3A_856, %add3A_858 : vector<16xf32>
      %add3A_860 = arith.constant 0x4B400000 : f32
      %add3A_861 = vector.broadcast %add3A_860 : f32 to vector<16xf32>
      %add3A_862 = arith.addf %add3A_859, %add3A_861 : vector<16xf32>
      %sub3A_863 = arith.constant 0x4B400000 : f32
      %sub3A_864 = vector.broadcast %sub3A_863 : f32 to vector<16xf32>
      %sub3A_865 = arith.subf %add3A_862, %sub3A_864 : vector<16xf32>
      %mul3A_866 = arith.constant 8.000000e+00 : f32
      %mul3A_867 = vector.broadcast %mul3A_866 : f32 to vector<16xf32>
      %mul3A_868 = arith.mulf %sub3A_865, %mul3A_867 : vector<16xf32>
      %add3A_869 = arith.addf %sub3A_839, %mul3A_868 : vector<16xf32>
      %mul3A_870 = arith.constant 1.04123283E-4 : f32
      %mul3A_871 = vector.broadcast %mul3A_870 : f32 to vector<16xf32>
      %mul3A_872 = arith.mulf %sub3A_865, %mul3A_871 : vector<16xf32>
      %sub3A_873 = arith.subf %sub3A_687, %mul3A_872 : vector<16xf32>
      %mul3A_874 = arith.constant -4.802000e+03 : f32
      %mul3A_875 = vector.broadcast %mul3A_874 : f32 to vector<16xf32>
      %mul3A_876 = arith.mulf %sub3A_717, %mul3A_875 : vector<16xf32>
      %add3A_877 = arith.constant -0.287390709 : f32
      %add3A_878 = vector.broadcast %add3A_877 : f32 to vector<16xf32>
      %add3A_879 = arith.addf %mul3A_876, %add3A_878 : vector<16xf32>
      %exp3A_880 = math.exp %add3A_879 : vector<16xf32>
      %add3A_881 = arith.constant 1.000000e+00 : f32
      %add3A_882 = vector.broadcast %add3A_881 : f32 to vector<16xf32>
      %add3A_883 = arith.addf %exp3A_880, %add3A_882 : vector<16xf32>
      %div3A_884 = arith.constant 7.00700045 : f32
      %div3A_885 = vector.broadcast %div3A_884 : f32 to vector<16xf32>
      %div3A_886 = arith.divf %div3A_885, %add3A_883 : vector<16xf32>
      %add3A_887 = arith.constant -4.003500e+00 : f32
      %add3A_888 = vector.broadcast %add3A_887 : f32 to vector<16xf32>
      %add3A_889 = arith.addf %div3A_886, %add3A_888 : vector<16xf32>
      %add3A_890 = arith.constant 0x4B400000 : f32
      %add3A_891 = vector.broadcast %add3A_890 : f32 to vector<16xf32>
      %add3A_892 = arith.addf %add3A_889, %add3A_891 : vector<16xf32>
      %sub3A_893 = arith.constant 0x4B400000 : f32
      %sub3A_894 = vector.broadcast %sub3A_893 : f32 to vector<16xf32>
      %sub3A_895 = arith.subf %add3A_892, %sub3A_894 : vector<16xf32>
      %mul3A_896 = arith.constant 6.400000e+01 : f32
      %mul3A_897 = vector.broadcast %mul3A_896 : f32 to vector<16xf32>
      %mul3A_898 = arith.mulf %sub3A_895, %mul3A_897 : vector<16xf32>
      %add3A_899 = arith.addf %add3A_869, %mul3A_898 : vector<16xf32>
      %mul3A_900 = arith.constant 1.04123283E-4 : f32
      %mul3A_901 = vector.broadcast %mul3A_900 : f32 to vector<16xf32>
      %mul3A_902 = arith.mulf %sub3A_895, %mul3A_901 : vector<16xf32>
      %sub3A_903 = arith.subf %sub3A_717, %mul3A_902 : vector<16xf32>
      %mul3A_904 = arith.constant -5.120000e+02 : f32
      %mul3A_905 = vector.broadcast %mul3A_904 : f32 to vector<16xf32>
      %mul3A_906 = arith.mulf %sub3A_747, %mul3A_905 : vector<16xf32>
      %add3A_907 = arith.constant -0.000000e+00 : f32
      %add3A_908 = vector.broadcast %add3A_907 : f32 to vector<16xf32>
      %add3A_909 = arith.addf %mul3A_906, %add3A_908 : vector<16xf32>
      %exp3A_910 = math.exp %add3A_909 : vector<16xf32>
      %add3A_911 = arith.constant 1.000000e+00 : f32
      %add3A_912 = vector.broadcast %add3A_911 : f32 to vector<16xf32>
      %add3A_913 = arith.addf %exp3A_910, %add3A_912 : vector<16xf32>
      %div3A_914 = arith.constant 4.004000e+00 : f32
      %div3A_915 = vector.broadcast %div3A_914 : f32 to vector<16xf32>
      %div3A_916 = arith.divf %div3A_915, %add3A_913 : vector<16xf32>
      %add3A_917 = arith.constant -2.002000e+00 : f32
      %add3A_918 = vector.broadcast %add3A_917 : f32 to vector<16xf32>
      %add3A_919 = arith.addf %div3A_916, %add3A_918 : vector<16xf32>
      %add3A_920 = arith.constant 0x4B400000 : f32
      %add3A_921 = vector.broadcast %add3A_920 : f32 to vector<16xf32>
      %add3A_922 = arith.addf %add3A_919, %add3A_921 : vector<16xf32>
      %sub3A_923 = arith.constant 0x4B400000 : f32
      %sub3A_924 = vector.broadcast %sub3A_923 : f32 to vector<16xf32>
      %sub3A_925 = arith.subf %add3A_922, %sub3A_924 : vector<16xf32>
      %mul3A_926 = arith.constant 5.120000e+02 : f32
      %mul3A_927 = vector.broadcast %mul3A_926 : f32 to vector<16xf32>
      %mul3A_928 = arith.mulf %sub3A_925, %mul3A_927 : vector<16xf32>
      %add3A_929 = arith.addf %add3A_899, %mul3A_928 : vector<16xf32>
      %mul3A_930 = arith.constant 0.001953125 : f32
      %mul3A_931 = vector.broadcast %mul3A_930 : f32 to vector<16xf32>
      %mul3A_932 = arith.mulf %sub3A_925, %mul3A_931 : vector<16xf32>
      %sub3A_933 = arith.subf %sub3A_747, %mul3A_932 : vector<16xf32>
      %mul3A_934 = arith.constant -5.120000e+02 : f32
      %mul3A_935 = vector.broadcast %mul3A_934 : f32 to vector<16xf32>
      %mul3A_936 = arith.mulf %sub3A_777, %mul3A_935 : vector<16xf32>
      %add3A_937 = arith.constant -0.000000e+00 : f32
      %add3A_938 = vector.broadcast %add3A_937 : f32 to vector<16xf32>
      %add3A_939 = arith.addf %mul3A_936, %add3A_938 : vector<16xf32>
      %exp3A_940 = math.exp %add3A_939 : vector<16xf32>
      %add3A_941 = arith.constant 1.000000e+00 : f32
      %add3A_942 = vector.broadcast %add3A_941 : f32 to vector<16xf32>
      %add3A_943 = arith.addf %exp3A_940, %add3A_942 : vector<16xf32>
      %div3A_944 = arith.constant 4.004000e+00 : f32
      %div3A_945 = vector.broadcast %div3A_944 : f32 to vector<16xf32>
      %div3A_946 = arith.divf %div3A_945, %add3A_943 : vector<16xf32>
      %add3A_947 = arith.constant -2.002000e+00 : f32
      %add3A_948 = vector.broadcast %add3A_947 : f32 to vector<16xf32>
      %add3A_949 = arith.addf %div3A_946, %add3A_948 : vector<16xf32>
      %add3A_950 = arith.constant 0x4B400000 : f32
      %add3A_951 = vector.broadcast %add3A_950 : f32 to vector<16xf32>
      %add3A_952 = arith.addf %add3A_949, %add3A_951 : vector<16xf32>
      %sub3A_953 = arith.constant 0x4B400000 : f32
      %sub3A_954 = vector.broadcast %sub3A_953 : f32 to vector<16xf32>
      %sub3A_955 = arith.subf %add3A_952, %sub3A_954 : vector<16xf32>
      %mul3A_956 = arith.constant 2.560000e+03 : f32
      %mul3A_957 = vector.broadcast %mul3A_956 : f32 to vector<16xf32>
      %mul3A_958 = arith.mulf %sub3A_955, %mul3A_957 : vector<16xf32>
      %add3A_959 = arith.addf %add3A_929, %mul3A_958 : vector<16xf32>
      %mul3A_960 = arith.constant 0.001953125 : f32
      %mul3A_961 = vector.broadcast %mul3A_960 : f32 to vector<16xf32>
      %mul3A_962 = arith.mulf %sub3A_955, %mul3A_961 : vector<16xf32>
      %sub3A_963 = arith.subf %sub3A_777, %mul3A_962 : vector<16xf32>
      %mul3A_964 = arith.constant -5.120000e+02 : f32
      %mul3A_965 = vector.broadcast %mul3A_964 : f32 to vector<16xf32>
      %mul3A_966 = arith.mulf %sub3A_807, %mul3A_965 : vector<16xf32>
      %add3A_967 = arith.constant -0.000000e+00 : f32
      %add3A_968 = vector.broadcast %add3A_967 : f32 to vector<16xf32>
      %add3A_969 = arith.addf %mul3A_966, %add3A_968 : vector<16xf32>
      %exp3A_970 = math.exp %add3A_969 : vector<16xf32>
      %add3A_971 = arith.constant 1.000000e+00 : f32
      %add3A_972 = vector.broadcast %add3A_971 : f32 to vector<16xf32>
      %add3A_973 = arith.addf %exp3A_970, %add3A_972 : vector<16xf32>
      %div3A_974 = arith.constant 4.004000e+00 : f32
      %div3A_975 = vector.broadcast %div3A_974 : f32 to vector<16xf32>
      %div3A_976 = arith.divf %div3A_975, %add3A_973 : vector<16xf32>
      %add3A_977 = arith.constant -2.002000e+00 : f32
      %add3A_978 = vector.broadcast %add3A_977 : f32 to vector<16xf32>
      %add3A_979 = arith.addf %div3A_976, %add3A_978 : vector<16xf32>
      %add3A_980 = arith.constant 0x4B400000 : f32
      %add3A_981 = vector.broadcast %add3A_980 : f32 to vector<16xf32>
      %add3A_982 = arith.addf %add3A_979, %add3A_981 : vector<16xf32>
      %sub3A_983 = arith.constant 0x4B400000 : f32
      %sub3A_984 = vector.broadcast %sub3A_983 : f32 to vector<16xf32>
      %sub3A_985 = arith.subf %add3A_982, %sub3A_984 : vector<16xf32>
      %mul3A_986 = arith.constant 1.280000e+04 : f32
      %mul3A_987 = vector.broadcast %mul3A_986 : f32 to vector<16xf32>
      %mul3A_988 = arith.mulf %sub3A_985, %mul3A_987 : vector<16xf32>
      %add3A_989 = arith.addf %add3A_959, %mul3A_988 : vector<16xf32>
      %mul3A_990 = arith.constant 0.001953125 : f32
      %mul3A_991 = vector.broadcast %mul3A_990 : f32 to vector<16xf32>
      %mul3A_992 = arith.mulf %sub3A_985, %mul3A_991 : vector<16xf32>
      %sub3A_993 = arith.subf %sub3A_807, %mul3A_992 : vector<16xf32>
      %add3A_994 = arith.constant 3.203600e+04 : f32
      %add3A_995 = vector.broadcast %add3A_994 : f32 to vector<16xf32>
      %add3A_996 = arith.addf %add3A_989, %add3A_995 : vector<16xf32>
      %convert_element_type3A_997 = arith.fptosi %add3A_996 : vector<16xf32> to vector<16xi32>
      %swap3A_998 = arith.constant 4 : i32
      %swap3A_999 = arith.index_cast %swap3A_998 : i32 to index
      %swap3A_1000 = arith.index_cast %mul3A_49 : i32 to index
      %swap3A_1001 = tpu.vector_load %arg7[%swap3A_999, %swap3A_1000] {strides = array<i32>} : memref<8x128xi32, #tpu.memory_space<vmem>>, vector<1x16xi32>,
      %swap3A_1002 = vector.shape_cast %swap3A_1001 : vector<1x16xi32> to vector<16xi32>
      %swap3A_1003 = vector.shape_cast %convert_element_type3A_997 : vector<16xi32> to vector<1x16xi32>
      tpu.vector_store %arg7[%swap3A_999, %swap3A_1000], %swap3A_1003 {strides = array<i32>} : memref<8x128xi32, #tpu.memory_space<vmem>>, vector<1x16xi32>,
      %mul3A_1004 = arith.constant -3.361400e+04 : f32
      %mul3A_1005 = vector.broadcast %mul3A_1004 : f32 to vector<16xf32>
      %mul3A_1006 = arith.mulf %sub3A_843, %mul3A_1005 : vector<16xf32>
      %add3A_1007 = arith.constant -0.287390709 : f32
      %add3A_1008 = vector.broadcast %add3A_1007 : f32 to vector<16xf32>
      %add3A_1009 = arith.addf %mul3A_1006, %add3A_1008 : vector<16xf32>
      %exp3A_1010 = math.exp %add3A_1009 : vector<16xf32>
      %add3A_1011 = arith.constant 1.000000e+00 : f32
      %add3A_1012 = vector.broadcast %add3A_1011 : f32 to vector<16xf32>
      %add3A_1013 = arith.addf %exp3A_1010, %add3A_1012 : vector<16xf32>
      %div3A_1014 = arith.constant 7.00700045 : f32
      %div3A_1015 = vector.broadcast %div3A_1014 : f32 to vector<16xf32>
      %div3A_1016 = arith.divf %div3A_1015, %add3A_1013 : vector<16xf32>
      %add3A_1017 = arith.constant -4.003500e+00 : f32
      %add3A_1018 = vector.broadcast %add3A_1017 : f32 to vector<16xf32>
      %add3A_1019 = arith.addf %div3A_1016, %add3A_1018 : vector<16xf32>
      %add3A_1020 = arith.constant 0x4B400000 : f32
      %add3A_1021 = vector.broadcast %add3A_1020 : f32 to vector<16xf32>
      %add3A_1022 = arith.addf %add3A_1019, %add3A_1021 : vector<16xf32>
      %sub3A_1023 = arith.constant 0x4B400000 : f32
      %sub3A_1024 = vector.broadcast %sub3A_1023 : f32 to vector<16xf32>
      %sub3A_1025 = arith.subf %add3A_1022, %sub3A_1024 : vector<16xf32>
      %mul3A_1026 = arith.constant 1.48747549E-5 : f32
      %mul3A_1027 = vector.broadcast %mul3A_1026 : f32 to vector<16xf32>
      %mul3A_1028 = arith.mulf %sub3A_1025, %mul3A_1027 : vector<16xf32>
      %sub3A_1029 = arith.subf %sub3A_843, %mul3A_1028 : vector<16xf32>
      %mul3A_1030 = arith.constant -3.361400e+04 : f32
      %mul3A_1031 = vector.broadcast %mul3A_1030 : f32 to vector<16xf32>
      %mul3A_1032 = arith.mulf %sub3A_873, %mul3A_1031 : vector<16xf32>
      %add3A_1033 = arith.constant -0.287390709 : f32
      %add3A_1034 = vector.broadcast %add3A_1033 : f32 to vector<16xf32>
      %add3A_1035 = arith.addf %mul3A_1032, %add3A_1034 : vector<16xf32>
      %exp3A_1036 = math.exp %add3A_1035 : vector<16xf32>
      %add3A_1037 = arith.constant 1.000000e+00 : f32
      %add3A_1038 = vector.broadcast %add3A_1037 : f32 to vector<16xf32>
      %add3A_1039 = arith.addf %exp3A_1036, %add3A_1038 : vector<16xf32>
      %div3A_1040 = arith.constant 7.00700045 : f32
      %div3A_1041 = vector.broadcast %div3A_1040 : f32 to vector<16xf32>
      %div3A_1042 = arith.divf %div3A_1041, %add3A_1039 : vector<16xf32>
      %add3A_1043 = arith.constant -4.003500e+00 : f32
      %add3A_1044 = vector.broadcast %add3A_1043 : f32 to vector<16xf32>
      %add3A_1045 = arith.addf %div3A_1042, %add3A_1044 : vector<16xf32>
      %add3A_1046 = arith.constant 0x4B400000 : f32
      %add3A_1047 = vector.broadcast %add3A_1046 : f32 to vector<16xf32>
      %add3A_1048 = arith.addf %add3A_1045, %add3A_1047 : vector<16xf32>
      %sub3A_1049 = arith.constant 0x4B400000 : f32
      %sub3A_1050 = vector.broadcast %sub3A_1049 : f32 to vector<16xf32>
      %sub3A_1051 = arith.subf %add3A_1048, %sub3A_1050 : vector<16xf32>
      %mul3A_1052 = arith.constant 8.000000e+00 : f32
      %mul3A_1053 = vector.broadcast %mul3A_1052 : f32 to vector<16xf32>
      %mul3A_1054 = arith.mulf %sub3A_1051, %mul3A_1053 : vector<16xf32>
      %add3A_1055 = arith.addf %sub3A_1025, %mul3A_1054 : vector<16xf32>
      %mul3A_1056 = arith.constant 1.48747549E-5 : f32
      %mul3A_1057 = vector.broadcast %mul3A_1056 : f32 to vector<16xf32>
      %mul3A_1058 = arith.mulf %sub3A_1051, %mul3A_1057 : vector<16xf32>
      %sub3A_1059 = arith.subf %sub3A_873, %mul3A_1058 : vector<16xf32>
      %mul3A_1060 = arith.constant -3.361400e+04 : f32
      %mul3A_1061 = vector.broadcast %mul3A_1060 : f32 to vector<16xf32>
      %mul3A_1062 = arith.mulf %sub3A_903, %mul3A_1061 : vector<16xf32>
      %add3A_1063 = arith.constant -0.287390709 : f32
      %add3A_1064 = vector.broadcast %add3A_1063 : f32 to vector<16xf32>
      %add3A_1065 = arith.addf %mul3A_1062, %add3A_1064 : vector<16xf32>
      %exp3A_1066 = math.exp %add3A_1065 : vector<16xf32>
      %add3A_1067 = arith.constant 1.000000e+00 : f32
      %add3A_1068 = vector.broadcast %add3A_1067 : f32 to vector<16xf32>
      %add3A_1069 = arith.addf %exp3A_1066, %add3A_1068 : vector<16xf32>
      %div3A_1070 = arith.constant 7.00700045 : f32
      %div3A_1071 = vector.broadcast %div3A_1070 : f32 to vector<16xf32>
      %div3A_1072 = arith.divf %div3A_1071, %add3A_1069 : vector<16xf32>
      %add3A_1073 = arith.constant -4.003500e+00 : f32
      %add3A_1074 = vector.broadcast %add3A_1073 : f32 to vector<16xf32>
      %add3A_1075 = arith.addf %div3A_1072, %add3A_1074 : vector<16xf32>
      %add3A_1076 = arith.constant 0x4B400000 : f32
      %add3A_1077 = vector.broadcast %add3A_1076 : f32 to vector<16xf32>
      %add3A_1078 = arith.addf %add3A_1075, %add3A_1077 : vector<16xf32>
      %sub3A_1079 = arith.constant 0x4B400000 : f32
      %sub3A_1080 = vector.broadcast %sub3A_1079 : f32 to vector<16xf32>
      %sub3A_1081 = arith.subf %add3A_1078, %sub3A_1080 : vector<16xf32>
      %mul3A_1082 = arith.constant 6.400000e+01 : f32
      %mul3A_1083 = vector.broadcast %mul3A_1082 : f32 to vector<16xf32>
      %mul3A_1084 = arith.mulf %sub3A_1081, %mul3A_1083 : vector<16xf32>
      %add3A_1085 = arith.addf %add3A_1055, %mul3A_1084 : vector<16xf32>
      %mul3A_1086 = arith.constant 1.48747549E-5 : f32
      %mul3A_1087 = vector.broadcast %mul3A_1086 : f32 to vector<16xf32>
      %mul3A_1088 = arith.mulf %sub3A_1081, %mul3A_1087 : vector<16xf32>
      %sub3A_1089 = arith.subf %sub3A_903, %mul3A_1088 : vector<16xf32>
      %mul3A_1090 = arith.constant -2.048000e+03 : f32
      %mul3A_1091 = vector.broadcast %mul3A_1090 : f32 to vector<16xf32>
      %mul3A_1092 = arith.mulf %sub3A_933, %mul3A_1091 : vector<16xf32>
      %add3A_1093 = arith.constant -0.000000e+00 : f32
      %add3A_1094 = vector.broadcast %add3A_1093 : f32 to vector<16xf32>
      %add3A_1095 = arith.addf %mul3A_1092, %add3A_1094 : vector<16xf32>
      %exp3A_1096 = math.exp %add3A_1095 : vector<16xf32>
      %add3A_1097 = arith.constant 1.000000e+00 : f32
      %add3A_1098 = vector.broadcast %add3A_1097 : f32 to vector<16xf32>
      %add3A_1099 = arith.addf %exp3A_1096, %add3A_1098 : vector<16xf32>
      %div3A_1100 = arith.constant 4.004000e+00 : f32
      %div3A_1101 = vector.broadcast %div3A_1100 : f32 to vector<16xf32>
      %div3A_1102 = arith.divf %div3A_1101, %add3A_1099 : vector<16xf32>
      %add3A_1103 = arith.constant -2.002000e+00 : f32
      %add3A_1104 = vector.broadcast %add3A_1103 : f32 to vector<16xf32>
      %add3A_1105 = arith.addf %div3A_1102, %add3A_1104 : vector<16xf32>
      %add3A_1106 = arith.constant 0x4B400000 : f32
      %add3A_1107 = vector.broadcast %add3A_1106 : f32 to vector<16xf32>
      %add3A_1108 = arith.addf %add3A_1105, %add3A_1107 : vector<16xf32>
      %sub3A_1109 = arith.constant 0x4B400000 : f32
      %sub3A_1110 = vector.broadcast %sub3A_1109 : f32 to vector<16xf32>
      %sub3A_1111 = arith.subf %add3A_1108, %sub3A_1110 : vector<16xf32>
      %mul3A_1112 = arith.constant 5.120000e+02 : f32
      %mul3A_1113 = vector.broadcast %mul3A_1112 : f32 to vector<16xf32>
      %mul3A_1114 = arith.mulf %sub3A_1111, %mul3A_1113 : vector<16xf32>
      %add3A_1115 = arith.addf %add3A_1085, %mul3A_1114 : vector<16xf32>
      %mul3A_1116 = arith.constant 4.8828125E-4 : f32
      %mul3A_1117 = vector.broadcast %mul3A_1116 : f32 to vector<16xf32>
      %mul3A_1118 = arith.mulf %sub3A_1111, %mul3A_1117 : vector<16xf32>
      %sub3A_1119 = arith.subf %sub3A_933, %mul3A_1118 : vector<16xf32>
      %mul3A_1120 = arith.constant -2.048000e+03 : f32
      %mul3A_1121 = vector.broadcast %mul3A_1120 : f32 to vector<16xf32>
      %mul3A_1122 = arith.mulf %sub3A_963, %mul3A_1121 : vector<16xf32>
      %add3A_1123 = arith.constant -0.000000e+00 : f32
      %add3A_1124 = vector.broadcast %add3A_1123 : f32 to vector<16xf32>
      %add3A_1125 = arith.addf %mul3A_1122, %add3A_1124 : vector<16xf32>
      %exp3A_1126 = math.exp %add3A_1125 : vector<16xf32>
      %add3A_1127 = arith.constant 1.000000e+00 : f32
      %add3A_1128 = vector.broadcast %add3A_1127 : f32 to vector<16xf32>
      %add3A_1129 = arith.addf %exp3A_1126, %add3A_1128 : vector<16xf32>
      %div3A_1130 = arith.constant 4.004000e+00 : f32
      %div3A_1131 = vector.broadcast %div3A_1130 : f32 to vector<16xf32>
      %div3A_1132 = arith.divf %div3A_1131, %add3A_1129 : vector<16xf32>
      %add3A_1133 = arith.constant -2.002000e+00 : f32
      %add3A_1134 = vector.broadcast %add3A_1133 : f32 to vector<16xf32>
      %add3A_1135 = arith.addf %div3A_1132, %add3A_1134 : vector<16xf32>
      %add3A_1136 = arith.constant 0x4B400000 : f32
      %add3A_1137 = vector.broadcast %add3A_1136 : f32 to vector<16xf32>
      %add3A_1138 = arith.addf %add3A_1135, %add3A_1137 : vector<16xf32>
      %sub3A_1139 = arith.constant 0x4B400000 : f32
      %sub3A_1140 = vector.broadcast %sub3A_1139 : f32 to vector<16xf32>
      %sub3A_1141 = arith.subf %add3A_1138, %sub3A_1140 : vector<16xf32>
      %mul3A_1142 = arith.constant 2.560000e+03 : f32
      %mul3A_1143 = vector.broadcast %mul3A_1142 : f32 to vector<16xf32>
      %mul3A_1144 = arith.mulf %sub3A_1141, %mul3A_1143 : vector<16xf32>
      %add3A_1145 = arith.addf %add3A_1115, %mul3A_1144 : vector<16xf32>
      %mul3A_1146 = arith.constant 4.8828125E-4 : f32
      %mul3A_1147 = vector.broadcast %mul3A_1146 : f32 to vector<16xf32>
      %mul3A_1148 = arith.mulf %sub3A_1141, %mul3A_1147 : vector<16xf32>
      %sub3A_1149 = arith.subf %sub3A_963, %mul3A_1148 : vector<16xf32>
      %mul3A_1150 = arith.constant -2.048000e+03 : f32
      %mul3A_1151 = vector.broadcast %mul3A_1150 : f32 to vector<16xf32>
      %mul3A_1152 = arith.mulf %sub3A_993, %mul3A_1151 : vector<16xf32>
      %add3A_1153 = arith.constant -0.000000e+00 : f32
      %add3A_1154 = vector.broadcast %add3A_1153 : f32 to vector<16xf32>
      %add3A_1155 = arith.addf %mul3A_1152, %add3A_1154 : vector<16xf32>
      %exp3A_1156 = math.exp %add3A_1155 : vector<16xf32>
      %add3A_1157 = arith.constant 1.000000e+00 : f32
      %add3A_1158 = vector.broadcast %add3A_1157 : f32 to vector<16xf32>
      %add3A_1159 = arith.addf %exp3A_1156, %add3A_1158 : vector<16xf32>
      %div3A_1160 = arith.constant 4.004000e+00 : f32
      %div3A_1161 = vector.broadcast %div3A_1160 : f32 to vector<16xf32>
      %div3A_1162 = arith.divf %div3A_1161, %add3A_1159 : vector<16xf32>
      %add3A_1163 = arith.constant -2.002000e+00 : f32
      %add3A_1164 = vector.broadcast %add3A_1163 : f32 to vector<16xf32>
      %add3A_1165 = arith.addf %div3A_1162, %add3A_1164 : vector<16xf32>
      %add3A_1166 = arith.constant 0x4B400000 : f32
      %add3A_1167 = vector.broadcast %add3A_1166 : f32 to vector<16xf32>
      %add3A_1168 = arith.addf %add3A_1165, %add3A_1167 : vector<16xf32>
      %sub3A_1169 = arith.constant 0x4B400000 : f32
      %sub3A_1170 = vector.broadcast %sub3A_1169 : f32 to vector<16xf32>
      %sub3A_1171 = arith.subf %add3A_1168, %sub3A_1170 : vector<16xf32>
      %mul3A_1172 = arith.constant 1.280000e+04 : f32
      %mul3A_1173 = vector.broadcast %mul3A_1172 : f32 to vector<16xf32>
      %mul3A_1174 = arith.mulf %sub3A_1171, %mul3A_1173 : vector<16xf32>
      %add3A_1175 = arith.addf %add3A_1145, %mul3A_1174 : vector<16xf32>
      %mul3A_1176 = arith.constant 4.8828125E-4 : f32
      %mul3A_1177 = vector.broadcast %mul3A_1176 : f32 to vector<16xf32>
      %mul3A_1178 = arith.mulf %sub3A_1171, %mul3A_1177 : vector<16xf32>
      %sub3A_1179 = arith.subf %sub3A_993, %mul3A_1178 : vector<16xf32>
      %add3A_1180 = arith.constant 3.203600e+04 : f32
      %add3A_1181 = vector.broadcast %add3A_1180 : f32 to vector<16xf32>
      %add3A_1182 = arith.addf %add3A_1175, %add3A_1181 : vector<16xf32>
      %convert_element_type3A_1183 = arith.fptosi %add3A_1182 : vector<16xf32> to vector<16xi32>
      %swap3A_1184 = arith.constant 5 : i32
      %swap3A_1185 = arith.index_cast %swap3A_1184 : i32 to index
      %swap3A_1186 = arith.index_cast %mul3A_49 : i32 to index
      %swap3A_1187 = tpu.vector_load %arg7[%swap3A_1185, %swap3A_1186] {strides = array<i32>} : memref<8x128xi32, #tpu.memory_space<vmem>>, vector<1x16xi32>,
      %swap3A_1188 = vector.shape_cast %swap3A_1187 : vector<1x16xi32> to vector<16xi32>
      %swap3A_1189 = vector.shape_cast %convert_element_type3A_1183 : vector<16xi32> to vector<1x16xi32>
      tpu.vector_store %arg7[%swap3A_1185, %swap3A_1186], %swap3A_1189 {strides = array<i32>} : memref<8x128xi32, #tpu.memory_space<vmem>>, vector<1x16xi32>,
      %mul3A_1190 = arith.constant -2.352980e+05 : f32
      %mul3A_1191 = vector.broadcast %mul3A_1190 : f32 to vector<16xf32>
      %mul3A_1192 = arith.mulf %sub3A_1029, %mul3A_1191 : vector<16xf32>
      %add3A_1193 = arith.constant -0.287390709 : f32
      %add3A_1194 = vector.broadcast %add3A_1193 : f32 to vector<16xf32>
      %add3A_1195 = arith.addf %mul3A_1192, %add3A_1194 : vector<16xf32>
      %exp3A_1196 = math.exp %add3A_1195 : vector<16xf32>
      %add3A_1197 = arith.constant 1.000000e+00 : f32
      %add3A_1198 = vector.broadcast %add3A_1197 : f32 to vector<16xf32>
      %add3A_1199 = arith.addf %exp3A_1196, %add3A_1198 : vector<16xf32>
      %div3A_1200 = arith.constant 7.00700045 : f32
      %div3A_1201 = vector.broadcast %div3A_1200 : f32 to vector<16xf32>
      %div3A_1202 = arith.divf %div3A_1201, %add3A_1199 : vector<16xf32>
      %add3A_1203 = arith.constant -4.003500e+00 : f32
      %add3A_1204 = vector.broadcast %add3A_1203 : f32 to vector<16xf32>
      %add3A_1205 = arith.addf %div3A_1202, %add3A_1204 : vector<16xf32>
      %add3A_1206 = arith.constant 0x4B400000 : f32
      %add3A_1207 = vector.broadcast %add3A_1206 : f32 to vector<16xf32>
      %add3A_1208 = arith.addf %add3A_1205, %add3A_1207 : vector<16xf32>
      %sub3A_1209 = arith.constant 0x4B400000 : f32
      %sub3A_1210 = vector.broadcast %sub3A_1209 : f32 to vector<16xf32>
      %sub3A_1211 = arith.subf %add3A_1208, %sub3A_1210 : vector<16xf32>
      %mul3A_1212 = arith.constant 2.12496502E-6 : f32
      %mul3A_1213 = vector.broadcast %mul3A_1212 : f32 to vector<16xf32>
      %mul3A_1214 = arith.mulf %sub3A_1211, %mul3A_1213 : vector<16xf32>
      %sub3A_1215 = arith.subf %sub3A_1029, %mul3A_1214 : vector<16xf32>
      %mul3A_1216 = arith.constant -2.352980e+05 : f32
      %mul3A_1217 = vector.broadcast %mul3A_1216 : f32 to vector<16xf32>
      %mul3A_1218 = arith.mulf %sub3A_1059, %mul3A_1217 : vector<16xf32>
      %add3A_1219 = arith.constant -0.287390709 : f32
      %add3A_1220 = vector.broadcast %add3A_1219 : f32 to vector<16xf32>
      %add3A_1221 = arith.addf %mul3A_1218, %add3A_1220 : vector<16xf32>
      %exp3A_1222 = math.exp %add3A_1221 : vector<16xf32>
      %add3A_1223 = arith.constant 1.000000e+00 : f32
      %add3A_1224 = vector.broadcast %add3A_1223 : f32 to vector<16xf32>
      %add3A_1225 = arith.addf %exp3A_1222, %add3A_1224 : vector<16xf32>
      %div3A_1226 = arith.constant 7.00700045 : f32
      %div3A_1227 = vector.broadcast %div3A_1226 : f32 to vector<16xf32>
      %div3A_1228 = arith.divf %div3A_1227, %add3A_1225 : vector<16xf32>
      %add3A_1229 = arith.constant -4.003500e+00 : f32
      %add3A_1230 = vector.broadcast %add3A_1229 : f32 to vector<16xf32>
      %add3A_1231 = arith.addf %div3A_1228, %add3A_1230 : vector<16xf32>
      %add3A_1232 = arith.constant 0x4B400000 : f32
      %add3A_1233 = vector.broadcast %add3A_1232 : f32 to vector<16xf32>
      %add3A_1234 = arith.addf %add3A_1231, %add3A_1233 : vector<16xf32>
      %sub3A_1235 = arith.constant 0x4B400000 : f32
      %sub3A_1236 = vector.broadcast %sub3A_1235 : f32 to vector<16xf32>
      %sub3A_1237 = arith.subf %add3A_1234, %sub3A_1236 : vector<16xf32>
      %mul3A_1238 = arith.constant 8.000000e+00 : f32
      %mul3A_1239 = vector.broadcast %mul3A_1238 : f32 to vector<16xf32>
      %mul3A_1240 = arith.mulf %sub3A_1237, %mul3A_1239 : vector<16xf32>
      %add3A_1241 = arith.addf %sub3A_1211, %mul3A_1240 : vector<16xf32>
      %mul3A_1242 = arith.constant 2.12496502E-6 : f32
      %mul3A_1243 = vector.broadcast %mul3A_1242 : f32 to vector<16xf32>
      %mul3A_1244 = arith.mulf %sub3A_1237, %mul3A_1243 : vector<16xf32>
      %sub3A_1245 = arith.subf %sub3A_1059, %mul3A_1244 : vector<16xf32>
      %mul3A_1246 = arith.constant -2.352980e+05 : f32
      %mul3A_1247 = vector.broadcast %mul3A_1246 : f32 to vector<16xf32>
      %mul3A_1248 = arith.mulf %sub3A_1089, %mul3A_1247 : vector<16xf32>
      %add3A_1249 = arith.constant -0.287390709 : f32
      %add3A_1250 = vector.broadcast %add3A_1249 : f32 to vector<16xf32>
      %add3A_1251 = arith.addf %mul3A_1248, %add3A_1250 : vector<16xf32>
      %exp3A_1252 = math.exp %add3A_1251 : vector<16xf32>
      %add3A_1253 = arith.constant 1.000000e+00 : f32
      %add3A_1254 = vector.broadcast %add3A_1253 : f32 to vector<16xf32>
      %add3A_1255 = arith.addf %exp3A_1252, %add3A_1254 : vector<16xf32>
      %div3A_1256 = arith.constant 7.00700045 : f32
      %div3A_1257 = vector.broadcast %div3A_1256 : f32 to vector<16xf32>
      %div3A_1258 = arith.divf %div3A_1257, %add3A_1255 : vector<16xf32>
      %add3A_1259 = arith.constant -4.003500e+00 : f32
      %add3A_1260 = vector.broadcast %add3A_1259 : f32 to vector<16xf32>
      %add3A_1261 = arith.addf %div3A_1258, %add3A_1260 : vector<16xf32>
      %add3A_1262 = arith.constant 0x4B400000 : f32
      %add3A_1263 = vector.broadcast %add3A_1262 : f32 to vector<16xf32>
      %add3A_1264 = arith.addf %add3A_1261, %add3A_1263 : vector<16xf32>
      %sub3A_1265 = arith.constant 0x4B400000 : f32
      %sub3A_1266 = vector.broadcast %sub3A_1265 : f32 to vector<16xf32>
      %sub3A_1267 = arith.subf %add3A_1264, %sub3A_1266 : vector<16xf32>
      %mul3A_1268 = arith.constant 6.400000e+01 : f32
      %mul3A_1269 = vector.broadcast %mul3A_1268 : f32 to vector<16xf32>
      %mul3A_1270 = arith.mulf %sub3A_1267, %mul3A_1269 : vector<16xf32>
      %add3A_1271 = arith.addf %add3A_1241, %mul3A_1270 : vector<16xf32>
      %mul3A_1272 = arith.constant 2.12496502E-6 : f32
      %mul3A_1273 = vector.broadcast %mul3A_1272 : f32 to vector<16xf32>
      %mul3A_1274 = arith.mulf %sub3A_1267, %mul3A_1273 : vector<16xf32>
      %sub3A_1275 = arith.subf %sub3A_1089, %mul3A_1274 : vector<16xf32>
      %mul3A_1276 = arith.constant -8.192000e+03 : f32
      %mul3A_1277 = vector.broadcast %mul3A_1276 : f32 to vector<16xf32>
      %mul3A_1278 = arith.mulf %sub3A_1119, %mul3A_1277 : vector<16xf32>
      %add3A_1279 = arith.constant -0.000000e+00 : f32
      %add3A_1280 = vector.broadcast %add3A_1279 : f32 to vector<16xf32>
      %add3A_1281 = arith.addf %mul3A_1278, %add3A_1280 : vector<16xf32>
      %exp3A_1282 = math.exp %add3A_1281 : vector<16xf32>
      %add3A_1283 = arith.constant 1.000000e+00 : f32
      %add3A_1284 = vector.broadcast %add3A_1283 : f32 to vector<16xf32>
      %add3A_1285 = arith.addf %exp3A_1282, %add3A_1284 : vector<16xf32>
      %div3A_1286 = arith.constant 4.004000e+00 : f32
      %div3A_1287 = vector.broadcast %div3A_1286 : f32 to vector<16xf32>
      %div3A_1288 = arith.divf %div3A_1287, %add3A_1285 : vector<16xf32>
      %add3A_1289 = arith.constant -2.002000e+00 : f32
      %add3A_1290 = vector.broadcast %add3A_1289 : f32 to vector<16xf32>
      %add3A_1291 = arith.addf %div3A_1288, %add3A_1290 : vector<16xf32>
      %add3A_1292 = arith.constant 0x4B400000 : f32
      %add3A_1293 = vector.broadcast %add3A_1292 : f32 to vector<16xf32>
      %add3A_1294 = arith.addf %add3A_1291, %add3A_1293 : vector<16xf32>
      %sub3A_1295 = arith.constant 0x4B400000 : f32
      %sub3A_1296 = vector.broadcast %sub3A_1295 : f32 to vector<16xf32>
      %sub3A_1297 = arith.subf %add3A_1294, %sub3A_1296 : vector<16xf32>
      %mul3A_1298 = arith.constant 5.120000e+02 : f32
      %mul3A_1299 = vector.broadcast %mul3A_1298 : f32 to vector<16xf32>
      %mul3A_1300 = arith.mulf %sub3A_1297, %mul3A_1299 : vector<16xf32>
      %add3A_1301 = arith.addf %add3A_1271, %mul3A_1300 : vector<16xf32>
      %mul3A_1302 = arith.constant 1.22070313E-4 : f32
      %mul3A_1303 = vector.broadcast %mul3A_1302 : f32 to vector<16xf32>
      %mul3A_1304 = arith.mulf %sub3A_1297, %mul3A_1303 : vector<16xf32>
      %sub3A_1305 = arith.subf %sub3A_1119, %mul3A_1304 : vector<16xf32>
      %mul3A_1306 = arith.constant -8.192000e+03 : f32
      %mul3A_1307 = vector.broadcast %mul3A_1306 : f32 to vector<16xf32>
      %mul3A_1308 = arith.mulf %sub3A_1149, %mul3A_1307 : vector<16xf32>
      %add3A_1309 = arith.constant -0.000000e+00 : f32
      %add3A_1310 = vector.broadcast %add3A_1309 : f32 to vector<16xf32>
      %add3A_1311 = arith.addf %mul3A_1308, %add3A_1310 : vector<16xf32>
      %exp3A_1312 = math.exp %add3A_1311 : vector<16xf32>
      %add3A_1313 = arith.constant 1.000000e+00 : f32
      %add3A_1314 = vector.broadcast %add3A_1313 : f32 to vector<16xf32>
      %add3A_1315 = arith.addf %exp3A_1312, %add3A_1314 : vector<16xf32>
      %div3A_1316 = arith.constant 4.004000e+00 : f32
      %div3A_1317 = vector.broadcast %div3A_1316 : f32 to vector<16xf32>
      %div3A_1318 = arith.divf %div3A_1317, %add3A_1315 : vector<16xf32>
      %add3A_1319 = arith.constant -2.002000e+00 : f32
      %add3A_1320 = vector.broadcast %add3A_1319 : f32 to vector<16xf32>
      %add3A_1321 = arith.addf %div3A_1318, %add3A_1320 : vector<16xf32>
      %add3A_1322 = arith.constant 0x4B400000 : f32
      %add3A_1323 = vector.broadcast %add3A_1322 : f32 to vector<16xf32>
      %add3A_1324 = arith.addf %add3A_1321, %add3A_1323 : vector<16xf32>
      %sub3A_1325 = arith.constant 0x4B400000 : f32
      %sub3A_1326 = vector.broadcast %sub3A_1325 : f32 to vector<16xf32>
      %sub3A_1327 = arith.subf %add3A_1324, %sub3A_1326 : vector<16xf32>
      %mul3A_1328 = arith.constant 2.560000e+03 : f32
      %mul3A_1329 = vector.broadcast %mul3A_1328 : f32 to vector<16xf32>
      %mul3A_1330 = arith.mulf %sub3A_1327, %mul3A_1329 : vector<16xf32>
      %add3A_1331 = arith.addf %add3A_1301, %mul3A_1330 : vector<16xf32>
      %mul3A_1332 = arith.constant 1.22070313E-4 : f32
      %mul3A_1333 = vector.broadcast %mul3A_1332 : f32 to vector<16xf32>
      %mul3A_1334 = arith.mulf %sub3A_1327, %mul3A_1333 : vector<16xf32>
      %sub3A_1335 = arith.subf %sub3A_1149, %mul3A_1334 : vector<16xf32>
      %mul3A_1336 = arith.constant -8.192000e+03 : f32
      %mul3A_1337 = vector.broadcast %mul3A_1336 : f32 to vector<16xf32>
      %mul3A_1338 = arith.mulf %sub3A_1179, %mul3A_1337 : vector<16xf32>
      %add3A_1339 = arith.constant -0.000000e+00 : f32
      %add3A_1340 = vector.broadcast %add3A_1339 : f32 to vector<16xf32>
      %add3A_1341 = arith.addf %mul3A_1338, %add3A_1340 : vector<16xf32>
      %exp3A_1342 = math.exp %add3A_1341 : vector<16xf32>
      %add3A_1343 = arith.constant 1.000000e+00 : f32
      %add3A_1344 = vector.broadcast %add3A_1343 : f32 to vector<16xf32>
      %add3A_1345 = arith.addf %exp3A_1342, %add3A_1344 : vector<16xf32>
      %div3A_1346 = arith.constant 4.004000e+00 : f32
      %div3A_1347 = vector.broadcast %div3A_1346 : f32 to vector<16xf32>
      %div3A_1348 = arith.divf %div3A_1347, %add3A_1345 : vector<16xf32>
      %add3A_1349 = arith.constant -2.002000e+00 : f32
      %add3A_1350 = vector.broadcast %add3A_1349 : f32 to vector<16xf32>
      %add3A_1351 = arith.addf %div3A_1348, %add3A_1350 : vector<16xf32>
      %add3A_1352 = arith.constant 0x4B400000 : f32
      %add3A_1353 = vector.broadcast %add3A_1352 : f32 to vector<16xf32>
      %add3A_1354 = arith.addf %add3A_1351, %add3A_1353 : vector<16xf32>
      %sub3A_1355 = arith.constant 0x4B400000 : f32
      %sub3A_1356 = vector.broadcast %sub3A_1355 : f32 to vector<16xf32>
      %sub3A_1357 = arith.subf %add3A_1354, %sub3A_1356 : vector<16xf32>
      %mul3A_1358 = arith.constant 1.280000e+04 : f32
      %mul3A_1359 = vector.broadcast %mul3A_1358 : f32 to vector<16xf32>
      %mul3A_1360 = arith.mulf %sub3A_1357, %mul3A_1359 : vector<16xf32>
      %add3A_1361 = arith.addf %add3A_1331, %mul3A_1360 : vector<16xf32>
      %mul3A_1362 = arith.constant 1.22070313E-4 : f32
      %mul3A_1363 = vector.broadcast %mul3A_1362 : f32 to vector<16xf32>
      %mul3A_1364 = arith.mulf %sub3A_1357, %mul3A_1363 : vector<16xf32>
      %sub3A_1365 = arith.subf %sub3A_1179, %mul3A_1364 : vector<16xf32>
      %add3A_1366 = arith.constant 3.203600e+04 : f32
      %add3A_1367 = vector.broadcast %add3A_1366 : f32 to vector<16xf32>
      %add3A_1368 = arith.addf %add3A_1361, %add3A_1367 : vector<16xf32>
      %convert_element_type3A_1369 = arith.fptosi %add3A_1368 : vector<16xf32> to vector<16xi32>
      %swap3A_1370 = arith.constant 6 : i32
      %swap3A_1371 = arith.index_cast %swap3A_1370 : i32 to index
      %swap3A_1372 = arith.index_cast %mul3A_49 : i32 to index
      %swap3A_1373 = tpu.vector_load %arg7[%swap3A_1371, %swap3A_1372] {strides = array<i32>} : memref<8x128xi32, #tpu.memory_space<vmem>>, vector<1x16xi32>,
      %swap3A_1374 = vector.shape_cast %swap3A_1373 : vector<1x16xi32> to vector<16xi32>
      %swap3A_1375 = vector.shape_cast %convert_element_type3A_1369 : vector<16xi32> to vector<1x16xi32>
      tpu.vector_store %arg7[%swap3A_1371, %swap3A_1372], %swap3A_1375 {strides = array<i32>} : memref<8x128xi32, #tpu.memory_space<vmem>>, vector<1x16xi32>,
      %mul3A_1376 = arith.constant 0xC9C90F70 : f32
      %mul3A_1377 = vector.broadcast %mul3A_1376 : f32 to vector<16xf32>
      %mul3A_1378 = arith.mulf %sub3A_1215, %mul3A_1377 : vector<16xf32>
      %add3A_1379 = arith.constant -0.287390709 : f32
      %add3A_1380 = vector.broadcast %add3A_1379 : f32 to vector<16xf32>
      %add3A_1381 = arith.addf %mul3A_1378, %add3A_1380 : vector<16xf32>
      %exp3A_1382 = math.exp %add3A_1381 : vector<16xf32>
      %add3A_1383 = arith.constant 1.000000e+00 : f32
      %add3A_1384 = vector.broadcast %add3A_1383 : f32 to vector<16xf32>
      %add3A_1385 = arith.addf %exp3A_1382, %add3A_1384 : vector<16xf32>
      %div3A_1386 = arith.constant 7.00700045 : f32
      %div3A_1387 = vector.broadcast %div3A_1386 : f32 to vector<16xf32>
      %div3A_1388 = arith.divf %div3A_1387, %add3A_1385 : vector<16xf32>
      %add3A_1389 = arith.constant -4.003500e+00 : f32
      %add3A_1390 = vector.broadcast %add3A_1389 : f32 to vector<16xf32>
      %add3A_1391 = arith.addf %div3A_1388, %add3A_1390 : vector<16xf32>
      %add3A_1392 = arith.constant 0x4B400000 : f32
      %add3A_1393 = vector.broadcast %add3A_1392 : f32 to vector<16xf32>
      %add3A_1394 = arith.addf %add3A_1391, %add3A_1393 : vector<16xf32>
      %sub3A_1395 = arith.constant 0x4B400000 : f32
      %sub3A_1396 = vector.broadcast %sub3A_1395 : f32 to vector<16xf32>
      %sub3A_1397 = arith.subf %add3A_1394, %sub3A_1396 : vector<16xf32>
      %mul3A_1398 = arith.constant 3.03566395E-7 : f32
      %mul3A_1399 = vector.broadcast %mul3A_1398 : f32 to vector<16xf32>
      %mul3A_1400 = arith.mulf %sub3A_1397, %mul3A_1399 : vector<16xf32>
      %sub3A_1401 = arith.subf %sub3A_1215, %mul3A_1400 : vector<16xf32>
      %mul3A_1402 = arith.constant 0xC9C90F70 : f32
      %mul3A_1403 = vector.broadcast %mul3A_1402 : f32 to vector<16xf32>
      %mul3A_1404 = arith.mulf %sub3A_1245, %mul3A_1403 : vector<16xf32>
      %add3A_1405 = arith.constant -0.287390709 : f32
      %add3A_1406 = vector.broadcast %add3A_1405 : f32 to vector<16xf32>
      %add3A_1407 = arith.addf %mul3A_1404, %add3A_1406 : vector<16xf32>
      %exp3A_1408 = math.exp %add3A_1407 : vector<16xf32>
      %add3A_1409 = arith.constant 1.000000e+00 : f32
      %add3A_1410 = vector.broadcast %add3A_1409 : f32 to vector<16xf32>
      %add3A_1411 = arith.addf %exp3A_1408, %add3A_1410 : vector<16xf32>
      %div3A_1412 = arith.constant 7.00700045 : f32
      %div3A_1413 = vector.broadcast %div3A_1412 : f32 to vector<16xf32>
      %div3A_1414 = arith.divf %div3A_1413, %add3A_1411 : vector<16xf32>
      %add3A_1415 = arith.constant -4.003500e+00 : f32
      %add3A_1416 = vector.broadcast %add3A_1415 : f32 to vector<16xf32>
      %add3A_1417 = arith.addf %div3A_1414, %add3A_1416 : vector<16xf32>
      %add3A_1418 = arith.constant 0x4B400000 : f32
      %add3A_1419 = vector.broadcast %add3A_1418 : f32 to vector<16xf32>
      %add3A_1420 = arith.addf %add3A_1417, %add3A_1419 : vector<16xf32>
      %sub3A_1421 = arith.constant 0x4B400000 : f32
      %sub3A_1422 = vector.broadcast %sub3A_1421 : f32 to vector<16xf32>
      %sub3A_1423 = arith.subf %add3A_1420, %sub3A_1422 : vector<16xf32>
      %mul3A_1424 = arith.constant 8.000000e+00 : f32
      %mul3A_1425 = vector.broadcast %mul3A_1424 : f32 to vector<16xf32>
      %mul3A_1426 = arith.mulf %sub3A_1423, %mul3A_1425 : vector<16xf32>
      %add3A_1427 = arith.addf %sub3A_1397, %mul3A_1426 : vector<16xf32>
      %mul3A_1428 = arith.constant 3.03566395E-7 : f32
      %mul3A_1429 = vector.broadcast %mul3A_1428 : f32 to vector<16xf32>
      %mul3A_1430 = arith.mulf %sub3A_1423, %mul3A_1429 : vector<16xf32>
      %sub3A_1431 = arith.subf %sub3A_1245, %mul3A_1430 : vector<16xf32>
      %mul3A_1432 = arith.constant 0xC9C90F70 : f32
      %mul3A_1433 = vector.broadcast %mul3A_1432 : f32 to vector<16xf32>
      %mul3A_1434 = arith.mulf %sub3A_1275, %mul3A_1433 : vector<16xf32>
      %add3A_1435 = arith.constant -0.287390709 : f32
      %add3A_1436 = vector.broadcast %add3A_1435 : f32 to vector<16xf32>
      %add3A_1437 = arith.addf %mul3A_1434, %add3A_1436 : vector<16xf32>
      %exp3A_1438 = math.exp %add3A_1437 : vector<16xf32>
      %add3A_1439 = arith.constant 1.000000e+00 : f32
      %add3A_1440 = vector.broadcast %add3A_1439 : f32 to vector<16xf32>
      %add3A_1441 = arith.addf %exp3A_1438, %add3A_1440 : vector<16xf32>
      %div3A_1442 = arith.constant 7.00700045 : f32
      %div3A_1443 = vector.broadcast %div3A_1442 : f32 to vector<16xf32>
      %div3A_1444 = arith.divf %div3A_1443, %add3A_1441 : vector<16xf32>
      %add3A_1445 = arith.constant -4.003500e+00 : f32
      %add3A_1446 = vector.broadcast %add3A_1445 : f32 to vector<16xf32>
      %add3A_1447 = arith.addf %div3A_1444, %add3A_1446 : vector<16xf32>
      %add3A_1448 = arith.constant 0x4B400000 : f32
      %add3A_1449 = vector.broadcast %add3A_1448 : f32 to vector<16xf32>
      %add3A_1450 = arith.addf %add3A_1447, %add3A_1449 : vector<16xf32>
      %sub3A_1451 = arith.constant 0x4B400000 : f32
      %sub3A_1452 = vector.broadcast %sub3A_1451 : f32 to vector<16xf32>
      %sub3A_1453 = arith.subf %add3A_1450, %sub3A_1452 : vector<16xf32>
      %mul3A_1454 = arith.constant 6.400000e+01 : f32
      %mul3A_1455 = vector.broadcast %mul3A_1454 : f32 to vector<16xf32>
      %mul3A_1456 = arith.mulf %sub3A_1453, %mul3A_1455 : vector<16xf32>
      %add3A_1457 = arith.addf %add3A_1427, %mul3A_1456 : vector<16xf32>
      %mul3A_1458 = arith.constant 3.03566395E-7 : f32
      %mul3A_1459 = vector.broadcast %mul3A_1458 : f32 to vector<16xf32>
      %mul3A_1460 = arith.mulf %sub3A_1453, %mul3A_1459 : vector<16xf32>
      %sub3A_1461 = arith.subf %sub3A_1275, %mul3A_1460 : vector<16xf32>
      %mul3A_1462 = arith.constant -3.276800e+04 : f32
      %mul3A_1463 = vector.broadcast %mul3A_1462 : f32 to vector<16xf32>
      %mul3A_1464 = arith.mulf %sub3A_1305, %mul3A_1463 : vector<16xf32>
      %add3A_1465 = arith.constant -0.000000e+00 : f32
      %add3A_1466 = vector.broadcast %add3A_1465 : f32 to vector<16xf32>
      %add3A_1467 = arith.addf %mul3A_1464, %add3A_1466 : vector<16xf32>
      %exp3A_1468 = math.exp %add3A_1467 : vector<16xf32>
      %add3A_1469 = arith.constant 1.000000e+00 : f32
      %add3A_1470 = vector.broadcast %add3A_1469 : f32 to vector<16xf32>
      %add3A_1471 = arith.addf %exp3A_1468, %add3A_1470 : vector<16xf32>
      %div3A_1472 = arith.constant 4.004000e+00 : f32
      %div3A_1473 = vector.broadcast %div3A_1472 : f32 to vector<16xf32>
      %div3A_1474 = arith.divf %div3A_1473, %add3A_1471 : vector<16xf32>
      %add3A_1475 = arith.constant -2.002000e+00 : f32
      %add3A_1476 = vector.broadcast %add3A_1475 : f32 to vector<16xf32>
      %add3A_1477 = arith.addf %div3A_1474, %add3A_1476 : vector<16xf32>
      %add3A_1478 = arith.constant 0x4B400000 : f32
      %add3A_1479 = vector.broadcast %add3A_1478 : f32 to vector<16xf32>
      %add3A_1480 = arith.addf %add3A_1477, %add3A_1479 : vector<16xf32>
      %sub3A_1481 = arith.constant 0x4B400000 : f32
      %sub3A_1482 = vector.broadcast %sub3A_1481 : f32 to vector<16xf32>
      %sub3A_1483 = arith.subf %add3A_1480, %sub3A_1482 : vector<16xf32>
      %mul3A_1484 = arith.constant 5.120000e+02 : f32
      %mul3A_1485 = vector.broadcast %mul3A_1484 : f32 to vector<16xf32>
      %mul3A_1486 = arith.mulf %sub3A_1483, %mul3A_1485 : vector<16xf32>
      %add3A_1487 = arith.addf %add3A_1457, %mul3A_1486 : vector<16xf32>
      %mul3A_1488 = arith.constant 3.05175781E-5 : f32
      %mul3A_1489 = vector.broadcast %mul3A_1488 : f32 to vector<16xf32>
      %mul3A_1490 = arith.mulf %sub3A_1483, %mul3A_1489 : vector<16xf32>
      %sub3A_1491 = arith.subf %sub3A_1305, %mul3A_1490 : vector<16xf32>
      %mul3A_1492 = arith.constant -3.276800e+04 : f32
      %mul3A_1493 = vector.broadcast %mul3A_1492 : f32 to vector<16xf32>
      %mul3A_1494 = arith.mulf %sub3A_1335, %mul3A_1493 : vector<16xf32>
      %add3A_1495 = arith.constant -0.000000e+00 : f32
      %add3A_1496 = vector.broadcast %add3A_1495 : f32 to vector<16xf32>
      %add3A_1497 = arith.addf %mul3A_1494, %add3A_1496 : vector<16xf32>
      %exp3A_1498 = math.exp %add3A_1497 : vector<16xf32>
      %add3A_1499 = arith.constant 1.000000e+00 : f32
      %add3A_1500 = vector.broadcast %add3A_1499 : f32 to vector<16xf32>
      %add3A_1501 = arith.addf %exp3A_1498, %add3A_1500 : vector<16xf32>
      %div3A_1502 = arith.constant 4.004000e+00 : f32
      %div3A_1503 = vector.broadcast %div3A_1502 : f32 to vector<16xf32>
      %div3A_1504 = arith.divf %div3A_1503, %add3A_1501 : vector<16xf32>
      %add3A_1505 = arith.constant -2.002000e+00 : f32
      %add3A_1506 = vector.broadcast %add3A_1505 : f32 to vector<16xf32>
      %add3A_1507 = arith.addf %div3A_1504, %add3A_1506 : vector<16xf32>
      %add3A_1508 = arith.constant 0x4B400000 : f32
      %add3A_1509 = vector.broadcast %add3A_1508 : f32 to vector<16xf32>
      %add3A_1510 = arith.addf %add3A_1507, %add3A_1509 : vector<16xf32>
      %sub3A_1511 = arith.constant 0x4B400000 : f32
      %sub3A_1512 = vector.broadcast %sub3A_1511 : f32 to vector<16xf32>
      %sub3A_1513 = arith.subf %add3A_1510, %sub3A_1512 : vector<16xf32>
      %mul3A_1514 = arith.constant 2.560000e+03 : f32
      %mul3A_1515 = vector.broadcast %mul3A_1514 : f32 to vector<16xf32>
      %mul3A_1516 = arith.mulf %sub3A_1513, %mul3A_1515 : vector<16xf32>
      %add3A_1517 = arith.addf %add3A_1487, %mul3A_1516 : vector<16xf32>
      %mul3A_1518 = arith.constant 3.05175781E-5 : f32
      %mul3A_1519 = vector.broadcast %mul3A_1518 : f32 to vector<16xf32>
      %mul3A_1520 = arith.mulf %sub3A_1513, %mul3A_1519 : vector<16xf32>
      %sub3A_1521 = arith.subf %sub3A_1335, %mul3A_1520 : vector<16xf32>
      %mul3A_1522 = arith.constant -3.276800e+04 : f32
      %mul3A_1523 = vector.broadcast %mul3A_1522 : f32 to vector<16xf32>
      %mul3A_1524 = arith.mulf %sub3A_1365, %mul3A_1523 : vector<16xf32>
      %add3A_1525 = arith.constant -0.000000e+00 : f32
      %add3A_1526 = vector.broadcast %add3A_1525 : f32 to vector<16xf32>
      %add3A_1527 = arith.addf %mul3A_1524, %add3A_1526 : vector<16xf32>
      %exp3A_1528 = math.exp %add3A_1527 : vector<16xf32>
      %add3A_1529 = arith.constant 1.000000e+00 : f32
      %add3A_1530 = vector.broadcast %add3A_1529 : f32 to vector<16xf32>
      %add3A_1531 = arith.addf %exp3A_1528, %add3A_1530 : vector<16xf32>
      %div3A_1532 = arith.constant 4.004000e+00 : f32
      %div3A_1533 = vector.broadcast %div3A_1532 : f32 to vector<16xf32>
      %div3A_1534 = arith.divf %div3A_1533, %add3A_1531 : vector<16xf32>
      %add3A_1535 = arith.constant -2.002000e+00 : f32
      %add3A_1536 = vector.broadcast %add3A_1535 : f32 to vector<16xf32>
      %add3A_1537 = arith.addf %div3A_1534, %add3A_1536 : vector<16xf32>
      %add3A_1538 = arith.constant 0x4B400000 : f32
      %add3A_1539 = vector.broadcast %add3A_1538 : f32 to vector<16xf32>
      %add3A_1540 = arith.addf %add3A_1537, %add3A_1539 : vector<16xf32>
      %sub3A_1541 = arith.constant 0x4B400000 : f32
      %sub3A_1542 = vector.broadcast %sub3A_1541 : f32 to vector<16xf32>
      %sub3A_1543 = arith.subf %add3A_1540, %sub3A_1542 : vector<16xf32>
      %mul3A_1544 = arith.constant 1.280000e+04 : f32
      %mul3A_1545 = vector.broadcast %mul3A_1544 : f32 to vector<16xf32>
      %mul3A_1546 = arith.mulf %sub3A_1543, %mul3A_1545 : vector<16xf32>
      %add3A_1547 = arith.addf %add3A_1517, %mul3A_1546 : vector<16xf32>
      %mul3A_1548 = arith.constant 3.05175781E-5 : f32
      %mul3A_1549 = vector.broadcast %mul3A_1548 : f32 to vector<16xf32>
      %mul3A_1550 = arith.mulf %sub3A_1543, %mul3A_1549 : vector<16xf32>
      %sub3A_1551 = arith.subf %sub3A_1365, %mul3A_1550 : vector<16xf32>
      %add3A_1552 = arith.constant 3.203600e+04 : f32
      %add3A_1553 = vector.broadcast %add3A_1552 : f32 to vector<16xf32>
      %add3A_1554 = arith.addf %add3A_1547, %add3A_1553 : vector<16xf32>
      %convert_element_type3A_1555 = arith.fptosi %add3A_1554 : vector<16xf32> to vector<16xi32>
      %swap3A_1556 = arith.constant 7 : i32
      %swap3A_1557 = arith.index_cast %swap3A_1556 : i32 to index
      %swap3A_1558 = arith.index_cast %mul3A_49 : i32 to index
      %swap3A_1559 = tpu.vector_load %arg7[%swap3A_1557, %swap3A_1558] {strides = array<i32>} : memref<8x128xi32, #tpu.memory_space<vmem>>, vector<1x16xi32>,
      %swap3A_1560 = vector.shape_cast %swap3A_1559 : vector<1x16xi32> to vector<16xi32>
      %swap3A_1561 = vector.shape_cast %convert_element_type3A_1555 : vector<16xi32> to vector<1x16xi32>
      tpu.vector_store %arg7[%swap3A_1557, %swap3A_1558], %swap3A_1561 {strides = array<i32>} : memref<8x128xi32, #tpu.memory_space<vmem>>, vector<1x16xi32>,
      %sub3A_1562 = arith.subf %get3A_53, %sub3A_1401 : vector<16xf32>
      %swap3A_1563 = arith.constant 0 : i32
      %swap3A_1564 = arith.index_cast %swap3A_1563 : i32 to index
      %swap3A_1565 = arith.index_cast %mul3A_49 : i32 to index
      %swap3A_1566 = tpu.vector_load %arg6[%swap3A_1564, %swap3A_1565] {strides = array<i32>} : memref<6x128xf32, #tpu.memory_space<vmem>>, vector<1x16xf32>,
      %swap3A_1567 = vector.shape_cast %swap3A_1566 : vector<1x16xf32> to vector<16xf32>
      %swap3A_1568 = vector.shape_cast %sub3A_1562 : vector<16xf32> to vector<1x16xf32>
      tpu.vector_store %arg6[%swap3A_1564, %swap3A_1565], %swap3A_1568 {strides = array<i32>} : memref<6x128xf32, #tpu.memory_space<vmem>>, vector<1x16xf32>,
      %sub3A_1569 = arith.subf %get3A_58, %sub3A_1431 : vector<16xf32>
      %swap3A_1570 = arith.constant 1 : i32
      %swap3A_1571 = arith.index_cast %swap3A_1570 : i32 to index
      %swap3A_1572 = arith.index_cast %mul3A_49 : i32 to index
      %swap3A_1573 = tpu.vector_load %arg6[%swap3A_1571, %swap3A_1572] {strides = array<i32>} : memref<6x128xf32, #tpu.memory_space<vmem>>, vector<1x16xf32>,
      %swap3A_1574 = vector.shape_cast %swap3A_1573 : vector<1x16xf32> to vector<16xf32>
      %swap3A_1575 = vector.shape_cast %sub3A_1569 : vector<16xf32> to vector<1x16xf32>
      tpu.vector_store %arg6[%swap3A_1571, %swap3A_1572], %swap3A_1575 {strides = array<i32>} : memref<6x128xf32, #tpu.memory_space<vmem>>, vector<1x16xf32>,
      %sub3A_1576 = arith.subf %get3A_63, %sub3A_1461 : vector<16xf32>
      %swap3A_1577 = arith.constant 2 : i32
      %swap3A_1578 = arith.index_cast %swap3A_1577 : i32 to index
      %swap3A_1579 = arith.index_cast %mul3A_49 : i32 to index
      %swap3A_1580 = tpu.vector_load %arg6[%swap3A_1578, %swap3A_1579] {strides = array<i32>} : memref<6x128xf32, #tpu.memory_space<vmem>>, vector<1x16xf32>,
      %swap3A_1581 = vector.shape_cast %swap3A_1580 : vector<1x16xf32> to vector<16xf32>
      %swap3A_1582 = vector.shape_cast %sub3A_1576 : vector<16xf32> to vector<1x16xf32>
      tpu.vector_store %arg6[%swap3A_1578, %swap3A_1579], %swap3A_1582 {strides = array<i32>} : memref<6x128xf32, #tpu.memory_space<vmem>>, vector<1x16xf32>,
      %sub3A_1583 = arith.subf %get3A_68, %sub3A_1491 : vector<16xf32>
      %swap3A_1584 = arith.constant 3 : i32
      %swap3A_1585 = arith.index_cast %swap3A_1584 : i32 to index
      %swap3A_1586 = arith.index_cast %mul3A_49 : i32 to index
      %swap3A_1587 = tpu.vector_load %arg6[%swap3A_1585, %swap3A_1586] {strides = array<i32>} : memref<6x128xf32, #tpu.memory_space<vmem>>, vector<1x16xf32>,
      %swap3A_1588 = vector.shape_cast %swap3A_1587 : vector<1x16xf32> to vector<16xf32>
      %swap3A_1589 = vector.shape_cast %sub3A_1583 : vector<16xf32> to vector<1x16xf32>
      tpu.vector_store %arg6[%swap3A_1585, %swap3A_1586], %swap3A_1589 {strides = array<i32>} : memref<6x128xf32, #tpu.memory_space<vmem>>, vector<1x16xf32>,
      %sub3A_1590 = arith.subf %get3A_73, %sub3A_1521 : vector<16xf32>
      %swap3A_1591 = arith.constant 4 : i32
      %swap3A_1592 = arith.index_cast %swap3A_1591 : i32 to index
      %swap3A_1593 = arith.index_cast %mul3A_49 : i32 to index
      %swap3A_1594 = tpu.vector_load %arg6[%swap3A_1592, %swap3A_1593] {strides = array<i32>} : memref<6x128xf32, #tpu.memory_space<vmem>>, vector<1x16xf32>,
      %swap3A_1595 = vector.shape_cast %swap3A_1594 : vector<1x16xf32> to vector<16xf32>
      %swap3A_1596 = vector.shape_cast %sub3A_1590 : vector<16xf32> to vector<1x16xf32>
      tpu.vector_store %arg6[%swap3A_1592, %swap3A_1593], %swap3A_1596 {strides = array<i32>} : memref<6x128xf32, #tpu.memory_space<vmem>>, vector<1x16xf32>,
      %sub3A_1597 = arith.subf %get3A_78, %sub3A_1551 : vector<16xf32>
      %swap3A_1598 = arith.constant 5 : i32
      %swap3A_1599 = arith.index_cast %swap3A_1598 : i32 to index
      %swap3A_1600 = arith.index_cast %mul3A_49 : i32 to index
      %swap3A_1601 = tpu.vector_load %arg6[%swap3A_1599, %swap3A_1600] {strides = array<i32>} : memref<6x128xf32, #tpu.memory_space<vmem>>, vector<1x16xf32>,
      %swap3A_1602 = vector.shape_cast %swap3A_1601 : vector<1x16xf32> to vector<16xf32>
      %swap3A_1603 = vector.shape_cast %sub3A_1597 : vector<16xf32> to vector<1x16xf32>
      tpu.vector_store %arg6[%swap3A_1599, %swap3A_1600], %swap3A_1603 {strides = array<i32>} : memref<6x128xf32, #tpu.memory_space<vmem>>, vector<1x16xf32>,
      %mul3A_1604 = arith.constant 32 : i32
      %mul3A_1605 = arith.muli %scan3A_47, %mul3A_1604 : i32
      %add3A_1606 = arith.constant 16 : i32
      %add3A_1607 = arith.addi %mul3A_1605, %add3A_1606 : i32
      %get3A_1608 = arith.constant 0 : i32
      %get3A_1609 = arith.index_cast %get3A_1608 : i32 to index
      %get3A_1610 = arith.index_cast %add3A_1607 : i32 to index
      %get3A_1611 = tpu.vector_load %arg5[%get3A_1609, %get3A_1610] {strides = array<i32>} : memref<6x128xf32, #tpu.memory_space<vmem>>, vector<1x16xf32>,
      %get3A_1612 = vector.shape_cast %get3A_1611 : vector<1x16xf32> to vector<16xf32>
      %get3A_1613 = arith.constant 1 : i32
      %get3A_1614 = arith.index_cast %get3A_1613 : i32 to index
      %get3A_1615 = arith.index_cast %add3A_1607 : i32 to index
      %get3A_1616 = tpu.vector_load %arg5[%get3A_1614, %get3A_1615] {strides = array<i32>} : memref<6x128xf32, #tpu.memory_space<vmem>>, vector<1x16xf32>,
      %get3A_1617 = vector.shape_cast %get3A_1616 : vector<1x16xf32> to vector<16xf32>
      %get3A_1618 = arith.constant 2 : i32
      %get3A_1619 = arith.index_cast %get3A_1618 : i32 to index
      %get3A_1620 = arith.index_cast %add3A_1607 : i32 to index
      %get3A_1621 = tpu.vector_load %arg5[%get3A_1619, %get3A_1620] {strides = array<i32>} : memref<6x128xf32, #tpu.memory_space<vmem>>, vector<1x16xf32>,
      %get3A_1622 = vector.shape_cast %get3A_1621 : vector<1x16xf32> to vector<16xf32>
      %get3A_1623 = arith.constant 3 : i32
      %get3A_1624 = arith.index_cast %get3A_1623 : i32 to index
      %get3A_1625 = arith.index_cast %add3A_1607 : i32 to index
      %get3A_1626 = tpu.vector_load %arg5[%get3A_1624, %get3A_1625] {strides = array<i32>} : memref<6x128xf32, #tpu.memory_space<vmem>>, vector<1x16xf32>,
      %get3A_1627 = vector.shape_cast %get3A_1626 : vector<1x16xf32> to vector<16xf32>
      %get3A_1628 = arith.constant 4 : i32
      %get3A_1629 = arith.index_cast %get3A_1628 : i32 to index
      %get3A_1630 = arith.index_cast %add3A_1607 : i32 to index
      %get3A_1631 = tpu.vector_load %arg5[%get3A_1629, %get3A_1630] {strides = array<i32>} : memref<6x128xf32, #tpu.memory_space<vmem>>, vector<1x16xf32>,
      %get3A_1632 = vector.shape_cast %get3A_1631 : vector<1x16xf32> to vector<16xf32>
      %get3A_1633 = arith.constant 5 : i32
      %get3A_1634 = arith.index_cast %get3A_1633 : i32 to index
      %get3A_1635 = arith.index_cast %add3A_1607 : i32 to index
      %get3A_1636 = tpu.vector_load %arg5[%get3A_1634, %get3A_1635] {strides = array<i32>} : memref<6x128xf32, #tpu.memory_space<vmem>>, vector<1x16xf32>,
      %get3A_1637 = vector.shape_cast %get3A_1636 : vector<1x16xf32> to vector<16xf32>
      %mul3A_1638 = arith.constant -2.000000e+00 : f32
      %mul3A_1639 = vector.broadcast %mul3A_1638 : f32 to vector<16xf32>
      %mul3A_1640 = arith.mulf %get3A_1612, %mul3A_1639 : vector<16xf32>
      %add3A_1641 = arith.constant -0.287390709 : f32
      %add3A_1642 = vector.broadcast %add3A_1641 : f32 to vector<16xf32>
      %add3A_1643 = arith.addf %mul3A_1640, %add3A_1642 : vector<16xf32>
      %exp3A_1644 = math.exp %add3A_1643 : vector<16xf32>
      %add3A_1645 = arith.constant 1.000000e+00 : f32
      %add3A_1646 = vector.broadcast %add3A_1645 : f32 to vector<16xf32>
      %add3A_1647 = arith.addf %exp3A_1644, %add3A_1646 : vector<16xf32>
      %div3A_1648 = arith.constant 7.00700045 : f32
      %div3A_1649 = vector.broadcast %div3A_1648 : f32 to vector<16xf32>
      %div3A_1650 = arith.divf %div3A_1649, %add3A_1647 : vector<16xf32>
      %add3A_1651 = arith.constant -4.003500e+00 : f32
      %add3A_1652 = vector.broadcast %add3A_1651 : f32 to vector<16xf32>
      %add3A_1653 = arith.addf %div3A_1650, %add3A_1652 : vector<16xf32>
      %add3A_1654 = arith.constant 0x4B400000 : f32
      %add3A_1655 = vector.broadcast %add3A_1654 : f32 to vector<16xf32>
      %add3A_1656 = arith.addf %add3A_1653, %add3A_1655 : vector<16xf32>
      %sub3A_1657 = arith.constant 0x4B400000 : f32
      %sub3A_1658 = vector.broadcast %sub3A_1657 : f32 to vector<16xf32>
      %sub3A_1659 = arith.subf %add3A_1656, %sub3A_1658 : vector<16xf32>
      %mul3A_1660 = arith.constant 2.500000e-01 : f32
      %mul3A_1661 = vector.broadcast %mul3A_1660 : f32 to vector<16xf32>
      %mul3A_1662 = arith.mulf %sub3A_1659, %mul3A_1661 : vector<16xf32>
      %sub3A_1663 = arith.subf %get3A_1612, %mul3A_1662 : vector<16xf32>
      %mul3A_1664 = arith.constant -2.000000e+00 : f32
      %mul3A_1665 = vector.broadcast %mul3A_1664 : f32 to vector<16xf32>
      %mul3A_1666 = arith.mulf %get3A_1617, %mul3A_1665 : vector<16xf32>
      %add3A_1667 = arith.constant -0.287390709 : f32
      %add3A_1668 = vector.broadcast %add3A_1667 : f32 to vector<16xf32>
      %add3A_1669 = arith.addf %mul3A_1666, %add3A_1668 : vector<16xf32>
      %exp3A_1670 = math.exp %add3A_1669 : vector<16xf32>
      %add3A_1671 = arith.constant 1.000000e+00 : f32
      %add3A_1672 = vector.broadcast %add3A_1671 : f32 to vector<16xf32>
      %add3A_1673 = arith.addf %exp3A_1670, %add3A_1672 : vector<16xf32>
      %div3A_1674 = arith.constant 7.00700045 : f32
      %div3A_1675 = vector.broadcast %div3A_1674 : f32 to vector<16xf32>
      %div3A_1676 = arith.divf %div3A_1675, %add3A_1673 : vector<16xf32>
      %add3A_1677 = arith.constant -4.003500e+00 : f32
      %add3A_1678 = vector.broadcast %add3A_1677 : f32 to vector<16xf32>
      %add3A_1679 = arith.addf %div3A_1676, %add3A_1678 : vector<16xf32>
      %add3A_1680 = arith.constant 0x4B400000 : f32
      %add3A_1681 = vector.broadcast %add3A_1680 : f32 to vector<16xf32>
      %add3A_1682 = arith.addf %add3A_1679, %add3A_1681 : vector<16xf32>
      %sub3A_1683 = arith.constant 0x4B400000 : f32
      %sub3A_1684 = vector.broadcast %sub3A_1683 : f32 to vector<16xf32>
      %sub3A_1685 = arith.subf %add3A_1682, %sub3A_1684 : vector<16xf32>
      %mul3A_1686 = arith.constant 8.000000e+00 : f32
      %mul3A_1687 = vector.broadcast %mul3A_1686 : f32 to vector<16xf32>
      %mul3A_1688 = arith.mulf %sub3A_1685, %mul3A_1687 : vector<16xf32>
      %add3A_1689 = arith.addf %sub3A_1659, %mul3A_1688 : vector<16xf32>
      %mul3A_1690 = arith.constant 2.500000e-01 : f32
      %mul3A_1691 = vector.broadcast %mul3A_1690 : f32 to vector<16xf32>
      %mul3A_1692 = arith.mulf %sub3A_1685, %mul3A_1691 : vector<16xf32>
      %sub3A_1693 = arith.subf %get3A_1617, %mul3A_1692 : vector<16xf32>
      %mul3A_1694 = arith.constant -2.000000e+00 : f32
      %mul3A_1695 = vector.broadcast %mul3A_1694 : f32 to vector<16xf32>
      %mul3A_1696 = arith.mulf %get3A_1622, %mul3A_1695 : vector<16xf32>
      %add3A_1697 = arith.constant -0.287390709 : f32
      %add3A_1698 = vector.broadcast %add3A_1697 : f32 to vector<16xf32>
      %add3A_1699 = arith.addf %mul3A_1696, %add3A_1698 : vector<16xf32>
      %exp3A_1700 = math.exp %add3A_1699 : vector<16xf32>
      %add3A_1701 = arith.constant 1.000000e+00 : f32
      %add3A_1702 = vector.broadcast %add3A_1701 : f32 to vector<16xf32>
      %add3A_1703 = arith.addf %exp3A_1700, %add3A_1702 : vector<16xf32>
      %div3A_1704 = arith.constant 7.00700045 : f32
      %div3A_1705 = vector.broadcast %div3A_1704 : f32 to vector<16xf32>
      %div3A_1706 = arith.divf %div3A_1705, %add3A_1703 : vector<16xf32>
      %add3A_1707 = arith.constant -4.003500e+00 : f32
      %add3A_1708 = vector.broadcast %add3A_1707 : f32 to vector<16xf32>
      %add3A_1709 = arith.addf %div3A_1706, %add3A_1708 : vector<16xf32>
      %add3A_1710 = arith.constant 0x4B400000 : f32
      %add3A_1711 = vector.broadcast %add3A_1710 : f32 to vector<16xf32>
      %add3A_1712 = arith.addf %add3A_1709, %add3A_1711 : vector<16xf32>
      %sub3A_1713 = arith.constant 0x4B400000 : f32
      %sub3A_1714 = vector.broadcast %sub3A_1713 : f32 to vector<16xf32>
      %sub3A_1715 = arith.subf %add3A_1712, %sub3A_1714 : vector<16xf32>
      %mul3A_1716 = arith.constant 6.400000e+01 : f32
      %mul3A_1717 = vector.broadcast %mul3A_1716 : f32 to vector<16xf32>
      %mul3A_1718 = arith.mulf %sub3A_1715, %mul3A_1717 : vector<16xf32>
      %add3A_1719 = arith.addf %add3A_1689, %mul3A_1718 : vector<16xf32>
      %mul3A_1720 = arith.constant 2.500000e-01 : f32
      %mul3A_1721 = vector.broadcast %mul3A_1720 : f32 to vector<16xf32>
      %mul3A_1722 = arith.mulf %sub3A_1715, %mul3A_1721 : vector<16xf32>
      %sub3A_1723 = arith.subf %get3A_1622, %mul3A_1722 : vector<16xf32>
      %mul3A_1724 = arith.constant -2.000000e+00 : f32
      %mul3A_1725 = vector.broadcast %mul3A_1724 : f32 to vector<16xf32>
      %mul3A_1726 = arith.mulf %get3A_1627, %mul3A_1725 : vector<16xf32>
      %add3A_1727 = arith.constant -0.000000e+00 : f32
      %add3A_1728 = vector.broadcast %add3A_1727 : f32 to vector<16xf32>
      %add3A_1729 = arith.addf %mul3A_1726, %add3A_1728 : vector<16xf32>
      %exp3A_1730 = math.exp %add3A_1729 : vector<16xf32>
      %add3A_1731 = arith.constant 1.000000e+00 : f32
      %add3A_1732 = vector.broadcast %add3A_1731 : f32 to vector<16xf32>
      %add3A_1733 = arith.addf %exp3A_1730, %add3A_1732 : vector<16xf32>
      %div3A_1734 = arith.constant 4.004000e+00 : f32
      %div3A_1735 = vector.broadcast %div3A_1734 : f32 to vector<16xf32>
      %div3A_1736 = arith.divf %div3A_1735, %add3A_1733 : vector<16xf32>
      %add3A_1737 = arith.constant -2.002000e+00 : f32
      %add3A_1738 = vector.broadcast %add3A_1737 : f32 to vector<16xf32>
      %add3A_1739 = arith.addf %div3A_1736, %add3A_1738 : vector<16xf32>
      %add3A_1740 = arith.constant 0x4B400000 : f32
      %add3A_1741 = vector.broadcast %add3A_1740 : f32 to vector<16xf32>
      %add3A_1742 = arith.addf %add3A_1739, %add3A_1741 : vector<16xf32>
      %sub3A_1743 = arith.constant 0x4B400000 : f32
      %sub3A_1744 = vector.broadcast %sub3A_1743 : f32 to vector<16xf32>
      %sub3A_1745 = arith.subf %add3A_1742, %sub3A_1744 : vector<16xf32>
      %mul3A_1746 = arith.constant 5.120000e+02 : f32
      %mul3A_1747 = vector.broadcast %mul3A_1746 : f32 to vector<16xf32>
      %mul3A_1748 = arith.mulf %sub3A_1745, %mul3A_1747 : vector<16xf32>
      %add3A_1749 = arith.addf %add3A_1719, %mul3A_1748 : vector<16xf32>
      %mul3A_1750 = arith.constant 5.000000e-01 : f32
      %mul3A_1751 = vector.broadcast %mul3A_1750 : f32 to vector<16xf32>
      %mul3A_1752 = arith.mulf %sub3A_1745, %mul3A_1751 : vector<16xf32>
      %sub3A_1753 = arith.subf %get3A_1627, %mul3A_1752 : vector<16xf32>
      %mul3A_1754 = arith.constant -2.000000e+00 : f32
      %mul3A_1755 = vector.broadcast %mul3A_1754 : f32 to vector<16xf32>
      %mul3A_1756 = arith.mulf %get3A_1632, %mul3A_1755 : vector<16xf32>
      %add3A_1757 = arith.constant -0.000000e+00 : f32
      %add3A_1758 = vector.broadcast %add3A_1757 : f32 to vector<16xf32>
      %add3A_1759 = arith.addf %mul3A_1756, %add3A_1758 : vector<16xf32>
      %exp3A_1760 = math.exp %add3A_1759 : vector<16xf32>
      %add3A_1761 = arith.constant 1.000000e+00 : f32
      %add3A_1762 = vector.broadcast %add3A_1761 : f32 to vector<16xf32>
      %add3A_1763 = arith.addf %exp3A_1760, %add3A_1762 : vector<16xf32>
      %div3A_1764 = arith.constant 4.004000e+00 : f32
      %div3A_1765 = vector.broadcast %div3A_1764 : f32 to vector<16xf32>
      %div3A_1766 = arith.divf %div3A_1765, %add3A_1763 : vector<16xf32>
      %add3A_1767 = arith.constant -2.002000e+00 : f32
      %add3A_1768 = vector.broadcast %add3A_1767 : f32 to vector<16xf32>
      %add3A_1769 = arith.addf %div3A_1766, %add3A_1768 : vector<16xf32>
      %add3A_1770 = arith.constant 0x4B400000 : f32
      %add3A_1771 = vector.broadcast %add3A_1770 : f32 to vector<16xf32>
      %add3A_1772 = arith.addf %add3A_1769, %add3A_1771 : vector<16xf32>
      %sub3A_1773 = arith.constant 0x4B400000 : f32
      %sub3A_1774 = vector.broadcast %sub3A_1773 : f32 to vector<16xf32>
      %sub3A_1775 = arith.subf %add3A_1772, %sub3A_1774 : vector<16xf32>
      %mul3A_1776 = arith.constant 2.560000e+03 : f32
      %mul3A_1777 = vector.broadcast %mul3A_1776 : f32 to vector<16xf32>
      %mul3A_1778 = arith.mulf %sub3A_1775, %mul3A_1777 : vector<16xf32>
      %add3A_1779 = arith.addf %add3A_1749, %mul3A_1778 : vector<16xf32>
      %mul3A_1780 = arith.constant 5.000000e-01 : f32
      %mul3A_1781 = vector.broadcast %mul3A_1780 : f32 to vector<16xf32>
      %mul3A_1782 = arith.mulf %sub3A_1775, %mul3A_1781 : vector<16xf32>
      %sub3A_1783 = arith.subf %get3A_1632, %mul3A_1782 : vector<16xf32>
      %mul3A_1784 = arith.constant -2.000000e+00 : f32
      %mul3A_1785 = vector.broadcast %mul3A_1784 : f32 to vector<16xf32>
      %mul3A_1786 = arith.mulf %get3A_1637, %mul3A_1785 : vector<16xf32>
      %add3A_1787 = arith.constant -0.000000e+00 : f32
      %add3A_1788 = vector.broadcast %add3A_1787 : f32 to vector<16xf32>
      %add3A_1789 = arith.addf %mul3A_1786, %add3A_1788 : vector<16xf32>
      %exp3A_1790 = math.exp %add3A_1789 : vector<16xf32>
      %add3A_1791 = arith.constant 1.000000e+00 : f32
      %add3A_1792 = vector.broadcast %add3A_1791 : f32 to vector<16xf32>
      %add3A_1793 = arith.addf %exp3A_1790, %add3A_1792 : vector<16xf32>
      %div3A_1794 = arith.constant 4.004000e+00 : f32
      %div3A_1795 = vector.broadcast %div3A_1794 : f32 to vector<16xf32>
      %div3A_1796 = arith.divf %div3A_1795, %add3A_1793 : vector<16xf32>
      %add3A_1797 = arith.constant -2.002000e+00 : f32
      %add3A_1798 = vector.broadcast %add3A_1797 : f32 to vector<16xf32>
      %add3A_1799 = arith.addf %div3A_1796, %add3A_1798 : vector<16xf32>
      %add3A_1800 = arith.constant 0x4B400000 : f32
      %add3A_1801 = vector.broadcast %add3A_1800 : f32 to vector<16xf32>
      %add3A_1802 = arith.addf %add3A_1799, %add3A_1801 : vector<16xf32>
      %sub3A_1803 = arith.constant 0x4B400000 : f32
      %sub3A_1804 = vector.broadcast %sub3A_1803 : f32 to vector<16xf32>
      %sub3A_1805 = arith.subf %add3A_1802, %sub3A_1804 : vector<16xf32>
      %mul3A_1806 = arith.constant 1.280000e+04 : f32
      %mul3A_1807 = vector.broadcast %mul3A_1806 : f32 to vector<16xf32>
      %mul3A_1808 = arith.mulf %sub3A_1805, %mul3A_1807 : vector<16xf32>
      %add3A_1809 = arith.addf %add3A_1779, %mul3A_1808 : vector<16xf32>
      %mul3A_1810 = arith.constant 5.000000e-01 : f32
      %mul3A_1811 = vector.broadcast %mul3A_1810 : f32 to vector<16xf32>
      %mul3A_1812 = arith.mulf %sub3A_1805, %mul3A_1811 : vector<16xf32>
      %sub3A_1813 = arith.subf %get3A_1637, %mul3A_1812 : vector<16xf32>
      %add3A_1814 = arith.constant 3.203600e+04 : f32
      %add3A_1815 = vector.broadcast %add3A_1814 : f32 to vector<16xf32>
      %add3A_1816 = arith.addf %add3A_1809, %add3A_1815 : vector<16xf32>
      %convert_element_type3A_1817 = arith.fptosi %add3A_1816 : vector<16xf32> to vector<16xi32>
      %swap3A_1818 = arith.constant 0 : i32
      %swap3A_1819 = arith.index_cast %swap3A_1818 : i32 to index
      %swap3A_1820 = arith.index_cast %add3A_1607 : i32 to index
      %swap3A_1821 = tpu.vector_load %arg7[%swap3A_1819, %swap3A_1820] {strides = array<i32>} : memref<8x128xi32, #tpu.memory_space<vmem>>, vector<1x16xi32>,
      %swap3A_1822 = vector.shape_cast %swap3A_1821 : vector<1x16xi32> to vector<16xi32>
      %swap3A_1823 = vector.shape_cast %convert_element_type3A_1817 : vector<16xi32> to vector<1x16xi32>
      tpu.vector_store %arg7[%swap3A_1819, %swap3A_1820], %swap3A_1823 {strides = array<i32>} : memref<8x128xi32, #tpu.memory_space<vmem>>, vector<1x16xi32>,
      %mul3A_1824 = arith.constant -1.400000e+01 : f32
      %mul3A_1825 = vector.broadcast %mul3A_1824 : f32 to vector<16xf32>
      %mul3A_1826 = arith.mulf %sub3A_1663, %mul3A_1825 : vector<16xf32>
      %add3A_1827 = arith.constant -0.287390709 : f32
      %add3A_1828 = vector.broadcast %add3A_1827 : f32 to vector<16xf32>
      %add3A_1829 = arith.addf %mul3A_1826, %add3A_1828 : vector<16xf32>
      %exp3A_1830 = math.exp %add3A_1829 : vector<16xf32>
      %add3A_1831 = arith.constant 1.000000e+00 : f32
      %add3A_1832 = vector.broadcast %add3A_1831 : f32 to vector<16xf32>
      %add3A_1833 = arith.addf %exp3A_1830, %add3A_1832 : vector<16xf32>
      %div3A_1834 = arith.constant 7.00700045 : f32
      %div3A_1835 = vector.broadcast %div3A_1834 : f32 to vector<16xf32>
      %div3A_1836 = arith.divf %div3A_1835, %add3A_1833 : vector<16xf32>
      %add3A_1837 = arith.constant -4.003500e+00 : f32
      %add3A_1838 = vector.broadcast %add3A_1837 : f32 to vector<16xf32>
      %add3A_1839 = arith.addf %div3A_1836, %add3A_1838 : vector<16xf32>
      %add3A_1840 = arith.constant 0x4B400000 : f32
      %add3A_1841 = vector.broadcast %add3A_1840 : f32 to vector<16xf32>
      %add3A_1842 = arith.addf %add3A_1839, %add3A_1841 : vector<16xf32>
      %sub3A_1843 = arith.constant 0x4B400000 : f32
      %sub3A_1844 = vector.broadcast %sub3A_1843 : f32 to vector<16xf32>
      %sub3A_1845 = arith.subf %add3A_1842, %sub3A_1844 : vector<16xf32>
      %mul3A_1846 = arith.constant 0.0357142873 : f32
      %mul3A_1847 = vector.broadcast %mul3A_1846 : f32 to vector<16xf32>
      %mul3A_1848 = arith.mulf %sub3A_1845, %mul3A_1847 : vector<16xf32>
      %sub3A_1849 = arith.subf %sub3A_1663, %mul3A_1848 : vector<16xf32>
      %mul3A_1850 = arith.constant -1.400000e+01 : f32
      %mul3A_1851 = vector.broadcast %mul3A_1850 : f32 to vector<16xf32>
      %mul3A_1852 = arith.mulf %sub3A_1693, %mul3A_1851 : vector<16xf32>
      %add3A_1853 = arith.constant -0.287390709 : f32
      %add3A_1854 = vector.broadcast %add3A_1853 : f32 to vector<16xf32>
      %add3A_1855 = arith.addf %mul3A_1852, %add3A_1854 : vector<16xf32>
      %exp3A_1856 = math.exp %add3A_1855 : vector<16xf32>
      %add3A_1857 = arith.constant 1.000000e+00 : f32
      %add3A_1858 = vector.broadcast %add3A_1857 : f32 to vector<16xf32>
      %add3A_1859 = arith.addf %exp3A_1856, %add3A_1858 : vector<16xf32>
      %div3A_1860 = arith.constant 7.00700045 : f32
      %div3A_1861 = vector.broadcast %div3A_1860 : f32 to vector<16xf32>
      %div3A_1862 = arith.divf %div3A_1861, %add3A_1859 : vector<16xf32>
      %add3A_1863 = arith.constant -4.003500e+00 : f32
      %add3A_1864 = vector.broadcast %add3A_1863 : f32 to vector<16xf32>
      %add3A_1865 = arith.addf %div3A_1862, %add3A_1864 : vector<16xf32>
      %add3A_1866 = arith.constant 0x4B400000 : f32
      %add3A_1867 = vector.broadcast %add3A_1866 : f32 to vector<16xf32>
      %add3A_1868 = arith.addf %add3A_1865, %add3A_1867 : vector<16xf32>
      %sub3A_1869 = arith.constant 0x4B400000 : f32
      %sub3A_1870 = vector.broadcast %sub3A_1869 : f32 to vector<16xf32>
      %sub3A_1871 = arith.subf %add3A_1868, %sub3A_1870 : vector<16xf32>
      %mul3A_1872 = arith.constant 8.000000e+00 : f32
      %mul3A_1873 = vector.broadcast %mul3A_1872 : f32 to vector<16xf32>
      %mul3A_1874 = arith.mulf %sub3A_1871, %mul3A_1873 : vector<16xf32>
      %add3A_1875 = arith.addf %sub3A_1845, %mul3A_1874 : vector<16xf32>
      %mul3A_1876 = arith.constant 0.0357142873 : f32
      %mul3A_1877 = vector.broadcast %mul3A_1876 : f32 to vector<16xf32>
      %mul3A_1878 = arith.mulf %sub3A_1871, %mul3A_1877 : vector<16xf32>
      %sub3A_1879 = arith.subf %sub3A_1693, %mul3A_1878 : vector<16xf32>
      %mul3A_1880 = arith.constant -1.400000e+01 : f32
      %mul3A_1881 = vector.broadcast %mul3A_1880 : f32 to vector<16xf32>
      %mul3A_1882 = arith.mulf %sub3A_1723, %mul3A_1881 : vector<16xf32>
      %add3A_1883 = arith.constant -0.287390709 : f32
      %add3A_1884 = vector.broadcast %add3A_1883 : f32 to vector<16xf32>
      %add3A_1885 = arith.addf %mul3A_1882, %add3A_1884 : vector<16xf32>
      %exp3A_1886 = math.exp %add3A_1885 : vector<16xf32>
      %add3A_1887 = arith.constant 1.000000e+00 : f32
      %add3A_1888 = vector.broadcast %add3A_1887 : f32 to vector<16xf32>
      %add3A_1889 = arith.addf %exp3A_1886, %add3A_1888 : vector<16xf32>
      %div3A_1890 = arith.constant 7.00700045 : f32
      %div3A_1891 = vector.broadcast %div3A_1890 : f32 to vector<16xf32>
      %div3A_1892 = arith.divf %div3A_1891, %add3A_1889 : vector<16xf32>
      %add3A_1893 = arith.constant -4.003500e+00 : f32
      %add3A_1894 = vector.broadcast %add3A_1893 : f32 to vector<16xf32>
      %add3A_1895 = arith.addf %div3A_1892, %add3A_1894 : vector<16xf32>
      %add3A_1896 = arith.constant 0x4B400000 : f32
      %add3A_1897 = vector.broadcast %add3A_1896 : f32 to vector<16xf32>
      %add3A_1898 = arith.addf %add3A_1895, %add3A_1897 : vector<16xf32>
      %sub3A_1899 = arith.constant 0x4B400000 : f32
      %sub3A_1900 = vector.broadcast %sub3A_1899 : f32 to vector<16xf32>
      %sub3A_1901 = arith.subf %add3A_1898, %sub3A_1900 : vector<16xf32>
      %mul3A_1902 = arith.constant 6.400000e+01 : f32
      %mul3A_1903 = vector.broadcast %mul3A_1902 : f32 to vector<16xf32>
      %mul3A_1904 = arith.mulf %sub3A_1901, %mul3A_1903 : vector<16xf32>
      %add3A_1905 = arith.addf %add3A_1875, %mul3A_1904 : vector<16xf32>
      %mul3A_1906 = arith.constant 0.0357142873 : f32
      %mul3A_1907 = vector.broadcast %mul3A_1906 : f32 to vector<16xf32>
      %mul3A_1908 = arith.mulf %sub3A_1901, %mul3A_1907 : vector<16xf32>
      %sub3A_1909 = arith.subf %sub3A_1723, %mul3A_1908 : vector<16xf32>
      %mul3A_1910 = arith.constant -8.000000e+00 : f32
      %mul3A_1911 = vector.broadcast %mul3A_1910 : f32 to vector<16xf32>
      %mul3A_1912 = arith.mulf %sub3A_1753, %mul3A_1911 : vector<16xf32>
      %add3A_1913 = arith.constant -0.000000e+00 : f32
      %add3A_1914 = vector.broadcast %add3A_1913 : f32 to vector<16xf32>
      %add3A_1915 = arith.addf %mul3A_1912, %add3A_1914 : vector<16xf32>
      %exp3A_1916 = math.exp %add3A_1915 : vector<16xf32>
      %add3A_1917 = arith.constant 1.000000e+00 : f32
      %add3A_1918 = vector.broadcast %add3A_1917 : f32 to vector<16xf32>
      %add3A_1919 = arith.addf %exp3A_1916, %add3A_1918 : vector<16xf32>
      %div3A_1920 = arith.constant 4.004000e+00 : f32
      %div3A_1921 = vector.broadcast %div3A_1920 : f32 to vector<16xf32>
      %div3A_1922 = arith.divf %div3A_1921, %add3A_1919 : vector<16xf32>
      %add3A_1923 = arith.constant -2.002000e+00 : f32
      %add3A_1924 = vector.broadcast %add3A_1923 : f32 to vector<16xf32>
      %add3A_1925 = arith.addf %div3A_1922, %add3A_1924 : vector<16xf32>
      %add3A_1926 = arith.constant 0x4B400000 : f32
      %add3A_1927 = vector.broadcast %add3A_1926 : f32 to vector<16xf32>
      %add3A_1928 = arith.addf %add3A_1925, %add3A_1927 : vector<16xf32>
      %sub3A_1929 = arith.constant 0x4B400000 : f32
      %sub3A_1930 = vector.broadcast %sub3A_1929 : f32 to vector<16xf32>
      %sub3A_1931 = arith.subf %add3A_1928, %sub3A_1930 : vector<16xf32>
      %mul3A_1932 = arith.constant 5.120000e+02 : f32
      %mul3A_1933 = vector.broadcast %mul3A_1932 : f32 to vector<16xf32>
      %mul3A_1934 = arith.mulf %sub3A_1931, %mul3A_1933 : vector<16xf32>
      %add3A_1935 = arith.addf %add3A_1905, %mul3A_1934 : vector<16xf32>
      %mul3A_1936 = arith.constant 1.250000e-01 : f32
      %mul3A_1937 = vector.broadcast %mul3A_1936 : f32 to vector<16xf32>
      %mul3A_1938 = arith.mulf %sub3A_1931, %mul3A_1937 : vector<16xf32>
      %sub3A_1939 = arith.subf %sub3A_1753, %mul3A_1938 : vector<16xf32>
      %mul3A_1940 = arith.constant -8.000000e+00 : f32
      %mul3A_1941 = vector.broadcast %mul3A_1940 : f32 to vector<16xf32>
      %mul3A_1942 = arith.mulf %sub3A_1783, %mul3A_1941 : vector<16xf32>
      %add3A_1943 = arith.constant -0.000000e+00 : f32
      %add3A_1944 = vector.broadcast %add3A_1943 : f32 to vector<16xf32>
      %add3A_1945 = arith.addf %mul3A_1942, %add3A_1944 : vector<16xf32>
      %exp3A_1946 = math.exp %add3A_1945 : vector<16xf32>
      %add3A_1947 = arith.constant 1.000000e+00 : f32
      %add3A_1948 = vector.broadcast %add3A_1947 : f32 to vector<16xf32>
      %add3A_1949 = arith.addf %exp3A_1946, %add3A_1948 : vector<16xf32>
      %div3A_1950 = arith.constant 4.004000e+00 : f32
      %div3A_1951 = vector.broadcast %div3A_1950 : f32 to vector<16xf32>
      %div3A_1952 = arith.divf %div3A_1951, %add3A_1949 : vector<16xf32>
      %add3A_1953 = arith.constant -2.002000e+00 : f32
      %add3A_1954 = vector.broadcast %add3A_1953 : f32 to vector<16xf32>
      %add3A_1955 = arith.addf %div3A_1952, %add3A_1954 : vector<16xf32>
      %add3A_1956 = arith.constant 0x4B400000 : f32
      %add3A_1957 = vector.broadcast %add3A_1956 : f32 to vector<16xf32>
      %add3A_1958 = arith.addf %add3A_1955, %add3A_1957 : vector<16xf32>
      %sub3A_1959 = arith.constant 0x4B400000 : f32
      %sub3A_1960 = vector.broadcast %sub3A_1959 : f32 to vector<16xf32>
      %sub3A_1961 = arith.subf %add3A_1958, %sub3A_1960 : vector<16xf32>
      %mul3A_1962 = arith.constant 2.560000e+03 : f32
      %mul3A_1963 = vector.broadcast %mul3A_1962 : f32 to vector<16xf32>
      %mul3A_1964 = arith.mulf %sub3A_1961, %mul3A_1963 : vector<16xf32>
      %add3A_1965 = arith.addf %add3A_1935, %mul3A_1964 : vector<16xf32>
      %mul3A_1966 = arith.constant 1.250000e-01 : f32
      %mul3A_1967 = vector.broadcast %mul3A_1966 : f32 to vector<16xf32>
      %mul3A_1968 = arith.mulf %sub3A_1961, %mul3A_1967 : vector<16xf32>
      %sub3A_1969 = arith.subf %sub3A_1783, %mul3A_1968 : vector<16xf32>
      %mul3A_1970 = arith.constant -8.000000e+00 : f32
      %mul3A_1971 = vector.broadcast %mul3A_1970 : f32 to vector<16xf32>
      %mul3A_1972 = arith.mulf %sub3A_1813, %mul3A_1971 : vector<16xf32>
      %add3A_1973 = arith.constant -0.000000e+00 : f32
      %add3A_1974 = vector.broadcast %add3A_1973 : f32 to vector<16xf32>
      %add3A_1975 = arith.addf %mul3A_1972, %add3A_1974 : vector<16xf32>
      %exp3A_1976 = math.exp %add3A_1975 : vector<16xf32>
      %add3A_1977 = arith.constant 1.000000e+00 : f32
      %add3A_1978 = vector.broadcast %add3A_1977 : f32 to vector<16xf32>
      %add3A_1979 = arith.addf %exp3A_1976, %add3A_1978 : vector<16xf32>
      %div3A_1980 = arith.constant 4.004000e+00 : f32
      %div3A_1981 = vector.broadcast %div3A_1980 : f32 to vector<16xf32>
      %div3A_1982 = arith.divf %div3A_1981, %add3A_1979 : vector<16xf32>
      %add3A_1983 = arith.constant -2.002000e+00 : f32
      %add3A_1984 = vector.broadcast %add3A_1983 : f32 to vector<16xf32>
      %add3A_1985 = arith.addf %div3A_1982, %add3A_1984 : vector<16xf32>
      %add3A_1986 = arith.constant 0x4B400000 : f32
      %add3A_1987 = vector.broadcast %add3A_1986 : f32 to vector<16xf32>
      %add3A_1988 = arith.addf %add3A_1985, %add3A_1987 : vector<16xf32>
      %sub3A_1989 = arith.constant 0x4B400000 : f32
      %sub3A_1990 = vector.broadcast %sub3A_1989 : f32 to vector<16xf32>
      %sub3A_1991 = arith.subf %add3A_1988, %sub3A_1990 : vector<16xf32>
      %mul3A_1992 = arith.constant 1.280000e+04 : f32
      %mul3A_1993 = vector.broadcast %mul3A_1992 : f32 to vector<16xf32>
      %mul3A_1994 = arith.mulf %sub3A_1991, %mul3A_1993 : vector<16xf32>
      %add3A_1995 = arith.addf %add3A_1965, %mul3A_1994 : vector<16xf32>
      %mul3A_1996 = arith.constant 1.250000e-01 : f32
      %mul3A_1997 = vector.broadcast %mul3A_1996 : f32 to vector<16xf32>
      %mul3A_1998 = arith.mulf %sub3A_1991, %mul3A_1997 : vector<16xf32>
      %sub3A_1999 = arith.subf %sub3A_1813, %mul3A_1998 : vector<16xf32>
      %add3A_2000 = arith.constant 3.203600e+04 : f32
      %add3A_2001 = vector.broadcast %add3A_2000 : f32 to vector<16xf32>
      %add3A_2002 = arith.addf %add3A_1995, %add3A_2001 : vector<16xf32>
      %convert_element_type3A_2003 = arith.fptosi %add3A_2002 : vector<16xf32> to vector<16xi32>
      %swap3A_2004 = arith.constant 1 : i32
      %swap3A_2005 = arith.index_cast %swap3A_2004 : i32 to index
      %swap3A_2006 = arith.index_cast %add3A_1607 : i32 to index
      %swap3A_2007 = tpu.vector_load %arg7[%swap3A_2005, %swap3A_2006] {strides = array<i32>} : memref<8x128xi32, #tpu.memory_space<vmem>>, vector<1x16xi32>,
      %swap3A_2008 = vector.shape_cast %swap3A_2007 : vector<1x16xi32> to vector<16xi32>
      %swap3A_2009 = vector.shape_cast %convert_element_type3A_2003 : vector<16xi32> to vector<1x16xi32>
      tpu.vector_store %arg7[%swap3A_2005, %swap3A_2006], %swap3A_2009 {strides = array<i32>} : memref<8x128xi32, #tpu.memory_space<vmem>>, vector<1x16xi32>,
      %mul3A_2010 = arith.constant -9.800000e+01 : f32
      %mul3A_2011 = vector.broadcast %mul3A_2010 : f32 to vector<16xf32>
      %mul3A_2012 = arith.mulf %sub3A_1849, %mul3A_2011 : vector<16xf32>
      %add3A_2013 = arith.constant -0.287390709 : f32
      %add3A_2014 = vector.broadcast %add3A_2013 : f32 to vector<16xf32>
      %add3A_2015 = arith.addf %mul3A_2012, %add3A_2014 : vector<16xf32>
      %exp3A_2016 = math.exp %add3A_2015 : vector<16xf32>
      %add3A_2017 = arith.constant 1.000000e+00 : f32
      %add3A_2018 = vector.broadcast %add3A_2017 : f32 to vector<16xf32>
      %add3A_2019 = arith.addf %exp3A_2016, %add3A_2018 : vector<16xf32>
      %div3A_2020 = arith.constant 7.00700045 : f32
      %div3A_2021 = vector.broadcast %div3A_2020 : f32 to vector<16xf32>
      %div3A_2022 = arith.divf %div3A_2021, %add3A_2019 : vector<16xf32>
      %add3A_2023 = arith.constant -4.003500e+00 : f32
      %add3A_2024 = vector.broadcast %add3A_2023 : f32 to vector<16xf32>
      %add3A_2025 = arith.addf %div3A_2022, %add3A_2024 : vector<16xf32>
      %add3A_2026 = arith.constant 0x4B400000 : f32
      %add3A_2027 = vector.broadcast %add3A_2026 : f32 to vector<16xf32>
      %add3A_2028 = arith.addf %add3A_2025, %add3A_2027 : vector<16xf32>
      %sub3A_2029 = arith.constant 0x4B400000 : f32
      %sub3A_2030 = vector.broadcast %sub3A_2029 : f32 to vector<16xf32>
      %sub3A_2031 = arith.subf %add3A_2028, %sub3A_2030 : vector<16xf32>
      %mul3A_2032 = arith.constant 0.00510204118 : f32
      %mul3A_2033 = vector.broadcast %mul3A_2032 : f32 to vector<16xf32>
      %mul3A_2034 = arith.mulf %sub3A_2031, %mul3A_2033 : vector<16xf32>
      %sub3A_2035 = arith.subf %sub3A_1849, %mul3A_2034 : vector<16xf32>
      %mul3A_2036 = arith.constant -9.800000e+01 : f32
      %mul3A_2037 = vector.broadcast %mul3A_2036 : f32 to vector<16xf32>
      %mul3A_2038 = arith.mulf %sub3A_1879, %mul3A_2037 : vector<16xf32>
      %add3A_2039 = arith.constant -0.287390709 : f32
      %add3A_2040 = vector.broadcast %add3A_2039 : f32 to vector<16xf32>
      %add3A_2041 = arith.addf %mul3A_2038, %add3A_2040 : vector<16xf32>
      %exp3A_2042 = math.exp %add3A_2041 : vector<16xf32>
      %add3A_2043 = arith.constant 1.000000e+00 : f32
      %add3A_2044 = vector.broadcast %add3A_2043 : f32 to vector<16xf32>
      %add3A_2045 = arith.addf %exp3A_2042, %add3A_2044 : vector<16xf32>
      %div3A_2046 = arith.constant 7.00700045 : f32
      %div3A_2047 = vector.broadcast %div3A_2046 : f32 to vector<16xf32>
      %div3A_2048 = arith.divf %div3A_2047, %add3A_2045 : vector<16xf32>
      %add3A_2049 = arith.constant -4.003500e+00 : f32
      %add3A_2050 = vector.broadcast %add3A_2049 : f32 to vector<16xf32>
      %add3A_2051 = arith.addf %div3A_2048, %add3A_2050 : vector<16xf32>
      %add3A_2052 = arith.constant 0x4B400000 : f32
      %add3A_2053 = vector.broadcast %add3A_2052 : f32 to vector<16xf32>
      %add3A_2054 = arith.addf %add3A_2051, %add3A_2053 : vector<16xf32>
      %sub3A_2055 = arith.constant 0x4B400000 : f32
      %sub3A_2056 = vector.broadcast %sub3A_2055 : f32 to vector<16xf32>
      %sub3A_2057 = arith.subf %add3A_2054, %sub3A_2056 : vector<16xf32>
      %mul3A_2058 = arith.constant 8.000000e+00 : f32
      %mul3A_2059 = vector.broadcast %mul3A_2058 : f32 to vector<16xf32>
      %mul3A_2060 = arith.mulf %sub3A_2057, %mul3A_2059 : vector<16xf32>
      %add3A_2061 = arith.addf %sub3A_2031, %mul3A_2060 : vector<16xf32>
      %mul3A_2062 = arith.constant 0.00510204118 : f32
      %mul3A_2063 = vector.broadcast %mul3A_2062 : f32 to vector<16xf32>
      %mul3A_2064 = arith.mulf %sub3A_2057, %mul3A_2063 : vector<16xf32>
      %sub3A_2065 = arith.subf %sub3A_1879, %mul3A_2064 : vector<16xf32>
      %mul3A_2066 = arith.constant -9.800000e+01 : f32
      %mul3A_2067 = vector.broadcast %mul3A_2066 : f32 to vector<16xf32>
      %mul3A_2068 = arith.mulf %sub3A_1909, %mul3A_2067 : vector<16xf32>
      %add3A_2069 = arith.constant -0.287390709 : f32
      %add3A_2070 = vector.broadcast %add3A_2069 : f32 to vector<16xf32>
      %add3A_2071 = arith.addf %mul3A_2068, %add3A_2070 : vector<16xf32>
      %exp3A_2072 = math.exp %add3A_2071 : vector<16xf32>
      %add3A_2073 = arith.constant 1.000000e+00 : f32
      %add3A_2074 = vector.broadcast %add3A_2073 : f32 to vector<16xf32>
      %add3A_2075 = arith.addf %exp3A_2072, %add3A_2074 : vector<16xf32>
      %div3A_2076 = arith.constant 7.00700045 : f32
      %div3A_2077 = vector.broadcast %div3A_2076 : f32 to vector<16xf32>
      %div3A_2078 = arith.divf %div3A_2077, %add3A_2075 : vector<16xf32>
      %add3A_2079 = arith.constant -4.003500e+00 : f32
      %add3A_2080 = vector.broadcast %add3A_2079 : f32 to vector<16xf32>
      %add3A_2081 = arith.addf %div3A_2078, %add3A_2080 : vector<16xf32>
      %add3A_2082 = arith.constant 0x4B400000 : f32
      %add3A_2083 = vector.broadcast %add3A_2082 : f32 to vector<16xf32>
      %add3A_2084 = arith.addf %add3A_2081, %add3A_2083 : vector<16xf32>
      %sub3A_2085 = arith.constant 0x4B400000 : f32
      %sub3A_2086 = vector.broadcast %sub3A_2085 : f32 to vector<16xf32>
      %sub3A_2087 = arith.subf %add3A_2084, %sub3A_2086 : vector<16xf32>
      %mul3A_2088 = arith.constant 6.400000e+01 : f32
      %mul3A_2089 = vector.broadcast %mul3A_2088 : f32 to vector<16xf32>
      %mul3A_2090 = arith.mulf %sub3A_2087, %mul3A_2089 : vector<16xf32>
      %add3A_2091 = arith.addf %add3A_2061, %mul3A_2090 : vector<16xf32>
      %mul3A_2092 = arith.constant 0.00510204118 : f32
      %mul3A_2093 = vector.broadcast %mul3A_2092 : f32 to vector<16xf32>
      %mul3A_2094 = arith.mulf %sub3A_2087, %mul3A_2093 : vector<16xf32>
      %sub3A_2095 = arith.subf %sub3A_1909, %mul3A_2094 : vector<16xf32>
      %mul3A_2096 = arith.constant -3.200000e+01 : f32
      %mul3A_2097 = vector.broadcast %mul3A_2096 : f32 to vector<16xf32>
      %mul3A_2098 = arith.mulf %sub3A_1939, %mul3A_2097 : vector<16xf32>
      %add3A_2099 = arith.constant -0.000000e+00 : f32
      %add3A_2100 = vector.broadcast %add3A_2099 : f32 to vector<16xf32>
      %add3A_2101 = arith.addf %mul3A_2098, %add3A_2100 : vector<16xf32>
      %exp3A_2102 = math.exp %add3A_2101 : vector<16xf32>
      %add3A_2103 = arith.constant 1.000000e+00 : f32
      %add3A_2104 = vector.broadcast %add3A_2103 : f32 to vector<16xf32>
      %add3A_2105 = arith.addf %exp3A_2102, %add3A_2104 : vector<16xf32>
      %div3A_2106 = arith.constant 4.004000e+00 : f32
      %div3A_2107 = vector.broadcast %div3A_2106 : f32 to vector<16xf32>
      %div3A_2108 = arith.divf %div3A_2107, %add3A_2105 : vector<16xf32>
      %add3A_2109 = arith.constant -2.002000e+00 : f32
      %add3A_2110 = vector.broadcast %add3A_2109 : f32 to vector<16xf32>
      %add3A_2111 = arith.addf %div3A_2108, %add3A_2110 : vector<16xf32>
      %add3A_2112 = arith.constant 0x4B400000 : f32
      %add3A_2113 = vector.broadcast %add3A_2112 : f32 to vector<16xf32>
      %add3A_2114 = arith.addf %add3A_2111, %add3A_2113 : vector<16xf32>
      %sub3A_2115 = arith.constant 0x4B400000 : f32
      %sub3A_2116 = vector.broadcast %sub3A_2115 : f32 to vector<16xf32>
      %sub3A_2117 = arith.subf %add3A_2114, %sub3A_2116 : vector<16xf32>
      %mul3A_2118 = arith.constant 5.120000e+02 : f32
      %mul3A_2119 = vector.broadcast %mul3A_2118 : f32 to vector<16xf32>
      %mul3A_2120 = arith.mulf %sub3A_2117, %mul3A_2119 : vector<16xf32>
      %add3A_2121 = arith.addf %add3A_2091, %mul3A_2120 : vector<16xf32>
      %mul3A_2122 = arith.constant 3.125000e-02 : f32
      %mul3A_2123 = vector.broadcast %mul3A_2122 : f32 to vector<16xf32>
      %mul3A_2124 = arith.mulf %sub3A_2117, %mul3A_2123 : vector<16xf32>
      %sub3A_2125 = arith.subf %sub3A_1939, %mul3A_2124 : vector<16xf32>
      %mul3A_2126 = arith.constant -3.200000e+01 : f32
      %mul3A_2127 = vector.broadcast %mul3A_2126 : f32 to vector<16xf32>
      %mul3A_2128 = arith.mulf %sub3A_1969, %mul3A_2127 : vector<16xf32>
      %add3A_2129 = arith.constant -0.000000e+00 : f32
      %add3A_2130 = vector.broadcast %add3A_2129 : f32 to vector<16xf32>
      %add3A_2131 = arith.addf %mul3A_2128, %add3A_2130 : vector<16xf32>
      %exp3A_2132 = math.exp %add3A_2131 : vector<16xf32>
      %add3A_2133 = arith.constant 1.000000e+00 : f32
      %add3A_2134 = vector.broadcast %add3A_2133 : f32 to vector<16xf32>
      %add3A_2135 = arith.addf %exp3A_2132, %add3A_2134 : vector<16xf32>
      %div3A_2136 = arith.constant 4.004000e+00 : f32
      %div3A_2137 = vector.broadcast %div3A_2136 : f32 to vector<16xf32>
      %div3A_2138 = arith.divf %div3A_2137, %add3A_2135 : vector<16xf32>
      %add3A_2139 = arith.constant -2.002000e+00 : f32
      %add3A_2140 = vector.broadcast %add3A_2139 : f32 to vector<16xf32>
      %add3A_2141 = arith.addf %div3A_2138, %add3A_2140 : vector<16xf32>
      %add3A_2142 = arith.constant 0x4B400000 : f32
      %add3A_2143 = vector.broadcast %add3A_2142 : f32 to vector<16xf32>
      %add3A_2144 = arith.addf %add3A_2141, %add3A_2143 : vector<16xf32>
      %sub3A_2145 = arith.constant 0x4B400000 : f32
      %sub3A_2146 = vector.broadcast %sub3A_2145 : f32 to vector<16xf32>
      %sub3A_2147 = arith.subf %add3A_2144, %sub3A_2146 : vector<16xf32>
      %mul3A_2148 = arith.constant 2.560000e+03 : f32
      %mul3A_2149 = vector.broadcast %mul3A_2148 : f32 to vector<16xf32>
      %mul3A_2150 = arith.mulf %sub3A_2147, %mul3A_2149 : vector<16xf32>
      %add3A_2151 = arith.addf %add3A_2121, %mul3A_2150 : vector<16xf32>
      %mul3A_2152 = arith.constant 3.125000e-02 : f32
      %mul3A_2153 = vector.broadcast %mul3A_2152 : f32 to vector<16xf32>
      %mul3A_2154 = arith.mulf %sub3A_2147, %mul3A_2153 : vector<16xf32>
      %sub3A_2155 = arith.subf %sub3A_1969, %mul3A_2154 : vector<16xf32>
      %mul3A_2156 = arith.constant -3.200000e+01 : f32
      %mul3A_2157 = vector.broadcast %mul3A_2156 : f32 to vector<16xf32>
      %mul3A_2158 = arith.mulf %sub3A_1999, %mul3A_2157 : vector<16xf32>
      %add3A_2159 = arith.constant -0.000000e+00 : f32
      %add3A_2160 = vector.broadcast %add3A_2159 : f32 to vector<16xf32>
      %add3A_2161 = arith.addf %mul3A_2158, %add3A_2160 : vector<16xf32>
      %exp3A_2162 = math.exp %add3A_2161 : vector<16xf32>
      %add3A_2163 = arith.constant 1.000000e+00 : f32
      %add3A_2164 = vector.broadcast %add3A_2163 : f32 to vector<16xf32>
      %add3A_2165 = arith.addf %exp3A_2162, %add3A_2164 : vector<16xf32>
      %div3A_2166 = arith.constant 4.004000e+00 : f32
      %div3A_2167 = vector.broadcast %div3A_2166 : f32 to vector<16xf32>
      %div3A_2168 = arith.divf %div3A_2167, %add3A_2165 : vector<16xf32>
      %add3A_2169 = arith.constant -2.002000e+00 : f32
      %add3A_2170 = vector.broadcast %add3A_2169 : f32 to vector<16xf32>
      %add3A_2171 = arith.addf %div3A_2168, %add3A_2170 : vector<16xf32>
      %add3A_2172 = arith.constant 0x4B400000 : f32
      %add3A_2173 = vector.broadcast %add3A_2172 : f32 to vector<16xf32>
      %add3A_2174 = arith.addf %add3A_2171, %add3A_2173 : vector<16xf32>
      %sub3A_2175 = arith.constant 0x4B400000 : f32
      %sub3A_2176 = vector.broadcast %sub3A_2175 : f32 to vector<16xf32>
      %sub3A_2177 = arith.subf %add3A_2174, %sub3A_2176 : vector<16xf32>
      %mul3A_2178 = arith.constant 1.280000e+04 : f32
      %mul3A_2179 = vector.broadcast %mul3A_2178 : f32 to vector<16xf32>
      %mul3A_2180 = arith.mulf %sub3A_2177, %mul3A_2179 : vector<16xf32>
      %add3A_2181 = arith.addf %add3A_2151, %mul3A_2180 : vector<16xf32>
      %mul3A_2182 = arith.constant 3.125000e-02 : f32
      %mul3A_2183 = vector.broadcast %mul3A_2182 : f32 to vector<16xf32>
      %mul3A_2184 = arith.mulf %sub3A_2177, %mul3A_2183 : vector<16xf32>
      %sub3A_2185 = arith.subf %sub3A_1999, %mul3A_2184 : vector<16xf32>
      %add3A_2186 = arith.constant 3.203600e+04 : f32
      %add3A_2187 = vector.broadcast %add3A_2186 : f32 to vector<16xf32>
      %add3A_2188 = arith.addf %add3A_2181, %add3A_2187 : vector<16xf32>
      %convert_element_type3A_2189 = arith.fptosi %add3A_2188 : vector<16xf32> to vector<16xi32>
      %swap3A_2190 = arith.constant 2 : i32
      %swap3A_2191 = arith.index_cast %swap3A_2190 : i32 to index
      %swap3A_2192 = arith.index_cast %add3A_1607 : i32 to index
      %swap3A_2193 = tpu.vector_load %arg7[%swap3A_2191, %swap3A_2192] {strides = array<i32>} : memref<8x128xi32, #tpu.memory_space<vmem>>, vector<1x16xi32>,
      %swap3A_2194 = vector.shape_cast %swap3A_2193 : vector<1x16xi32> to vector<16xi32>
      %swap3A_2195 = vector.shape_cast %convert_element_type3A_2189 : vector<16xi32> to vector<1x16xi32>
      tpu.vector_store %arg7[%swap3A_2191, %swap3A_2192], %swap3A_2195 {strides = array<i32>} : memref<8x128xi32, #tpu.memory_space<vmem>>, vector<1x16xi32>,
      %mul3A_2196 = arith.constant -6.860000e+02 : f32
      %mul3A_2197 = vector.broadcast %mul3A_2196 : f32 to vector<16xf32>
      %mul3A_2198 = arith.mulf %sub3A_2035, %mul3A_2197 : vector<16xf32>
      %add3A_2199 = arith.constant -0.287390709 : f32
      %add3A_2200 = vector.broadcast %add3A_2199 : f32 to vector<16xf32>
      %add3A_2201 = arith.addf %mul3A_2198, %add3A_2200 : vector<16xf32>
      %exp3A_2202 = math.exp %add3A_2201 : vector<16xf32>
      %add3A_2203 = arith.constant 1.000000e+00 : f32
      %add3A_2204 = vector.broadcast %add3A_2203 : f32 to vector<16xf32>
      %add3A_2205 = arith.addf %exp3A_2202, %add3A_2204 : vector<16xf32>
      %div3A_2206 = arith.constant 7.00700045 : f32
      %div3A_2207 = vector.broadcast %div3A_2206 : f32 to vector<16xf32>
      %div3A_2208 = arith.divf %div3A_2207, %add3A_2205 : vector<16xf32>
      %add3A_2209 = arith.constant -4.003500e+00 : f32
      %add3A_2210 = vector.broadcast %add3A_2209 : f32 to vector<16xf32>
      %add3A_2211 = arith.addf %div3A_2208, %add3A_2210 : vector<16xf32>
      %add3A_2212 = arith.constant 0x4B400000 : f32
      %add3A_2213 = vector.broadcast %add3A_2212 : f32 to vector<16xf32>
      %add3A_2214 = arith.addf %add3A_2211, %add3A_2213 : vector<16xf32>
      %sub3A_2215 = arith.constant 0x4B400000 : f32
      %sub3A_2216 = vector.broadcast %sub3A_2215 : f32 to vector<16xf32>
      %sub3A_2217 = arith.subf %add3A_2214, %sub3A_2216 : vector<16xf32>
      %mul3A_2218 = arith.constant 7.288630e-04 : f32
      %mul3A_2219 = vector.broadcast %mul3A_2218 : f32 to vector<16xf32>
      %mul3A_2220 = arith.mulf %sub3A_2217, %mul3A_2219 : vector<16xf32>
      %sub3A_2221 = arith.subf %sub3A_2035, %mul3A_2220 : vector<16xf32>
      %mul3A_2222 = arith.constant -6.860000e+02 : f32
      %mul3A_2223 = vector.broadcast %mul3A_2222 : f32 to vector<16xf32>
      %mul3A_2224 = arith.mulf %sub3A_2065, %mul3A_2223 : vector<16xf32>
      %add3A_2225 = arith.constant -0.287390709 : f32
      %add3A_2226 = vector.broadcast %add3A_2225 : f32 to vector<16xf32>
      %add3A_2227 = arith.addf %mul3A_2224, %add3A_2226 : vector<16xf32>
      %exp3A_2228 = math.exp %add3A_2227 : vector<16xf32>
      %add3A_2229 = arith.constant 1.000000e+00 : f32
      %add3A_2230 = vector.broadcast %add3A_2229 : f32 to vector<16xf32>
      %add3A_2231 = arith.addf %exp3A_2228, %add3A_2230 : vector<16xf32>
      %div3A_2232 = arith.constant 7.00700045 : f32
      %div3A_2233 = vector.broadcast %div3A_2232 : f32 to vector<16xf32>
      %div3A_2234 = arith.divf %div3A_2233, %add3A_2231 : vector<16xf32>
      %add3A_2235 = arith.constant -4.003500e+00 : f32
      %add3A_2236 = vector.broadcast %add3A_2235 : f32 to vector<16xf32>
      %add3A_2237 = arith.addf %div3A_2234, %add3A_2236 : vector<16xf32>
      %add3A_2238 = arith.constant 0x4B400000 : f32
      %add3A_2239 = vector.broadcast %add3A_2238 : f32 to vector<16xf32>
      %add3A_2240 = arith.addf %add3A_2237, %add3A_2239 : vector<16xf32>
      %sub3A_2241 = arith.constant 0x4B400000 : f32
      %sub3A_2242 = vector.broadcast %sub3A_2241 : f32 to vector<16xf32>
      %sub3A_2243 = arith.subf %add3A_2240, %sub3A_2242 : vector<16xf32>
      %mul3A_2244 = arith.constant 8.000000e+00 : f32
      %mul3A_2245 = vector.broadcast %mul3A_2244 : f32 to vector<16xf32>
      %mul3A_2246 = arith.mulf %sub3A_2243, %mul3A_2245 : vector<16xf32>
      %add3A_2247 = arith.addf %sub3A_2217, %mul3A_2246 : vector<16xf32>
      %mul3A_2248 = arith.constant 7.288630e-04 : f32
      %mul3A_2249 = vector.broadcast %mul3A_2248 : f32 to vector<16xf32>
      %mul3A_2250 = arith.mulf %sub3A_2243, %mul3A_2249 : vector<16xf32>
      %sub3A_2251 = arith.subf %sub3A_2065, %mul3A_2250 : vector<16xf32>
      %mul3A_2252 = arith.constant -6.860000e+02 : f32
      %mul3A_2253 = vector.broadcast %mul3A_2252 : f32 to vector<16xf32>
      %mul3A_2254 = arith.mulf %sub3A_2095, %mul3A_2253 : vector<16xf32>
      %add3A_2255 = arith.constant -0.287390709 : f32
      %add3A_2256 = vector.broadcast %add3A_2255 : f32 to vector<16xf32>
      %add3A_2257 = arith.addf %mul3A_2254, %add3A_2256 : vector<16xf32>
      %exp3A_2258 = math.exp %add3A_2257 : vector<16xf32>
      %add3A_2259 = arith.constant 1.000000e+00 : f32
      %add3A_2260 = vector.broadcast %add3A_2259 : f32 to vector<16xf32>
      %add3A_2261 = arith.addf %exp3A_2258, %add3A_2260 : vector<16xf32>
      %div3A_2262 = arith.constant 7.00700045 : f32
      %div3A_2263 = vector.broadcast %div3A_2262 : f32 to vector<16xf32>
      %div3A_2264 = arith.divf %div3A_2263, %add3A_2261 : vector<16xf32>
      %add3A_2265 = arith.constant -4.003500e+00 : f32
      %add3A_2266 = vector.broadcast %add3A_2265 : f32 to vector<16xf32>
      %add3A_2267 = arith.addf %div3A_2264, %add3A_2266 : vector<16xf32>
      %add3A_2268 = arith.constant 0x4B400000 : f32
      %add3A_2269 = vector.broadcast %add3A_2268 : f32 to vector<16xf32>
      %add3A_2270 = arith.addf %add3A_2267, %add3A_2269 : vector<16xf32>
      %sub3A_2271 = arith.constant 0x4B400000 : f32
      %sub3A_2272 = vector.broadcast %sub3A_2271 : f32 to vector<16xf32>
      %sub3A_2273 = arith.subf %add3A_2270, %sub3A_2272 : vector<16xf32>
      %mul3A_2274 = arith.constant 6.400000e+01 : f32
      %mul3A_2275 = vector.broadcast %mul3A_2274 : f32 to vector<16xf32>
      %mul3A_2276 = arith.mulf %sub3A_2273, %mul3A_2275 : vector<16xf32>
      %add3A_2277 = arith.addf %add3A_2247, %mul3A_2276 : vector<16xf32>
      %mul3A_2278 = arith.constant 7.288630e-04 : f32
      %mul3A_2279 = vector.broadcast %mul3A_2278 : f32 to vector<16xf32>
      %mul3A_2280 = arith.mulf %sub3A_2273, %mul3A_2279 : vector<16xf32>
      %sub3A_2281 = arith.subf %sub3A_2095, %mul3A_2280 : vector<16xf32>
      %mul3A_2282 = arith.constant -1.280000e+02 : f32
      %mul3A_2283 = vector.broadcast %mul3A_2282 : f32 to vector<16xf32>
      %mul3A_2284 = arith.mulf %sub3A_2125, %mul3A_2283 : vector<16xf32>
      %add3A_2285 = arith.constant -0.000000e+00 : f32
      %add3A_2286 = vector.broadcast %add3A_2285 : f32 to vector<16xf32>
      %add3A_2287 = arith.addf %mul3A_2284, %add3A_2286 : vector<16xf32>
      %exp3A_2288 = math.exp %add3A_2287 : vector<16xf32>
      %add3A_2289 = arith.constant 1.000000e+00 : f32
      %add3A_2290 = vector.broadcast %add3A_2289 : f32 to vector<16xf32>
      %add3A_2291 = arith.addf %exp3A_2288, %add3A_2290 : vector<16xf32>
      %div3A_2292 = arith.constant 4.004000e+00 : f32
      %div3A_2293 = vector.broadcast %div3A_2292 : f32 to vector<16xf32>
      %div3A_2294 = arith.divf %div3A_2293, %add3A_2291 : vector<16xf32>
      %add3A_2295 = arith.constant -2.002000e+00 : f32
      %add3A_2296 = vector.broadcast %add3A_2295 : f32 to vector<16xf32>
      %add3A_2297 = arith.addf %div3A_2294, %add3A_2296 : vector<16xf32>
      %add3A_2298 = arith.constant 0x4B400000 : f32
      %add3A_2299 = vector.broadcast %add3A_2298 : f32 to vector<16xf32>
      %add3A_2300 = arith.addf %add3A_2297, %add3A_2299 : vector<16xf32>
      %sub3A_2301 = arith.constant 0x4B400000 : f32
      %sub3A_2302 = vector.broadcast %sub3A_2301 : f32 to vector<16xf32>
      %sub3A_2303 = arith.subf %add3A_2300, %sub3A_2302 : vector<16xf32>
      %mul3A_2304 = arith.constant 5.120000e+02 : f32
      %mul3A_2305 = vector.broadcast %mul3A_2304 : f32 to vector<16xf32>
      %mul3A_2306 = arith.mulf %sub3A_2303, %mul3A_2305 : vector<16xf32>
      %add3A_2307 = arith.addf %add3A_2277, %mul3A_2306 : vector<16xf32>
      %mul3A_2308 = arith.constant 7.812500e-03 : f32
      %mul3A_2309 = vector.broadcast %mul3A_2308 : f32 to vector<16xf32>
      %mul3A_2310 = arith.mulf %sub3A_2303, %mul3A_2309 : vector<16xf32>
      %sub3A_2311 = arith.subf %sub3A_2125, %mul3A_2310 : vector<16xf32>
      %mul3A_2312 = arith.constant -1.280000e+02 : f32
      %mul3A_2313 = vector.broadcast %mul3A_2312 : f32 to vector<16xf32>
      %mul3A_2314 = arith.mulf %sub3A_2155, %mul3A_2313 : vector<16xf32>
      %add3A_2315 = arith.constant -0.000000e+00 : f32
      %add3A_2316 = vector.broadcast %add3A_2315 : f32 to vector<16xf32>
      %add3A_2317 = arith.addf %mul3A_2314, %add3A_2316 : vector<16xf32>
      %exp3A_2318 = math.exp %add3A_2317 : vector<16xf32>
      %add3A_2319 = arith.constant 1.000000e+00 : f32
      %add3A_2320 = vector.broadcast %add3A_2319 : f32 to vector<16xf32>
      %add3A_2321 = arith.addf %exp3A_2318, %add3A_2320 : vector<16xf32>
      %div3A_2322 = arith.constant 4.004000e+00 : f32
      %div3A_2323 = vector.broadcast %div3A_2322 : f32 to vector<16xf32>
      %div3A_2324 = arith.divf %div3A_2323, %add3A_2321 : vector<16xf32>
      %add3A_2325 = arith.constant -2.002000e+00 : f32
      %add3A_2326 = vector.broadcast %add3A_2325 : f32 to vector<16xf32>
      %add3A_2327 = arith.addf %div3A_2324, %add3A_2326 : vector<16xf32>
      %add3A_2328 = arith.constant 0x4B400000 : f32
      %add3A_2329 = vector.broadcast %add3A_2328 : f32 to vector<16xf32>
      %add3A_2330 = arith.addf %add3A_2327, %add3A_2329 : vector<16xf32>
      %sub3A_2331 = arith.constant 0x4B400000 : f32
      %sub3A_2332 = vector.broadcast %sub3A_2331 : f32 to vector<16xf32>
      %sub3A_2333 = arith.subf %add3A_2330, %sub3A_2332 : vector<16xf32>
      %mul3A_2334 = arith.constant 2.560000e+03 : f32
      %mul3A_2335 = vector.broadcast %mul3A_2334 : f32 to vector<16xf32>
      %mul3A_2336 = arith.mulf %sub3A_2333, %mul3A_2335 : vector<16xf32>
      %add3A_2337 = arith.addf %add3A_2307, %mul3A_2336 : vector<16xf32>
      %mul3A_2338 = arith.constant 7.812500e-03 : f32
      %mul3A_2339 = vector.broadcast %mul3A_2338 : f32 to vector<16xf32>
      %mul3A_2340 = arith.mulf %sub3A_2333, %mul3A_2339 : vector<16xf32>
      %sub3A_2341 = arith.subf %sub3A_2155, %mul3A_2340 : vector<16xf32>
      %mul3A_2342 = arith.constant -1.280000e+02 : f32
      %mul3A_2343 = vector.broadcast %mul3A_2342 : f32 to vector<16xf32>
      %mul3A_2344 = arith.mulf %sub3A_2185, %mul3A_2343 : vector<16xf32>
      %add3A_2345 = arith.constant -0.000000e+00 : f32
      %add3A_2346 = vector.broadcast %add3A_2345 : f32 to vector<16xf32>
      %add3A_2347 = arith.addf %mul3A_2344, %add3A_2346 : vector<16xf32>
      %exp3A_2348 = math.exp %add3A_2347 : vector<16xf32>
      %add3A_2349 = arith.constant 1.000000e+00 : f32
      %add3A_2350 = vector.broadcast %add3A_2349 : f32 to vector<16xf32>
      %add3A_2351 = arith.addf %exp3A_2348, %add3A_2350 : vector<16xf32>
      %div3A_2352 = arith.constant 4.004000e+00 : f32
      %div3A_2353 = vector.broadcast %div3A_2352 : f32 to vector<16xf32>
      %div3A_2354 = arith.divf %div3A_2353, %add3A_2351 : vector<16xf32>
      %add3A_2355 = arith.constant -2.002000e+00 : f32
      %add3A_2356 = vector.broadcast %add3A_2355 : f32 to vector<16xf32>
      %add3A_2357 = arith.addf %div3A_2354, %add3A_2356 : vector<16xf32>
      %add3A_2358 = arith.constant 0x4B400000 : f32
      %add3A_2359 = vector.broadcast %add3A_2358 : f32 to vector<16xf32>
      %add3A_2360 = arith.addf %add3A_2357, %add3A_2359 : vector<16xf32>
      %sub3A_2361 = arith.constant 0x4B400000 : f32
      %sub3A_2362 = vector.broadcast %sub3A_2361 : f32 to vector<16xf32>
      %sub3A_2363 = arith.subf %add3A_2360, %sub3A_2362 : vector<16xf32>
      %mul3A_2364 = arith.constant 1.280000e+04 : f32
      %mul3A_2365 = vector.broadcast %mul3A_2364 : f32 to vector<16xf32>
      %mul3A_2366 = arith.mulf %sub3A_2363, %mul3A_2365 : vector<16xf32>
      %add3A_2367 = arith.addf %add3A_2337, %mul3A_2366 : vector<16xf32>
      %mul3A_2368 = arith.constant 7.812500e-03 : f32
      %mul3A_2369 = vector.broadcast %mul3A_2368 : f32 to vector<16xf32>
      %mul3A_2370 = arith.mulf %sub3A_2363, %mul3A_2369 : vector<16xf32>
      %sub3A_2371 = arith.subf %sub3A_2185, %mul3A_2370 : vector<16xf32>
      %add3A_2372 = arith.constant 3.203600e+04 : f32
      %add3A_2373 = vector.broadcast %add3A_2372 : f32 to vector<16xf32>
      %add3A_2374 = arith.addf %add3A_2367, %add3A_2373 : vector<16xf32>
      %convert_element_type3A_2375 = arith.fptosi %add3A_2374 : vector<16xf32> to vector<16xi32>
      %swap3A_2376 = arith.constant 3 : i32
      %swap3A_2377 = arith.index_cast %swap3A_2376 : i32 to index
      %swap3A_2378 = arith.index_cast %add3A_1607 : i32 to index
      %swap3A_2379 = tpu.vector_load %arg7[%swap3A_2377, %swap3A_2378] {strides = array<i32>} : memref<8x128xi32, #tpu.memory_space<vmem>>, vector<1x16xi32>,
      %swap3A_2380 = vector.shape_cast %swap3A_2379 : vector<1x16xi32> to vector<16xi32>
      %swap3A_2381 = vector.shape_cast %convert_element_type3A_2375 : vector<16xi32> to vector<1x16xi32>
      tpu.vector_store %arg7[%swap3A_2377, %swap3A_2378], %swap3A_2381 {strides = array<i32>} : memref<8x128xi32, #tpu.memory_space<vmem>>, vector<1x16xi32>,
      %mul3A_2382 = arith.constant -4.802000e+03 : f32
      %mul3A_2383 = vector.broadcast %mul3A_2382 : f32 to vector<16xf32>
      %mul3A_2384 = arith.mulf %sub3A_2221, %mul3A_2383 : vector<16xf32>
      %add3A_2385 = arith.constant -0.287390709 : f32
      %add3A_2386 = vector.broadcast %add3A_2385 : f32 to vector<16xf32>
      %add3A_2387 = arith.addf %mul3A_2384, %add3A_2386 : vector<16xf32>
      %exp3A_2388 = math.exp %add3A_2387 : vector<16xf32>
      %add3A_2389 = arith.constant 1.000000e+00 : f32
      %add3A_2390 = vector.broadcast %add3A_2389 : f32 to vector<16xf32>
      %add3A_2391 = arith.addf %exp3A_2388, %add3A_2390 : vector<16xf32>
      %div3A_2392 = arith.constant 7.00700045 : f32
      %div3A_2393 = vector.broadcast %div3A_2392 : f32 to vector<16xf32>
      %div3A_2394 = arith.divf %div3A_2393, %add3A_2391 : vector<16xf32>
      %add3A_2395 = arith.constant -4.003500e+00 : f32
      %add3A_2396 = vector.broadcast %add3A_2395 : f32 to vector<16xf32>
      %add3A_2397 = arith.addf %div3A_2394, %add3A_2396 : vector<16xf32>
      %add3A_2398 = arith.constant 0x4B400000 : f32
      %add3A_2399 = vector.broadcast %add3A_2398 : f32 to vector<16xf32>
      %add3A_2400 = arith.addf %add3A_2397, %add3A_2399 : vector<16xf32>
      %sub3A_2401 = arith.constant 0x4B400000 : f32
      %sub3A_2402 = vector.broadcast %sub3A_2401 : f32 to vector<16xf32>
      %sub3A_2403 = arith.subf %add3A_2400, %sub3A_2402 : vector<16xf32>
      %mul3A_2404 = arith.constant 1.04123283E-4 : f32
      %mul3A_2405 = vector.broadcast %mul3A_2404 : f32 to vector<16xf32>
      %mul3A_2406 = arith.mulf %sub3A_2403, %mul3A_2405 : vector<16xf32>
      %sub3A_2407 = arith.subf %sub3A_2221, %mul3A_2406 : vector<16xf32>
      %mul3A_2408 = arith.constant -4.802000e+03 : f32
      %mul3A_2409 = vector.broadcast %mul3A_2408 : f32 to vector<16xf32>
      %mul3A_2410 = arith.mulf %sub3A_2251, %mul3A_2409 : vector<16xf32>
      %add3A_2411 = arith.constant -0.287390709 : f32
      %add3A_2412 = vector.broadcast %add3A_2411 : f32 to vector<16xf32>
      %add3A_2413 = arith.addf %mul3A_2410, %add3A_2412 : vector<16xf32>
      %exp3A_2414 = math.exp %add3A_2413 : vector<16xf32>
      %add3A_2415 = arith.constant 1.000000e+00 : f32
      %add3A_2416 = vector.broadcast %add3A_2415 : f32 to vector<16xf32>
      %add3A_2417 = arith.addf %exp3A_2414, %add3A_2416 : vector<16xf32>
      %div3A_2418 = arith.constant 7.00700045 : f32
      %div3A_2419 = vector.broadcast %div3A_2418 : f32 to vector<16xf32>
      %div3A_2420 = arith.divf %div3A_2419, %add3A_2417 : vector<16xf32>
      %add3A_2421 = arith.constant -4.003500e+00 : f32
      %add3A_2422 = vector.broadcast %add3A_2421 : f32 to vector<16xf32>
      %add3A_2423 = arith.addf %div3A_2420, %add3A_2422 : vector<16xf32>
      %add3A_2424 = arith.constant 0x4B400000 : f32
      %add3A_2425 = vector.broadcast %add3A_2424 : f32 to vector<16xf32>
      %add3A_2426 = arith.addf %add3A_2423, %add3A_2425 : vector<16xf32>
      %sub3A_2427 = arith.constant 0x4B400000 : f32
      %sub3A_2428 = vector.broadcast %sub3A_2427 : f32 to vector<16xf32>
      %sub3A_2429 = arith.subf %add3A_2426, %sub3A_2428 : vector<16xf32>
      %mul3A_2430 = arith.constant 8.000000e+00 : f32
      %mul3A_2431 = vector.broadcast %mul3A_2430 : f32 to vector<16xf32>
      %mul3A_2432 = arith.mulf %sub3A_2429, %mul3A_2431 : vector<16xf32>
      %add3A_2433 = arith.addf %sub3A_2403, %mul3A_2432 : vector<16xf32>
      %mul3A_2434 = arith.constant 1.04123283E-4 : f32
      %mul3A_2435 = vector.broadcast %mul3A_2434 : f32 to vector<16xf32>
      %mul3A_2436 = arith.mulf %sub3A_2429, %mul3A_2435 : vector<16xf32>
      %sub3A_2437 = arith.subf %sub3A_2251, %mul3A_2436 : vector<16xf32>
      %mul3A_2438 = arith.constant -4.802000e+03 : f32
      %mul3A_2439 = vector.broadcast %mul3A_2438 : f32 to vector<16xf32>
      %mul3A_2440 = arith.mulf %sub3A_2281, %mul3A_2439 : vector<16xf32>
      %add3A_2441 = arith.constant -0.287390709 : f32
      %add3A_2442 = vector.broadcast %add3A_2441 : f32 to vector<16xf32>
      %add3A_2443 = arith.addf %mul3A_2440, %add3A_2442 : vector<16xf32>
      %exp3A_2444 = math.exp %add3A_2443 : vector<16xf32>
      %add3A_2445 = arith.constant 1.000000e+00 : f32
      %add3A_2446 = vector.broadcast %add3A_2445 : f32 to vector<16xf32>
      %add3A_2447 = arith.addf %exp3A_2444, %add3A_2446 : vector<16xf32>
      %div3A_2448 = arith.constant 7.00700045 : f32
      %div3A_2449 = vector.broadcast %div3A_2448 : f32 to vector<16xf32>
      %div3A_2450 = arith.divf %div3A_2449, %add3A_2447 : vector<16xf32>
      %add3A_2451 = arith.constant -4.003500e+00 : f32
      %add3A_2452 = vector.broadcast %add3A_2451 : f32 to vector<16xf32>
      %add3A_2453 = arith.addf %div3A_2450, %add3A_2452 : vector<16xf32>
      %add3A_2454 = arith.constant 0x4B400000 : f32
      %add3A_2455 = vector.broadcast %add3A_2454 : f32 to vector<16xf32>
      %add3A_2456 = arith.addf %add3A_2453, %add3A_2455 : vector<16xf32>
      %sub3A_2457 = arith.constant 0x4B400000 : f32
      %sub3A_2458 = vector.broadcast %sub3A_2457 : f32 to vector<16xf32>
      %sub3A_2459 = arith.subf %add3A_2456, %sub3A_2458 : vector<16xf32>
      %mul3A_2460 = arith.constant 6.400000e+01 : f32
      %mul3A_2461 = vector.broadcast %mul3A_2460 : f32 to vector<16xf32>
      %mul3A_2462 = arith.mulf %sub3A_2459, %mul3A_2461 : vector<16xf32>
      %add3A_2463 = arith.addf %add3A_2433, %mul3A_2462 : vector<16xf32>
      %mul3A_2464 = arith.constant 1.04123283E-4 : f32
      %mul3A_2465 = vector.broadcast %mul3A_2464 : f32 to vector<16xf32>
      %mul3A_2466 = arith.mulf %sub3A_2459, %mul3A_2465 : vector<16xf32>
      %sub3A_2467 = arith.subf %sub3A_2281, %mul3A_2466 : vector<16xf32>
      %mul3A_2468 = arith.constant -5.120000e+02 : f32
      %mul3A_2469 = vector.broadcast %mul3A_2468 : f32 to vector<16xf32>
      %mul3A_2470 = arith.mulf %sub3A_2311, %mul3A_2469 : vector<16xf32>
      %add3A_2471 = arith.constant -0.000000e+00 : f32
      %add3A_2472 = vector.broadcast %add3A_2471 : f32 to vector<16xf32>
      %add3A_2473 = arith.addf %mul3A_2470, %add3A_2472 : vector<16xf32>
      %exp3A_2474 = math.exp %add3A_2473 : vector<16xf32>
      %add3A_2475 = arith.constant 1.000000e+00 : f32
      %add3A_2476 = vector.broadcast %add3A_2475 : f32 to vector<16xf32>
      %add3A_2477 = arith.addf %exp3A_2474, %add3A_2476 : vector<16xf32>
      %div3A_2478 = arith.constant 4.004000e+00 : f32
      %div3A_2479 = vector.broadcast %div3A_2478 : f32 to vector<16xf32>
      %div3A_2480 = arith.divf %div3A_2479, %add3A_2477 : vector<16xf32>
      %add3A_2481 = arith.constant -2.002000e+00 : f32
      %add3A_2482 = vector.broadcast %add3A_2481 : f32 to vector<16xf32>
      %add3A_2483 = arith.addf %div3A_2480, %add3A_2482 : vector<16xf32>
      %add3A_2484 = arith.constant 0x4B400000 : f32
      %add3A_2485 = vector.broadcast %add3A_2484 : f32 to vector<16xf32>
      %add3A_2486 = arith.addf %add3A_2483, %add3A_2485 : vector<16xf32>
      %sub3A_2487 = arith.constant 0x4B400000 : f32
      %sub3A_2488 = vector.broadcast %sub3A_2487 : f32 to vector<16xf32>
      %sub3A_2489 = arith.subf %add3A_2486, %sub3A_2488 : vector<16xf32>
      %mul3A_2490 = arith.constant 5.120000e+02 : f32
      %mul3A_2491 = vector.broadcast %mul3A_2490 : f32 to vector<16xf32>
      %mul3A_2492 = arith.mulf %sub3A_2489, %mul3A_2491 : vector<16xf32>
      %add3A_2493 = arith.addf %add3A_2463, %mul3A_2492 : vector<16xf32>
      %mul3A_2494 = arith.constant 0.001953125 : f32
      %mul3A_2495 = vector.broadcast %mul3A_2494 : f32 to vector<16xf32>
      %mul3A_2496 = arith.mulf %sub3A_2489, %mul3A_2495 : vector<16xf32>
      %sub3A_2497 = arith.subf %sub3A_2311, %mul3A_2496 : vector<16xf32>
      %mul3A_2498 = arith.constant -5.120000e+02 : f32
      %mul3A_2499 = vector.broadcast %mul3A_2498 : f32 to vector<16xf32>
      %mul3A_2500 = arith.mulf %sub3A_2341, %mul3A_2499 : vector<16xf32>
      %add3A_2501 = arith.constant -0.000000e+00 : f32
      %add3A_2502 = vector.broadcast %add3A_2501 : f32 to vector<16xf32>
      %add3A_2503 = arith.addf %mul3A_2500, %add3A_2502 : vector<16xf32>
      %exp3A_2504 = math.exp %add3A_2503 : vector<16xf32>
      %add3A_2505 = arith.constant 1.000000e+00 : f32
      %add3A_2506 = vector.broadcast %add3A_2505 : f32 to vector<16xf32>
      %add3A_2507 = arith.addf %exp3A_2504, %add3A_2506 : vector<16xf32>
      %div3A_2508 = arith.constant 4.004000e+00 : f32
      %div3A_2509 = vector.broadcast %div3A_2508 : f32 to vector<16xf32>
      %div3A_2510 = arith.divf %div3A_2509, %add3A_2507 : vector<16xf32>
      %add3A_2511 = arith.constant -2.002000e+00 : f32
      %add3A_2512 = vector.broadcast %add3A_2511 : f32 to vector<16xf32>
      %add3A_2513 = arith.addf %div3A_2510, %add3A_2512 : vector<16xf32>
      %add3A_2514 = arith.constant 0x4B400000 : f32
      %add3A_2515 = vector.broadcast %add3A_2514 : f32 to vector<16xf32>
      %add3A_2516 = arith.addf %add3A_2513, %add3A_2515 : vector<16xf32>
      %sub3A_2517 = arith.constant 0x4B400000 : f32
      %sub3A_2518 = vector.broadcast %sub3A_2517 : f32 to vector<16xf32>
      %sub3A_2519 = arith.subf %add3A_2516, %sub3A_2518 : vector<16xf32>
      %mul3A_2520 = arith.constant 2.560000e+03 : f32
      %mul3A_2521 = vector.broadcast %mul3A_2520 : f32 to vector<16xf32>
      %mul3A_2522 = arith.mulf %sub3A_2519, %mul3A_2521 : vector<16xf32>
      %add3A_2523 = arith.addf %add3A_2493, %mul3A_2522 : vector<16xf32>
      %mul3A_2524 = arith.constant 0.001953125 : f32
      %mul3A_2525 = vector.broadcast %mul3A_2524 : f32 to vector<16xf32>
      %mul3A_2526 = arith.mulf %sub3A_2519, %mul3A_2525 : vector<16xf32>
      %sub3A_2527 = arith.subf %sub3A_2341, %mul3A_2526 : vector<16xf32>
      %mul3A_2528 = arith.constant -5.120000e+02 : f32
      %mul3A_2529 = vector.broadcast %mul3A_2528 : f32 to vector<16xf32>
      %mul3A_2530 = arith.mulf %sub3A_2371, %mul3A_2529 : vector<16xf32>
      %add3A_2531 = arith.constant -0.000000e+00 : f32
      %add3A_2532 = vector.broadcast %add3A_2531 : f32 to vector<16xf32>
      %add3A_2533 = arith.addf %mul3A_2530, %add3A_2532 : vector<16xf32>
      %exp3A_2534 = math.exp %add3A_2533 : vector<16xf32>
      %add3A_2535 = arith.constant 1.000000e+00 : f32
      %add3A_2536 = vector.broadcast %add3A_2535 : f32 to vector<16xf32>
      %add3A_2537 = arith.addf %exp3A_2534, %add3A_2536 : vector<16xf32>
      %div3A_2538 = arith.constant 4.004000e+00 : f32
      %div3A_2539 = vector.broadcast %div3A_2538 : f32 to vector<16xf32>
      %div3A_2540 = arith.divf %div3A_2539, %add3A_2537 : vector<16xf32>
      %add3A_2541 = arith.constant -2.002000e+00 : f32
      %add3A_2542 = vector.broadcast %add3A_2541 : f32 to vector<16xf32>
      %add3A_2543 = arith.addf %div3A_2540, %add3A_2542 : vector<16xf32>
      %add3A_2544 = arith.constant 0x4B400000 : f32
      %add3A_2545 = vector.broadcast %add3A_2544 : f32 to vector<16xf32>
      %add3A_2546 = arith.addf %add3A_2543, %add3A_2545 : vector<16xf32>
      %sub3A_2547 = arith.constant 0x4B400000 : f32
      %sub3A_2548 = vector.broadcast %sub3A_2547 : f32 to vector<16xf32>
      %sub3A_2549 = arith.subf %add3A_2546, %sub3A_2548 : vector<16xf32>
      %mul3A_2550 = arith.constant 1.280000e+04 : f32
      %mul3A_2551 = vector.broadcast %mul3A_2550 : f32 to vector<16xf32>
      %mul3A_2552 = arith.mulf %sub3A_2549, %mul3A_2551 : vector<16xf32>
      %add3A_2553 = arith.addf %add3A_2523, %mul3A_2552 : vector<16xf32>
      %mul3A_2554 = arith.constant 0.001953125 : f32
      %mul3A_2555 = vector.broadcast %mul3A_2554 : f32 to vector<16xf32>
      %mul3A_2556 = arith.mulf %sub3A_2549, %mul3A_2555 : vector<16xf32>
      %sub3A_2557 = arith.subf %sub3A_2371, %mul3A_2556 : vector<16xf32>
      %add3A_2558 = arith.constant 3.203600e+04 : f32
      %add3A_2559 = vector.broadcast %add3A_2558 : f32 to vector<16xf32>
      %add3A_2560 = arith.addf %add3A_2553, %add3A_2559 : vector<16xf32>
      %convert_element_type3A_2561 = arith.fptosi %add3A_2560 : vector<16xf32> to vector<16xi32>
      %swap3A_2562 = arith.constant 4 : i32
      %swap3A_2563 = arith.index_cast %swap3A_2562 : i32 to index
      %swap3A_2564 = arith.index_cast %add3A_1607 : i32 to index
      %swap3A_2565 = tpu.vector_load %arg7[%swap3A_2563, %swap3A_2564] {strides = array<i32>} : memref<8x128xi32, #tpu.memory_space<vmem>>, vector<1x16xi32>,
      %swap3A_2566 = vector.shape_cast %swap3A_2565 : vector<1x16xi32> to vector<16xi32>
      %swap3A_2567 = vector.shape_cast %convert_element_type3A_2561 : vector<16xi32> to vector<1x16xi32>
      tpu.vector_store %arg7[%swap3A_2563, %swap3A_2564], %swap3A_2567 {strides = array<i32>} : memref<8x128xi32, #tpu.memory_space<vmem>>, vector<1x16xi32>,
      %mul3A_2568 = arith.constant -3.361400e+04 : f32
      %mul3A_2569 = vector.broadcast %mul3A_2568 : f32 to vector<16xf32>
      %mul3A_2570 = arith.mulf %sub3A_2407, %mul3A_2569 : vector<16xf32>
      %add3A_2571 = arith.constant -0.287390709 : f32
      %add3A_2572 = vector.broadcast %add3A_2571 : f32 to vector<16xf32>
      %add3A_2573 = arith.addf %mul3A_2570, %add3A_2572 : vector<16xf32>
      %exp3A_2574 = math.exp %add3A_2573 : vector<16xf32>
      %add3A_2575 = arith.constant 1.000000e+00 : f32
      %add3A_2576 = vector.broadcast %add3A_2575 : f32 to vector<16xf32>
      %add3A_2577 = arith.addf %exp3A_2574, %add3A_2576 : vector<16xf32>
      %div3A_2578 = arith.constant 7.00700045 : f32
      %div3A_2579 = vector.broadcast %div3A_2578 : f32 to vector<16xf32>
      %div3A_2580 = arith.divf %div3A_2579, %add3A_2577 : vector<16xf32>
      %add3A_2581 = arith.constant -4.003500e+00 : f32
      %add3A_2582 = vector.broadcast %add3A_2581 : f32 to vector<16xf32>
      %add3A_2583 = arith.addf %div3A_2580, %add3A_2582 : vector<16xf32>
      %add3A_2584 = arith.constant 0x4B400000 : f32
      %add3A_2585 = vector.broadcast %add3A_2584 : f32 to vector<16xf32>
      %add3A_2586 = arith.addf %add3A_2583, %add3A_2585 : vector<16xf32>
      %sub3A_2587 = arith.constant 0x4B400000 : f32
      %sub3A_2588 = vector.broadcast %sub3A_2587 : f32 to vector<16xf32>
      %sub3A_2589 = arith.subf %add3A_2586, %sub3A_2588 : vector<16xf32>
      %mul3A_2590 = arith.constant 1.48747549E-5 : f32
      %mul3A_2591 = vector.broadcast %mul3A_2590 : f32 to vector<16xf32>
      %mul3A_2592 = arith.mulf %sub3A_2589, %mul3A_2591 : vector<16xf32>
      %sub3A_2593 = arith.subf %sub3A_2407, %mul3A_2592 : vector<16xf32>
      %mul3A_2594 = arith.constant -3.361400e+04 : f32
      %mul3A_2595 = vector.broadcast %mul3A_2594 : f32 to vector<16xf32>
      %mul3A_2596 = arith.mulf %sub3A_2437, %mul3A_2595 : vector<16xf32>
      %add3A_2597 = arith.constant -0.287390709 : f32
      %add3A_2598 = vector.broadcast %add3A_2597 : f32 to vector<16xf32>
      %add3A_2599 = arith.addf %mul3A_2596, %add3A_2598 : vector<16xf32>
      %exp3A_2600 = math.exp %add3A_2599 : vector<16xf32>
      %add3A_2601 = arith.constant 1.000000e+00 : f32
      %add3A_2602 = vector.broadcast %add3A_2601 : f32 to vector<16xf32>
      %add3A_2603 = arith.addf %exp3A_2600, %add3A_2602 : vector<16xf32>
      %div3A_2604 = arith.constant 7.00700045 : f32
      %div3A_2605 = vector.broadcast %div3A_2604 : f32 to vector<16xf32>
      %div3A_2606 = arith.divf %div3A_2605, %add3A_2603 : vector<16xf32>
      %add3A_2607 = arith.constant -4.003500e+00 : f32
      %add3A_2608 = vector.broadcast %add3A_2607 : f32 to vector<16xf32>
      %add3A_2609 = arith.addf %div3A_2606, %add3A_2608 : vector<16xf32>
      %add3A_2610 = arith.constant 0x4B400000 : f32
      %add3A_2611 = vector.broadcast %add3A_2610 : f32 to vector<16xf32>
      %add3A_2612 = arith.addf %add3A_2609, %add3A_2611 : vector<16xf32>
      %sub3A_2613 = arith.constant 0x4B400000 : f32
      %sub3A_2614 = vector.broadcast %sub3A_2613 : f32 to vector<16xf32>
      %sub3A_2615 = arith.subf %add3A_2612, %sub3A_2614 : vector<16xf32>
      %mul3A_2616 = arith.constant 8.000000e+00 : f32
      %mul3A_2617 = vector.broadcast %mul3A_2616 : f32 to vector<16xf32>
      %mul3A_2618 = arith.mulf %sub3A_2615, %mul3A_2617 : vector<16xf32>
      %add3A_2619 = arith.addf %sub3A_2589, %mul3A_2618 : vector<16xf32>
      %mul3A_2620 = arith.constant 1.48747549E-5 : f32
      %mul3A_2621 = vector.broadcast %mul3A_2620 : f32 to vector<16xf32>
      %mul3A_2622 = arith.mulf %sub3A_2615, %mul3A_2621 : vector<16xf32>
      %sub3A_2623 = arith.subf %sub3A_2437, %mul3A_2622 : vector<16xf32>
      %mul3A_2624 = arith.constant -3.361400e+04 : f32
      %mul3A_2625 = vector.broadcast %mul3A_2624 : f32 to vector<16xf32>
      %mul3A_2626 = arith.mulf %sub3A_2467, %mul3A_2625 : vector<16xf32>
      %add3A_2627 = arith.constant -0.287390709 : f32
      %add3A_2628 = vector.broadcast %add3A_2627 : f32 to vector<16xf32>
      %add3A_2629 = arith.addf %mul3A_2626, %add3A_2628 : vector<16xf32>
      %exp3A_2630 = math.exp %add3A_2629 : vector<16xf32>
      %add3A_2631 = arith.constant 1.000000e+00 : f32
      %add3A_2632 = vector.broadcast %add3A_2631 : f32 to vector<16xf32>
      %add3A_2633 = arith.addf %exp3A_2630, %add3A_2632 : vector<16xf32>
      %div3A_2634 = arith.constant 7.00700045 : f32
      %div3A_2635 = vector.broadcast %div3A_2634 : f32 to vector<16xf32>
      %div3A_2636 = arith.divf %div3A_2635, %add3A_2633 : vector<16xf32>
      %add3A_2637 = arith.constant -4.003500e+00 : f32
      %add3A_2638 = vector.broadcast %add3A_2637 : f32 to vector<16xf32>
      %add3A_2639 = arith.addf %div3A_2636, %add3A_2638 : vector<16xf32>
      %add3A_2640 = arith.constant 0x4B400000 : f32
      %add3A_2641 = vector.broadcast %add3A_2640 : f32 to vector<16xf32>
      %add3A_2642 = arith.addf %add3A_2639, %add3A_2641 : vector<16xf32>
      %sub3A_2643 = arith.constant 0x4B400000 : f32
      %sub3A_2644 = vector.broadcast %sub3A_2643 : f32 to vector<16xf32>
      %sub3A_2645 = arith.subf %add3A_2642, %sub3A_2644 : vector<16xf32>
      %mul3A_2646 = arith.constant 6.400000e+01 : f32
      %mul3A_2647 = vector.broadcast %mul3A_2646 : f32 to vector<16xf32>
      %mul3A_2648 = arith.mulf %sub3A_2645, %mul3A_2647 : vector<16xf32>
      %add3A_2649 = arith.addf %add3A_2619, %mul3A_2648 : vector<16xf32>
      %mul3A_2650 = arith.constant 1.48747549E-5 : f32
      %mul3A_2651 = vector.broadcast %mul3A_2650 : f32 to vector<16xf32>
      %mul3A_2652 = arith.mulf %sub3A_2645, %mul3A_2651 : vector<16xf32>
      %sub3A_2653 = arith.subf %sub3A_2467, %mul3A_2652 : vector<16xf32>
      %mul3A_2654 = arith.constant -2.048000e+03 : f32
      %mul3A_2655 = vector.broadcast %mul3A_2654 : f32 to vector<16xf32>
      %mul3A_2656 = arith.mulf %sub3A_2497, %mul3A_2655 : vector<16xf32>
      %add3A_2657 = arith.constant -0.000000e+00 : f32
      %add3A_2658 = vector.broadcast %add3A_2657 : f32 to vector<16xf32>
      %add3A_2659 = arith.addf %mul3A_2656, %add3A_2658 : vector<16xf32>
      %exp3A_2660 = math.exp %add3A_2659 : vector<16xf32>
      %add3A_2661 = arith.constant 1.000000e+00 : f32
      %add3A_2662 = vector.broadcast %add3A_2661 : f32 to vector<16xf32>
      %add3A_2663 = arith.addf %exp3A_2660, %add3A_2662 : vector<16xf32>
      %div3A_2664 = arith.constant 4.004000e+00 : f32
      %div3A_2665 = vector.broadcast %div3A_2664 : f32 to vector<16xf32>
      %div3A_2666 = arith.divf %div3A_2665, %add3A_2663 : vector<16xf32>
      %add3A_2667 = arith.constant -2.002000e+00 : f32
      %add3A_2668 = vector.broadcast %add3A_2667 : f32 to vector<16xf32>
      %add3A_2669 = arith.addf %div3A_2666, %add3A_2668 : vector<16xf32>
      %add3A_2670 = arith.constant 0x4B400000 : f32
      %add3A_2671 = vector.broadcast %add3A_2670 : f32 to vector<16xf32>
      %add3A_2672 = arith.addf %add3A_2669, %add3A_2671 : vector<16xf32>
      %sub3A_2673 = arith.constant 0x4B400000 : f32
      %sub3A_2674 = vector.broadcast %sub3A_2673 : f32 to vector<16xf32>
      %sub3A_2675 = arith.subf %add3A_2672, %sub3A_2674 : vector<16xf32>
      %mul3A_2676 = arith.constant 5.120000e+02 : f32
      %mul3A_2677 = vector.broadcast %mul3A_2676 : f32 to vector<16xf32>
      %mul3A_2678 = arith.mulf %sub3A_2675, %mul3A_2677 : vector<16xf32>
      %add3A_2679 = arith.addf %add3A_2649, %mul3A_2678 : vector<16xf32>
      %mul3A_2680 = arith.constant 4.8828125E-4 : f32
      %mul3A_2681 = vector.broadcast %mul3A_2680 : f32 to vector<16xf32>
      %mul3A_2682 = arith.mulf %sub3A_2675, %mul3A_2681 : vector<16xf32>
      %sub3A_2683 = arith.subf %sub3A_2497, %mul3A_2682 : vector<16xf32>
      %mul3A_2684 = arith.constant -2.048000e+03 : f32
      %mul3A_2685 = vector.broadcast %mul3A_2684 : f32 to vector<16xf32>
      %mul3A_2686 = arith.mulf %sub3A_2527, %mul3A_2685 : vector<16xf32>
      %add3A_2687 = arith.constant -0.000000e+00 : f32
      %add3A_2688 = vector.broadcast %add3A_2687 : f32 to vector<16xf32>
      %add3A_2689 = arith.addf %mul3A_2686, %add3A_2688 : vector<16xf32>
      %exp3A_2690 = math.exp %add3A_2689 : vector<16xf32>
      %add3A_2691 = arith.constant 1.000000e+00 : f32
      %add3A_2692 = vector.broadcast %add3A_2691 : f32 to vector<16xf32>
      %add3A_2693 = arith.addf %exp3A_2690, %add3A_2692 : vector<16xf32>
      %div3A_2694 = arith.constant 4.004000e+00 : f32
      %div3A_2695 = vector.broadcast %div3A_2694 : f32 to vector<16xf32>
      %div3A_2696 = arith.divf %div3A_2695, %add3A_2693 : vector<16xf32>
      %add3A_2697 = arith.constant -2.002000e+00 : f32
      %add3A_2698 = vector.broadcast %add3A_2697 : f32 to vector<16xf32>
      %add3A_2699 = arith.addf %div3A_2696, %add3A_2698 : vector<16xf32>
      %add3A_2700 = arith.constant 0x4B400000 : f32
      %add3A_2701 = vector.broadcast %add3A_2700 : f32 to vector<16xf32>
      %add3A_2702 = arith.addf %add3A_2699, %add3A_2701 : vector<16xf32>
      %sub3A_2703 = arith.constant 0x4B400000 : f32
      %sub3A_2704 = vector.broadcast %sub3A_2703 : f32 to vector<16xf32>
      %sub3A_2705 = arith.subf %add3A_2702, %sub3A_2704 : vector<16xf32>
      %mul3A_2706 = arith.constant 2.560000e+03 : f32
      %mul3A_2707 = vector.broadcast %mul3A_2706 : f32 to vector<16xf32>
      %mul3A_2708 = arith.mulf %sub3A_2705, %mul3A_2707 : vector<16xf32>
      %add3A_2709 = arith.addf %add3A_2679, %mul3A_2708 : vector<16xf32>
      %mul3A_2710 = arith.constant 4.8828125E-4 : f32
      %mul3A_2711 = vector.broadcast %mul3A_2710 : f32 to vector<16xf32>
      %mul3A_2712 = arith.mulf %sub3A_2705, %mul3A_2711 : vector<16xf32>
      %sub3A_2713 = arith.subf %sub3A_2527, %mul3A_2712 : vector<16xf32>
      %mul3A_2714 = arith.constant -2.048000e+03 : f32
      %mul3A_2715 = vector.broadcast %mul3A_2714 : f32 to vector<16xf32>
      %mul3A_2716 = arith.mulf %sub3A_2557, %mul3A_2715 : vector<16xf32>
      %add3A_2717 = arith.constant -0.000000e+00 : f32
      %add3A_2718 = vector.broadcast %add3A_2717 : f32 to vector<16xf32>
      %add3A_2719 = arith.addf %mul3A_2716, %add3A_2718 : vector<16xf32>
      %exp3A_2720 = math.exp %add3A_2719 : vector<16xf32>
      %add3A_2721 = arith.constant 1.000000e+00 : f32
      %add3A_2722 = vector.broadcast %add3A_2721 : f32 to vector<16xf32>
      %add3A_2723 = arith.addf %exp3A_2720, %add3A_2722 : vector<16xf32>
      %div3A_2724 = arith.constant 4.004000e+00 : f32
      %div3A_2725 = vector.broadcast %div3A_2724 : f32 to vector<16xf32>
      %div3A_2726 = arith.divf %div3A_2725, %add3A_2723 : vector<16xf32>
      %add3A_2727 = arith.constant -2.002000e+00 : f32
      %add3A_2728 = vector.broadcast %add3A_2727 : f32 to vector<16xf32>
      %add3A_2729 = arith.addf %div3A_2726, %add3A_2728 : vector<16xf32>
      %add3A_2730 = arith.constant 0x4B400000 : f32
      %add3A_2731 = vector.broadcast %add3A_2730 : f32 to vector<16xf32>
      %add3A_2732 = arith.addf %add3A_2729, %add3A_2731 : vector<16xf32>
      %sub3A_2733 = arith.constant 0x4B400000 : f32
      %sub3A_2734 = vector.broadcast %sub3A_2733 : f32 to vector<16xf32>
      %sub3A_2735 = arith.subf %add3A_2732, %sub3A_2734 : vector<16xf32>
      %mul3A_2736 = arith.constant 1.280000e+04 : f32
      %mul3A_2737 = vector.broadcast %mul3A_2736 : f32 to vector<16xf32>
      %mul3A_2738 = arith.mulf %sub3A_2735, %mul3A_2737 : vector<16xf32>
      %add3A_2739 = arith.addf %add3A_2709, %mul3A_2738 : vector<16xf32>
      %mul3A_2740 = arith.constant 4.8828125E-4 : f32
      %mul3A_2741 = vector.broadcast %mul3A_2740 : f32 to vector<16xf32>
      %mul3A_2742 = arith.mulf %sub3A_2735, %mul3A_2741 : vector<16xf32>
      %sub3A_2743 = arith.subf %sub3A_2557, %mul3A_2742 : vector<16xf32>
      %add3A_2744 = arith.constant 3.203600e+04 : f32
      %add3A_2745 = vector.broadcast %add3A_2744 : f32 to vector<16xf32>
      %add3A_2746 = arith.addf %add3A_2739, %add3A_2745 : vector<16xf32>
      %convert_element_type3A_2747 = arith.fptosi %add3A_2746 : vector<16xf32> to vector<16xi32>
      %swap3A_2748 = arith.constant 5 : i32
      %swap3A_2749 = arith.index_cast %swap3A_2748 : i32 to index
      %swap3A_2750 = arith.index_cast %add3A_1607 : i32 to index
      %swap3A_2751 = tpu.vector_load %arg7[%swap3A_2749, %swap3A_2750] {strides = array<i32>} : memref<8x128xi32, #tpu.memory_space<vmem>>, vector<1x16xi32>,
      %swap3A_2752 = vector.shape_cast %swap3A_2751 : vector<1x16xi32> to vector<16xi32>
      %swap3A_2753 = vector.shape_cast %convert_element_type3A_2747 : vector<16xi32> to vector<1x16xi32>
      tpu.vector_store %arg7[%swap3A_2749, %swap3A_2750], %swap3A_2753 {strides = array<i32>} : memref<8x128xi32, #tpu.memory_space<vmem>>, vector<1x16xi32>,
      %mul3A_2754 = arith.constant -2.352980e+05 : f32
      %mul3A_2755 = vector.broadcast %mul3A_2754 : f32 to vector<16xf32>
      %mul3A_2756 = arith.mulf %sub3A_2593, %mul3A_2755 : vector<16xf32>
      %add3A_2757 = arith.constant -0.287390709 : f32
      %add3A_2758 = vector.broadcast %add3A_2757 : f32 to vector<16xf32>
      %add3A_2759 = arith.addf %mul3A_2756, %add3A_2758 : vector<16xf32>
      %exp3A_2760 = math.exp %add3A_2759 : vector<16xf32>
      %add3A_2761 = arith.constant 1.000000e+00 : f32
      %add3A_2762 = vector.broadcast %add3A_2761 : f32 to vector<16xf32>
      %add3A_2763 = arith.addf %exp3A_2760, %add3A_2762 : vector<16xf32>
      %div3A_2764 = arith.constant 7.00700045 : f32
      %div3A_2765 = vector.broadcast %div3A_2764 : f32 to vector<16xf32>
      %div3A_2766 = arith.divf %div3A_2765, %add3A_2763 : vector<16xf32>
      %add3A_2767 = arith.constant -4.003500e+00 : f32
      %add3A_2768 = vector.broadcast %add3A_2767 : f32 to vector<16xf32>
      %add3A_2769 = arith.addf %div3A_2766, %add3A_2768 : vector<16xf32>
      %add3A_2770 = arith.constant 0x4B400000 : f32
      %add3A_2771 = vector.broadcast %add3A_2770 : f32 to vector<16xf32>
      %add3A_2772 = arith.addf %add3A_2769, %add3A_2771 : vector<16xf32>
      %sub3A_2773 = arith.constant 0x4B400000 : f32
      %sub3A_2774 = vector.broadcast %sub3A_2773 : f32 to vector<16xf32>
      %sub3A_2775 = arith.subf %add3A_2772, %sub3A_2774 : vector<16xf32>
      %mul3A_2776 = arith.constant 2.12496502E-6 : f32
      %mul3A_2777 = vector.broadcast %mul3A_2776 : f32 to vector<16xf32>
      %mul3A_2778 = arith.mulf %sub3A_2775, %mul3A_2777 : vector<16xf32>
      %sub3A_2779 = arith.subf %sub3A_2593, %mul3A_2778 : vector<16xf32>
      %mul3A_2780 = arith.constant -2.352980e+05 : f32
      %mul3A_2781 = vector.broadcast %mul3A_2780 : f32 to vector<16xf32>
      %mul3A_2782 = arith.mulf %sub3A_2623, %mul3A_2781 : vector<16xf32>
      %add3A_2783 = arith.constant -0.287390709 : f32
      %add3A_2784 = vector.broadcast %add3A_2783 : f32 to vector<16xf32>
      %add3A_2785 = arith.addf %mul3A_2782, %add3A_2784 : vector<16xf32>
      %exp3A_2786 = math.exp %add3A_2785 : vector<16xf32>
      %add3A_2787 = arith.constant 1.000000e+00 : f32
      %add3A_2788 = vector.broadcast %add3A_2787 : f32 to vector<16xf32>
      %add3A_2789 = arith.addf %exp3A_2786, %add3A_2788 : vector<16xf32>
      %div3A_2790 = arith.constant 7.00700045 : f32
      %div3A_2791 = vector.broadcast %div3A_2790 : f32 to vector<16xf32>
      %div3A_2792 = arith.divf %div3A_2791, %add3A_2789 : vector<16xf32>
      %add3A_2793 = arith.constant -4.003500e+00 : f32
      %add3A_2794 = vector.broadcast %add3A_2793 : f32 to vector<16xf32>
      %add3A_2795 = arith.addf %div3A_2792, %add3A_2794 : vector<16xf32>
      %add3A_2796 = arith.constant 0x4B400000 : f32
      %add3A_2797 = vector.broadcast %add3A_2796 : f32 to vector<16xf32>
      %add3A_2798 = arith.addf %add3A_2795, %add3A_2797 : vector<16xf32>
      %sub3A_2799 = arith.constant 0x4B400000 : f32
      %sub3A_2800 = vector.broadcast %sub3A_2799 : f32 to vector<16xf32>
      %sub3A_2801 = arith.subf %add3A_2798, %sub3A_2800 : vector<16xf32>
      %mul3A_2802 = arith.constant 8.000000e+00 : f32
      %mul3A_2803 = vector.broadcast %mul3A_2802 : f32 to vector<16xf32>
      %mul3A_2804 = arith.mulf %sub3A_2801, %mul3A_2803 : vector<16xf32>
      %add3A_2805 = arith.addf %sub3A_2775, %mul3A_2804 : vector<16xf32>
      %mul3A_2806 = arith.constant 2.12496502E-6 : f32
      %mul3A_2807 = vector.broadcast %mul3A_2806 : f32 to vector<16xf32>
      %mul3A_2808 = arith.mulf %sub3A_2801, %mul3A_2807 : vector<16xf32>
      %sub3A_2809 = arith.subf %sub3A_2623, %mul3A_2808 : vector<16xf32>
      %mul3A_2810 = arith.constant -2.352980e+05 : f32
      %mul3A_2811 = vector.broadcast %mul3A_2810 : f32 to vector<16xf32>
      %mul3A_2812 = arith.mulf %sub3A_2653, %mul3A_2811 : vector<16xf32>
      %add3A_2813 = arith.constant -0.287390709 : f32
      %add3A_2814 = vector.broadcast %add3A_2813 : f32 to vector<16xf32>
      %add3A_2815 = arith.addf %mul3A_2812, %add3A_2814 : vector<16xf32>
      %exp3A_2816 = math.exp %add3A_2815 : vector<16xf32>
      %add3A_2817 = arith.constant 1.000000e+00 : f32
      %add3A_2818 = vector.broadcast %add3A_2817 : f32 to vector<16xf32>
      %add3A_2819 = arith.addf %exp3A_2816, %add3A_2818 : vector<16xf32>
      %div3A_2820 = arith.constant 7.00700045 : f32
      %div3A_2821 = vector.broadcast %div3A_2820 : f32 to vector<16xf32>
      %div3A_2822 = arith.divf %div3A_2821, %add3A_2819 : vector<16xf32>
      %add3A_2823 = arith.constant -4.003500e+00 : f32
      %add3A_2824 = vector.broadcast %add3A_2823 : f32 to vector<16xf32>
      %add3A_2825 = arith.addf %div3A_2822, %add3A_2824 : vector<16xf32>
      %add3A_2826 = arith.constant 0x4B400000 : f32
      %add3A_2827 = vector.broadcast %add3A_2826 : f32 to vector<16xf32>
      %add3A_2828 = arith.addf %add3A_2825, %add3A_2827 : vector<16xf32>
      %sub3A_2829 = arith.constant 0x4B400000 : f32
      %sub3A_2830 = vector.broadcast %sub3A_2829 : f32 to vector<16xf32>
      %sub3A_2831 = arith.subf %add3A_2828, %sub3A_2830 : vector<16xf32>
      %mul3A_2832 = arith.constant 6.400000e+01 : f32
      %mul3A_2833 = vector.broadcast %mul3A_2832 : f32 to vector<16xf32>
      %mul3A_2834 = arith.mulf %sub3A_2831, %mul3A_2833 : vector<16xf32>
      %add3A_2835 = arith.addf %add3A_2805, %mul3A_2834 : vector<16xf32>
      %mul3A_2836 = arith.constant 2.12496502E-6 : f32
      %mul3A_2837 = vector.broadcast %mul3A_2836 : f32 to vector<16xf32>
      %mul3A_2838 = arith.mulf %sub3A_2831, %mul3A_2837 : vector<16xf32>
      %sub3A_2839 = arith.subf %sub3A_2653, %mul3A_2838 : vector<16xf32>
      %mul3A_2840 = arith.constant -8.192000e+03 : f32
      %mul3A_2841 = vector.broadcast %mul3A_2840 : f32 to vector<16xf32>
      %mul3A_2842 = arith.mulf %sub3A_2683, %mul3A_2841 : vector<16xf32>
      %add3A_2843 = arith.constant -0.000000e+00 : f32
      %add3A_2844 = vector.broadcast %add3A_2843 : f32 to vector<16xf32>
      %add3A_2845 = arith.addf %mul3A_2842, %add3A_2844 : vector<16xf32>
      %exp3A_2846 = math.exp %add3A_2845 : vector<16xf32>
      %add3A_2847 = arith.constant 1.000000e+00 : f32
      %add3A_2848 = vector.broadcast %add3A_2847 : f32 to vector<16xf32>
      %add3A_2849 = arith.addf %exp3A_2846, %add3A_2848 : vector<16xf32>
      %div3A_2850 = arith.constant 4.004000e+00 : f32
      %div3A_2851 = vector.broadcast %div3A_2850 : f32 to vector<16xf32>
      %div3A_2852 = arith.divf %div3A_2851, %add3A_2849 : vector<16xf32>
      %add3A_2853 = arith.constant -2.002000e+00 : f32
      %add3A_2854 = vector.broadcast %add3A_2853 : f32 to vector<16xf32>
      %add3A_2855 = arith.addf %div3A_2852, %add3A_2854 : vector<16xf32>
      %add3A_2856 = arith.constant 0x4B400000 : f32
      %add3A_2857 = vector.broadcast %add3A_2856 : f32 to vector<16xf32>
      %add3A_2858 = arith.addf %add3A_2855, %add3A_2857 : vector<16xf32>
      %sub3A_2859 = arith.constant 0x4B400000 : f32
      %sub3A_2860 = vector.broadcast %sub3A_2859 : f32 to vector<16xf32>
      %sub3A_2861 = arith.subf %add3A_2858, %sub3A_2860 : vector<16xf32>
      %mul3A_2862 = arith.constant 5.120000e+02 : f32
      %mul3A_2863 = vector.broadcast %mul3A_2862 : f32 to vector<16xf32>
      %mul3A_2864 = arith.mulf %sub3A_2861, %mul3A_2863 : vector<16xf32>
      %add3A_2865 = arith.addf %add3A_2835, %mul3A_2864 : vector<16xf32>
      %mul3A_2866 = arith.constant 1.22070313E-4 : f32
      %mul3A_2867 = vector.broadcast %mul3A_2866 : f32 to vector<16xf32>
      %mul3A_2868 = arith.mulf %sub3A_2861, %mul3A_2867 : vector<16xf32>
      %sub3A_2869 = arith.subf %sub3A_2683, %mul3A_2868 : vector<16xf32>
      %mul3A_2870 = arith.constant -8.192000e+03 : f32
      %mul3A_2871 = vector.broadcast %mul3A_2870 : f32 to vector<16xf32>
      %mul3A_2872 = arith.mulf %sub3A_2713, %mul3A_2871 : vector<16xf32>
      %add3A_2873 = arith.constant -0.000000e+00 : f32
      %add3A_2874 = vector.broadcast %add3A_2873 : f32 to vector<16xf32>
      %add3A_2875 = arith.addf %mul3A_2872, %add3A_2874 : vector<16xf32>
      %exp3A_2876 = math.exp %add3A_2875 : vector<16xf32>
      %add3A_2877 = arith.constant 1.000000e+00 : f32
      %add3A_2878 = vector.broadcast %add3A_2877 : f32 to vector<16xf32>
      %add3A_2879 = arith.addf %exp3A_2876, %add3A_2878 : vector<16xf32>
      %div3A_2880 = arith.constant 4.004000e+00 : f32
      %div3A_2881 = vector.broadcast %div3A_2880 : f32 to vector<16xf32>
      %div3A_2882 = arith.divf %div3A_2881, %add3A_2879 : vector<16xf32>
      %add3A_2883 = arith.constant -2.002000e+00 : f32
      %add3A_2884 = vector.broadcast %add3A_2883 : f32 to vector<16xf32>
      %add3A_2885 = arith.addf %div3A_2882, %add3A_2884 : vector<16xf32>
      %add3A_2886 = arith.constant 0x4B400000 : f32
      %add3A_2887 = vector.broadcast %add3A_2886 : f32 to vector<16xf32>
      %add3A_2888 = arith.addf %add3A_2885, %add3A_2887 : vector<16xf32>
      %sub3A_2889 = arith.constant 0x4B400000 : f32
      %sub3A_2890 = vector.broadcast %sub3A_2889 : f32 to vector<16xf32>
      %sub3A_2891 = arith.subf %add3A_2888, %sub3A_2890 : vector<16xf32>
      %mul3A_2892 = arith.constant 2.560000e+03 : f32
      %mul3A_2893 = vector.broadcast %mul3A_2892 : f32 to vector<16xf32>
      %mul3A_2894 = arith.mulf %sub3A_2891, %mul3A_2893 : vector<16xf32>
      %add3A_2895 = arith.addf %add3A_2865, %mul3A_2894 : vector<16xf32>
      %mul3A_2896 = arith.constant 1.22070313E-4 : f32
      %mul3A_2897 = vector.broadcast %mul3A_2896 : f32 to vector<16xf32>
      %mul3A_2898 = arith.mulf %sub3A_2891, %mul3A_2897 : vector<16xf32>
      %sub3A_2899 = arith.subf %sub3A_2713, %mul3A_2898 : vector<16xf32>
      %mul3A_2900 = arith.constant -8.192000e+03 : f32
      %mul3A_2901 = vector.broadcast %mul3A_2900 : f32 to vector<16xf32>
      %mul3A_2902 = arith.mulf %sub3A_2743, %mul3A_2901 : vector<16xf32>
      %add3A_2903 = arith.constant -0.000000e+00 : f32
      %add3A_2904 = vector.broadcast %add3A_2903 : f32 to vector<16xf32>
      %add3A_2905 = arith.addf %mul3A_2902, %add3A_2904 : vector<16xf32>
      %exp3A_2906 = math.exp %add3A_2905 : vector<16xf32>
      %add3A_2907 = arith.constant 1.000000e+00 : f32
      %add3A_2908 = vector.broadcast %add3A_2907 : f32 to vector<16xf32>
      %add3A_2909 = arith.addf %exp3A_2906, %add3A_2908 : vector<16xf32>
      %div3A_2910 = arith.constant 4.004000e+00 : f32
      %div3A_2911 = vector.broadcast %div3A_2910 : f32 to vector<16xf32>
      %div3A_2912 = arith.divf %div3A_2911, %add3A_2909 : vector<16xf32>
      %add3A_2913 = arith.constant -2.002000e+00 : f32
      %add3A_2914 = vector.broadcast %add3A_2913 : f32 to vector<16xf32>
      %add3A_2915 = arith.addf %div3A_2912, %add3A_2914 : vector<16xf32>
      %add3A_2916 = arith.constant 0x4B400000 : f32
      %add3A_2917 = vector.broadcast %add3A_2916 : f32 to vector<16xf32>
      %add3A_2918 = arith.addf %add3A_2915, %add3A_2917 : vector<16xf32>
      %sub3A_2919 = arith.constant 0x4B400000 : f32
      %sub3A_2920 = vector.broadcast %sub3A_2919 : f32 to vector<16xf32>
      %sub3A_2921 = arith.subf %add3A_2918, %sub3A_2920 : vector<16xf32>
      %mul3A_2922 = arith.constant 1.280000e+04 : f32
      %mul3A_2923 = vector.broadcast %mul3A_2922 : f32 to vector<16xf32>
      %mul3A_2924 = arith.mulf %sub3A_2921, %mul3A_2923 : vector<16xf32>
      %add3A_2925 = arith.addf %add3A_2895, %mul3A_2924 : vector<16xf32>
      %mul3A_2926 = arith.constant 1.22070313E-4 : f32
      %mul3A_2927 = vector.broadcast %mul3A_2926 : f32 to vector<16xf32>
      %mul3A_2928 = arith.mulf %sub3A_2921, %mul3A_2927 : vector<16xf32>
      %sub3A_2929 = arith.subf %sub3A_2743, %mul3A_2928 : vector<16xf32>
      %add3A_2930 = arith.constant 3.203600e+04 : f32
      %add3A_2931 = vector.broadcast %add3A_2930 : f32 to vector<16xf32>
      %add3A_2932 = arith.addf %add3A_2925, %add3A_2931 : vector<16xf32>
      %convert_element_type3A_2933 = arith.fptosi %add3A_2932 : vector<16xf32> to vector<16xi32>
      %swap3A_2934 = arith.constant 6 : i32
      %swap3A_2935 = arith.index_cast %swap3A_2934 : i32 to index
      %swap3A_2936 = arith.index_cast %add3A_1607 : i32 to index
      %swap3A_2937 = tpu.vector_load %arg7[%swap3A_2935, %swap3A_2936] {strides = array<i32>} : memref<8x128xi32, #tpu.memory_space<vmem>>, vector<1x16xi32>,
      %swap3A_2938 = vector.shape_cast %swap3A_2937 : vector<1x16xi32> to vector<16xi32>
      %swap3A_2939 = vector.shape_cast %convert_element_type3A_2933 : vector<16xi32> to vector<1x16xi32>
      tpu.vector_store %arg7[%swap3A_2935, %swap3A_2936], %swap3A_2939 {strides = array<i32>} : memref<8x128xi32, #tpu.memory_space<vmem>>, vector<1x16xi32>,
      %mul3A_2940 = arith.constant 0xC9C90F70 : f32
      %mul3A_2941 = vector.broadcast %mul3A_2940 : f32 to vector<16xf32>
      %mul3A_2942 = arith.mulf %sub3A_2779, %mul3A_2941 : vector<16xf32>
      %add3A_2943 = arith.constant -0.287390709 : f32
      %add3A_2944 = vector.broadcast %add3A_2943 : f32 to vector<16xf32>
      %add3A_2945 = arith.addf %mul3A_2942, %add3A_2944 : vector<16xf32>
      %exp3A_2946 = math.exp %add3A_2945 : vector<16xf32>
      %add3A_2947 = arith.constant 1.000000e+00 : f32
      %add3A_2948 = vector.broadcast %add3A_2947 : f32 to vector<16xf32>
      %add3A_2949 = arith.addf %exp3A_2946, %add3A_2948 : vector<16xf32>
      %div3A_2950 = arith.constant 7.00700045 : f32
      %div3A_2951 = vector.broadcast %div3A_2950 : f32 to vector<16xf32>
      %div3A_2952 = arith.divf %div3A_2951, %add3A_2949 : vector<16xf32>
      %add3A_2953 = arith.constant -4.003500e+00 : f32
      %add3A_2954 = vector.broadcast %add3A_2953 : f32 to vector<16xf32>
      %add3A_2955 = arith.addf %div3A_2952, %add3A_2954 : vector<16xf32>
      %add3A_2956 = arith.constant 0x4B400000 : f32
      %add3A_2957 = vector.broadcast %add3A_2956 : f32 to vector<16xf32>
      %add3A_2958 = arith.addf %add3A_2955, %add3A_2957 : vector<16xf32>
      %sub3A_2959 = arith.constant 0x4B400000 : f32
      %sub3A_2960 = vector.broadcast %sub3A_2959 : f32 to vector<16xf32>
      %sub3A_2961 = arith.subf %add3A_2958, %sub3A_2960 : vector<16xf32>
      %mul3A_2962 = arith.constant 3.03566395E-7 : f32
      %mul3A_2963 = vector.broadcast %mul3A_2962 : f32 to vector<16xf32>
      %mul3A_2964 = arith.mulf %sub3A_2961, %mul3A_2963 : vector<16xf32>
      %sub3A_2965 = arith.subf %sub3A_2779, %mul3A_2964 : vector<16xf32>
      %mul3A_2966 = arith.constant 0xC9C90F70 : f32
      %mul3A_2967 = vector.broadcast %mul3A_2966 : f32 to vector<16xf32>
      %mul3A_2968 = arith.mulf %sub3A_2809, %mul3A_2967 : vector<16xf32>
      %add3A_2969 = arith.constant -0.287390709 : f32
      %add3A_2970 = vector.broadcast %add3A_2969 : f32 to vector<16xf32>
      %add3A_2971 = arith.addf %mul3A_2968, %add3A_2970 : vector<16xf32>
      %exp3A_2972 = math.exp %add3A_2971 : vector<16xf32>
      %add3A_2973 = arith.constant 1.000000e+00 : f32
      %add3A_2974 = vector.broadcast %add3A_2973 : f32 to vector<16xf32>
      %add3A_2975 = arith.addf %exp3A_2972, %add3A_2974 : vector<16xf32>
      %div3A_2976 = arith.constant 7.00700045 : f32
      %div3A_2977 = vector.broadcast %div3A_2976 : f32 to vector<16xf32>
      %div3A_2978 = arith.divf %div3A_2977, %add3A_2975 : vector<16xf32>
      %add3A_2979 = arith.constant -4.003500e+00 : f32
      %add3A_2980 = vector.broadcast %add3A_2979 : f32 to vector<16xf32>
      %add3A_2981 = arith.addf %div3A_2978, %add3A_2980 : vector<16xf32>
      %add3A_2982 = arith.constant 0x4B400000 : f32
      %add3A_2983 = vector.broadcast %add3A_2982 : f32 to vector<16xf32>
      %add3A_2984 = arith.addf %add3A_2981, %add3A_2983 : vector<16xf32>
      %sub3A_2985 = arith.constant 0x4B400000 : f32
      %sub3A_2986 = vector.broadcast %sub3A_2985 : f32 to vector<16xf32>
      %sub3A_2987 = arith.subf %add3A_2984, %sub3A_2986 : vector<16xf32>
      %mul3A_2988 = arith.constant 8.000000e+00 : f32
      %mul3A_2989 = vector.broadcast %mul3A_2988 : f32 to vector<16xf32>
      %mul3A_2990 = arith.mulf %sub3A_2987, %mul3A_2989 : vector<16xf32>
      %add3A_2991 = arith.addf %sub3A_2961, %mul3A_2990 : vector<16xf32>
      %mul3A_2992 = arith.constant 3.03566395E-7 : f32
      %mul3A_2993 = vector.broadcast %mul3A_2992 : f32 to vector<16xf32>
      %mul3A_2994 = arith.mulf %sub3A_2987, %mul3A_2993 : vector<16xf32>
      %sub3A_2995 = arith.subf %sub3A_2809, %mul3A_2994 : vector<16xf32>
      %mul3A_2996 = arith.constant 0xC9C90F70 : f32
      %mul3A_2997 = vector.broadcast %mul3A_2996 : f32 to vector<16xf32>
      %mul3A_2998 = arith.mulf %sub3A_2839, %mul3A_2997 : vector<16xf32>
      %add3A_2999 = arith.constant -0.287390709 : f32
      %add3A_3000 = vector.broadcast %add3A_2999 : f32 to vector<16xf32>
      %add3A_3001 = arith.addf %mul3A_2998, %add3A_3000 : vector<16xf32>
      %exp3A_3002 = math.exp %add3A_3001 : vector<16xf32>
      %add3A_3003 = arith.constant 1.000000e+00 : f32
      %add3A_3004 = vector.broadcast %add3A_3003 : f32 to vector<16xf32>
      %add3A_3005 = arith.addf %exp3A_3002, %add3A_3004 : vector<16xf32>
      %div3A_3006 = arith.constant 7.00700045 : f32
      %div3A_3007 = vector.broadcast %div3A_3006 : f32 to vector<16xf32>
      %div3A_3008 = arith.divf %div3A_3007, %add3A_3005 : vector<16xf32>
      %add3A_3009 = arith.constant -4.003500e+00 : f32
      %add3A_3010 = vector.broadcast %add3A_3009 : f32 to vector<16xf32>
      %add3A_3011 = arith.addf %div3A_3008, %add3A_3010 : vector<16xf32>
      %add3A_3012 = arith.constant 0x4B400000 : f32
      %add3A_3013 = vector.broadcast %add3A_3012 : f32 to vector<16xf32>
      %add3A_3014 = arith.addf %add3A_3011, %add3A_3013 : vector<16xf32>
      %sub3A_3015 = arith.constant 0x4B400000 : f32
      %sub3A_3016 = vector.broadcast %sub3A_3015 : f32 to vector<16xf32>
      %sub3A_3017 = arith.subf %add3A_3014, %sub3A_3016 : vector<16xf32>
      %mul3A_3018 = arith.constant 6.400000e+01 : f32
      %mul3A_3019 = vector.broadcast %mul3A_3018 : f32 to vector<16xf32>
      %mul3A_3020 = arith.mulf %sub3A_3017, %mul3A_3019 : vector<16xf32>
      %add3A_3021 = arith.addf %add3A_2991, %mul3A_3020 : vector<16xf32>
      %mul3A_3022 = arith.constant 3.03566395E-7 : f32
      %mul3A_3023 = vector.broadcast %mul3A_3022 : f32 to vector<16xf32>
      %mul3A_3024 = arith.mulf %sub3A_3017, %mul3A_3023 : vector<16xf32>
      %sub3A_3025 = arith.subf %sub3A_2839, %mul3A_3024 : vector<16xf32>
      %mul3A_3026 = arith.constant -3.276800e+04 : f32
      %mul3A_3027 = vector.broadcast %mul3A_3026 : f32 to vector<16xf32>
      %mul3A_3028 = arith.mulf %sub3A_2869, %mul3A_3027 : vector<16xf32>
      %add3A_3029 = arith.constant -0.000000e+00 : f32
      %add3A_3030 = vector.broadcast %add3A_3029 : f32 to vector<16xf32>
      %add3A_3031 = arith.addf %mul3A_3028, %add3A_3030 : vector<16xf32>
      %exp3A_3032 = math.exp %add3A_3031 : vector<16xf32>
      %add3A_3033 = arith.constant 1.000000e+00 : f32
      %add3A_3034 = vector.broadcast %add3A_3033 : f32 to vector<16xf32>
      %add3A_3035 = arith.addf %exp3A_3032, %add3A_3034 : vector<16xf32>
      %div3A_3036 = arith.constant 4.004000e+00 : f32
      %div3A_3037 = vector.broadcast %div3A_3036 : f32 to vector<16xf32>
      %div3A_3038 = arith.divf %div3A_3037, %add3A_3035 : vector<16xf32>
      %add3A_3039 = arith.constant -2.002000e+00 : f32
      %add3A_3040 = vector.broadcast %add3A_3039 : f32 to vector<16xf32>
      %add3A_3041 = arith.addf %div3A_3038, %add3A_3040 : vector<16xf32>
      %add3A_3042 = arith.constant 0x4B400000 : f32
      %add3A_3043 = vector.broadcast %add3A_3042 : f32 to vector<16xf32>
      %add3A_3044 = arith.addf %add3A_3041, %add3A_3043 : vector<16xf32>
      %sub3A_3045 = arith.constant 0x4B400000 : f32
      %sub3A_3046 = vector.broadcast %sub3A_3045 : f32 to vector<16xf32>
      %sub3A_3047 = arith.subf %add3A_3044, %sub3A_3046 : vector<16xf32>
      %mul3A_3048 = arith.constant 5.120000e+02 : f32
      %mul3A_3049 = vector.broadcast %mul3A_3048 : f32 to vector<16xf32>
      %mul3A_3050 = arith.mulf %sub3A_3047, %mul3A_3049 : vector<16xf32>
      %add3A_3051 = arith.addf %add3A_3021, %mul3A_3050 : vector<16xf32>
      %mul3A_3052 = arith.constant 3.05175781E-5 : f32
      %mul3A_3053 = vector.broadcast %mul3A_3052 : f32 to vector<16xf32>
      %mul3A_3054 = arith.mulf %sub3A_3047, %mul3A_3053 : vector<16xf32>
      %sub3A_3055 = arith.subf %sub3A_2869, %mul3A_3054 : vector<16xf32>
      %mul3A_3056 = arith.constant -3.276800e+04 : f32
      %mul3A_3057 = vector.broadcast %mul3A_3056 : f32 to vector<16xf32>
      %mul3A_3058 = arith.mulf %sub3A_2899, %mul3A_3057 : vector<16xf32>
      %add3A_3059 = arith.constant -0.000000e+00 : f32
      %add3A_3060 = vector.broadcast %add3A_3059 : f32 to vector<16xf32>
      %add3A_3061 = arith.addf %mul3A_3058, %add3A_3060 : vector<16xf32>
      %exp3A_3062 = math.exp %add3A_3061 : vector<16xf32>
      %add3A_3063 = arith.constant 1.000000e+00 : f32
      %add3A_3064 = vector.broadcast %add3A_3063 : f32 to vector<16xf32>
      %add3A_3065 = arith.addf %exp3A_3062, %add3A_3064 : vector<16xf32>
      %div3A_3066 = arith.constant 4.004000e+00 : f32
      %div3A_3067 = vector.broadcast %div3A_3066 : f32 to vector<16xf32>
      %div3A_3068 = arith.divf %div3A_3067, %add3A_3065 : vector<16xf32>
      %add3A_3069 = arith.constant -2.002000e+00 : f32
      %add3A_3070 = vector.broadcast %add3A_3069 : f32 to vector<16xf32>
      %add3A_3071 = arith.addf %div3A_3068, %add3A_3070 : vector<16xf32>
      %add3A_3072 = arith.constant 0x4B400000 : f32
      %add3A_3073 = vector.broadcast %add3A_3072 : f32 to vector<16xf32>
      %add3A_3074 = arith.addf %add3A_3071, %add3A_3073 : vector<16xf32>
      %sub3A_3075 = arith.constant 0x4B400000 : f32
      %sub3A_3076 = vector.broadcast %sub3A_3075 : f32 to vector<16xf32>
      %sub3A_3077 = arith.subf %add3A_3074, %sub3A_3076 : vector<16xf32>
      %mul3A_3078 = arith.constant 2.560000e+03 : f32
      %mul3A_3079 = vector.broadcast %mul3A_3078 : f32 to vector<16xf32>
      %mul3A_3080 = arith.mulf %sub3A_3077, %mul3A_3079 : vector<16xf32>
      %add3A_3081 = arith.addf %add3A_3051, %mul3A_3080 : vector<16xf32>
      %mul3A_3082 = arith.constant 3.05175781E-5 : f32
      %mul3A_3083 = vector.broadcast %mul3A_3082 : f32 to vector<16xf32>
      %mul3A_3084 = arith.mulf %sub3A_3077, %mul3A_3083 : vector<16xf32>
      %sub3A_3085 = arith.subf %sub3A_2899, %mul3A_3084 : vector<16xf32>
      %mul3A_3086 = arith.constant -3.276800e+04 : f32
      %mul3A_3087 = vector.broadcast %mul3A_3086 : f32 to vector<16xf32>
      %mul3A_3088 = arith.mulf %sub3A_2929, %mul3A_3087 : vector<16xf32>
      %add3A_3089 = arith.constant -0.000000e+00 : f32
      %add3A_3090 = vector.broadcast %add3A_3089 : f32 to vector<16xf32>
      %add3A_3091 = arith.addf %mul3A_3088, %add3A_3090 : vector<16xf32>
      %exp3A_3092 = math.exp %add3A_3091 : vector<16xf32>
      %add3A_3093 = arith.constant 1.000000e+00 : f32
      %add3A_3094 = vector.broadcast %add3A_3093 : f32 to vector<16xf32>
      %add3A_3095 = arith.addf %exp3A_3092, %add3A_3094 : vector<16xf32>
      %div3A_3096 = arith.constant 4.004000e+00 : f32
      %div3A_3097 = vector.broadcast %div3A_3096 : f32 to vector<16xf32>
      %div3A_3098 = arith.divf %div3A_3097, %add3A_3095 : vector<16xf32>
      %add3A_3099 = arith.constant -2.002000e+00 : f32
      %add3A_3100 = vector.broadcast %add3A_3099 : f32 to vector<16xf32>
      %add3A_3101 = arith.addf %div3A_3098, %add3A_3100 : vector<16xf32>
      %add3A_3102 = arith.constant 0x4B400000 : f32
      %add3A_3103 = vector.broadcast %add3A_3102 : f32 to vector<16xf32>
      %add3A_3104 = arith.addf %add3A_3101, %add3A_3103 : vector<16xf32>
      %sub3A_3105 = arith.constant 0x4B400000 : f32
      %sub3A_3106 = vector.broadcast %sub3A_3105 : f32 to vector<16xf32>
      %sub3A_3107 = arith.subf %add3A_3104, %sub3A_3106 : vector<16xf32>
      %mul3A_3108 = arith.constant 1.280000e+04 : f32
      %mul3A_3109 = vector.broadcast %mul3A_3108 : f32 to vector<16xf32>
      %mul3A_3110 = arith.mulf %sub3A_3107, %mul3A_3109 : vector<16xf32>
      %add3A_3111 = arith.addf %add3A_3081, %mul3A_3110 : vector<16xf32>
      %mul3A_3112 = arith.constant 3.05175781E-5 : f32
      %mul3A_3113 = vector.broadcast %mul3A_3112 : f32 to vector<16xf32>
      %mul3A_3114 = arith.mulf %sub3A_3107, %mul3A_3113 : vector<16xf32>
      %sub3A_3115 = arith.subf %sub3A_2929, %mul3A_3114 : vector<16xf32>
      %add3A_3116 = arith.constant 3.203600e+04 : f32
      %add3A_3117 = vector.broadcast %add3A_3116 : f32 to vector<16xf32>
      %add3A_3118 = arith.addf %add3A_3111, %add3A_3117 : vector<16xf32>
      %convert_element_type3A_3119 = arith.fptosi %add3A_3118 : vector<16xf32> to vector<16xi32>
      %swap3A_3120 = arith.constant 7 : i32
      %swap3A_3121 = arith.index_cast %swap3A_3120 : i32 to index
      %swap3A_3122 = arith.index_cast %add3A_1607 : i32 to index
      %swap3A_3123 = tpu.vector_load %arg7[%swap3A_3121, %swap3A_3122] {strides = array<i32>} : memref<8x128xi32, #tpu.memory_space<vmem>>, vector<1x16xi32>,
      %swap3A_3124 = vector.shape_cast %swap3A_3123 : vector<1x16xi32> to vector<16xi32>
      %swap3A_3125 = vector.shape_cast %convert_element_type3A_3119 : vector<16xi32> to vector<1x16xi32>
      tpu.vector_store %arg7[%swap3A_3121, %swap3A_3122], %swap3A_3125 {strides = array<i32>} : memref<8x128xi32, #tpu.memory_space<vmem>>, vector<1x16xi32>,
      %sub3A_3126 = arith.subf %get3A_1612, %sub3A_2965 : vector<16xf32>
      %swap3A_3127 = arith.constant 0 : i32
      %swap3A_3128 = arith.index_cast %swap3A_3127 : i32 to index
      %swap3A_3129 = arith.index_cast %add3A_1607 : i32 to index
      %swap3A_3130 = tpu.vector_load %arg6[%swap3A_3128, %swap3A_3129] {strides = array<i32>} : memref<6x128xf32, #tpu.memory_space<vmem>>, vector<1x16xf32>,
      %swap3A_3131 = vector.shape_cast %swap3A_3130 : vector<1x16xf32> to vector<16xf32>
      %swap3A_3132 = vector.shape_cast %sub3A_3126 : vector<16xf32> to vector<1x16xf32>
      tpu.vector_store %arg6[%swap3A_3128, %swap3A_3129], %swap3A_3132 {strides = array<i32>} : memref<6x128xf32, #tpu.memory_space<vmem>>, vector<1x16xf32>,
      %sub3A_3133 = arith.subf %get3A_1617, %sub3A_2995 : vector<16xf32>
      %swap3A_3134 = arith.constant 1 : i32
      %swap3A_3135 = arith.index_cast %swap3A_3134 : i32 to index
      %swap3A_3136 = arith.index_cast %add3A_1607 : i32 to index
      %swap3A_3137 = tpu.vector_load %arg6[%swap3A_3135, %swap3A_3136] {strides = array<i32>} : memref<6x128xf32, #tpu.memory_space<vmem>>, vector<1x16xf32>,
      %swap3A_3138 = vector.shape_cast %swap3A_3137 : vector<1x16xf32> to vector<16xf32>
      %swap3A_3139 = vector.shape_cast %sub3A_3133 : vector<16xf32> to vector<1x16xf32>
      tpu.vector_store %arg6[%swap3A_3135, %swap3A_3136], %swap3A_3139 {strides = array<i32>} : memref<6x128xf32, #tpu.memory_space<vmem>>, vector<1x16xf32>,
      %sub3A_3140 = arith.subf %get3A_1622, %sub3A_3025 : vector<16xf32>
      %swap3A_3141 = arith.constant 2 : i32
      %swap3A_3142 = arith.index_cast %swap3A_3141 : i32 to index
      %swap3A_3143 = arith.index_cast %add3A_1607 : i32 to index
      %swap3A_3144 = tpu.vector_load %arg6[%swap3A_3142, %swap3A_3143] {strides = array<i32>} : memref<6x128xf32, #tpu.memory_space<vmem>>, vector<1x16xf32>,
      %swap3A_3145 = vector.shape_cast %swap3A_3144 : vector<1x16xf32> to vector<16xf32>
      %swap3A_3146 = vector.shape_cast %sub3A_3140 : vector<16xf32> to vector<1x16xf32>
      tpu.vector_store %arg6[%swap3A_3142, %swap3A_3143], %swap3A_3146 {strides = array<i32>} : memref<6x128xf32, #tpu.memory_space<vmem>>, vector<1x16xf32>,
      %sub3A_3147 = arith.subf %get3A_1627, %sub3A_3055 : vector<16xf32>
      %swap3A_3148 = arith.constant 3 : i32
      %swap3A_3149 = arith.index_cast %swap3A_3148 : i32 to index
      %swap3A_3150 = arith.index_cast %add3A_1607 : i32 to index
      %swap3A_3151 = tpu.vector_load %arg6[%swap3A_3149, %swap3A_3150] {strides = array<i32>} : memref<6x128xf32, #tpu.memory_space<vmem>>, vector<1x16xf32>,
      %swap3A_3152 = vector.shape_cast %swap3A_3151 : vector<1x16xf32> to vector<16xf32>
      %swap3A_3153 = vector.shape_cast %sub3A_3147 : vector<16xf32> to vector<1x16xf32>
      tpu.vector_store %arg6[%swap3A_3149, %swap3A_3150], %swap3A_3153 {strides = array<i32>} : memref<6x128xf32, #tpu.memory_space<vmem>>, vector<1x16xf32>,
      %sub3A_3154 = arith.subf %get3A_1632, %sub3A_3085 : vector<16xf32>
      %swap3A_3155 = arith.constant 4 : i32
      %swap3A_3156 = arith.index_cast %swap3A_3155 : i32 to index
      %swap3A_3157 = arith.index_cast %add3A_1607 : i32 to index
      %swap3A_3158 = tpu.vector_load %arg6[%swap3A_3156, %swap3A_3157] {strides = array<i32>} : memref<6x128xf32, #tpu.memory_space<vmem>>, vector<1x16xf32>,
      %swap3A_3159 = vector.shape_cast %swap3A_3158 : vector<1x16xf32> to vector<16xf32>
      %swap3A_3160 = vector.shape_cast %sub3A_3154 : vector<16xf32> to vector<1x16xf32>
      tpu.vector_store %arg6[%swap3A_3156, %swap3A_3157], %swap3A_3160 {strides = array<i32>} : memref<6x128xf32, #tpu.memory_space<vmem>>, vector<1x16xf32>,
      %sub3A_3161 = arith.subf %get3A_1637, %sub3A_3115 : vector<16xf32>
      %swap3A_3162 = arith.constant 5 : i32
      %swap3A_3163 = arith.index_cast %swap3A_3162 : i32 to index
      %swap3A_3164 = arith.index_cast %add3A_1607 : i32 to index
      %swap3A_3165 = tpu.vector_load %arg6[%swap3A_3163, %swap3A_3164] {strides = array<i32>} : memref<6x128xf32, #tpu.memory_space<vmem>>, vector<1x16xf32>,
      %swap3A_3166 = vector.shape_cast %swap3A_3165 : vector<1x16xf32> to vector<16xf32>
      %swap3A_3167 = vector.shape_cast %sub3A_3161 : vector<16xf32> to vector<1x16xf32>
      tpu.vector_store %arg6[%swap3A_3163, %swap3A_3164], %swap3A_3167 {strides = array<i32>} : memref<6x128xf32, #tpu.memory_space<vmem>>, vector<1x16xf32>,
    }
    %scan3A_18 = arith.constant 4 : i32
    %run_scoped3A_19 = arith.constant 0 : i32
    %run_scoped3A_20 = arith.constant 0 : i32
    "tpu.region"() ({
      %run_scoped3A_47 = tpu.sem_alloc : memref<!tpu.dma_semaphore, #tpu.memory_space<semaphore_mem>>
      %dma_start3A = arith.constant 0 : i32
      %dma_start3A_48 = tpu.memref_slice %arg6[%run_scoped3A_19, %dma_start3A] : memref<6x128xf32, #tpu.memory_space<vmem>> -> memref<1x128xf32, #tpu.memory_space<vmem>>
      %dma_start3A_49 = tpu.memref_squeeze %dma_start3A_48 : memref<1x128xf32, #tpu.memory_space<vmem>> -> memref<128xf32, #tpu.memory_space<vmem>>
      %dma_start3A_50 = tpu.memref_slice %arg3[%run_scoped3A_20, %mul3A_2] : memref<6x4096xf32, #tpu.memory_space<hbm>> -> memref<1x128xf32, #tpu.memory_space<hbm>>
      %dma_start3A_51 = tpu.memref_squeeze %dma_start3A_50 : memref<1x128xf32, #tpu.memory_space<hbm>> -> memref<128xf32, #tpu.memory_space<hbm>>
      %dma_start3A_52 = tpu.memref_slice %arg3[%run_scoped3A_20, %mul3A_2] : memref<6x4096xf32, #tpu.memory_space<hbm>> -> memref<1x128xf32, #tpu.memory_space<hbm>>
      %dma_start3A_53 = tpu.memref_squeeze %dma_start3A_52 : memref<1x128xf32, #tpu.memory_space<hbm>> -> memref<128xf32, #tpu.memory_space<hbm>>
      %dma_start3A_54 = arith.constant 0 : i32
      %dma_start3A_55 = tpu.memref_slice %arg6[%run_scoped3A_19, %dma_start3A_54] : memref<6x128xf32, #tpu.memory_space<vmem>> -> memref<1x128xf32, #tpu.memory_space<vmem>>
      %dma_start3A_56 = tpu.memref_squeeze %dma_start3A_55 : memref<1x128xf32, #tpu.memory_space<vmem>> -> memref<128xf32, #tpu.memory_space<vmem>>
      tpu.enqueue_dma source(%dma_start3A_56 : memref<128xf32, #tpu.memory_space<vmem>>) target(%dma_start3A_53 : memref<128xf32, #tpu.memory_space<hbm>>) target_semaphore(%run_scoped3A_47 : memref<!tpu.dma_semaphore, #tpu.memory_space<semaphore_mem>>)
      %dma_wait3A = arith.constant 0 : i32
      %dma_wait3A_57 = tpu.memref_slice %arg6[%run_scoped3A_19, %dma_wait3A] : memref<6x128xf32, #tpu.memory_space<vmem>> -> memref<1x128xf32, #tpu.memory_space<vmem>>
      %dma_wait3A_58 = tpu.memref_squeeze %dma_wait3A_57 : memref<1x128xf32, #tpu.memory_space<vmem>> -> memref<128xf32, #tpu.memory_space<vmem>>
      %dma_wait3A_59 = tpu.memref_slice %arg3[%run_scoped3A_20, %mul3A_2] : memref<6x4096xf32, #tpu.memory_space<hbm>> -> memref<1x128xf32, #tpu.memory_space<hbm>>
      %dma_wait3A_60 = tpu.memref_squeeze %dma_wait3A_59 : memref<1x128xf32, #tpu.memory_space<hbm>> -> memref<128xf32, #tpu.memory_space<hbm>>
      %dma_wait3A_61 = tpu.memref_slice %arg3[%run_scoped3A_20, %mul3A_2] : memref<6x4096xf32, #tpu.memory_space<hbm>> -> memref<1x128xf32, #tpu.memory_space<hbm>>
      %dma_wait3A_62 = tpu.memref_squeeze %dma_wait3A_61 : memref<1x128xf32, #tpu.memory_space<hbm>> -> memref<128xf32, #tpu.memory_space<hbm>>
      %dma_wait3A_63 = arith.constant 0 : i32
      %dma_wait3A_64 = tpu.memref_slice %arg6[%run_scoped3A_19, %dma_wait3A_63] : memref<6x128xf32, #tpu.memory_space<vmem>> -> memref<1x128xf32, #tpu.memory_space<vmem>>
      %dma_wait3A_65 = tpu.memref_squeeze %dma_wait3A_64 : memref<1x128xf32, #tpu.memory_space<vmem>> -> memref<128xf32, #tpu.memory_space<vmem>>
      tpu.wait_dma2 semaphore(%run_scoped3A_47 : memref<!tpu.dma_semaphore, #tpu.memory_space<semaphore_mem>>) src(%dma_wait3A_65 : memref<128xf32, #tpu.memory_space<vmem>>) dst(%dma_wait3A_62 : memref<128xf32, #tpu.memory_space<hbm>>)
      tpu.yield
    }) : () -> ()
    %run_scoped3A_21 = arith.constant 1 : i32
    %run_scoped3A_22 = arith.constant 1 : i32
    "tpu.region"() ({
      %run_scoped3A_47 = tpu.sem_alloc : memref<!tpu.dma_semaphore, #tpu.memory_space<semaphore_mem>>
      %dma_start3A = arith.constant 0 : i32
      %dma_start3A_48 = tpu.memref_slice %arg6[%run_scoped3A_21, %dma_start3A] : memref<6x128xf32, #tpu.memory_space<vmem>> -> memref<1x128xf32, #tpu.memory_space<vmem>>
      %dma_start3A_49 = tpu.memref_squeeze %dma_start3A_48 : memref<1x128xf32, #tpu.memory_space<vmem>> -> memref<128xf32, #tpu.memory_space<vmem>>
      %dma_start3A_50 = tpu.memref_slice %arg3[%run_scoped3A_22, %mul3A_2] : memref<6x4096xf32, #tpu.memory_space<hbm>> -> memref<1x128xf32, #tpu.memory_space<hbm>>
      %dma_start3A_51 = tpu.memref_squeeze %dma_start3A_50 : memref<1x128xf32, #tpu.memory_space<hbm>> -> memref<128xf32, #tpu.memory_space<hbm>>
      %dma_start3A_52 = tpu.memref_slice %arg3[%run_scoped3A_22, %mul3A_2] : memref<6x4096xf32, #tpu.memory_space<hbm>> -> memref<1x128xf32, #tpu.memory_space<hbm>>
      %dma_start3A_53 = tpu.memref_squeeze %dma_start3A_52 : memref<1x128xf32, #tpu.memory_space<hbm>> -> memref<128xf32, #tpu.memory_space<hbm>>
      %dma_start3A_54 = arith.constant 0 : i32
      %dma_start3A_55 = tpu.memref_slice %arg6[%run_scoped3A_21, %dma_start3A_54] : memref<6x128xf32, #tpu.memory_space<vmem>> -> memref<1x128xf32, #tpu.memory_space<vmem>>
      %dma_start3A_56 = tpu.memref_squeeze %dma_start3A_55 : memref<1x128xf32, #tpu.memory_space<vmem>> -> memref<128xf32, #tpu.memory_space<vmem>>
      tpu.enqueue_dma source(%dma_start3A_56 : memref<128xf32, #tpu.memory_space<vmem>>) target(%dma_start3A_53 : memref<128xf32, #tpu.memory_space<hbm>>) target_semaphore(%run_scoped3A_47 : memref<!tpu.dma_semaphore, #tpu.memory_space<semaphore_mem>>)
      %dma_wait3A = arith.constant 0 : i32
      %dma_wait3A_57 = tpu.memref_slice %arg6[%run_scoped3A_21, %dma_wait3A] : memref<6x128xf32, #tpu.memory_space<vmem>> -> memref<1x128xf32, #tpu.memory_space<vmem>>
      %dma_wait3A_58 = tpu.memref_squeeze %dma_wait3A_57 : memref<1x128xf32, #tpu.memory_space<vmem>> -> memref<128xf32, #tpu.memory_space<vmem>>
      %dma_wait3A_59 = tpu.memref_slice %arg3[%run_scoped3A_22, %mul3A_2] : memref<6x4096xf32, #tpu.memory_space<hbm>> -> memref<1x128xf32, #tpu.memory_space<hbm>>
      %dma_wait3A_60 = tpu.memref_squeeze %dma_wait3A_59 : memref<1x128xf32, #tpu.memory_space<hbm>> -> memref<128xf32, #tpu.memory_space<hbm>>
      %dma_wait3A_61 = tpu.memref_slice %arg3[%run_scoped3A_22, %mul3A_2] : memref<6x4096xf32, #tpu.memory_space<hbm>> -> memref<1x128xf32, #tpu.memory_space<hbm>>
      %dma_wait3A_62 = tpu.memref_squeeze %dma_wait3A_61 : memref<1x128xf32, #tpu.memory_space<hbm>> -> memref<128xf32, #tpu.memory_space<hbm>>
      %dma_wait3A_63 = arith.constant 0 : i32
      %dma_wait3A_64 = tpu.memref_slice %arg6[%run_scoped3A_21, %dma_wait3A_63] : memref<6x128xf32, #tpu.memory_space<vmem>> -> memref<1x128xf32, #tpu.memory_space<vmem>>
      %dma_wait3A_65 = tpu.memref_squeeze %dma_wait3A_64 : memref<1x128xf32, #tpu.memory_space<vmem>> -> memref<128xf32, #tpu.memory_space<vmem>>
      tpu.wait_dma2 semaphore(%run_scoped3A_47 : memref<!tpu.dma_semaphore, #tpu.memory_space<semaphore_mem>>) src(%dma_wait3A_65 : memref<128xf32, #tpu.memory_space<vmem>>) dst(%dma_wait3A_62 : memref<128xf32, #tpu.memory_space<hbm>>)
      tpu.yield
    }) : () -> ()
    %run_scoped3A_23 = arith.constant 2 : i32
    %run_scoped3A_24 = arith.constant 2 : i32
    "tpu.region"() ({
      %run_scoped3A_47 = tpu.sem_alloc : memref<!tpu.dma_semaphore, #tpu.memory_space<semaphore_mem>>
      %dma_start3A = arith.constant 0 : i32
      %dma_start3A_48 = tpu.memref_slice %arg6[%run_scoped3A_23, %dma_start3A] : memref<6x128xf32, #tpu.memory_space<vmem>> -> memref<1x128xf32, #tpu.memory_space<vmem>>
      %dma_start3A_49 = tpu.memref_squeeze %dma_start3A_48 : memref<1x128xf32, #tpu.memory_space<vmem>> -> memref<128xf32, #tpu.memory_space<vmem>>
      %dma_start3A_50 = tpu.memref_slice %arg3[%run_scoped3A_24, %mul3A_2] : memref<6x4096xf32, #tpu.memory_space<hbm>> -> memref<1x128xf32, #tpu.memory_space<hbm>>
      %dma_start3A_51 = tpu.memref_squeeze %dma_start3A_50 : memref<1x128xf32, #tpu.memory_space<hbm>> -> memref<128xf32, #tpu.memory_space<hbm>>
      %dma_start3A_52 = tpu.memref_slice %arg3[%run_scoped3A_24, %mul3A_2] : memref<6x4096xf32, #tpu.memory_space<hbm>> -> memref<1x128xf32, #tpu.memory_space<hbm>>
      %dma_start3A_53 = tpu.memref_squeeze %dma_start3A_52 : memref<1x128xf32, #tpu.memory_space<hbm>> -> memref<128xf32, #tpu.memory_space<hbm>>
      %dma_start3A_54 = arith.constant 0 : i32
      %dma_start3A_55 = tpu.memref_slice %arg6[%run_scoped3A_23, %dma_start3A_54] : memref<6x128xf32, #tpu.memory_space<vmem>> -> memref<1x128xf32, #tpu.memory_space<vmem>>
      %dma_start3A_56 = tpu.memref_squeeze %dma_start3A_55 : memref<1x128xf32, #tpu.memory_space<vmem>> -> memref<128xf32, #tpu.memory_space<vmem>>
      tpu.enqueue_dma source(%dma_start3A_56 : memref<128xf32, #tpu.memory_space<vmem>>) target(%dma_start3A_53 : memref<128xf32, #tpu.memory_space<hbm>>) target_semaphore(%run_scoped3A_47 : memref<!tpu.dma_semaphore, #tpu.memory_space<semaphore_mem>>)
      %dma_wait3A = arith.constant 0 : i32
      %dma_wait3A_57 = tpu.memref_slice %arg6[%run_scoped3A_23, %dma_wait3A] : memref<6x128xf32, #tpu.memory_space<vmem>> -> memref<1x128xf32, #tpu.memory_space<vmem>>
      %dma_wait3A_58 = tpu.memref_squeeze %dma_wait3A_57 : memref<1x128xf32, #tpu.memory_space<vmem>> -> memref<128xf32, #tpu.memory_space<vmem>>
      %dma_wait3A_59 = tpu.memref_slice %arg3[%run_scoped3A_24, %mul3A_2] : memref<6x4096xf32, #tpu.memory_space<hbm>> -> memref<1x128xf32, #tpu.memory_space<hbm>>
      %dma_wait3A_60 = tpu.memref_squeeze %dma_wait3A_59 : memref<1x128xf32, #tpu.memory_space<hbm>> -> memref<128xf32, #tpu.memory_space<hbm>>
      %dma_wait3A_61 = tpu.memref_slice %arg3[%run_scoped3A_24, %mul3A_2] : memref<6x4096xf32, #tpu.memory_space<hbm>> -> memref<1x128xf32, #tpu.memory_space<hbm>>
      %dma_wait3A_62 = tpu.memref_squeeze %dma_wait3A_61 : memref<1x128xf32, #tpu.memory_space<hbm>> -> memref<128xf32, #tpu.memory_space<hbm>>
      %dma_wait3A_63 = arith.constant 0 : i32
      %dma_wait3A_64 = tpu.memref_slice %arg6[%run_scoped3A_23, %dma_wait3A_63] : memref<6x128xf32, #tpu.memory_space<vmem>> -> memref<1x128xf32, #tpu.memory_space<vmem>>
      %dma_wait3A_65 = tpu.memref_squeeze %dma_wait3A_64 : memref<1x128xf32, #tpu.memory_space<vmem>> -> memref<128xf32, #tpu.memory_space<vmem>>
      tpu.wait_dma2 semaphore(%run_scoped3A_47 : memref<!tpu.dma_semaphore, #tpu.memory_space<semaphore_mem>>) src(%dma_wait3A_65 : memref<128xf32, #tpu.memory_space<vmem>>) dst(%dma_wait3A_62 : memref<128xf32, #tpu.memory_space<hbm>>)
      tpu.yield
    }) : () -> ()
    %run_scoped3A_25 = arith.constant 3 : i32
    %run_scoped3A_26 = arith.constant 3 : i32
    "tpu.region"() ({
      %run_scoped3A_47 = tpu.sem_alloc : memref<!tpu.dma_semaphore, #tpu.memory_space<semaphore_mem>>
      %dma_start3A = arith.constant 0 : i32
      %dma_start3A_48 = tpu.memref_slice %arg6[%run_scoped3A_25, %dma_start3A] : memref<6x128xf32, #tpu.memory_space<vmem>> -> memref<1x128xf32, #tpu.memory_space<vmem>>
      %dma_start3A_49 = tpu.memref_squeeze %dma_start3A_48 : memref<1x128xf32, #tpu.memory_space<vmem>> -> memref<128xf32, #tpu.memory_space<vmem>>
      %dma_start3A_50 = tpu.memref_slice %arg3[%run_scoped3A_26, %mul3A_2] : memref<6x4096xf32, #tpu.memory_space<hbm>> -> memref<1x128xf32, #tpu.memory_space<hbm>>
      %dma_start3A_51 = tpu.memref_squeeze %dma_start3A_50 : memref<1x128xf32, #tpu.memory_space<hbm>> -> memref<128xf32, #tpu.memory_space<hbm>>
      %dma_start3A_52 = tpu.memref_slice %arg3[%run_scoped3A_26, %mul3A_2] : memref<6x4096xf32, #tpu.memory_space<hbm>> -> memref<1x128xf32, #tpu.memory_space<hbm>>
      %dma_start3A_53 = tpu.memref_squeeze %dma_start3A_52 : memref<1x128xf32, #tpu.memory_space<hbm>> -> memref<128xf32, #tpu.memory_space<hbm>>
      %dma_start3A_54 = arith.constant 0 : i32
      %dma_start3A_55 = tpu.memref_slice %arg6[%run_scoped3A_25, %dma_start3A_54] : memref<6x128xf32, #tpu.memory_space<vmem>> -> memref<1x128xf32, #tpu.memory_space<vmem>>
      %dma_start3A_56 = tpu.memref_squeeze %dma_start3A_55 : memref<1x128xf32, #tpu.memory_space<vmem>> -> memref<128xf32, #tpu.memory_space<vmem>>
      tpu.enqueue_dma source(%dma_start3A_56 : memref<128xf32, #tpu.memory_space<vmem>>) target(%dma_start3A_53 : memref<128xf32, #tpu.memory_space<hbm>>) target_semaphore(%run_scoped3A_47 : memref<!tpu.dma_semaphore, #tpu.memory_space<semaphore_mem>>)
      %dma_wait3A = arith.constant 0 : i32
      %dma_wait3A_57 = tpu.memref_slice %arg6[%run_scoped3A_25, %dma_wait3A] : memref<6x128xf32, #tpu.memory_space<vmem>> -> memref<1x128xf32, #tpu.memory_space<vmem>>
      %dma_wait3A_58 = tpu.memref_squeeze %dma_wait3A_57 : memref<1x128xf32, #tpu.memory_space<vmem>> -> memref<128xf32, #tpu.memory_space<vmem>>
      %dma_wait3A_59 = tpu.memref_slice %arg3[%run_scoped3A_26, %mul3A_2] : memref<6x4096xf32, #tpu.memory_space<hbm>> -> memref<1x128xf32, #tpu.memory_space<hbm>>
      %dma_wait3A_60 = tpu.memref_squeeze %dma_wait3A_59 : memref<1x128xf32, #tpu.memory_space<hbm>> -> memref<128xf32, #tpu.memory_space<hbm>>
      %dma_wait3A_61 = tpu.memref_slice %arg3[%run_scoped3A_26, %mul3A_2] : memref<6x4096xf32, #tpu.memory_space<hbm>> -> memref<1x128xf32, #tpu.memory_space<hbm>>
      %dma_wait3A_62 = tpu.memref_squeeze %dma_wait3A_61 : memref<1x128xf32, #tpu.memory_space<hbm>> -> memref<128xf32, #tpu.memory_space<hbm>>
      %dma_wait3A_63 = arith.constant 0 : i32
      %dma_wait3A_64 = tpu.memref_slice %arg6[%run_scoped3A_25, %dma_wait3A_63] : memref<6x128xf32, #tpu.memory_space<vmem>> -> memref<1x128xf32, #tpu.memory_space<vmem>>
      %dma_wait3A_65 = tpu.memref_squeeze %dma_wait3A_64 : memref<1x128xf32, #tpu.memory_space<vmem>> -> memref<128xf32, #tpu.memory_space<vmem>>
      tpu.wait_dma2 semaphore(%run_scoped3A_47 : memref<!tpu.dma_semaphore, #tpu.memory_space<semaphore_mem>>) src(%dma_wait3A_65 : memref<128xf32, #tpu.memory_space<vmem>>) dst(%dma_wait3A_62 : memref<128xf32, #tpu.memory_space<hbm>>)
      tpu.yield
    }) : () -> ()
    %run_scoped3A_27 = arith.constant 4 : i32
    %run_scoped3A_28 = arith.constant 4 : i32
    "tpu.region"() ({
      %run_scoped3A_47 = tpu.sem_alloc : memref<!tpu.dma_semaphore, #tpu.memory_space<semaphore_mem>>
      %dma_start3A = arith.constant 0 : i32
      %dma_start3A_48 = tpu.memref_slice %arg6[%run_scoped3A_27, %dma_start3A] : memref<6x128xf32, #tpu.memory_space<vmem>> -> memref<1x128xf32, #tpu.memory_space<vmem>>
      %dma_start3A_49 = tpu.memref_squeeze %dma_start3A_48 : memref<1x128xf32, #tpu.memory_space<vmem>> -> memref<128xf32, #tpu.memory_space<vmem>>
      %dma_start3A_50 = tpu.memref_slice %arg3[%run_scoped3A_28, %mul3A_2] : memref<6x4096xf32, #tpu.memory_space<hbm>> -> memref<1x128xf32, #tpu.memory_space<hbm>>
      %dma_start3A_51 = tpu.memref_squeeze %dma_start3A_50 : memref<1x128xf32, #tpu.memory_space<hbm>> -> memref<128xf32, #tpu.memory_space<hbm>>
      %dma_start3A_52 = tpu.memref_slice %arg3[%run_scoped3A_28, %mul3A_2] : memref<6x4096xf32, #tpu.memory_space<hbm>> -> memref<1x128xf32, #tpu.memory_space<hbm>>
      %dma_start3A_53 = tpu.memref_squeeze %dma_start3A_52 : memref<1x128xf32, #tpu.memory_space<hbm>> -> memref<128xf32, #tpu.memory_space<hbm>>
      %dma_start3A_54 = arith.constant 0 : i32
      %dma_start3A_55 = tpu.memref_slice %arg6[%run_scoped3A_27, %dma_start3A_54] : memref<6x128xf32, #tpu.memory_space<vmem>> -> memref<1x128xf32, #tpu.memory_space<vmem>>
      %dma_start3A_56 = tpu.memref_squeeze %dma_start3A_55 : memref<1x128xf32, #tpu.memory_space<vmem>> -> memref<128xf32, #tpu.memory_space<vmem>>
      tpu.enqueue_dma source(%dma_start3A_56 : memref<128xf32, #tpu.memory_space<vmem>>) target(%dma_start3A_53 : memref<128xf32, #tpu.memory_space<hbm>>) target_semaphore(%run_scoped3A_47 : memref<!tpu.dma_semaphore, #tpu.memory_space<semaphore_mem>>)
      %dma_wait3A = arith.constant 0 : i32
      %dma_wait3A_57 = tpu.memref_slice %arg6[%run_scoped3A_27, %dma_wait3A] : memref<6x128xf32, #tpu.memory_space<vmem>> -> memref<1x128xf32, #tpu.memory_space<vmem>>
      %dma_wait3A_58 = tpu.memref_squeeze %dma_wait3A_57 : memref<1x128xf32, #tpu.memory_space<vmem>> -> memref<128xf32, #tpu.memory_space<vmem>>
      %dma_wait3A_59 = tpu.memref_slice %arg3[%run_scoped3A_28, %mul3A_2] : memref<6x4096xf32, #tpu.memory_space<hbm>> -> memref<1x128xf32, #tpu.memory_space<hbm>>
      %dma_wait3A_60 = tpu.memref_squeeze %dma_wait3A_59 : memref<1x128xf32, #tpu.memory_space<hbm>> -> memref<128xf32, #tpu.memory_space<hbm>>
      %dma_wait3A_61 = tpu.memref_slice %arg3[%run_scoped3A_28, %mul3A_2] : memref<6x4096xf32, #tpu.memory_space<hbm>> -> memref<1x128xf32, #tpu.memory_space<hbm>>
      %dma_wait3A_62 = tpu.memref_squeeze %dma_wait3A_61 : memref<1x128xf32, #tpu.memory_space<hbm>> -> memref<128xf32, #tpu.memory_space<hbm>>
      %dma_wait3A_63 = arith.constant 0 : i32
      %dma_wait3A_64 = tpu.memref_slice %arg6[%run_scoped3A_27, %dma_wait3A_63] : memref<6x128xf32, #tpu.memory_space<vmem>> -> memref<1x128xf32, #tpu.memory_space<vmem>>
      %dma_wait3A_65 = tpu.memref_squeeze %dma_wait3A_64 : memref<1x128xf32, #tpu.memory_space<vmem>> -> memref<128xf32, #tpu.memory_space<vmem>>
      tpu.wait_dma2 semaphore(%run_scoped3A_47 : memref<!tpu.dma_semaphore, #tpu.memory_space<semaphore_mem>>) src(%dma_wait3A_65 : memref<128xf32, #tpu.memory_space<vmem>>) dst(%dma_wait3A_62 : memref<128xf32, #tpu.memory_space<hbm>>)
      tpu.yield
    }) : () -> ()
    %run_scoped3A_29 = arith.constant 5 : i32
    %run_scoped3A_30 = arith.constant 5 : i32
    "tpu.region"() ({
      %run_scoped3A_47 = tpu.sem_alloc : memref<!tpu.dma_semaphore, #tpu.memory_space<semaphore_mem>>
      %dma_start3A = arith.constant 0 : i32
      %dma_start3A_48 = tpu.memref_slice %arg6[%run_scoped3A_29, %dma_start3A] : memref<6x128xf32, #tpu.memory_space<vmem>> -> memref<1x128xf32, #tpu.memory_space<vmem>>
      %dma_start3A_49 = tpu.memref_squeeze %dma_start3A_48 : memref<1x128xf32, #tpu.memory_space<vmem>> -> memref<128xf32, #tpu.memory_space<vmem>>
      %dma_start3A_50 = tpu.memref_slice %arg3[%run_scoped3A_30, %mul3A_2] : memref<6x4096xf32, #tpu.memory_space<hbm>> -> memref<1x128xf32, #tpu.memory_space<hbm>>
      %dma_start3A_51 = tpu.memref_squeeze %dma_start3A_50 : memref<1x128xf32, #tpu.memory_space<hbm>> -> memref<128xf32, #tpu.memory_space<hbm>>
      %dma_start3A_52 = tpu.memref_slice %arg3[%run_scoped3A_30, %mul3A_2] : memref<6x4096xf32, #tpu.memory_space<hbm>> -> memref<1x128xf32, #tpu.memory_space<hbm>>
      %dma_start3A_53 = tpu.memref_squeeze %dma_start3A_52 : memref<1x128xf32, #tpu.memory_space<hbm>> -> memref<128xf32, #tpu.memory_space<hbm>>
      %dma_start3A_54 = arith.constant 0 : i32
      %dma_start3A_55 = tpu.memref_slice %arg6[%run_scoped3A_29, %dma_start3A_54] : memref<6x128xf32, #tpu.memory_space<vmem>> -> memref<1x128xf32, #tpu.memory_space<vmem>>
      %dma_start3A_56 = tpu.memref_squeeze %dma_start3A_55 : memref<1x128xf32, #tpu.memory_space<vmem>> -> memref<128xf32, #tpu.memory_space<vmem>>
      tpu.enqueue_dma source(%dma_start3A_56 : memref<128xf32, #tpu.memory_space<vmem>>) target(%dma_start3A_53 : memref<128xf32, #tpu.memory_space<hbm>>) target_semaphore(%run_scoped3A_47 : memref<!tpu.dma_semaphore, #tpu.memory_space<semaphore_mem>>)
      %dma_wait3A = arith.constant 0 : i32
      %dma_wait3A_57 = tpu.memref_slice %arg6[%run_scoped3A_29, %dma_wait3A] : memref<6x128xf32, #tpu.memory_space<vmem>> -> memref<1x128xf32, #tpu.memory_space<vmem>>
      %dma_wait3A_58 = tpu.memref_squeeze %dma_wait3A_57 : memref<1x128xf32, #tpu.memory_space<vmem>> -> memref<128xf32, #tpu.memory_space<vmem>>
      %dma_wait3A_59 = tpu.memref_slice %arg3[%run_scoped3A_30, %mul3A_2] : memref<6x4096xf32, #tpu.memory_space<hbm>> -> memref<1x128xf32, #tpu.memory_space<hbm>>
      %dma_wait3A_60 = tpu.memref_squeeze %dma_wait3A_59 : memref<1x128xf32, #tpu.memory_space<hbm>> -> memref<128xf32, #tpu.memory_space<hbm>>
      %dma_wait3A_61 = tpu.memref_slice %arg3[%run_scoped3A_30, %mul3A_2] : memref<6x4096xf32, #tpu.memory_space<hbm>> -> memref<1x128xf32, #tpu.memory_space<hbm>>
      %dma_wait3A_62 = tpu.memref_squeeze %dma_wait3A_61 : memref<1x128xf32, #tpu.memory_space<hbm>> -> memref<128xf32, #tpu.memory_space<hbm>>
      %dma_wait3A_63 = arith.constant 0 : i32
      %dma_wait3A_64 = tpu.memref_slice %arg6[%run_scoped3A_29, %dma_wait3A_63] : memref<6x128xf32, #tpu.memory_space<vmem>> -> memref<1x128xf32, #tpu.memory_space<vmem>>
      %dma_wait3A_65 = tpu.memref_squeeze %dma_wait3A_64 : memref<1x128xf32, #tpu.memory_space<vmem>> -> memref<128xf32, #tpu.memory_space<vmem>>
      tpu.wait_dma2 semaphore(%run_scoped3A_47 : memref<!tpu.dma_semaphore, #tpu.memory_space<semaphore_mem>>) src(%dma_wait3A_65 : memref<128xf32, #tpu.memory_space<vmem>>) dst(%dma_wait3A_62 : memref<128xf32, #tpu.memory_space<hbm>>)
      tpu.yield
    }) : () -> ()
    %run_scoped3A_31 = arith.constant 0 : i32
    %run_scoped3A_32 = arith.constant 0 : i32
    "tpu.region"() ({
      %run_scoped3A_47 = tpu.sem_alloc : memref<!tpu.dma_semaphore, #tpu.memory_space<semaphore_mem>>
      %dma_start3A = arith.constant 0 : i32
      %dma_start3A_48 = tpu.memref_slice %arg7[%run_scoped3A_31, %dma_start3A] : memref<8x128xi32, #tpu.memory_space<vmem>> -> memref<1x128xi32, #tpu.memory_space<vmem>>
      %dma_start3A_49 = tpu.memref_squeeze %dma_start3A_48 : memref<1x128xi32, #tpu.memory_space<vmem>> -> memref<128xi32, #tpu.memory_space<vmem>>
      %dma_start3A_50 = tpu.memref_slice %arg4[%run_scoped3A_32, %mul3A_2] : memref<8x4096xi32, #tpu.memory_space<hbm>> -> memref<1x128xi32, #tpu.memory_space<hbm>>
      %dma_start3A_51 = tpu.memref_squeeze %dma_start3A_50 : memref<1x128xi32, #tpu.memory_space<hbm>> -> memref<128xi32, #tpu.memory_space<hbm>>
      %dma_start3A_52 = tpu.memref_slice %arg4[%run_scoped3A_32, %mul3A_2] : memref<8x4096xi32, #tpu.memory_space<hbm>> -> memref<1x128xi32, #tpu.memory_space<hbm>>
      %dma_start3A_53 = tpu.memref_squeeze %dma_start3A_52 : memref<1x128xi32, #tpu.memory_space<hbm>> -> memref<128xi32, #tpu.memory_space<hbm>>
      %dma_start3A_54 = arith.constant 0 : i32
      %dma_start3A_55 = tpu.memref_slice %arg7[%run_scoped3A_31, %dma_start3A_54] : memref<8x128xi32, #tpu.memory_space<vmem>> -> memref<1x128xi32, #tpu.memory_space<vmem>>
      %dma_start3A_56 = tpu.memref_squeeze %dma_start3A_55 : memref<1x128xi32, #tpu.memory_space<vmem>> -> memref<128xi32, #tpu.memory_space<vmem>>
      tpu.enqueue_dma source(%dma_start3A_56 : memref<128xi32, #tpu.memory_space<vmem>>) target(%dma_start3A_53 : memref<128xi32, #tpu.memory_space<hbm>>) target_semaphore(%run_scoped3A_47 : memref<!tpu.dma_semaphore, #tpu.memory_space<semaphore_mem>>)
      %dma_wait3A = arith.constant 0 : i32
      %dma_wait3A_57 = tpu.memref_slice %arg7[%run_scoped3A_31, %dma_wait3A] : memref<8x128xi32, #tpu.memory_space<vmem>> -> memref<1x128xi32, #tpu.memory_space<vmem>>
      %dma_wait3A_58 = tpu.memref_squeeze %dma_wait3A_57 : memref<1x128xi32, #tpu.memory_space<vmem>> -> memref<128xi32, #tpu.memory_space<vmem>>
      %dma_wait3A_59 = tpu.memref_slice %arg4[%run_scoped3A_32, %mul3A_2] : memref<8x4096xi32, #tpu.memory_space<hbm>> -> memref<1x128xi32, #tpu.memory_space<hbm>>
      %dma_wait3A_60 = tpu.memref_squeeze %dma_wait3A_59 : memref<1x128xi32, #tpu.memory_space<hbm>> -> memref<128xi32, #tpu.memory_space<hbm>>
      %dma_wait3A_61 = tpu.memref_slice %arg4[%run_scoped3A_32, %mul3A_2] : memref<8x4096xi32, #tpu.memory_space<hbm>> -> memref<1x128xi32, #tpu.memory_space<hbm>>
      %dma_wait3A_62 = tpu.memref_squeeze %dma_wait3A_61 : memref<1x128xi32, #tpu.memory_space<hbm>> -> memref<128xi32, #tpu.memory_space<hbm>>
      %dma_wait3A_63 = arith.constant 0 : i32
      %dma_wait3A_64 = tpu.memref_slice %arg7[%run_scoped3A_31, %dma_wait3A_63] : memref<8x128xi32, #tpu.memory_space<vmem>> -> memref<1x128xi32, #tpu.memory_space<vmem>>
      %dma_wait3A_65 = tpu.memref_squeeze %dma_wait3A_64 : memref<1x128xi32, #tpu.memory_space<vmem>> -> memref<128xi32, #tpu.memory_space<vmem>>
      tpu.wait_dma2 semaphore(%run_scoped3A_47 : memref<!tpu.dma_semaphore, #tpu.memory_space<semaphore_mem>>) src(%dma_wait3A_65 : memref<128xi32, #tpu.memory_space<vmem>>) dst(%dma_wait3A_62 : memref<128xi32, #tpu.memory_space<hbm>>)
      tpu.yield
    }) : () -> ()
    %run_scoped3A_33 = arith.constant 1 : i32
    %run_scoped3A_34 = arith.constant 1 : i32
    "tpu.region"() ({
      %run_scoped3A_47 = tpu.sem_alloc : memref<!tpu.dma_semaphore, #tpu.memory_space<semaphore_mem>>
      %dma_start3A = arith.constant 0 : i32
      %dma_start3A_48 = tpu.memref_slice %arg7[%run_scoped3A_33, %dma_start3A] : memref<8x128xi32, #tpu.memory_space<vmem>> -> memref<1x128xi32, #tpu.memory_space<vmem>>
      %dma_start3A_49 = tpu.memref_squeeze %dma_start3A_48 : memref<1x128xi32, #tpu.memory_space<vmem>> -> memref<128xi32, #tpu.memory_space<vmem>>
      %dma_start3A_50 = tpu.memref_slice %arg4[%run_scoped3A_34, %mul3A_2] : memref<8x4096xi32, #tpu.memory_space<hbm>> -> memref<1x128xi32, #tpu.memory_space<hbm>>
      %dma_start3A_51 = tpu.memref_squeeze %dma_start3A_50 : memref<1x128xi32, #tpu.memory_space<hbm>> -> memref<128xi32, #tpu.memory_space<hbm>>
      %dma_start3A_52 = tpu.memref_slice %arg4[%run_scoped3A_34, %mul3A_2] : memref<8x4096xi32, #tpu.memory_space<hbm>> -> memref<1x128xi32, #tpu.memory_space<hbm>>
      %dma_start3A_53 = tpu.memref_squeeze %dma_start3A_52 : memref<1x128xi32, #tpu.memory_space<hbm>> -> memref<128xi32, #tpu.memory_space<hbm>>
      %dma_start3A_54 = arith.constant 0 : i32
      %dma_start3A_55 = tpu.memref_slice %arg7[%run_scoped3A_33, %dma_start3A_54] : memref<8x128xi32, #tpu.memory_space<vmem>> -> memref<1x128xi32, #tpu.memory_space<vmem>>
      %dma_start3A_56 = tpu.memref_squeeze %dma_start3A_55 : memref<1x128xi32, #tpu.memory_space<vmem>> -> memref<128xi32, #tpu.memory_space<vmem>>
      tpu.enqueue_dma source(%dma_start3A_56 : memref<128xi32, #tpu.memory_space<vmem>>) target(%dma_start3A_53 : memref<128xi32, #tpu.memory_space<hbm>>) target_semaphore(%run_scoped3A_47 : memref<!tpu.dma_semaphore, #tpu.memory_space<semaphore_mem>>)
      %dma_wait3A = arith.constant 0 : i32
      %dma_wait3A_57 = tpu.memref_slice %arg7[%run_scoped3A_33, %dma_wait3A] : memref<8x128xi32, #tpu.memory_space<vmem>> -> memref<1x128xi32, #tpu.memory_space<vmem>>
      %dma_wait3A_58 = tpu.memref_squeeze %dma_wait3A_57 : memref<1x128xi32, #tpu.memory_space<vmem>> -> memref<128xi32, #tpu.memory_space<vmem>>
      %dma_wait3A_59 = tpu.memref_slice %arg4[%run_scoped3A_34, %mul3A_2] : memref<8x4096xi32, #tpu.memory_space<hbm>> -> memref<1x128xi32, #tpu.memory_space<hbm>>
      %dma_wait3A_60 = tpu.memref_squeeze %dma_wait3A_59 : memref<1x128xi32, #tpu.memory_space<hbm>> -> memref<128xi32, #tpu.memory_space<hbm>>
      %dma_wait3A_61 = tpu.memref_slice %arg4[%run_scoped3A_34, %mul3A_2] : memref<8x4096xi32, #tpu.memory_space<hbm>> -> memref<1x128xi32, #tpu.memory_space<hbm>>
      %dma_wait3A_62 = tpu.memref_squeeze %dma_wait3A_61 : memref<1x128xi32, #tpu.memory_space<hbm>> -> memref<128xi32, #tpu.memory_space<hbm>>
      %dma_wait3A_63 = arith.constant 0 : i32
      %dma_wait3A_64 = tpu.memref_slice %arg7[%run_scoped3A_33, %dma_wait3A_63] : memref<8x128xi32, #tpu.memory_space<vmem>> -> memref<1x128xi32, #tpu.memory_space<vmem>>
      %dma_wait3A_65 = tpu.memref_squeeze %dma_wait3A_64 : memref<1x128xi32, #tpu.memory_space<vmem>> -> memref<128xi32, #tpu.memory_space<vmem>>
      tpu.wait_dma2 semaphore(%run_scoped3A_47 : memref<!tpu.dma_semaphore, #tpu.memory_space<semaphore_mem>>) src(%dma_wait3A_65 : memref<128xi32, #tpu.memory_space<vmem>>) dst(%dma_wait3A_62 : memref<128xi32, #tpu.memory_space<hbm>>)
      tpu.yield
    }) : () -> ()
    %run_scoped3A_35 = arith.constant 2 : i32
    %run_scoped3A_36 = arith.constant 2 : i32
    "tpu.region"() ({
      %run_scoped3A_47 = tpu.sem_alloc : memref<!tpu.dma_semaphore, #tpu.memory_space<semaphore_mem>>
      %dma_start3A = arith.constant 0 : i32
      %dma_start3A_48 = tpu.memref_slice %arg7[%run_scoped3A_35, %dma_start3A] : memref<8x128xi32, #tpu.memory_space<vmem>> -> memref<1x128xi32, #tpu.memory_space<vmem>>
      %dma_start3A_49 = tpu.memref_squeeze %dma_start3A_48 : memref<1x128xi32, #tpu.memory_space<vmem>> -> memref<128xi32, #tpu.memory_space<vmem>>
      %dma_start3A_50 = tpu.memref_slice %arg4[%run_scoped3A_36, %mul3A_2] : memref<8x4096xi32, #tpu.memory_space<hbm>> -> memref<1x128xi32, #tpu.memory_space<hbm>>
      %dma_start3A_51 = tpu.memref_squeeze %dma_start3A_50 : memref<1x128xi32, #tpu.memory_space<hbm>> -> memref<128xi32, #tpu.memory_space<hbm>>
      %dma_start3A_52 = tpu.memref_slice %arg4[%run_scoped3A_36, %mul3A_2] : memref<8x4096xi32, #tpu.memory_space<hbm>> -> memref<1x128xi32, #tpu.memory_space<hbm>>
      %dma_start3A_53 = tpu.memref_squeeze %dma_start3A_52 : memref<1x128xi32, #tpu.memory_space<hbm>> -> memref<128xi32, #tpu.memory_space<hbm>>
      %dma_start3A_54 = arith.constant 0 : i32
      %dma_start3A_55 = tpu.memref_slice %arg7[%run_scoped3A_35, %dma_start3A_54] : memref<8x128xi32, #tpu.memory_space<vmem>> -> memref<1x128xi32, #tpu.memory_space<vmem>>
      %dma_start3A_56 = tpu.memref_squeeze %dma_start3A_55 : memref<1x128xi32, #tpu.memory_space<vmem>> -> memref<128xi32, #tpu.memory_space<vmem>>
      tpu.enqueue_dma source(%dma_start3A_56 : memref<128xi32, #tpu.memory_space<vmem>>) target(%dma_start3A_53 : memref<128xi32, #tpu.memory_space<hbm>>) target_semaphore(%run_scoped3A_47 : memref<!tpu.dma_semaphore, #tpu.memory_space<semaphore_mem>>)
      %dma_wait3A = arith.constant 0 : i32
      %dma_wait3A_57 = tpu.memref_slice %arg7[%run_scoped3A_35, %dma_wait3A] : memref<8x128xi32, #tpu.memory_space<vmem>> -> memref<1x128xi32, #tpu.memory_space<vmem>>
      %dma_wait3A_58 = tpu.memref_squeeze %dma_wait3A_57 : memref<1x128xi32, #tpu.memory_space<vmem>> -> memref<128xi32, #tpu.memory_space<vmem>>
      %dma_wait3A_59 = tpu.memref_slice %arg4[%run_scoped3A_36, %mul3A_2] : memref<8x4096xi32, #tpu.memory_space<hbm>> -> memref<1x128xi32, #tpu.memory_space<hbm>>
      %dma_wait3A_60 = tpu.memref_squeeze %dma_wait3A_59 : memref<1x128xi32, #tpu.memory_space<hbm>> -> memref<128xi32, #tpu.memory_space<hbm>>
      %dma_wait3A_61 = tpu.memref_slice %arg4[%run_scoped3A_36, %mul3A_2] : memref<8x4096xi32, #tpu.memory_space<hbm>> -> memref<1x128xi32, #tpu.memory_space<hbm>>
      %dma_wait3A_62 = tpu.memref_squeeze %dma_wait3A_61 : memref<1x128xi32, #tpu.memory_space<hbm>> -> memref<128xi32, #tpu.memory_space<hbm>>
      %dma_wait3A_63 = arith.constant 0 : i32
      %dma_wait3A_64 = tpu.memref_slice %arg7[%run_scoped3A_35, %dma_wait3A_63] : memref<8x128xi32, #tpu.memory_space<vmem>> -> memref<1x128xi32, #tpu.memory_space<vmem>>
      %dma_wait3A_65 = tpu.memref_squeeze %dma_wait3A_64 : memref<1x128xi32, #tpu.memory_space<vmem>> -> memref<128xi32, #tpu.memory_space<vmem>>
      tpu.wait_dma2 semaphore(%run_scoped3A_47 : memref<!tpu.dma_semaphore, #tpu.memory_space<semaphore_mem>>) src(%dma_wait3A_65 : memref<128xi32, #tpu.memory_space<vmem>>) dst(%dma_wait3A_62 : memref<128xi32, #tpu.memory_space<hbm>>)
      tpu.yield
    }) : () -> ()
    %run_scoped3A_37 = arith.constant 3 : i32
    %run_scoped3A_38 = arith.constant 3 : i32
    "tpu.region"() ({
      %run_scoped3A_47 = tpu.sem_alloc : memref<!tpu.dma_semaphore, #tpu.memory_space<semaphore_mem>>
      %dma_start3A = arith.constant 0 : i32
      %dma_start3A_48 = tpu.memref_slice %arg7[%run_scoped3A_37, %dma_start3A] : memref<8x128xi32, #tpu.memory_space<vmem>> -> memref<1x128xi32, #tpu.memory_space<vmem>>
      %dma_start3A_49 = tpu.memref_squeeze %dma_start3A_48 : memref<1x128xi32, #tpu.memory_space<vmem>> -> memref<128xi32, #tpu.memory_space<vmem>>
      %dma_start3A_50 = tpu.memref_slice %arg4[%run_scoped3A_38, %mul3A_2] : memref<8x4096xi32, #tpu.memory_space<hbm>> -> memref<1x128xi32, #tpu.memory_space<hbm>>
      %dma_start3A_51 = tpu.memref_squeeze %dma_start3A_50 : memref<1x128xi32, #tpu.memory_space<hbm>> -> memref<128xi32, #tpu.memory_space<hbm>>
      %dma_start3A_52 = tpu.memref_slice %arg4[%run_scoped3A_38, %mul3A_2] : memref<8x4096xi32, #tpu.memory_space<hbm>> -> memref<1x128xi32, #tpu.memory_space<hbm>>
      %dma_start3A_53 = tpu.memref_squeeze %dma_start3A_52 : memref<1x128xi32, #tpu.memory_space<hbm>> -> memref<128xi32, #tpu.memory_space<hbm>>
      %dma_start3A_54 = arith.constant 0 : i32
      %dma_start3A_55 = tpu.memref_slice %arg7[%run_scoped3A_37, %dma_start3A_54] : memref<8x128xi32, #tpu.memory_space<vmem>> -> memref<1x128xi32, #tpu.memory_space<vmem>>
      %dma_start3A_56 = tpu.memref_squeeze %dma_start3A_55 : memref<1x128xi32, #tpu.memory_space<vmem>> -> memref<128xi32, #tpu.memory_space<vmem>>
      tpu.enqueue_dma source(%dma_start3A_56 : memref<128xi32, #tpu.memory_space<vmem>>) target(%dma_start3A_53 : memref<128xi32, #tpu.memory_space<hbm>>) target_semaphore(%run_scoped3A_47 : memref<!tpu.dma_semaphore, #tpu.memory_space<semaphore_mem>>)
      %dma_wait3A = arith.constant 0 : i32
      %dma_wait3A_57 = tpu.memref_slice %arg7[%run_scoped3A_37, %dma_wait3A] : memref<8x128xi32, #tpu.memory_space<vmem>> -> memref<1x128xi32, #tpu.memory_space<vmem>>
      %dma_wait3A_58 = tpu.memref_squeeze %dma_wait3A_57 : memref<1x128xi32, #tpu.memory_space<vmem>> -> memref<128xi32, #tpu.memory_space<vmem>>
      %dma_wait3A_59 = tpu.memref_slice %arg4[%run_scoped3A_38, %mul3A_2] : memref<8x4096xi32, #tpu.memory_space<hbm>> -> memref<1x128xi32, #tpu.memory_space<hbm>>
      %dma_wait3A_60 = tpu.memref_squeeze %dma_wait3A_59 : memref<1x128xi32, #tpu.memory_space<hbm>> -> memref<128xi32, #tpu.memory_space<hbm>>
      %dma_wait3A_61 = tpu.memref_slice %arg4[%run_scoped3A_38, %mul3A_2] : memref<8x4096xi32, #tpu.memory_space<hbm>> -> memref<1x128xi32, #tpu.memory_space<hbm>>
      %dma_wait3A_62 = tpu.memref_squeeze %dma_wait3A_61 : memref<1x128xi32, #tpu.memory_space<hbm>> -> memref<128xi32, #tpu.memory_space<hbm>>
      %dma_wait3A_63 = arith.constant 0 : i32
      %dma_wait3A_64 = tpu.memref_slice %arg7[%run_scoped3A_37, %dma_wait3A_63] : memref<8x128xi32, #tpu.memory_space<vmem>> -> memref<1x128xi32, #tpu.memory_space<vmem>>
      %dma_wait3A_65 = tpu.memref_squeeze %dma_wait3A_64 : memref<1x128xi32, #tpu.memory_space<vmem>> -> memref<128xi32, #tpu.memory_space<vmem>>
      tpu.wait_dma2 semaphore(%run_scoped3A_47 : memref<!tpu.dma_semaphore, #tpu.memory_space<semaphore_mem>>) src(%dma_wait3A_65 : memref<128xi32, #tpu.memory_space<vmem>>) dst(%dma_wait3A_62 : memref<128xi32, #tpu.memory_space<hbm>>)
      tpu.yield
    }) : () -> ()
    %run_scoped3A_39 = arith.constant 4 : i32
    %run_scoped3A_40 = arith.constant 4 : i32
    "tpu.region"() ({
      %run_scoped3A_47 = tpu.sem_alloc : memref<!tpu.dma_semaphore, #tpu.memory_space<semaphore_mem>>
      %dma_start3A = arith.constant 0 : i32
      %dma_start3A_48 = tpu.memref_slice %arg7[%run_scoped3A_39, %dma_start3A] : memref<8x128xi32, #tpu.memory_space<vmem>> -> memref<1x128xi32, #tpu.memory_space<vmem>>
      %dma_start3A_49 = tpu.memref_squeeze %dma_start3A_48 : memref<1x128xi32, #tpu.memory_space<vmem>> -> memref<128xi32, #tpu.memory_space<vmem>>
      %dma_start3A_50 = tpu.memref_slice %arg4[%run_scoped3A_40, %mul3A_2] : memref<8x4096xi32, #tpu.memory_space<hbm>> -> memref<1x128xi32, #tpu.memory_space<hbm>>
      %dma_start3A_51 = tpu.memref_squeeze %dma_start3A_50 : memref<1x128xi32, #tpu.memory_space<hbm>> -> memref<128xi32, #tpu.memory_space<hbm>>
      %dma_start3A_52 = tpu.memref_slice %arg4[%run_scoped3A_40, %mul3A_2] : memref<8x4096xi32, #tpu.memory_space<hbm>> -> memref<1x128xi32, #tpu.memory_space<hbm>>
      %dma_start3A_53 = tpu.memref_squeeze %dma_start3A_52 : memref<1x128xi32, #tpu.memory_space<hbm>> -> memref<128xi32, #tpu.memory_space<hbm>>
      %dma_start3A_54 = arith.constant 0 : i32
      %dma_start3A_55 = tpu.memref_slice %arg7[%run_scoped3A_39, %dma_start3A_54] : memref<8x128xi32, #tpu.memory_space<vmem>> -> memref<1x128xi32, #tpu.memory_space<vmem>>
      %dma_start3A_56 = tpu.memref_squeeze %dma_start3A_55 : memref<1x128xi32, #tpu.memory_space<vmem>> -> memref<128xi32, #tpu.memory_space<vmem>>
      tpu.enqueue_dma source(%dma_start3A_56 : memref<128xi32, #tpu.memory_space<vmem>>) target(%dma_start3A_53 : memref<128xi32, #tpu.memory_space<hbm>>) target_semaphore(%run_scoped3A_47 : memref<!tpu.dma_semaphore, #tpu.memory_space<semaphore_mem>>)
      %dma_wait3A = arith.constant 0 : i32
      %dma_wait3A_57 = tpu.memref_slice %arg7[%run_scoped3A_39, %dma_wait3A] : memref<8x128xi32, #tpu.memory_space<vmem>> -> memref<1x128xi32, #tpu.memory_space<vmem>>
      %dma_wait3A_58 = tpu.memref_squeeze %dma_wait3A_57 : memref<1x128xi32, #tpu.memory_space<vmem>> -> memref<128xi32, #tpu.memory_space<vmem>>
      %dma_wait3A_59 = tpu.memref_slice %arg4[%run_scoped3A_40, %mul3A_2] : memref<8x4096xi32, #tpu.memory_space<hbm>> -> memref<1x128xi32, #tpu.memory_space<hbm>>
      %dma_wait3A_60 = tpu.memref_squeeze %dma_wait3A_59 : memref<1x128xi32, #tpu.memory_space<hbm>> -> memref<128xi32, #tpu.memory_space<hbm>>
      %dma_wait3A_61 = tpu.memref_slice %arg4[%run_scoped3A_40, %mul3A_2] : memref<8x4096xi32, #tpu.memory_space<hbm>> -> memref<1x128xi32, #tpu.memory_space<hbm>>
      %dma_wait3A_62 = tpu.memref_squeeze %dma_wait3A_61 : memref<1x128xi32, #tpu.memory_space<hbm>> -> memref<128xi32, #tpu.memory_space<hbm>>
      %dma_wait3A_63 = arith.constant 0 : i32
      %dma_wait3A_64 = tpu.memref_slice %arg7[%run_scoped3A_39, %dma_wait3A_63] : memref<8x128xi32, #tpu.memory_space<vmem>> -> memref<1x128xi32, #tpu.memory_space<vmem>>
      %dma_wait3A_65 = tpu.memref_squeeze %dma_wait3A_64 : memref<1x128xi32, #tpu.memory_space<vmem>> -> memref<128xi32, #tpu.memory_space<vmem>>
      tpu.wait_dma2 semaphore(%run_scoped3A_47 : memref<!tpu.dma_semaphore, #tpu.memory_space<semaphore_mem>>) src(%dma_wait3A_65 : memref<128xi32, #tpu.memory_space<vmem>>) dst(%dma_wait3A_62 : memref<128xi32, #tpu.memory_space<hbm>>)
      tpu.yield
    }) : () -> ()
    %run_scoped3A_41 = arith.constant 5 : i32
    %run_scoped3A_42 = arith.constant 5 : i32
    "tpu.region"() ({
      %run_scoped3A_47 = tpu.sem_alloc : memref<!tpu.dma_semaphore, #tpu.memory_space<semaphore_mem>>
      %dma_start3A = arith.constant 0 : i32
      %dma_start3A_48 = tpu.memref_slice %arg7[%run_scoped3A_41, %dma_start3A] : memref<8x128xi32, #tpu.memory_space<vmem>> -> memref<1x128xi32, #tpu.memory_space<vmem>>
      %dma_start3A_49 = tpu.memref_squeeze %dma_start3A_48 : memref<1x128xi32, #tpu.memory_space<vmem>> -> memref<128xi32, #tpu.memory_space<vmem>>
      %dma_start3A_50 = tpu.memref_slice %arg4[%run_scoped3A_42, %mul3A_2] : memref<8x4096xi32, #tpu.memory_space<hbm>> -> memref<1x128xi32, #tpu.memory_space<hbm>>
      %dma_start3A_51 = tpu.memref_squeeze %dma_start3A_50 : memref<1x128xi32, #tpu.memory_space<hbm>> -> memref<128xi32, #tpu.memory_space<hbm>>
      %dma_start3A_52 = tpu.memref_slice %arg4[%run_scoped3A_42, %mul3A_2] : memref<8x4096xi32, #tpu.memory_space<hbm>> -> memref<1x128xi32, #tpu.memory_space<hbm>>
      %dma_start3A_53 = tpu.memref_squeeze %dma_start3A_52 : memref<1x128xi32, #tpu.memory_space<hbm>> -> memref<128xi32, #tpu.memory_space<hbm>>
      %dma_start3A_54 = arith.constant 0 : i32
      %dma_start3A_55 = tpu.memref_slice %arg7[%run_scoped3A_41, %dma_start3A_54] : memref<8x128xi32, #tpu.memory_space<vmem>> -> memref<1x128xi32, #tpu.memory_space<vmem>>
      %dma_start3A_56 = tpu.memref_squeeze %dma_start3A_55 : memref<1x128xi32, #tpu.memory_space<vmem>> -> memref<128xi32, #tpu.memory_space<vmem>>
      tpu.enqueue_dma source(%dma_start3A_56 : memref<128xi32, #tpu.memory_space<vmem>>) target(%dma_start3A_53 : memref<128xi32, #tpu.memory_space<hbm>>) target_semaphore(%run_scoped3A_47 : memref<!tpu.dma_semaphore, #tpu.memory_space<semaphore_mem>>)
      %dma_wait3A = arith.constant 0 : i32
      %dma_wait3A_57 = tpu.memref_slice %arg7[%run_scoped3A_41, %dma_wait3A] : memref<8x128xi32, #tpu.memory_space<vmem>> -> memref<1x128xi32, #tpu.memory_space<vmem>>
      %dma_wait3A_58 = tpu.memref_squeeze %dma_wait3A_57 : memref<1x128xi32, #tpu.memory_space<vmem>> -> memref<128xi32, #tpu.memory_space<vmem>>
      %dma_wait3A_59 = tpu.memref_slice %arg4[%run_scoped3A_42, %mul3A_2] : memref<8x4096xi32, #tpu.memory_space<hbm>> -> memref<1x128xi32, #tpu.memory_space<hbm>>
      %dma_wait3A_60 = tpu.memref_squeeze %dma_wait3A_59 : memref<1x128xi32, #tpu.memory_space<hbm>> -> memref<128xi32, #tpu.memory_space<hbm>>
      %dma_wait3A_61 = tpu.memref_slice %arg4[%run_scoped3A_42, %mul3A_2] : memref<8x4096xi32, #tpu.memory_space<hbm>> -> memref<1x128xi32, #tpu.memory_space<hbm>>
      %dma_wait3A_62 = tpu.memref_squeeze %dma_wait3A_61 : memref<1x128xi32, #tpu.memory_space<hbm>> -> memref<128xi32, #tpu.memory_space<hbm>>
      %dma_wait3A_63 = arith.constant 0 : i32
      %dma_wait3A_64 = tpu.memref_slice %arg7[%run_scoped3A_41, %dma_wait3A_63] : memref<8x128xi32, #tpu.memory_space<vmem>> -> memref<1x128xi32, #tpu.memory_space<vmem>>
      %dma_wait3A_65 = tpu.memref_squeeze %dma_wait3A_64 : memref<1x128xi32, #tpu.memory_space<vmem>> -> memref<128xi32, #tpu.memory_space<vmem>>
      tpu.wait_dma2 semaphore(%run_scoped3A_47 : memref<!tpu.dma_semaphore, #tpu.memory_space<semaphore_mem>>) src(%dma_wait3A_65 : memref<128xi32, #tpu.memory_space<vmem>>) dst(%dma_wait3A_62 : memref<128xi32, #tpu.memory_space<hbm>>)
      tpu.yield
    }) : () -> ()
    %run_scoped3A_43 = arith.constant 6 : i32
    %run_scoped3A_44 = arith.constant 6 : i32
    "tpu.region"() ({
      %run_scoped3A_47 = tpu.sem_alloc : memref<!tpu.dma_semaphore, #tpu.memory_space<semaphore_mem>>
      %dma_start3A = arith.constant 0 : i32
      %dma_start3A_48 = tpu.memref_slice %arg7[%run_scoped3A_43, %dma_start3A] : memref<8x128xi32, #tpu.memory_space<vmem>> -> memref<1x128xi32, #tpu.memory_space<vmem>>
      %dma_start3A_49 = tpu.memref_squeeze %dma_start3A_48 : memref<1x128xi32, #tpu.memory_space<vmem>> -> memref<128xi32, #tpu.memory_space<vmem>>
      %dma_start3A_50 = tpu.memref_slice %arg4[%run_scoped3A_44, %mul3A_2] : memref<8x4096xi32, #tpu.memory_space<hbm>> -> memref<1x128xi32, #tpu.memory_space<hbm>>
      %dma_start3A_51 = tpu.memref_squeeze %dma_start3A_50 : memref<1x128xi32, #tpu.memory_space<hbm>> -> memref<128xi32, #tpu.memory_space<hbm>>
      %dma_start3A_52 = tpu.memref_slice %arg4[%run_scoped3A_44, %mul3A_2] : memref<8x4096xi32, #tpu.memory_space<hbm>> -> memref<1x128xi32, #tpu.memory_space<hbm>>
      %dma_start3A_53 = tpu.memref_squeeze %dma_start3A_52 : memref<1x128xi32, #tpu.memory_space<hbm>> -> memref<128xi32, #tpu.memory_space<hbm>>
      %dma_start3A_54 = arith.constant 0 : i32
      %dma_start3A_55 = tpu.memref_slice %arg7[%run_scoped3A_43, %dma_start3A_54] : memref<8x128xi32, #tpu.memory_space<vmem>> -> memref<1x128xi32, #tpu.memory_space<vmem>>
      %dma_start3A_56 = tpu.memref_squeeze %dma_start3A_55 : memref<1x128xi32, #tpu.memory_space<vmem>> -> memref<128xi32, #tpu.memory_space<vmem>>
      tpu.enqueue_dma source(%dma_start3A_56 : memref<128xi32, #tpu.memory_space<vmem>>) target(%dma_start3A_53 : memref<128xi32, #tpu.memory_space<hbm>>) target_semaphore(%run_scoped3A_47 : memref<!tpu.dma_semaphore, #tpu.memory_space<semaphore_mem>>)
      %dma_wait3A = arith.constant 0 : i32
      %dma_wait3A_57 = tpu.memref_slice %arg7[%run_scoped3A_43, %dma_wait3A] : memref<8x128xi32, #tpu.memory_space<vmem>> -> memref<1x128xi32, #tpu.memory_space<vmem>>
      %dma_wait3A_58 = tpu.memref_squeeze %dma_wait3A_57 : memref<1x128xi32, #tpu.memory_space<vmem>> -> memref<128xi32, #tpu.memory_space<vmem>>
      %dma_wait3A_59 = tpu.memref_slice %arg4[%run_scoped3A_44, %mul3A_2] : memref<8x4096xi32, #tpu.memory_space<hbm>> -> memref<1x128xi32, #tpu.memory_space<hbm>>
      %dma_wait3A_60 = tpu.memref_squeeze %dma_wait3A_59 : memref<1x128xi32, #tpu.memory_space<hbm>> -> memref<128xi32, #tpu.memory_space<hbm>>
      %dma_wait3A_61 = tpu.memref_slice %arg4[%run_scoped3A_44, %mul3A_2] : memref<8x4096xi32, #tpu.memory_space<hbm>> -> memref<1x128xi32, #tpu.memory_space<hbm>>
      %dma_wait3A_62 = tpu.memref_squeeze %dma_wait3A_61 : memref<1x128xi32, #tpu.memory_space<hbm>> -> memref<128xi32, #tpu.memory_space<hbm>>
      %dma_wait3A_63 = arith.constant 0 : i32
      %dma_wait3A_64 = tpu.memref_slice %arg7[%run_scoped3A_43, %dma_wait3A_63] : memref<8x128xi32, #tpu.memory_space<vmem>> -> memref<1x128xi32, #tpu.memory_space<vmem>>
      %dma_wait3A_65 = tpu.memref_squeeze %dma_wait3A_64 : memref<1x128xi32, #tpu.memory_space<vmem>> -> memref<128xi32, #tpu.memory_space<vmem>>
      tpu.wait_dma2 semaphore(%run_scoped3A_47 : memref<!tpu.dma_semaphore, #tpu.memory_space<semaphore_mem>>) src(%dma_wait3A_65 : memref<128xi32, #tpu.memory_space<vmem>>) dst(%dma_wait3A_62 : memref<128xi32, #tpu.memory_space<hbm>>)
      tpu.yield
    }) : () -> ()
    %run_scoped3A_45 = arith.constant 7 : i32
    %run_scoped3A_46 = arith.constant 7 : i32
    "tpu.region"() ({
      %run_scoped3A_47 = tpu.sem_alloc : memref<!tpu.dma_semaphore, #tpu.memory_space<semaphore_mem>>
      %dma_start3A = arith.constant 0 : i32
      %dma_start3A_48 = tpu.memref_slice %arg7[%run_scoped3A_45, %dma_start3A] : memref<8x128xi32, #tpu.memory_space<vmem>> -> memref<1x128xi32, #tpu.memory_space<vmem>>
      %dma_start3A_49 = tpu.memref_squeeze %dma_start3A_48 : memref<1x128xi32, #tpu.memory_space<vmem>> -> memref<128xi32, #tpu.memory_space<vmem>>
      %dma_start3A_50 = tpu.memref_slice %arg4[%run_scoped3A_46, %mul3A_2] : memref<8x4096xi32, #tpu.memory_space<hbm>> -> memref<1x128xi32, #tpu.memory_space<hbm>>
      %dma_start3A_51 = tpu.memref_squeeze %dma_start3A_50 : memref<1x128xi32, #tpu.memory_space<hbm>> -> memref<128xi32, #tpu.memory_space<hbm>>
      %dma_start3A_52 = tpu.memref_slice %arg4[%run_scoped3A_46, %mul3A_2] : memref<8x4096xi32, #tpu.memory_space<hbm>> -> memref<1x128xi32, #tpu.memory_space<hbm>>
      %dma_start3A_53 = tpu.memref_squeeze %dma_start3A_52 : memref<1x128xi32, #tpu.memory_space<hbm>> -> memref<128xi32, #tpu.memory_space<hbm>>
      %dma_start3A_54 = arith.constant 0 : i32
      %dma_start3A_55 = tpu.memref_slice %arg7[%run_scoped3A_45, %dma_start3A_54] : memref<8x128xi32, #tpu.memory_space<vmem>> -> memref<1x128xi32, #tpu.memory_space<vmem>>
      %dma_start3A_56 = tpu.memref_squeeze %dma_start3A_55 : memref<1x128xi32, #tpu.memory_space<vmem>> -> memref<128xi32, #tpu.memory_space<vmem>>
      tpu.enqueue_dma source(%dma_start3A_56 : memref<128xi32, #tpu.memory_space<vmem>>) target(%dma_start3A_53 : memref<128xi32, #tpu.memory_space<hbm>>) target_semaphore(%run_scoped3A_47 : memref<!tpu.dma_semaphore, #tpu.memory_space<semaphore_mem>>)
      %dma_wait3A = arith.constant 0 : i32
      %dma_wait3A_57 = tpu.memref_slice %arg7[%run_scoped3A_45, %dma_wait3A] : memref<8x128xi32, #tpu.memory_space<vmem>> -> memref<1x128xi32, #tpu.memory_space<vmem>>
      %dma_wait3A_58 = tpu.memref_squeeze %dma_wait3A_57 : memref<1x128xi32, #tpu.memory_space<vmem>> -> memref<128xi32, #tpu.memory_space<vmem>>
      %dma_wait3A_59 = tpu.memref_slice %arg4[%run_scoped3A_46, %mul3A_2] : memref<8x4096xi32, #tpu.memory_space<hbm>> -> memref<1x128xi32, #tpu.memory_space<hbm>>
      %dma_wait3A_60 = tpu.memref_squeeze %dma_wait3A_59 : memref<1x128xi32, #tpu.memory_space<hbm>> -> memref<128xi32, #tpu.memory_space<hbm>>
      %dma_wait3A_61 = tpu.memref_slice %arg4[%run_scoped3A_46, %mul3A_2] : memref<8x4096xi32, #tpu.memory_space<hbm>> -> memref<1x128xi32, #tpu.memory_space<hbm>>
      %dma_wait3A_62 = tpu.memref_squeeze %dma_wait3A_61 : memref<1x128xi32, #tpu.memory_space<hbm>> -> memref<128xi32, #tpu.memory_space<hbm>>
      %dma_wait3A_63 = arith.constant 0 : i32
      %dma_wait3A_64 = tpu.memref_slice %arg7[%run_scoped3A_45, %dma_wait3A_63] : memref<8x128xi32, #tpu.memory_space<vmem>> -> memref<1x128xi32, #tpu.memory_space<vmem>>
      %dma_wait3A_65 = tpu.memref_squeeze %dma_wait3A_64 : memref<1x128xi32, #tpu.memory_space<vmem>> -> memref<128xi32, #tpu.memory_space<vmem>>
      tpu.wait_dma2 semaphore(%run_scoped3A_47 : memref<!tpu.dma_semaphore, #tpu.memory_space<semaphore_mem>>) src(%dma_wait3A_65 : memref<128xi32, #tpu.memory_space<vmem>>) dst(%dma_wait3A_62 : memref<128xi32, #tpu.memory_space<hbm>>)
      tpu.yield
    }) : () -> ()
    return
  }
}

module attributes {stable_mosaic.version = 14 : i64} {
  func.func @_zin_body(%arg0: i32, %arg1: memref<2048x768xf32, #tpu.memory_space<vmem>>, %arg2: memref<768x8xf32, #tpu.memory_space<vmem>>, %arg3: memref<8x1xf32, #tpu.memory_space<vmem>>, %arg4: memref<8x3xf32, #tpu.memory_space<vmem>>, %arg5: memref<8x2048xf32, #tpu.memory_space<vmem>>) attributes {dimension_semantics = [#tpu.dimension_semantics<arbitrary>], iteration_bounds = array<i64: 2>, scalar_prefetch = 0 : i64, scratch_operands = 0 : i64, tpu.core_type = #tpu.core_type<tc>, window_params = [{transform_indices = @transform_0, window_bounds = array<i64: 2048, 768>}, {pipeline_mode = #tpu.pipeline_mode<synchronous>, transform_indices = @transform_1, window_bounds = array<i64: 768, 8>}, {pipeline_mode = #tpu.pipeline_mode<synchronous>, transform_indices = @transform_2, window_bounds = array<i64: 8, 1>}, {pipeline_mode = #tpu.pipeline_mode<synchronous>, transform_indices = @transform_3, window_bounds = array<i64: 8, 3>}, {transform_indices = @transform_4, window_bounds = array<i64: 8, 2048>}]} {
    %get3A = arith.constant 0 : index
    %get3A_0 = arith.constant 0 : index
    %get3A_1 = vector.load %arg4[%get3A, %get3A_0] : memref<8x3xf32, #tpu.memory_space<vmem>>, vector<8x1xf32>
    %get3A_2 = arith.constant 0 : index
    %get3A_3 = arith.constant 1 : index
    %get3A_4 = vector.load %arg4[%get3A_2, %get3A_3] : memref<8x3xf32, #tpu.memory_space<vmem>>, vector<8x1xf32>
    %get3A_5 = arith.constant 0 : index
    %get3A_6 = arith.constant 2 : index
    %get3A_7 = vector.load %arg4[%get3A_5, %get3A_6] : memref<8x3xf32, #tpu.memory_space<vmem>>, vector<8x1xf32>
    %get3A_8 = arith.constant 0 : index
    %get3A_9 = arith.constant 0 : index
    %get3A_10 = vector.load %arg1[%get3A_8, %get3A_9] : memref<2048x768xf32, #tpu.memory_space<vmem>>, vector<2048x768xf32>
    %get3A_11 = arith.constant 0 : index
    %get3A_12 = arith.constant 0 : index
    %get3A_13 = vector.load %arg2[%get3A_11, %get3A_12] : memref<768x8xf32, #tpu.memory_space<vmem>>, vector<768x8xf32>
    %dot_general3A = arith.constant dense<0.000000e+00> : vector<2048x8xf32>
    %dot_general3A_14 = tpu.matmul %get3A_10, %get3A_13, %dot_general3A {dimension_numbers = #tpu.dot_dimension_numbers<[1], [0], [0], [1], [0, 0, 1, 1], [], []>, transpose_lhs_hint = false} : vector<2048x768xf32>, vector<768x8xf32>, vector<2048x8xf32> -> vector<2048x8xf32>
    %transpose3A = tpu.transpose %dot_general3A_14, [1, 0] : vector<2048x8xf32> -> vector<8x2048xf32>
    %get3A_15 = arith.constant 0 : index
    %get3A_16 = arith.constant 0 : index
    %get3A_17 = vector.load %arg3[%get3A_15, %get3A_16] : memref<8x1xf32, #tpu.memory_space<vmem>>, vector<8x1xf32>
    %add3A = vector.broadcast %get3A_17 : vector<8x1xf32> to vector<8x2048xf32>
    %add3A_18 = arith.addf %transpose3A, %add3A : vector<8x2048xf32>
    %add3A_19 = vector.broadcast %get3A_7 : vector<8x1xf32> to vector<8x2048xf32>
    %add3A_20 = arith.addf %add3A_18, %add3A_19 : vector<8x2048xf32>
    %tanh3A = math.tanh %add3A_20 : vector<8x2048xf32>
    %mul3A = vector.broadcast %get3A_1 : vector<8x1xf32> to vector<8x2048xf32>
    %mul3A_21 = arith.mulf %tanh3A, %mul3A : vector<8x2048xf32>
    %sub3A = vector.broadcast %get3A_4 : vector<8x1xf32> to vector<8x2048xf32>
    %sub3A_22 = arith.subf %mul3A_21, %sub3A : vector<8x2048xf32>
    %swap3A = arith.constant 0 : index
    %swap3A_23 = arith.constant 0 : index
    %swap3A_24 = vector.load %arg5[%swap3A, %swap3A_23] : memref<8x2048xf32, #tpu.memory_space<vmem>>, vector<8x2048xf32>
    tpu.vector_store %arg5[%swap3A, %swap3A_23], %sub3A_22 {strides = array<i32>} : memref<8x2048xf32, #tpu.memory_space<vmem>>, vector<8x2048xf32>,
    return
  }
  func.func @transform_0(%arg0: i32) -> (i32, i32) {
    %add3A = arith.constant 6 : i32
    %add3A_0 = arith.addi %add3A, %arg0 : i32
    %c0_i32 = arith.constant 0 : i32
    %c0_i32_1 = arith.constant 0 : i32
    return %add3A_0, %c0_i32 : i32, i32
  }
  func.func @transform_1(%arg0: i32) -> (i32, i32) {
    %c0_i32 = arith.constant 0 : i32
    %c0_i32_0 = arith.constant 0 : i32
    %c0_i32_1 = arith.constant 0 : i32
    return %c0_i32, %c0_i32_0 : i32, i32
  }
  func.func @transform_2(%arg0: i32) -> (i32, i32) {
    %c0_i32 = arith.constant 0 : i32
    %c0_i32_0 = arith.constant 0 : i32
    %c0_i32_1 = arith.constant 0 : i32
    return %c0_i32, %c0_i32_0 : i32, i32
  }
  func.func @transform_3(%arg0: i32) -> (i32, i32) {
    %c0_i32 = arith.constant 0 : i32
    %c0_i32_0 = arith.constant 0 : i32
    %c0_i32_1 = arith.constant 0 : i32
    return %c0_i32, %c0_i32_0 : i32, i32
  }
  func.func @transform_4(%arg0: i32) -> (i32, i32) {
    %c0_i32 = arith.constant 0 : i32
    %c0_i32_0 = arith.constant 0 : i32
    return %c0_i32, %arg0 : i32, i32
  }
}

module attributes {stable_mosaic.version = 14 : i64} {
  func.func @_proj_out_body2(%arg0: i32, %arg1: memref<16384x768xf32, #tpu.memory_space<any>>, %arg2: memref<6x2048xf32, #tpu.memory_space<vmem>>, %arg3: memref<8x768xf32, #tpu.memory_space<vmem>>, %arg4: memref<2048x768xf32, #tpu.memory_space<vmem>>) attributes {dimension_semantics = [#tpu.dimension_semantics<arbitrary>], iteration_bounds = array<i64: 2>, scalar_prefetch = 0 : i64, scratch_operands = 0 : i64, tpu.core_type = #tpu.core_type<tc>, window_params = [{}, {transform_indices = @transform_1, window_bounds = array<i64: 6, 2048>}, {pipeline_mode = #tpu.pipeline_mode<synchronous>, transform_indices = @transform_2, window_bounds = array<i64: 8, 768>}, {transform_indices = @transform_3, window_bounds = array<i64: 2048, 768>}]} {
    %get3A = arith.constant 0 : index
    %get3A_0 = arith.constant 0 : index
    %get3A_1 = vector.load %arg2[%get3A, %get3A_0] : memref<6x2048xf32, #tpu.memory_space<vmem>>, vector<6x2048xf32>
    %broadcast_in_dim3A = arith.constant 1.000000e+00 : f32
    %broadcast_in_dim3A_2 = vector.broadcast %broadcast_in_dim3A : f32 to vector<1x2048xf32>
    %broadcast_in_dim3A_3 = arith.constant 0.000000e+00 : f32
    %broadcast_in_dim3A_4 = vector.broadcast %broadcast_in_dim3A_3 : f32 to vector<1x2048xf32>
    %concatenate3A = tpu.concatenate %get3A_1, %broadcast_in_dim3A_2, %broadcast_in_dim3A_4 in 0 : vector<6x2048xf32>, vector<1x2048xf32>, vector<1x2048xf32> -> vector<8x2048xf32>
    %get3A_5 = arith.constant 0 : index
    %get3A_6 = arith.constant 0 : index
    %get3A_7 = vector.load %arg3[%get3A_5, %get3A_6] : memref<8x768xf32, #tpu.memory_space<vmem>>, vector<8x768xf32>
    %dot_general3A = arith.constant dense<0.000000e+00> : vector<2048x768xf32>
    %dot_general3A_8 = tpu.matmul %concatenate3A, %get3A_7, %dot_general3A {dimension_numbers = #tpu.dot_dimension_numbers<[0], [0], [1], [1], [0, 1, 1, 1], [], []>, transpose_lhs_hint = false} : vector<8x2048xf32>, vector<8x768xf32>, vector<2048x768xf32> -> vector<2048x768xf32>
    %swap3A = arith.constant 0 : index
    %swap3A_9 = arith.constant 0 : index
    %swap3A_10 = vector.load %arg4[%swap3A, %swap3A_9] : memref<2048x768xf32, #tpu.memory_space<vmem>>, vector<2048x768xf32>
    tpu.vector_store %arg4[%swap3A, %swap3A_9], %dot_general3A_8 {strides = array<i32>} : memref<2048x768xf32, #tpu.memory_space<vmem>>, vector<2048x768xf32>,
    return
  }
  func.func @transform_1(%arg0: i32) -> (i32, i32) {
    %c0_i32 = arith.constant 0 : i32
    %c0_i32_0 = arith.constant 0 : i32
    return %c0_i32, %arg0 : i32, i32
  }
  func.func @transform_2(%arg0: i32) -> (i32, i32) {
    %c0_i32 = arith.constant 0 : i32
    %c0_i32_0 = arith.constant 0 : i32
    %c0_i32_1 = arith.constant 0 : i32
    return %c0_i32, %c0_i32_0 : i32, i32
  }
  func.func @transform_3(%arg0: i32) -> (i32, i32) {
    %add3A = arith.constant 6 : i32
    %add3A_0 = arith.addi %add3A, %arg0 : i32
    %c0_i32 = arith.constant 0 : i32
    %c0_i32_1 = arith.constant 0 : i32
    return %add3A_0, %c0_i32 : i32, i32
  }
}

module attributes {stable_mosaic.version = 14 : i64} {
  func.func @_fsq_fused_body(%arg0: i32, %arg1: memref<2048x768xf32, #tpu.memory_space<vmem>>, %arg2: memref<768x8xf32, #tpu.memory_space<vmem>>, %arg3: memref<8x1xf32, #tpu.memory_space<vmem>>, %arg4: memref<8x768xf32, #tpu.memory_space<vmem>>, %arg5: memref<8x24xf32, #tpu.memory_space<vmem>>, %arg6: memref<2048x768xf32, #tpu.memory_space<vmem>>, %arg7: memref<8x2048xi32, #tpu.memory_space<vmem>>, %arg8: memref<8x2048xf32, #tpu.memory_space<vmem>>) attributes {dimension_semantics = [#tpu.dimension_semantics<arbitrary>], iteration_bounds = array<i64: 7>, scalar_prefetch = 0 : i64, scratch_operands = 1 : i64, tpu.core_type = #tpu.core_type<tc>, window_params = [{transform_indices = @transform_0, window_bounds = array<i64: 2048, 768>}, {pipeline_mode = #tpu.pipeline_mode<synchronous>, transform_indices = @transform_1, window_bounds = array<i64: 768, 8>}, {pipeline_mode = #tpu.pipeline_mode<synchronous>, transform_indices = @transform_2, window_bounds = array<i64: 8, 1>}, {pipeline_mode = #tpu.pipeline_mode<synchronous>, transform_indices = @transform_3, window_bounds = array<i64: 8, 768>}, {pipeline_mode = #tpu.pipeline_mode<synchronous>, transform_indices = @transform_4, window_bounds = array<i64: 8, 24>}, {transform_indices = @transform_5, window_bounds = array<i64: 2048, 768>}, {transform_indices = @transform_6, window_bounds = array<i64: 8, 2048>}]} {
    %get3A = arith.constant 0 : index
    %get3A_0 = arith.constant 0 : index
    %get3A_1 = vector.load %arg5[%get3A, %get3A_0] : memref<8x24xf32, #tpu.memory_space<vmem>>, vector<8x1xf32>
    %get3A_2 = arith.constant 0 : index
    %get3A_3 = arith.constant 1 : index
    %get3A_4 = vector.load %arg5[%get3A_2, %get3A_3] : memref<8x24xf32, #tpu.memory_space<vmem>>, vector<8x1xf32>
    %get3A_5 = arith.constant 0 : index
    %get3A_6 = arith.constant 2 : index
    %get3A_7 = vector.load %arg5[%get3A_5, %get3A_6] : memref<8x24xf32, #tpu.memory_space<vmem>>, vector<8x1xf32>
    %get3A_8 = arith.constant 0 : index
    %get3A_9 = arith.constant 4 : index
    %get3A_10 = vector.load %arg5[%get3A_8, %get3A_9] : memref<8x24xf32, #tpu.memory_space<vmem>>, vector<8x1xf32>
    %get3A_11 = arith.constant 0 : index
    %get3A_12 = arith.constant 21 : index
    %get3A_13 = vector.load %arg5[%get3A_11, %get3A_12] : memref<8x24xf32, #tpu.memory_space<vmem>>, vector<1x1xf32>
    %iota3A = tpu.iota {dimensions = array<i32: 0>} : vector<8x1xi32>
    %gt3A = arith.constant 0 : i32
    %gt3A_14 = arith.cmpi sgt, %arg0, %gt3A : i32
    %convert_element_type3A = arith.extui %gt3A_14 : i1 to i32
    %cond3A = arith.constant 0 : i32
    %cond3A_15 = arith.cmpi ne, %convert_element_type3A, %cond3A : i32
    scf.if %cond3A_15 {
      %get3A_270 = arith.constant 0 : index
      %get3A_271 = arith.constant 0 : index
      %get3A_272 = vector.load %arg8[%get3A_270, %get3A_271] : memref<8x2048xf32, #tpu.memory_space<vmem>>, vector<8x2048xf32>
      %get3A_273 = arith.constant 0 : index
      %get3A_274 = arith.constant 0 : index
      %get3A_275 = vector.load %arg4[%get3A_273, %get3A_274] : memref<8x768xf32, #tpu.memory_space<vmem>>, vector<8x768xf32>
      %dot_general3A_276 = arith.constant dense<0.000000e+00> : vector<2048x768xf32>
      %dot_general3A_277 = tpu.matmul %get3A_272, %get3A_275, %dot_general3A_276 {dimension_numbers = #tpu.dot_dimension_numbers<[0], [0], [1], [1], [0, 1, 1, 1], [], []>, transpose_lhs_hint = false} : vector<8x2048xf32>, vector<8x768xf32>, vector<2048x768xf32> -> vector<2048x768xf32>
      %swap3A_278 = arith.constant 0 : index
      %swap3A_279 = arith.constant 0 : index
      %swap3A_280 = vector.load %arg6[%swap3A_278, %swap3A_279] : memref<2048x768xf32, #tpu.memory_space<vmem>>, vector<2048x768xf32>
      tpu.vector_store %arg6[%swap3A_278, %swap3A_279], %dot_general3A_277 {strides = array<i32>} : memref<2048x768xf32, #tpu.memory_space<vmem>>, vector<2048x768xf32>,
    } else {
    }
    %get3A_16 = arith.constant 0 : index
    %get3A_17 = arith.constant 0 : index
    %get3A_18 = vector.load %arg1[%get3A_16, %get3A_17] : memref<2048x768xf32, #tpu.memory_space<vmem>>, vector<2048x768xf32>
    %get3A_19 = arith.constant 0 : index
    %get3A_20 = arith.constant 0 : index
    %get3A_21 = vector.load %arg2[%get3A_19, %get3A_20] : memref<768x8xf32, #tpu.memory_space<vmem>>, vector<768x8xf32>
    %dot_general3A = arith.constant dense<0.000000e+00> : vector<2048x8xf32>
    %dot_general3A_22 = tpu.matmul %get3A_18, %get3A_21, %dot_general3A {dimension_numbers = #tpu.dot_dimension_numbers<[1], [0], [0], [1], [0, 0, 1, 1], [], []>, transpose_lhs_hint = false} : vector<2048x768xf32>, vector<768x8xf32>, vector<2048x8xf32> -> vector<2048x8xf32>
    %transpose3A = tpu.transpose %dot_general3A_22, [1, 0] : vector<2048x8xf32> -> vector<8x2048xf32>
    %get3A_23 = arith.constant 0 : index
    %get3A_24 = arith.constant 0 : index
    %get3A_25 = vector.load %arg3[%get3A_23, %get3A_24] : memref<8x1xf32, #tpu.memory_space<vmem>>, vector<8x1xf32>
    %add3A = vector.broadcast %get3A_25 : vector<8x1xf32> to vector<8x2048xf32>
    %add3A_26 = arith.addf %transpose3A, %add3A : vector<8x2048xf32>
    %add3A_27 = vector.broadcast %get3A_7 : vector<8x1xf32> to vector<8x2048xf32>
    %add3A_28 = arith.addf %add3A_26, %add3A_27 : vector<8x2048xf32>
    %tanh3A = math.tanh %add3A_28 : vector<8x2048xf32>
    %mul3A = vector.broadcast %get3A_1 : vector<8x1xf32> to vector<8x2048xf32>
    %mul3A_29 = arith.mulf %tanh3A, %mul3A : vector<8x2048xf32>
    %sub3A = vector.broadcast %get3A_4 : vector<8x1xf32> to vector<8x2048xf32>
    %sub3A_30 = arith.subf %mul3A_29, %sub3A : vector<8x2048xf32>
    %broadcast_in_dim3A = arith.constant 0.000000e+00 : f32
    %broadcast_in_dim3A_31 = vector.broadcast %broadcast_in_dim3A : f32 to vector<8x2048xf32>
    %get3A_32 = arith.constant 0 : index
    %get3A_33 = arith.constant 5 : index
    %get3A_34 = vector.load %arg5[%get3A_32, %get3A_33] : memref<8x24xf32, #tpu.memory_space<vmem>>, vector<8x1xf32>
    %get3A_35 = arith.constant 0 : index
    %get3A_36 = arith.constant 13 : index
    %get3A_37 = vector.load %arg5[%get3A_35, %get3A_36] : memref<8x24xf32, #tpu.memory_space<vmem>>, vector<8x1xf32>
    %mul3A_38 = vector.broadcast %get3A_34 : vector<8x1xf32> to vector<8x2048xf32>
    %mul3A_39 = arith.mulf %sub3A_30, %mul3A_38 : vector<8x2048xf32>
    %add3A_40 = vector.broadcast %get3A_7 : vector<8x1xf32> to vector<8x2048xf32>
    %add3A_41 = arith.addf %mul3A_39, %add3A_40 : vector<8x2048xf32>
    %tanh3A_42 = math.tanh %add3A_41 : vector<8x2048xf32>
    %mul3A_43 = vector.broadcast %get3A_1 : vector<8x1xf32> to vector<8x2048xf32>
    %mul3A_44 = arith.mulf %tanh3A_42, %mul3A_43 : vector<8x2048xf32>
    %sub3A_45 = vector.broadcast %get3A_4 : vector<8x1xf32> to vector<8x2048xf32>
    %sub3A_46 = arith.subf %mul3A_44, %sub3A_45 : vector<8x2048xf32>
    %round3A = math.roundeven %sub3A_46 : vector<8x2048xf32>
    %mul3A_47 = vector.broadcast %get3A_10 : vector<8x1xf32> to vector<8x2048xf32>
    %mul3A_48 = arith.mulf %round3A, %mul3A_47 : vector<8x2048xf32>
    %reduce_sum3A = arith.constant dense<0.000000e+00> : vector<2048xf32>
    %reduce_sum3A_49 = vector.multi_reduction <add>, %mul3A_48, %reduce_sum3A [0] : vector<8x2048xf32> to vector<2048xf32>
    %squeeze3A = vector.shape_cast %get3A_13 : vector<1x1xf32> to vector<1xf32>
    %add3A_50 = vector.broadcast %squeeze3A : vector<1xf32> to vector<2048xf32>
    %add3A_51 = arith.addf %reduce_sum3A_49, %add3A_50 : vector<2048xf32>
    %convert_element_type3A_52 = arith.fptosi %add3A_51 : vector<2048xf32> to vector<2048xi32>
    %mul3A_53 = vector.broadcast %get3A_37 : vector<8x1xf32> to vector<8x2048xf32>
    %mul3A_54 = arith.mulf %round3A, %mul3A_53 : vector<8x2048xf32>
    %sub3A_55 = arith.subf %sub3A_30, %mul3A_54 : vector<8x2048xf32>
    %add3A_56 = arith.addf %broadcast_in_dim3A_31, %mul3A_54 : vector<8x2048xf32>
    %get3A_57 = arith.constant 0 : index
    %get3A_58 = arith.constant 6 : index
    %get3A_59 = vector.load %arg5[%get3A_57, %get3A_58] : memref<8x24xf32, #tpu.memory_space<vmem>>, vector<8x1xf32>
    %get3A_60 = arith.constant 0 : index
    %get3A_61 = arith.constant 14 : index
    %get3A_62 = vector.load %arg5[%get3A_60, %get3A_61] : memref<8x24xf32, #tpu.memory_space<vmem>>, vector<8x1xf32>
    %mul3A_63 = vector.broadcast %get3A_59 : vector<8x1xf32> to vector<8x2048xf32>
    %mul3A_64 = arith.mulf %sub3A_55, %mul3A_63 : vector<8x2048xf32>
    %add3A_65 = vector.broadcast %get3A_7 : vector<8x1xf32> to vector<8x2048xf32>
    %add3A_66 = arith.addf %mul3A_64, %add3A_65 : vector<8x2048xf32>
    %tanh3A_67 = math.tanh %add3A_66 : vector<8x2048xf32>
    %mul3A_68 = vector.broadcast %get3A_1 : vector<8x1xf32> to vector<8x2048xf32>
    %mul3A_69 = arith.mulf %tanh3A_67, %mul3A_68 : vector<8x2048xf32>
    %sub3A_70 = vector.broadcast %get3A_4 : vector<8x1xf32> to vector<8x2048xf32>
    %sub3A_71 = arith.subf %mul3A_69, %sub3A_70 : vector<8x2048xf32>
    %round3A_72 = math.roundeven %sub3A_71 : vector<8x2048xf32>
    %mul3A_73 = vector.broadcast %get3A_10 : vector<8x1xf32> to vector<8x2048xf32>
    %mul3A_74 = arith.mulf %round3A_72, %mul3A_73 : vector<8x2048xf32>
    %reduce_sum3A_75 = arith.constant dense<0.000000e+00> : vector<2048xf32>
    %reduce_sum3A_76 = vector.multi_reduction <add>, %mul3A_74, %reduce_sum3A_75 [0] : vector<8x2048xf32> to vector<2048xf32>
    %squeeze3A_77 = vector.shape_cast %get3A_13 : vector<1x1xf32> to vector<1xf32>
    %add3A_78 = vector.broadcast %squeeze3A_77 : vector<1xf32> to vector<2048xf32>
    %add3A_79 = arith.addf %reduce_sum3A_76, %add3A_78 : vector<2048xf32>
    %convert_element_type3A_80 = arith.fptosi %add3A_79 : vector<2048xf32> to vector<2048xi32>
    %mul3A_81 = vector.broadcast %get3A_62 : vector<8x1xf32> to vector<8x2048xf32>
    %mul3A_82 = arith.mulf %round3A_72, %mul3A_81 : vector<8x2048xf32>
    %sub3A_83 = arith.subf %sub3A_55, %mul3A_82 : vector<8x2048xf32>
    %add3A_84 = arith.addf %add3A_56, %mul3A_82 : vector<8x2048xf32>
    %get3A_85 = arith.constant 0 : index
    %get3A_86 = arith.constant 7 : index
    %get3A_87 = vector.load %arg5[%get3A_85, %get3A_86] : memref<8x24xf32, #tpu.memory_space<vmem>>, vector<8x1xf32>
    %get3A_88 = arith.constant 0 : index
    %get3A_89 = arith.constant 15 : index
    %get3A_90 = vector.load %arg5[%get3A_88, %get3A_89] : memref<8x24xf32, #tpu.memory_space<vmem>>, vector<8x1xf32>
    %mul3A_91 = vector.broadcast %get3A_87 : vector<8x1xf32> to vector<8x2048xf32>
    %mul3A_92 = arith.mulf %sub3A_83, %mul3A_91 : vector<8x2048xf32>
    %add3A_93 = vector.broadcast %get3A_7 : vector<8x1xf32> to vector<8x2048xf32>
    %add3A_94 = arith.addf %mul3A_92, %add3A_93 : vector<8x2048xf32>
    %tanh3A_95 = math.tanh %add3A_94 : vector<8x2048xf32>
    %mul3A_96 = vector.broadcast %get3A_1 : vector<8x1xf32> to vector<8x2048xf32>
    %mul3A_97 = arith.mulf %tanh3A_95, %mul3A_96 : vector<8x2048xf32>
    %sub3A_98 = vector.broadcast %get3A_4 : vector<8x1xf32> to vector<8x2048xf32>
    %sub3A_99 = arith.subf %mul3A_97, %sub3A_98 : vector<8x2048xf32>
    %round3A_100 = math.roundeven %sub3A_99 : vector<8x2048xf32>
    %mul3A_101 = vector.broadcast %get3A_10 : vector<8x1xf32> to vector<8x2048xf32>
    %mul3A_102 = arith.mulf %round3A_100, %mul3A_101 : vector<8x2048xf32>
    %reduce_sum3A_103 = arith.constant dense<0.000000e+00> : vector<2048xf32>
    %reduce_sum3A_104 = vector.multi_reduction <add>, %mul3A_102, %reduce_sum3A_103 [0] : vector<8x2048xf32> to vector<2048xf32>
    %squeeze3A_105 = vector.shape_cast %get3A_13 : vector<1x1xf32> to vector<1xf32>
    %add3A_106 = vector.broadcast %squeeze3A_105 : vector<1xf32> to vector<2048xf32>
    %add3A_107 = arith.addf %reduce_sum3A_104, %add3A_106 : vector<2048xf32>
    %convert_element_type3A_108 = arith.fptosi %add3A_107 : vector<2048xf32> to vector<2048xi32>
    %mul3A_109 = vector.broadcast %get3A_90 : vector<8x1xf32> to vector<8x2048xf32>
    %mul3A_110 = arith.mulf %round3A_100, %mul3A_109 : vector<8x2048xf32>
    %sub3A_111 = arith.subf %sub3A_83, %mul3A_110 : vector<8x2048xf32>
    %add3A_112 = arith.addf %add3A_84, %mul3A_110 : vector<8x2048xf32>
    %get3A_113 = arith.constant 0 : index
    %get3A_114 = arith.constant 8 : index
    %get3A_115 = vector.load %arg5[%get3A_113, %get3A_114] : memref<8x24xf32, #tpu.memory_space<vmem>>, vector<8x1xf32>
    %get3A_116 = arith.constant 0 : index
    %get3A_117 = arith.constant 16 : index
    %get3A_118 = vector.load %arg5[%get3A_116, %get3A_117] : memref<8x24xf32, #tpu.memory_space<vmem>>, vector<8x1xf32>
    %mul3A_119 = vector.broadcast %get3A_115 : vector<8x1xf32> to vector<8x2048xf32>
    %mul3A_120 = arith.mulf %sub3A_111, %mul3A_119 : vector<8x2048xf32>
    %add3A_121 = vector.broadcast %get3A_7 : vector<8x1xf32> to vector<8x2048xf32>
    %add3A_122 = arith.addf %mul3A_120, %add3A_121 : vector<8x2048xf32>
    %tanh3A_123 = math.tanh %add3A_122 : vector<8x2048xf32>
    %mul3A_124 = vector.broadcast %get3A_1 : vector<8x1xf32> to vector<8x2048xf32>
    %mul3A_125 = arith.mulf %tanh3A_123, %mul3A_124 : vector<8x2048xf32>
    %sub3A_126 = vector.broadcast %get3A_4 : vector<8x1xf32> to vector<8x2048xf32>
    %sub3A_127 = arith.subf %mul3A_125, %sub3A_126 : vector<8x2048xf32>
    %round3A_128 = math.roundeven %sub3A_127 : vector<8x2048xf32>
    %mul3A_129 = vector.broadcast %get3A_10 : vector<8x1xf32> to vector<8x2048xf32>
    %mul3A_130 = arith.mulf %round3A_128, %mul3A_129 : vector<8x2048xf32>
    %reduce_sum3A_131 = arith.constant dense<0.000000e+00> : vector<2048xf32>
    %reduce_sum3A_132 = vector.multi_reduction <add>, %mul3A_130, %reduce_sum3A_131 [0] : vector<8x2048xf32> to vector<2048xf32>
    %squeeze3A_133 = vector.shape_cast %get3A_13 : vector<1x1xf32> to vector<1xf32>
    %add3A_134 = vector.broadcast %squeeze3A_133 : vector<1xf32> to vector<2048xf32>
    %add3A_135 = arith.addf %reduce_sum3A_132, %add3A_134 : vector<2048xf32>
    %convert_element_type3A_136 = arith.fptosi %add3A_135 : vector<2048xf32> to vector<2048xi32>
    %mul3A_137 = vector.broadcast %get3A_118 : vector<8x1xf32> to vector<8x2048xf32>
    %mul3A_138 = arith.mulf %round3A_128, %mul3A_137 : vector<8x2048xf32>
    %sub3A_139 = arith.subf %sub3A_111, %mul3A_138 : vector<8x2048xf32>
    %add3A_140 = arith.addf %add3A_112, %mul3A_138 : vector<8x2048xf32>
    %get3A_141 = arith.constant 0 : index
    %get3A_142 = arith.constant 9 : index
    %get3A_143 = vector.load %arg5[%get3A_141, %get3A_142] : memref<8x24xf32, #tpu.memory_space<vmem>>, vector<8x1xf32>
    %get3A_144 = arith.constant 0 : index
    %get3A_145 = arith.constant 17 : index
    %get3A_146 = vector.load %arg5[%get3A_144, %get3A_145] : memref<8x24xf32, #tpu.memory_space<vmem>>, vector<8x1xf32>
    %mul3A_147 = vector.broadcast %get3A_143 : vector<8x1xf32> to vector<8x2048xf32>
    %mul3A_148 = arith.mulf %sub3A_139, %mul3A_147 : vector<8x2048xf32>
    %add3A_149 = vector.broadcast %get3A_7 : vector<8x1xf32> to vector<8x2048xf32>
    %add3A_150 = arith.addf %mul3A_148, %add3A_149 : vector<8x2048xf32>
    %tanh3A_151 = math.tanh %add3A_150 : vector<8x2048xf32>
    %mul3A_152 = vector.broadcast %get3A_1 : vector<8x1xf32> to vector<8x2048xf32>
    %mul3A_153 = arith.mulf %tanh3A_151, %mul3A_152 : vector<8x2048xf32>
    %sub3A_154 = vector.broadcast %get3A_4 : vector<8x1xf32> to vector<8x2048xf32>
    %sub3A_155 = arith.subf %mul3A_153, %sub3A_154 : vector<8x2048xf32>
    %round3A_156 = math.roundeven %sub3A_155 : vector<8x2048xf32>
    %mul3A_157 = vector.broadcast %get3A_10 : vector<8x1xf32> to vector<8x2048xf32>
    %mul3A_158 = arith.mulf %round3A_156, %mul3A_157 : vector<8x2048xf32>
    %reduce_sum3A_159 = arith.constant dense<0.000000e+00> : vector<2048xf32>
    %reduce_sum3A_160 = vector.multi_reduction <add>, %mul3A_158, %reduce_sum3A_159 [0] : vector<8x2048xf32> to vector<2048xf32>
    %squeeze3A_161 = vector.shape_cast %get3A_13 : vector<1x1xf32> to vector<1xf32>
    %add3A_162 = vector.broadcast %squeeze3A_161 : vector<1xf32> to vector<2048xf32>
    %add3A_163 = arith.addf %reduce_sum3A_160, %add3A_162 : vector<2048xf32>
    %convert_element_type3A_164 = arith.fptosi %add3A_163 : vector<2048xf32> to vector<2048xi32>
    %mul3A_165 = vector.broadcast %get3A_146 : vector<8x1xf32> to vector<8x2048xf32>
    %mul3A_166 = arith.mulf %round3A_156, %mul3A_165 : vector<8x2048xf32>
    %sub3A_167 = arith.subf %sub3A_139, %mul3A_166 : vector<8x2048xf32>
    %add3A_168 = arith.addf %add3A_140, %mul3A_166 : vector<8x2048xf32>
    %get3A_169 = arith.constant 0 : index
    %get3A_170 = arith.constant 10 : index
    %get3A_171 = vector.load %arg5[%get3A_169, %get3A_170] : memref<8x24xf32, #tpu.memory_space<vmem>>, vector<8x1xf32>
    %get3A_172 = arith.constant 0 : index
    %get3A_173 = arith.constant 18 : index
    %get3A_174 = vector.load %arg5[%get3A_172, %get3A_173] : memref<8x24xf32, #tpu.memory_space<vmem>>, vector<8x1xf32>
    %mul3A_175 = vector.broadcast %get3A_171 : vector<8x1xf32> to vector<8x2048xf32>
    %mul3A_176 = arith.mulf %sub3A_167, %mul3A_175 : vector<8x2048xf32>
    %add3A_177 = vector.broadcast %get3A_7 : vector<8x1xf32> to vector<8x2048xf32>
    %add3A_178 = arith.addf %mul3A_176, %add3A_177 : vector<8x2048xf32>
    %tanh3A_179 = math.tanh %add3A_178 : vector<8x2048xf32>
    %mul3A_180 = vector.broadcast %get3A_1 : vector<8x1xf32> to vector<8x2048xf32>
    %mul3A_181 = arith.mulf %tanh3A_179, %mul3A_180 : vector<8x2048xf32>
    %sub3A_182 = vector.broadcast %get3A_4 : vector<8x1xf32> to vector<8x2048xf32>
    %sub3A_183 = arith.subf %mul3A_181, %sub3A_182 : vector<8x2048xf32>
    %round3A_184 = math.roundeven %sub3A_183 : vector<8x2048xf32>
    %mul3A_185 = vector.broadcast %get3A_10 : vector<8x1xf32> to vector<8x2048xf32>
    %mul3A_186 = arith.mulf %round3A_184, %mul3A_185 : vector<8x2048xf32>
    %reduce_sum3A_187 = arith.constant dense<0.000000e+00> : vector<2048xf32>
    %reduce_sum3A_188 = vector.multi_reduction <add>, %mul3A_186, %reduce_sum3A_187 [0] : vector<8x2048xf32> to vector<2048xf32>
    %squeeze3A_189 = vector.shape_cast %get3A_13 : vector<1x1xf32> to vector<1xf32>
    %add3A_190 = vector.broadcast %squeeze3A_189 : vector<1xf32> to vector<2048xf32>
    %add3A_191 = arith.addf %reduce_sum3A_188, %add3A_190 : vector<2048xf32>
    %convert_element_type3A_192 = arith.fptosi %add3A_191 : vector<2048xf32> to vector<2048xi32>
    %mul3A_193 = vector.broadcast %get3A_174 : vector<8x1xf32> to vector<8x2048xf32>
    %mul3A_194 = arith.mulf %round3A_184, %mul3A_193 : vector<8x2048xf32>
    %sub3A_195 = arith.subf %sub3A_167, %mul3A_194 : vector<8x2048xf32>
    %add3A_196 = arith.addf %add3A_168, %mul3A_194 : vector<8x2048xf32>
    %get3A_197 = arith.constant 0 : index
    %get3A_198 = arith.constant 11 : index
    %get3A_199 = vector.load %arg5[%get3A_197, %get3A_198] : memref<8x24xf32, #tpu.memory_space<vmem>>, vector<8x1xf32>
    %get3A_200 = arith.constant 0 : index
    %get3A_201 = arith.constant 19 : index
    %get3A_202 = vector.load %arg5[%get3A_200, %get3A_201] : memref<8x24xf32, #tpu.memory_space<vmem>>, vector<8x1xf32>
    %mul3A_203 = vector.broadcast %get3A_199 : vector<8x1xf32> to vector<8x2048xf32>
    %mul3A_204 = arith.mulf %sub3A_195, %mul3A_203 : vector<8x2048xf32>
    %add3A_205 = vector.broadcast %get3A_7 : vector<8x1xf32> to vector<8x2048xf32>
    %add3A_206 = arith.addf %mul3A_204, %add3A_205 : vector<8x2048xf32>
    %tanh3A_207 = math.tanh %add3A_206 : vector<8x2048xf32>
    %mul3A_208 = vector.broadcast %get3A_1 : vector<8x1xf32> to vector<8x2048xf32>
    %mul3A_209 = arith.mulf %tanh3A_207, %mul3A_208 : vector<8x2048xf32>
    %sub3A_210 = vector.broadcast %get3A_4 : vector<8x1xf32> to vector<8x2048xf32>
    %sub3A_211 = arith.subf %mul3A_209, %sub3A_210 : vector<8x2048xf32>
    %round3A_212 = math.roundeven %sub3A_211 : vector<8x2048xf32>
    %mul3A_213 = vector.broadcast %get3A_10 : vector<8x1xf32> to vector<8x2048xf32>
    %mul3A_214 = arith.mulf %round3A_212, %mul3A_213 : vector<8x2048xf32>
    %reduce_sum3A_215 = arith.constant dense<0.000000e+00> : vector<2048xf32>
    %reduce_sum3A_216 = vector.multi_reduction <add>, %mul3A_214, %reduce_sum3A_215 [0] : vector<8x2048xf32> to vector<2048xf32>
    %squeeze3A_217 = vector.shape_cast %get3A_13 : vector<1x1xf32> to vector<1xf32>
    %add3A_218 = vector.broadcast %squeeze3A_217 : vector<1xf32> to vector<2048xf32>
    %add3A_219 = arith.addf %reduce_sum3A_216, %add3A_218 : vector<2048xf32>
    %convert_element_type3A_220 = arith.fptosi %add3A_219 : vector<2048xf32> to vector<2048xi32>
    %mul3A_221 = vector.broadcast %get3A_202 : vector<8x1xf32> to vector<8x2048xf32>
    %mul3A_222 = arith.mulf %round3A_212, %mul3A_221 : vector<8x2048xf32>
    %sub3A_223 = arith.subf %sub3A_195, %mul3A_222 : vector<8x2048xf32>
    %add3A_224 = arith.addf %add3A_196, %mul3A_222 : vector<8x2048xf32>
    %get3A_225 = arith.constant 0 : index
    %get3A_226 = arith.constant 12 : index
    %get3A_227 = vector.load %arg5[%get3A_225, %get3A_226] : memref<8x24xf32, #tpu.memory_space<vmem>>, vector<8x1xf32>
    %get3A_228 = arith.constant 0 : index
    %get3A_229 = arith.constant 20 : index
    %get3A_230 = vector.load %arg5[%get3A_228, %get3A_229] : memref<8x24xf32, #tpu.memory_space<vmem>>, vector<8x1xf32>
    %mul3A_231 = vector.broadcast %get3A_227 : vector<8x1xf32> to vector<8x2048xf32>
    %mul3A_232 = arith.mulf %sub3A_223, %mul3A_231 : vector<8x2048xf32>
    %add3A_233 = vector.broadcast %get3A_7 : vector<8x1xf32> to vector<8x2048xf32>
    %add3A_234 = arith.addf %mul3A_232, %add3A_233 : vector<8x2048xf32>
    %tanh3A_235 = math.tanh %add3A_234 : vector<8x2048xf32>
    %mul3A_236 = vector.broadcast %get3A_1 : vector<8x1xf32> to vector<8x2048xf32>
    %mul3A_237 = arith.mulf %tanh3A_235, %mul3A_236 : vector<8x2048xf32>
    %sub3A_238 = vector.broadcast %get3A_4 : vector<8x1xf32> to vector<8x2048xf32>
    %sub3A_239 = arith.subf %mul3A_237, %sub3A_238 : vector<8x2048xf32>
    %round3A_240 = math.roundeven %sub3A_239 : vector<8x2048xf32>
    %mul3A_241 = vector.broadcast %get3A_10 : vector<8x1xf32> to vector<8x2048xf32>
    %mul3A_242 = arith.mulf %round3A_240, %mul3A_241 : vector<8x2048xf32>
    %reduce_sum3A_243 = arith.constant dense<0.000000e+00> : vector<2048xf32>
    %reduce_sum3A_244 = vector.multi_reduction <add>, %mul3A_242, %reduce_sum3A_243 [0] : vector<8x2048xf32> to vector<2048xf32>
    %squeeze3A_245 = vector.shape_cast %get3A_13 : vector<1x1xf32> to vector<1xf32>
    %add3A_246 = vector.broadcast %squeeze3A_245 : vector<1xf32> to vector<2048xf32>
    %add3A_247 = arith.addf %reduce_sum3A_244, %add3A_246 : vector<2048xf32>
    %convert_element_type3A_248 = arith.fptosi %add3A_247 : vector<2048xf32> to vector<2048xi32>
    %mul3A_249 = vector.broadcast %get3A_230 : vector<8x1xf32> to vector<8x2048xf32>
    %mul3A_250 = arith.mulf %round3A_240, %mul3A_249 : vector<8x2048xf32>
    %add3A_251 = arith.addf %add3A_224, %mul3A_250 : vector<8x2048xf32>
    %eq3A = arith.constant 6 : i32
    %eq3A_252 = vector.broadcast %eq3A : i32 to vector<8x1xi32>
    %eq3A_253 = arith.cmpi eq, %iota3A, %eq3A_252 : vector<8x1xi32>
    %jit3A = arith.constant 1.000000e+00 : f32
    %broadcast_in_dim3A_254 = vector.shape_cast %eq3A_253 : vector<8x1xi1> to vector<8x1xi1>
    %broadcast_in_dim3A_255 = vector.broadcast %broadcast_in_dim3A_254 : vector<8x1xi1> to vector<8x2048xi1>
    %broadcast_in_dim3A_256 = vector.broadcast %jit3A : f32 to vector<8x2048xf32>
    %select_n3A = arith.select %broadcast_in_dim3A_255, %broadcast_in_dim3A_256, %add3A_251 : vector<8x2048xi1>, vector<8x2048xf32>
    %swap3A = arith.constant 0 : index
    %swap3A_257 = arith.constant 0 : index
    %swap3A_258 = vector.load %arg8[%swap3A, %swap3A_257] : memref<8x2048xf32, #tpu.memory_space<vmem>>, vector<8x2048xf32>
    tpu.vector_store %arg8[%swap3A, %swap3A_257], %select_n3A {strides = array<i32>} : memref<8x2048xf32, #tpu.memory_space<vmem>>, vector<8x2048xf32>,
    %stack3A = vector.shape_cast %convert_element_type3A_52 : vector<2048xi32> to vector<1x2048xi32>
    %stack3A_259 = vector.shape_cast %convert_element_type3A_80 : vector<2048xi32> to vector<1x2048xi32>
    %stack3A_260 = vector.shape_cast %convert_element_type3A_108 : vector<2048xi32> to vector<1x2048xi32>
    %stack3A_261 = vector.shape_cast %convert_element_type3A_136 : vector<2048xi32> to vector<1x2048xi32>
    %stack3A_262 = vector.shape_cast %convert_element_type3A_164 : vector<2048xi32> to vector<1x2048xi32>
    %stack3A_263 = vector.shape_cast %convert_element_type3A_192 : vector<2048xi32> to vector<1x2048xi32>
    %stack3A_264 = vector.shape_cast %convert_element_type3A_220 : vector<2048xi32> to vector<1x2048xi32>
    %stack3A_265 = vector.shape_cast %convert_element_type3A_248 : vector<2048xi32> to vector<1x2048xi32>
    %stack3A_266 = tpu.concatenate %stack3A, %stack3A_259, %stack3A_260, %stack3A_261, %stack3A_262, %stack3A_263, %stack3A_264, %stack3A_265 in 0 : vector<1x2048xi32>, vector<1x2048xi32>, vector<1x2048xi32>, vector<1x2048xi32>, vector<1x2048xi32>, vector<1x2048xi32>, vector<1x2048xi32>, vector<1x2048xi32> -> vector<8x2048xi32>
    %swap3A_267 = arith.constant 0 : index
    %swap3A_268 = arith.constant 0 : index
    %swap3A_269 = vector.load %arg7[%swap3A_267, %swap3A_268] : memref<8x2048xi32, #tpu.memory_space<vmem>>, vector<8x2048xi32>
    tpu.vector_store %arg7[%swap3A_267, %swap3A_268], %stack3A_266 {strides = array<i32>} : memref<8x2048xi32, #tpu.memory_space<vmem>>, vector<8x2048xi32>,
    return
  }
  func.func @transform_0(%arg0: i32) -> (i32, i32) {
    %min3A = arith.constant 5 : i32
    %min3A_0 = arith.minsi %arg0, %min3A : i32
    %c0_i32 = arith.constant 0 : i32
    %c0_i32_1 = arith.constant 0 : i32
    return %min3A_0, %c0_i32 : i32, i32
  }
  func.func @transform_1(%arg0: i32) -> (i32, i32) {
    %c0_i32 = arith.constant 0 : i32
    %c0_i32_0 = arith.constant 0 : i32
    %c0_i32_1 = arith.constant 0 : i32
    return %c0_i32, %c0_i32_0 : i32, i32
  }
  func.func @transform_2(%arg0: i32) -> (i32, i32) {
    %c0_i32 = arith.constant 0 : i32
    %c0_i32_0 = arith.constant 0 : i32
    %c0_i32_1 = arith.constant 0 : i32
    return %c0_i32, %c0_i32_0 : i32, i32
  }
  func.func @transform_3(%arg0: i32) -> (i32, i32) {
    %c0_i32 = arith.constant 0 : i32
    %c0_i32_0 = arith.constant 0 : i32
    %c0_i32_1 = arith.constant 0 : i32
    return %c0_i32, %c0_i32_0 : i32, i32
  }
  func.func @transform_4(%arg0: i32) -> (i32, i32) {
    %c0_i32 = arith.constant 0 : i32
    %c0_i32_0 = arith.constant 0 : i32
    %c0_i32_1 = arith.constant 0 : i32
    return %c0_i32, %c0_i32_0 : i32, i32
  }
  func.func @transform_5(%arg0: i32) -> (i32, i32) {
    %sub3A = arith.constant 1 : i32
    %sub3A_0 = arith.subi %arg0, %sub3A : i32
    %max3A = arith.constant 0 : i32
    %max3A_1 = arith.maxsi %sub3A_0, %max3A : i32
    %c0_i32 = arith.constant 0 : i32
    %c0_i32_2 = arith.constant 0 : i32
    return %max3A_1, %c0_i32 : i32, i32
  }
  func.func @transform_6(%arg0: i32) -> (i32, i32) {
    %min3A = arith.constant 5 : i32
    %min3A_0 = arith.minsi %arg0, %min3A : i32
    %c0_i32 = arith.constant 0 : i32
    %c0_i32_1 = arith.constant 0 : i32
    return %c0_i32, %min3A_0 : i32, i32
  }
}

</mosaic_0001>

<sc_bundles>
// kernel: kernel.6.cloned.1.call-start
scs
__scs_entry_jumppad:
0x0: {  	(pc) =	sbr.rel $0x88, $3  }
0x1: {  	(tag) =	ssettag $0x0;
	lr =	simm.s32 $0x1  }
0x2: {  	[smem:$0x3F9C] =	sst lr;
	_ =	strace $0xD0000000  }
0x3: {  	_ = 	snop  }
0x4: {  	_ = 	snop  }
0x5: {  	_ = 	snop  }
0x6: {  	_ = 	snop  }
0x7: {  	_ = 	snop  }
__scs_overlays_trampoline_lowered:
0x8: {  	[smem:$0x3FAB] =	sst s0  }
0x9: {  	[smem:$0x3FAC] =	sst s1  }
0xa: {  	[smem:$0x3FAD] =	sst s2  }
0xb: {  	[smem:$0x3FAE] =	sst s3  }
0xc: {  	[smem:$0x3FAF] =	sst s4  }
0xd: {  	[smem:$0x3FB0] =	sst s5  }
0xe: {  	[smem:$0x3FB1] =	sst s6  }
0xf: {  	[smem:$0x3FB2] =	sst s7  }
0x10: {  	[smem:$0x3FB3] =	sst s8  }
0x11: {  	[smem:$0x3FB4] =	sst s9;
	s0 =	simm.s32 @!p0 $0x0  }
0x12: {  	s1 =	sld [smem:$0x3F9A];
	s0 =	simm.s32 @p0 $0x1  }
0x13: {  	[smem:$0x3FB5] =	sst s0;
	s0 =	simm.s32 @!p1 $0x0  }
0x14: {  	s2 =	sld [smem:$0x3F99];
	s0 =	simm.s32 @p1 $0x1  }
0x15: {  	[smem:$0x3FB6] =	sst s0;
	s0 =	simm.s32 @!p2 $0x0  }
0x16: {  	s3 =	sld [smem:$0x3FDB];
	s0 =	simm.s32 @p2 $0x1  }
0x17: {  	s4 =	simm.s32 $0x1BF5;
	[smem:$0x3FB8] =	sst s0  }
0x18: {  	s0 =	sld [smem:$0x3F9B];
	_ =	swait.ge [sflag:s4], $0x0  }
0x19: {  	s7 =	sld [smem:$0x3F9C]  }
0x1a: {  	s8 =	sadd.s32 $0xFFFFE003, lr  }
0x1b: {  	s9 =	sadd.s32 $0xFFFFFEF7, lr;
	s5 =	simm.s32 $0xFFFFFFFF;
	p2 =	slt.u32 s8, $0xFFFFF086  }
0x1c: {  	p1 =	slt.u32 s9, $0xF7A;
	s5 =	simm.s32 @!p2 $0x0  }
0x1d: {  	s5 =	simm.s32 @p1 $0x1;
	p0 =	seq.s32 s7, s2  }
0x1e: {  	s7 =	smul.u32 @!p0 $0xF7A, s2;
	p2 =	seq.s32 @!p0 s5, $0x0  }
0x1f: {  	s9 =	smul.u32 $0xF7A, s1;
	s8 =	simm.s32 @!p0 $0x1BF5;
	p2 =	por !p2, p0  }
0x20: {  	[sflag:s8] =	ssyncset.s32 @!p0 $0xFFFFF086;
	s6 =	sadd.s32 @!p0 s3, s7;
	s7 =	simm.s32 @!p0 $0x108  }
0x21: {  	s3 =	sadd.s32 s3, s9;
	s6 =	sadd.s32 @!p0 $0x88, s6;
	s7 =	simm.s32 @p2 $0x1082  }
0x22: {  	[simem:s7], [sflag:s8] =	dma.local @!p0 [hbm:s6], $0xF7A  }
0x23: {  	s9 =	sor.u32 $0xD0000000, s2;
	s6 =	simm.s32 $0x108;
	_ =	swait.ge @!p0 [sflag:s8], $0x0  }
0x24: {  	s3 =	sadd.s32 $0x88, s3;
	s6 =	simm.s32 @!p1 $0x1082;
	[sflag:s4] =	ssyncset.s32 $0xFFFFF086  }
0x25: {  	[simem:s6], [sflag:s4] =	dma.local [hbm:s3], $0xF7A  }
0x26: {  	[smem:$0x3F9C] =	sst s1;
	(tag) =	ssettag s2;
	_ =	strace s9  }
0x27: {  	s1 =	sld [smem:$0x3FAC]  }
0x28: {  	s2 =	sld [smem:$0x3FAD]  }
0x29: {  	s4 =	sld [smem:$0x3FAF]  }
0x2a: {  	p0 =	seq.s32 s5, $0x0;
	s5 =	sld [smem:$0x3FB0]  }
0x2b: {  	s6 =	sld [smem:$0x3FB1]  }
0x2c: {  	s7 =	sld [smem:$0x3FB2]  }
0x2d: {  	s3 =	simm.s32 $0x108;
	s8 =	sld [smem:$0x3FB3]  }
0x2e: {  	s3 =	simm.s32 @!p0 $0x1082;
	s9 =	sld [smem:$0x3FB4]  }
0x2f: {  	lr =	sadd.s32 s0, s3;
	s0 =	sld [smem:$0x3FAB]  }
0x30: {  	s3 =	sld [smem:$0x3FAE]  }
0x31: {  	[smem:$0x3FB7] =	sst s10  }
0x32: {  	s10 =	sld [smem:$0x3FB5];
	_ =	sdelay $0x3  }
0x33: {  	p0 =	seq.s32 s10, $0x1;
	s10 =	sld [smem:$0x3FB7];
	_ =	sdelay $0x3  }
0x34: {  	[smem:$0x3FB7] =	sst s10  }
0x35: {  	s10 =	sld [smem:$0x3FB6];
	_ =	sdelay $0x3  }
0x36: {  	p1 =	seq.s32 s10, $0x1;
	s10 =	sld [smem:$0x3FB7];
	_ =	sdelay $0x3  }
0x37: {  	[smem:$0x3FB7] =	sst s10  }
0x38: {  	s10 =	sld [smem:$0x3FB8]  }
0x39: {  	_ = 	snop;
	(pc) =	sbr.ind lr, $3  }
0x3a: {  	_ = 	snop  }
0x3b: {  	_ = 	snop  }
0x3c: {  	p2 =	seq.s32 s10, $0x1;
	s10 =	sld [smem:$0x3FB7]  }
0x3d: {  	_ =	shalt  }
0x3e: {  	_ =	shalt  }
0x3f: {  	_ =	shalt  }
0x40: {  	_ =	shalt  }
0x41: {  	_ =	shalt  }
0x42: {  	_ =	shalt  }
0x43: {  	_ =	shalt  }
0x44: {  	_ =	shalt  }
0x45: {  	_ =	shalt  }
0x46: {  	_ =	shalt  }
0x47: {  	_ =	shalt  }
0x48: {  	_ =	shalt  }
0x49: {  	_ =	shalt  }
0x4a: {  	_ =	shalt  }
0x4b: {  	_ =	shalt  }
0x4c: {  	_ =	shalt  }
0x4d: {  	_ =	shalt  }
0x4e: {  	_ =	shalt  }
0x4f: {  	_ =	shalt  }
0x50: {  	_ =	shalt  }
0x51: {  	_ =	shalt  }
0x52: {  	_ =	shalt  }
0x53: {  	_ =	shalt  }
0x54: {  	_ =	shalt  }
0x55: {  	_ =	shalt  }
0x56: {  	_ =	shalt  }
0x57: {  	_ =	shalt  }
0x58: {  	_ =	shalt  }
0x59: {  	_ =	shalt  }
0x5a: {  	_ =	shalt  }
0x5b: {  	_ =	shalt  }
0x5c: {  	_ =	shalt  }
0x5d: {  	_ =	shalt  }
0x5e: {  	_ =	shalt  }
0x5f: {  	_ =	shalt  }
0x60: {  	_ =	shalt  }
0x61: {  	_ =	shalt  }
0x62: {  	_ =	shalt  }
0x63: {  	_ =	shalt  }
0x64: {  	_ =	shalt  }
0x65: {  	_ =	shalt  }
0x66: {  	_ =	shalt  }
0x67: {  	_ =	shalt  }
0x68: {  	_ =	shalt  }
0x69: {  	_ =	shalt  }
0x6a: {  	_ =	shalt  }
0x6b: {  	_ =	shalt  }
0x6c: {  	_ =	shalt  }
0x6d: {  	_ =	shalt  }
0x6e: {  	_ =	shalt  }
0x6f: {  	_ =	shalt  }
0x70: {  	_ =	shalt  }
0x71: {  	_ =	shalt  }
0x72: {  	_ =	shalt  }
0x73: {  	_ =	shalt  }
0x74: {  	_ =	shalt  }
0x75: {  	_ =	shalt  }
0x76: {  	_ =	shalt  }
0x77: {  	_ =	shalt  }
0x78: {  	_ =	shalt  }
0x79: {  	_ =	shalt  }
0x7a: {  	_ =	shalt  }
0x7b: {  	_ =	shalt  }
0x7c: {  	_ =	shalt  }
0x7d: {  	_ =	shalt  }
0x7e: {  	_ =	shalt  }
0x7f: {  	_ =	shalt  }
0x80: {  	_ =	shalt  }
0x81: {  	_ =	shalt  }
0x82: {  	_ =	shalt  }
0x83: {  	_ =	shalt  }
0x84: {  	_ =	shalt  }
0x85: {  	_ =	shalt  }
0x86: {  	_ =	shalt  }
0x87: {  	_ =	shalt  }
.Lfunc_end0:
.L_simem_size_0:
called_computation_lowered:
.L_overlay_start_0:
0x88: {  	s2 =	sld [smem:$0x3FD9]  }
0x89: {  	s3 =	sld [smem:$0x3FFE];
	_ =	sdelay $0x1  }
0x8a: {  	s1 =	srdreg.scid  }
0x8b: {  	s0 =	sand.u32 $0x1, s1  }
0x8c: {  	s14 =	sshll.u32 s0, $0xA;
	s2 =	sadd.s32 s3, s2  }
0x8d: {  	s2 =	sadd.s32 s2, s14  }
0x8e: {  	[smem:$0x3FC3] =	sst s2  }
0x8f: {  	_ = 	snop  }
0x90: {  	s2 =	sld [smem:$0x3FD0];
	_ =	sdelay $0x2  }
0x91: {  	s15 =	simm.s32 $0xA;
	s4 =	simm.s32 $0x10  }
0x92: {  	[smem:s4], [sflag:s15] =	dma.local [hbm:s2], $0x1  }
0x93: {  	_ =	swait.eq [sflag:s15], $0x1  }
0x94: {  	[sflag:s15] =	ssyncset.done $0x0  }
0x95: {  	[sflag:s15] =	ssyncadd.s32 $0xFFFFFFFF  }
0x96: {  	s16 =	sld [smem:$0x11];
	(tm) =	ssettm $0x1  }
0x97: {  	s17 =	sld [smem:$0x3FFB];
	_ =	sdelay $0x3  }
0x98: {  	_ =	strace s17  }
0x99: {  	s3 =	sld [smem:$0x3FFC];
	_ =	sdelay $0x3  }
0x9a: {  	_ =	strace s3  }
0x9b: {  	s3 =	sld [smem:$0x3FFD];
	_ =	sdelay $0x3  }
0x9c: {  	_ =	strace s3  }
0x9d: {  	_ =	strace $0x8FFFFFFF  }
0x9e: {  	s18 =	sld [smem:$0x3FDB];
	_ =	sdelay $0x1  }
0x9f: {  	s19 =	simm.s32 $_scs_section_size  }
0xa0: {  	s5 =	simm.s32 $_size__tile_overlayer_lowered;
	s6 =	simm.s32 $_tile_overlayer_lowered  }
0xa1: {  	s22 =	simm.s32 $0x1BFF;
	s21 =	sshll.u32 s6, $0x1;
	s3 =	sadd.s32 s19, s18  }
0xa2: {  	s7 =	simm.s32 $0x0;
	s20 =	sshll.u32 s5, $0x1;
	s5 =	sadd.s32 s21, s3  }
0xa3: {  	[timem:s7], [sflag:s22] =	dma.local [hbm:s5], s20  }
0xa4: {  	_ =	swait.ge [sflag:s22], s20  }
0xa5: {  	s4 =	ssub.s32 $0x0, s20;
	[sflag:s22] =	ssyncset.done $0x0  }
0xa6: {  	[sflag:s22] =	ssyncadd.s32 s4;
	_ =	sdelay $0x1  }
0xa7: {  	s23 =	simm.s32 $0x1B8B  }
0xa8: {  	_ =	swait.ge [sflag:s23], $0x1  }
0xa9: {  	[sflag:s23] =	ssyncset.done $0x0  }
0xaa: {  	s25 =	simm.s32 $0x1B8E;
	s24 =	sld [smem:$0x3FFE];
	[sflag:s23] =	ssyncadd.s32 $0xFFFFFFFF  }
0xab: {  	s26 =	simm.s32 $execute0_lowered;
	[smem:$0x3FD2] =	sst s25  }
0xac: {  	s5 =	sshll.u32 s26, $0x1;
	_ =	strace $0x80000046;
	[dreg:$0x1] =	wrdreg $0xFFFFFFFF  }
0xad: {  	s28 =	simm.s32 $_size_execute0_lowered;
	s3 =	sadd.s32 s3, s5;
	[dreg:$0x0] =	wrdreg $0x0  }
0xae: {  	s5 =	sshll.u32 s28, $0x1;
	[dreg:$0x2] =	wrdreg s3  }
0xaf: {  	[dreg:$0x3] =	wrdreg s5  }
0xb0: {  	[dreg:$0x4] =	wrdreg $0xC0  }
0xb1: {  	_ =	task [dreg:s7], $0x5FFFF  }
0xb2: {  	[dreg:$0x1] =	wrdreg $0xFFFFFFFF  }
0xb3: {  	[dreg:$0x0] =	wrdreg $0x60  }
0xb4: {  	[dreg:$0x2] =	wrdreg s16  }
0xb5: {  	[dreg:$0x3] =	wrdreg s24  }
0xb6: {  	[dreg:$0x4] =	wrdreg $0x9  }
0xb7: {  	_ =	task.clear_ibuf [dreg:s7], $0x5FFFF;
	_ =	strace $0x90000046  }
0xb8: {  	s29 =	simm.s32 $0x9;
	_ =	strace $0x80000048  }
0xb9: {  	_ =	swait.ge [sflag:s29], $0x1  }
0xba: {  	[sflag:s29] =	ssyncadd.s32 $0xFFFFFFFF  }
0xbb: {  	_ =	strace $0x90000048  }
0xbc: {  	_ =	sfence  }
0xbd: {  	s30 =	sld [smem:$0x0];
	_ =	sdelay $0x2  }
0xbe: {  	s31 =	sshll.u32 s1, $0xD;
	s1 =	sshrl.u32 s1, $0x2  }
0xbf: {  	s3 =	sand.u32 $0x4000, s31;
	s1 =	sadd.s32 s1, s30  }
0xc0: {  	s0 =	sor.u32 s3, s0;
	s1 =	sshll.u32 s1, $0x11  }
0xc1: {  	s0 =	sor.u32 s1, s0  }
0xc2: {  	s0 =	sadd.s32 $0x8F2B, s0  }
0xc3: {  	[sflag:s0] =	ssyncadd.remote.s32 $0x1  }
0xc4: {  	_ =	sfence.sel $0xFFFF  }
0xc5: {  	[dreg:$0x0] =	wrdreg $0xFFFFFFFF;
	(pc) =	sbr.abs _section_cstart, $3  }
0xc6: {  	[dreg:$0x1] =	wrdreg $0xFFFFFFFF  }
0xc7: {  	_ =	task.clear_ibuf [dreg:s7], $0x2FFFF;
	_ =	strace $0x9FFFFFFF  }
0xc8: {  	(tm) =	ssettm $0x7FFFFFFF  }
0xc9: {  	_ =	shalt  }
tec
execute0_lowered:
.L_overlay_start_1:
0x0: {  	(tag) =	ssettag $0x1  }
0x1: {  	s0 =	rddreg [dreg:$0x0]  }
0x2: {  	s2 =	rddreg [dreg:$0x1];
	s1 =	simm.s32 $0x0;
	s3 =	srdreg.scid  }
0x3: {  	s5 =	stileid.u32;
	s24 =	simm.s32 $0x1;
	s25 =	simm.s32 $0xA80  }
0x4: {  	s26 =	simm.s32 $0xB00;
	s28 =	simm.s32 $0xB80;
	s29 =	simm.s32 $0x0  }
0x5: {  	[smem:$0x7FF] =	sst s1;
	s14 =	sadd.s32 $0x1400, s2;
	s3 =	sand.u32 $0x1, s3  }
0x6: {  	s5 =	sshll.u32 s5, $0x8;
	s4 =	ssub.s32 $0x2, s3;
	s3 =	sshll.u32 s3, $0x7  }
0x7: {  	s2 =	sadd.s32 $0x2400, s2;
	s6 =	sshrl.u32 s4, $0x1;
	s15 =	sor.u32 s3, s5  }
0x8: {  	_ =	strace $0x80000047;
	s23 =	ssub.s32 s4, s6;
	s16 =	sor.u32 $0x10, s15  }
0x9: {  	s17 =	sor.u32 $0x20, s15;
	s3 =	sadd.s32 s0, s15;
	s18 =	sor.u32 $0x30, s15  }
0xa: {  	s19 =	sor.u32 $0x40, s15;
	s20 =	sor.u32 $0x50, s15;
	s9 =	sadd.s32 s14, s15  }
0xb: {  	s15 =	sadd.s32 s2, s15;
	s4 =	sadd.s32 s0, s16;
	s5 =	sadd.s32 s0, s17  }
0xc: {  	s6 =	sadd.s32 s0, s18;
	s7 =	sadd.s32 s0, s19;
	s8 =	sadd.s32 s0, s20  }
0xd: {  	s10 =	sadd.s32 s14, s16;
	s11 =	sadd.s32 s14, s17;
	s12 =	sadd.s32 s14, s18  }
0xe: {  	s13 =	sadd.s32 s14, s19;
	s14 =	sadd.s32 s14, s20;
	s16 =	sadd.s32 s2, s16  }
0xf: {  	s17 =	sadd.s32 s2, s17;
	s18 =	sadd.s32 s2, s18;
	s19 =	sadd.s32 s2, s19  }
0x10: {  	s20 =	sadd.s32 s2, s20;
	s21 =	sadd.s32 $0x60, s15;
	s22 =	sadd.s32 $0x70, s15  }
0x11: {  	s23 =	smax.u32 s23, $0x1;
	s0 =	simm.s32 $0x980;
	s2 =	simm.s32 $0xA00  }
.LBB2_1:
0x12: {  	[tilespmem:s1], [sflag:$0x1] =	stream.linear.gather [hbm4b:s3+s1], $0x80, $0x38;
	[tilespmem:$0xC00] =	vst v63  }
0x13: {  	_ =	swait.ge [sflag:s24], $0x80  }
0x14: {  	[sflag:s24] =	ssyncset.done $0x0  }
0x15: {  	s30 =	simm.s32 $0x80;
	[sflag:s24] =	ssyncadd.s32 $0xFFFFFF80  }
0x16: {  	[tilespmem:s30], [sflag:$0x1] =	stream.linear.gather [hbm4b:s4+s1], $0x80, $0x38;
	[tilespmem:$0xC00] =	vst v63  }
0x17: {  	_ =	swait.ge [sflag:s24], $0x80  }
0x18: {  	[sflag:s24] =	ssyncset.done $0x0  }
0x19: {  	s30 =	simm.s32 $0x100;
	[sflag:s24] =	ssyncadd.s32 $0xFFFFFF80  }
0x1a: {  	[tilespmem:s30], [sflag:$0x1] =	stream.linear.gather [hbm4b:s5+s1], $0x80, $0x38;
	[tilespmem:$0xC00] =	vst v63  }
0x1b: {  	_ =	swait.ge [sflag:s24], $0x80  }
0x1c: {  	[sflag:s24] =	ssyncset.done $0x0  }
0x1d: {  	s30 =	simm.s32 $0x180;
	[sflag:s24] =	ssyncadd.s32 $0xFFFFFF80  }
0x1e: {  	[tilespmem:s30], [sflag:$0x1] =	stream.linear.gather [hbm4b:s6+s1], $0x80, $0x38;
	[tilespmem:$0xC00] =	vst v63  }
0x1f: {  	_ =	swait.ge [sflag:s24], $0x80  }
0x20: {  	[sflag:s24] =	ssyncset.done $0x0  }
0x21: {  	s30 =	simm.s32 $0x200;
	[sflag:s24] =	ssyncadd.s32 $0xFFFFFF80  }
0x22: {  	[tilespmem:s30], [sflag:$0x1] =	stream.linear.gather [hbm4b:s7+s1], $0x80, $0x38;
	[tilespmem:$0xC00] =	vst v63  }
0x23: {  	_ =	swait.ge [sflag:s24], $0x80  }
0x24: {  	[sflag:s24] =	ssyncset.done $0x0  }
0x25: {  	s30 =	simm.s32 $0x280;
	[sflag:s24] =	ssyncadd.s32 $0xFFFFFF80  }
0x26: {  	[tilespmem:s30], [sflag:$0x1] =	stream.linear.gather [hbm4b:s8+s1], $0x80, $0x38;
	[tilespmem:$0xC00] =	vst v63  }
0x27: {  	_ =	swait.ge [sflag:s24], $0x80  }
0x28: {  	[sflag:s24] =	ssyncset.done $0x0  }
0x29: {  	s30 =	simm.s32 $0xFFFFFE00;
	[sflag:s24] =	ssyncadd.s32 $0xFFFFFF80  }
.LBB2_2:
0x2a: {  	s31 =	sshra.s32 s30, $0x2  }
0x2b: {  	v6 =	vld [tilespmem:s31+$0x80];
	_ =	sdelay $0x4  }
0x2c: {  	v0 =	vadd.f32 v6, v6;
	_ =	sdelay $0x1  }
0x2d: {  	v0 =	vsub.f32 $-2.873907090e-01, v0;
	_ =	sdelay $0x1  }
0x2e: {  	v0 =	vmul.f32 $1.442695020e+00, v0;
	_ =	sdelay $0x1  }
0x2f: {  	(erf) = vpow2.f32 v0;
	_ =	sdelay $0x1  }
0x30: {  	v7 =	vld [tilespmem:s31+$0x100];
	_ =	sdelay $0x4  }
0x31: {  	v44 =	vadd.f32 v7, v7;
	_ =	sdelay $0x1  }
0x32: {  	v0 =	vsub.f32 $-2.873907090e-01, v44;
	v1 =	vpop (erf)  }
0x33: {  	v1 =	vadd.f32 $1.000000000e+00, v1  }
0x34: {  	v0 =	vmul.f32 $1.442695020e+00, v0  }
0x35: {  	(erf) = vrcp.f32 v1  }
0x36: {  	(erf) = vpow2.f32 v0;
	_ =	sdelay $0x1  }
0x37: {  	v8 =	vld [tilespmem:s31+$0x180];
	_ =	sdelay $0x4  }
0x38: {  	v45 =	vadd.f32 v8, v8  }
0x39: {  	v1 =	vpop (erf)  }
0x3a: {  	v0 =	vsub.f32 $-2.873907090e-01, v45;
	v2 =	vpop (erf)  }
0x3b: {  	v2 =	vadd.f32 $1.000000000e+00, v2  }
0x3c: {  	v0 =	vmul.f32 $1.442695020e+00, v0  }
0x3d: {  	(erf) = vrcp.f32 v2  }
0x3e: {  	(erf) = vpow2.f32 v0;
	_ =	sdelay $0x3  }
0x3f: {  	v9 =	vld [tilespmem:s31+$0x200];
	_ =	sdelay $0x3  }
0x40: {  	v46 =	vpop (erf)  }
0x41: {  	v3 =	vmul.f32 $-2.000000000e+00, v9;
	v47 =	vpop (erf)  }
0x42: {  	v2 =	vadd.f32 $1.000000000e+00, v47  }
0x43: {  	v3 =	vmul.f32 $1.442695020e+00, v3  }
0x44: {  	(erf) = vrcp.f32 v2  }
0x45: {  	(erf) = vpow2.f32 v3;
	_ =	sdelay $0x3  }
0x46: {  	v11 =	vld [tilespmem:s31+$0x280];
	_ =	sdelay $0x3  }
0x47: {  	v2 =	vpop (erf)  }
0x48: {  	v4 =	vmul.f32 $-2.000000000e+00, v11;
	v3 =	vpop (erf)  }
0x49: {  	v3 =	vadd.f32 $1.000000000e+00, v3  }
0x4a: {  	v4 =	vmul.f32 $1.442695020e+00, v4  }
0x4b: {  	(erf) = vrcp.f32 v3  }
0x4c: {  	(erf) = vpow2.f32 v4;
	_ =	sdelay $0x3  }
0x4d: {  	v12 =	vld [tilespmem:s31+$0x300];
	_ =	sdelay $0x3  }
0x4e: {  	v1 =	vmul.f32 $7.007000450e+00, v1;
	v3 =	vpop (erf)  }
0x4f: {  	v5 =	vmul.f32 $-2.000000000e+00, v12;
	v4 =	vpop (erf)  }
0x50: {  	v1 =	vadd.f32 $-4.003499980e+00, v1;
	v4 =	vadd.f32 $1.000000000e+00, v4  }
0x51: {  	v5 =	vmul.f32 $1.442695020e+00, v5  }
0x52: {  	v1 =	vadd.f32 $1.258291200e+07, v1;
	(erf) = vrcp.f32 v4  }
0x53: {  	(erf) = vpow2.f32 v5  }
0x54: {  	v17 =	vadd.f32 $-1.258291200e+07, v1;
	_ =	sdelay $0x1  }
0x55: {  	v1 =	vmul.f32 $2.500000000e-01, v17;
	_ =	sdelay $0x1  }
0x56: {  	v1 =	vsub.f32 v6, v1;
	_ =	sdelay $0x1  }
0x57: {  	v48 =	vmul.f32 $1.400000000e+01, v1  }
0x58: {  	v0 =	vmul.f32 $7.007000450e+00, v46;
	v49 =	vpop (erf)  }
0x59: {  	v4 =	vsub.f32 $-2.873907090e-01, v48;
	v50 =	vpop (erf)  }
0x5a: {  	[tilespmem:$0x1FEF0] =	vst v6;
	v0 =	vadd.f32 $-4.003499980e+00, v0;
	v6 =	vadd.f32 $1.000000000e+00, v50  }
0x5b: {  	v4 =	vmul.f32 $1.442695020e+00, v4  }
0x5c: {  	v0 =	vadd.f32 $1.258291200e+07, v0;
	(erf) = vrcp.f32 v6  }
0x5d: {  	(erf) = vpow2.f32 v4  }
0x5e: {  	v18 =	vadd.f32 $-1.258291200e+07, v0;
	_ =	sdelay $0x1  }
0x5f: {  	v0 =	vmul.f32 $2.500000000e-01, v18;
	_ =	sdelay $0x1  }
0x60: {  	v0 =	vsub.f32 v7, v0;
	_ =	sdelay $0x1  }
0x61: {  	[tilespmem:$0x1FF00] =	vst v7;
	v51 =	vmul.f32 $1.400000000e+01, v0  }
0x62: {  	[tilespmem:$0x1FF10] =	vst v8;
	v2 =	vmul.f32 $7.007000450e+00, v2;
	v6 =	vpop (erf)  }
0x63: {  	[tilespmem:$0x1FF40] =	vst v9;
	v4 =	vsub.f32 $-2.873907090e-01, v51;
	v52 =	vpop (erf)  }
0x64: {  	[tilespmem:$0x1FF60] =	vst v11;
	v2 =	vadd.f32 $-4.003499980e+00, v2;
	v7 =	vadd.f32 $1.000000000e+00, v52  }
0x65: {  	[tilespmem:$0x1FF80] =	vst v12;
	v4 =	vmul.f32 $1.442695020e+00, v4  }
0x66: {  	v2 =	vadd.f32 $1.258291200e+07, v2;
	(erf) = vrcp.f32 v7  }
0x67: {  	(erf) = vpow2.f32 v4  }
0x68: {  	v19 =	vadd.f32 $-1.258291200e+07, v2;
	_ =	sdelay $0x1  }
0x69: {  	v2 =	vmul.f32 $2.500000000e-01, v19;
	_ =	sdelay $0x1  }
0x6a: {  	v2 =	vsub.f32 v8, v2;
	_ =	sdelay $0x1  }
0x6b: {  	v53 =	vmul.f32 $1.400000000e+01, v2  }
0x6c: {  	v7 =	vpop (erf)  }
0x6d: {  	v4 =	vsub.f32 $-2.873907090e-01, v53;
	v54 =	vpop (erf)  }
0x6e: {  	v3 =	vmul.f32 $4.004000190e+00, v3;
	v8 =	vadd.f32 $1.000000000e+00, v54  }
0x6f: {  	v4 =	vmul.f32 $1.442695020e+00, v4  }
0x70: {  	v3 =	vadd.f32 $-2.002000090e+00, v3;
	(erf) = vrcp.f32 v8  }
0x71: {  	(erf) = vpow2.f32 v4  }
0x72: {  	v3 =	vadd.f32 $1.258291200e+07, v3;
	_ =	sdelay $0x1  }
0x73: {  	v22 =	vadd.f32 $-1.258291200e+07, v3;
	_ =	sdelay $0x1  }
0x74: {  	v3 =	vmul.f32 $5.000000000e-01, v22;
	_ =	sdelay $0x1  }
0x75: {  	v3 =	vsub.f32 v9, v3  }
0x76: {  	v55 =	vpop (erf)  }
0x77: {  	v9 =	vmul.f32 $-8.000000000e+00, v3;
	v56 =	vpop (erf)  }
0x78: {  	v5 =	vmul.f32 $4.004000190e+00, v49;
	v8 =	vadd.f32 $1.000000000e+00, v56  }
0x79: {  	v9 =	vmul.f32 $1.442695020e+00, v9  }
0x7a: {  	v5 =	vadd.f32 $-2.002000090e+00, v5;
	(erf) = vrcp.f32 v8  }
0x7b: {  	(erf) = vpow2.f32 v9  }
0x7c: {  	v5 =	vadd.f32 $1.258291200e+07, v5;
	_ =	sdelay $0x1  }
0x7d: {  	v28 =	vadd.f32 $-1.258291200e+07, v5;
	_ =	sdelay $0x1  }
0x7e: {  	v5 =	vmul.f32 $5.000000000e-01, v28;
	_ =	sdelay $0x1  }
0x7f: {  	v5 =	vsub.f32 v11, v5  }
0x80: {  	v8 =	vpop (erf)  }
0x81: {  	v10 =	vmul.f32 $-8.000000000e+00, v5;
	v9 =	vpop (erf)  }
0x82: {  	v6 =	vmul.f32 $4.004000190e+00, v6;
	v9 =	vadd.f32 $1.000000000e+00, v9  }
0x83: {  	v10 =	vmul.f32 $1.442695020e+00, v10  }
0x84: {  	v6 =	vadd.f32 $-2.002000090e+00, v6;
	(erf) = vrcp.f32 v9  }
0x85: {  	(erf) = vpow2.f32 v10  }
0x86: {  	v6 =	vadd.f32 $1.258291200e+07, v6;
	_ =	sdelay $0x1  }
0x87: {  	v32 =	vadd.f32 $-1.258291200e+07, v6;
	_ =	sdelay $0x1  }
0x88: {  	v6 =	vmul.f32 $5.000000000e-01, v32;
	_ =	sdelay $0x1  }
0x89: {  	v6 =	vsub.f32 v12, v6  }
0x8a: {  	v7 =	vmul.f32 $7.007000450e+00, v7;
	v9 =	vpop (erf)  }
0x8b: {  	v57 =	vmul.f32 $-8.000000000e+00, v6;
	v10 =	vpop (erf)  }
0x8c: {  	v7 =	vadd.f32 $-4.003499980e+00, v7;
	v10 =	vadd.f32 $1.000000000e+00, v10  }
0x8d: {  	v11 =	vmul.f32 $1.442695020e+00, v57  }
0x8e: {  	v7 =	vadd.f32 $1.258291200e+07, v7;
	(erf) = vrcp.f32 v10  }
0x8f: {  	(erf) = vpow2.f32 v11  }
0x90: {  	v31 =	vadd.f32 $-1.258291200e+07, v7;
	_ =	sdelay $0x1  }
0x91: {  	v7 =	vmul.f32 $3.571428730e-02, v31;
	_ =	sdelay $0x1  }
0x92: {  	v1 =	vsub.f32 v1, v7;
	_ =	sdelay $0x1  }
0x93: {  	v7 =	vmul.f32 $9.800000000e+01, v1  }
0x94: {  	v4 =	vmul.f32 $7.007000450e+00, v55;
	v10 =	vpop (erf)  }
0x95: {  	v7 =	vsub.f32 $-2.873907090e-01, v7;
	v11 =	vpop (erf)  }
0x96: {  	v4 =	vadd.f32 $-4.003499980e+00, v4;
	v11 =	vadd.f32 $1.000000000e+00, v11  }
0x97: {  	v7 =	vmul.f32 $1.442695020e+00, v7  }
0x98: {  	v4 =	vadd.f32 $1.258291200e+07, v4;
	(erf) = vrcp.f32 v11  }
0x99: {  	(erf) = vpow2.f32 v7  }
0x9a: {  	v4 =	vadd.f32 $-1.258291200e+07, v4;
	_ =	sdelay $0x1  }
0x9b: {  	[tilespmem:$0x1FC70] =	vst v4;
	v4 =	vmul.f32 $3.571428730e-02, v4;
	_ =	sdelay $0x1  }
0x9c: {  	v0 =	vsub.f32 v0, v4;
	_ =	sdelay $0x1  }
0x9d: {  	v4 =	vmul.f32 $9.800000000e+01, v0  }
0x9e: {  	v58 =	vmul.f32 $7.007000450e+00, v8;
	v59 =	vpop (erf)  }
0x9f: {  	v4 =	vsub.f32 $-2.873907090e-01, v4;
	v60 =	vpop (erf)  }
0xa0: {  	v7 =	vadd.f32 $-4.003499980e+00, v58;
	v11 =	vadd.f32 $1.000000000e+00, v60  }
0xa1: {  	v4 =	vmul.f32 $1.442695020e+00, v4  }
0xa2: {  	v7 =	vadd.f32 $1.258291200e+07, v7;
	(erf) = vrcp.f32 v11  }
0xa3: {  	(erf) = vpow2.f32 v4  }
0xa4: {  	v61 =	vadd.f32 $-1.258291200e+07, v7;
	_ =	sdelay $0x1  }
0xa5: {  	v4 =	vmul.f32 $3.571428730e-02, v61;
	_ =	sdelay $0x1  }
0xa6: {  	v2 =	vsub.f32 v2, v4;
	_ =	sdelay $0x1  }
0xa7: {  	v4 =	vmul.f32 $9.800000000e+01, v2  }
0xa8: {  	v62 =	vpop (erf)  }
0xa9: {  	v4 =	vsub.f32 $-2.873907090e-01, v4;
	v63 =	vpop (erf)  }
0xaa: {  	v9 =	vmul.f32 $4.004000190e+00, v9;
	v11 =	vadd.f32 $1.000000000e+00, v63  }
0xab: {  	v4 =	vmul.f32 $1.442695020e+00, v4  }
0xac: {  	v9 =	vadd.f32 $-2.002000090e+00, v9;
	(erf) = vrcp.f32 v11  }
0xad: {  	(erf) = vpow2.f32 v4  }
0xae: {  	v12 =	vadd.f32 $1.258291200e+07, v9;
	_ =	sdelay $0x1  }
0xaf: {  	v4 =	vadd.f32 $-1.258291200e+07, v12;
	_ =	sdelay $0x1  }
0xb0: {  	[tilespmem:$0x1FC90] =	vst v4;
	v4 =	vmul.f32 $1.250000000e-01, v4;
	_ =	sdelay $0x1  }
0xb1: {  	v3 =	vsub.f32 v3, v4  }
0xb2: {  	v13 =	vpop (erf)  }
0xb3: {  	v15 =	vmul.f32 $-3.200000000e+01, v3;
	v14 =	vpop (erf)  }
0xb4: {  	v10 =	vmul.f32 $4.004000190e+00, v10;
	v9 =	vadd.f32 $1.000000000e+00, v14  }
0xb5: {  	v11 =	vmul.f32 $1.442695020e+00, v15  }
0xb6: {  	v10 =	vadd.f32 $-2.002000090e+00, v10;
	(erf) = vrcp.f32 v9  }
0xb7: {  	(erf) = vpow2.f32 v11  }
0xb8: {  	v16 =	vadd.f32 $1.258291200e+07, v10;
	_ =	sdelay $0x1  }
0xb9: {  	v9 =	vadd.f32 $-1.258291200e+07, v16;
	_ =	sdelay $0x1  }
0xba: {  	[tilespmem:$0x1FCA0] =	vst v9;
	v9 =	vmul.f32 $1.250000000e-01, v9;
	_ =	sdelay $0x1  }
0xbb: {  	v5 =	vsub.f32 v5, v9  }
0xbc: {  	v20 =	vpop (erf)  }
0xbd: {  	v23 =	vmul.f32 $-3.200000000e+01, v5;
	v21 =	vpop (erf)  }
0xbe: {  	v8 =	vmul.f32 $4.004000190e+00, v59;
	v10 =	vadd.f32 $1.000000000e+00, v21  }
0xbf: {  	v11 =	vmul.f32 $1.442695020e+00, v23  }
0xc0: {  	v8 =	vadd.f32 $-2.002000090e+00, v8;
	(erf) = vrcp.f32 v10  }
0xc1: {  	(erf) = vpow2.f32 v11  }
0xc2: {  	v8 =	vadd.f32 $1.258291200e+07, v8;
	_ =	sdelay $0x1  }
0xc3: {  	v8 =	vadd.f32 $-1.258291200e+07, v8;
	_ =	sdelay $0x1  }
0xc4: {  	[tilespmem:$0x1FD20] =	vst v8;
	v8 =	vmul.f32 $1.250000000e-01, v8;
	_ =	sdelay $0x1  }
0xc5: {  	v6 =	vsub.f32 v6, v8  }
0xc6: {  	v7 =	vmul.f32 $7.007000450e+00, v62;
	v24 =	vpop (erf)  }
0xc7: {  	v26 =	vmul.f32 $-3.200000000e+01, v6;
	v25 =	vpop (erf)  }
0xc8: {  	v7 =	vadd.f32 $-4.003499980e+00, v7;
	v10 =	vadd.f32 $1.000000000e+00, v25  }
0xc9: {  	v11 =	vmul.f32 $1.442695020e+00, v26  }
0xca: {  	v7 =	vadd.f32 $1.258291200e+07, v7;
	(erf) = vrcp.f32 v10  }
0xcb: {  	(erf) = vpow2.f32 v11  }
0xcc: {  	v7 =	vadd.f32 $-1.258291200e+07, v7;
	_ =	sdelay $0x1  }
0xcd: {  	[tilespmem:$0x1FCC0] =	vst v7;
	v7 =	vmul.f32 $5.102041180e-03, v7;
	_ =	sdelay $0x1  }
0xce: {  	v1 =	vsub.f32 v1, v7;
	_ =	sdelay $0x1  }
0xcf: {  	v7 =	vmul.f32 $6.860000000e+02, v1  }
0xd0: {  	v4 =	vmul.f32 $7.007000450e+00, v13;
	v10 =	vpop (erf)  }
0xd1: {  	v7 =	vsub.f32 $-2.873907090e-01, v7;
	v11 =	vpop (erf)  }
0xd2: {  	v4 =	vadd.f32 $-4.003499980e+00, v4;
	v11 =	vadd.f32 $1.000000000e+00, v11  }
0xd3: {  	v7 =	vmul.f32 $1.442695020e+00, v7  }
0xd4: {  	v4 =	vadd.f32 $1.258291200e+07, v4;
	(erf) = vrcp.f32 v11  }
0xd5: {  	(erf) = vpow2.f32 v7  }
0xd6: {  	v4 =	vadd.f32 $-1.258291200e+07, v4;
	_ =	sdelay $0x1  }
0xd7: {  	[tilespmem:$0x1FCB0] =	vst v4;
	v4 =	vmul.f32 $5.102041180e-03, v4;
	_ =	sdelay $0x1  }
0xd8: {  	v0 =	vsub.f32 v0, v4;
	_ =	sdelay $0x1  }
0xd9: {  	v4 =	vmul.f32 $6.860000000e+02, v0  }
0xda: {  	v27 =	vmul.f32 $7.007000450e+00, v20;
	v29 =	vpop (erf)  }
0xdb: {  	v4 =	vsub.f32 $-2.873907090e-01, v4;
	v30 =	vpop (erf)  }
0xdc: {  	v7 =	vadd.f32 $-4.003499980e+00, v27;
	v11 =	vadd.f32 $1.000000000e+00, v30  }
0xdd: {  	v4 =	vmul.f32 $1.442695020e+00, v4  }
0xde: {  	v7 =	vadd.f32 $1.258291200e+07, v7;
	(erf) = vrcp.f32 v11  }
0xdf: {  	(erf) = vpow2.f32 v4  }
0xe0: {  	v33 =	vadd.f32 $-1.258291200e+07, v7;
	_ =	sdelay $0x1  }
0xe1: {  	v4 =	vmul.f32 $5.102041180e-03, v33;
	_ =	sdelay $0x1  }
0xe2: {  	v2 =	vsub.f32 v2, v4;
	_ =	sdelay $0x1  }
0xe3: {  	v4 =	vmul.f32 $6.860000000e+02, v2  }
0xe4: {  	v34 =	vpop (erf)  }
0xe5: {  	v4 =	vsub.f32 $-2.873907090e-01, v4;
	v35 =	vpop (erf)  }
0xe6: {  	v8 =	vmul.f32 $4.004000190e+00, v24;
	v11 =	vadd.f32 $1.000000000e+00, v35  }
0xe7: {  	v4 =	vmul.f32 $1.442695020e+00, v4  }
0xe8: {  	v8 =	vadd.f32 $-2.002000090e+00, v8;
	(erf) = vrcp.f32 v11  }
0xe9: {  	(erf) = vpow2.f32 v4  }
0xea: {  	v36 =	vadd.f32 $1.258291200e+07, v8;
	_ =	sdelay $0x1  }
0xeb: {  	v4 =	vadd.f32 $-1.258291200e+07, v36;
	_ =	sdelay $0x1  }
0xec: {  	[tilespmem:$0x1FD10] =	vst v4;
	v4 =	vmul.f32 $3.125000000e-02, v4;
	_ =	sdelay $0x1  }
0xed: {  	v3 =	vsub.f32 v3, v4  }
0xee: {  	v37 =	vpop (erf)  }
0xef: {  	v39 =	vmul.f32 $-1.280000000e+02, v3;
	v38 =	vpop (erf)  }
0xf0: {  	v10 =	vmul.f32 $4.004000190e+00, v10;
	v8 =	vadd.f32 $1.000000000e+00, v38  }
0xf1: {  	v11 =	vmul.f32 $1.442695020e+00, v39  }
0xf2: {  	v10 =	vadd.f32 $-2.002000090e+00, v10;
	(erf) = vrcp.f32 v8  }
0xf3: {  	(erf) = vpow2.f32 v11  }
0xf4: {  	v40 =	vadd.f32 $1.258291200e+07, v10;
	_ =	sdelay $0x1  }
0xf5: {  	v8 =	vadd.f32 $-1.258291200e+07, v40;
	_ =	sdelay $0x1  }
0xf6: {  	[tilespmem:$0x1FD40] =	vst v8;
	v8 =	vmul.f32 $3.125000000e-02, v8;
	_ =	sdelay $0x1  }
0xf7: {  	v5 =	vsub.f32 v5, v8  }
0xf8: {  	v41 =	vpop (erf)  }
0xf9: {  	v43 =	vmul.f32 $-1.280000000e+02, v5;
	v42 =	vpop (erf)  }
0xfa: {  	v9 =	vmul.f32 $4.004000190e+00, v29;
	v10 =	vadd.f32 $1.000000000e+00, v42  }
0xfb: {  	v11 =	vmul.f32 $1.442695020e+00, v43  }
0xfc: {  	v9 =	vadd.f32 $-2.002000090e+00, v9;
	(erf) = vrcp.f32 v10  }
0xfd: {  	(erf) = vpow2.f32 v11  }
0xfe: {  	v9 =	vadd.f32 $1.258291200e+07, v9;
	_ =	sdelay $0x1  }
0xff: {  	v9 =	vadd.f32 $-1.258291200e+07, v9;
	_ =	sdelay $0x1  }
0x100: {  	[tilespmem:$0x1FD70] =	vst v9;
	v9 =	vmul.f32 $3.125000000e-02, v9;
	_ =	sdelay $0x1  }
0x101: {  	v6 =	vsub.f32 v6, v9  }
0x102: {  	v7 =	vmul.f32 $7.007000450e+00, v34;
	v44 =	vpop (erf)  }
0x103: {  	v46 =	vmul.f32 $-1.280000000e+02, v6;
	v45 =	vpop (erf)  }
0x104: {  	v7 =	vadd.f32 $-4.003499980e+00, v7;
	v10 =	vadd.f32 $1.000000000e+00, v45  }
0x105: {  	v11 =	vmul.f32 $1.442695020e+00, v46  }
0x106: {  	v7 =	vadd.f32 $1.258291200e+07, v7;
	(erf) = vrcp.f32 v10  }
0x107: {  	(erf) = vpow2.f32 v11  }
0x108: {  	v7 =	vadd.f32 $-1.258291200e+07, v7;
	_ =	sdelay $0x1  }
0x109: {  	[tilespmem:$0x1FCF0] =	vst v7;
	v7 =	vmul.f32 $7.288630000e-04, v7;
	_ =	sdelay $0x1  }
0x10a: {  	v1 =	vsub.f32 v1, v7;
	_ =	sdelay $0x1  }
0x10b: {  	v7 =	vmul.f32 $4.802000000e+03, v1  }
0x10c: {  	v4 =	vmul.f32 $7.007000450e+00, v37;
	v10 =	vpop (erf)  }
0x10d: {  	v7 =	vsub.f32 $-2.873907090e-01, v7;
	v11 =	vpop (erf)  }
0x10e: {  	v4 =	vadd.f32 $-4.003499980e+00, v4;
	v11 =	vadd.f32 $1.000000000e+00, v11  }
0x10f: {  	v7 =	vmul.f32 $1.442695020e+00, v7  }
0x110: {  	v4 =	vadd.f32 $1.258291200e+07, v4;
	(erf) = vrcp.f32 v11  }
0x111: {  	(erf) = vpow2.f32 v7  }
0x112: {  	v4 =	vadd.f32 $-1.258291200e+07, v4;
	_ =	sdelay $0x1  }
0x113: {  	[tilespmem:$0x1FCD0] =	vst v4;
	v4 =	vmul.f32 $7.288630000e-04, v4;
	_ =	sdelay $0x1  }
0x114: {  	v0 =	vsub.f32 v0, v4;
	_ =	sdelay $0x1  }
0x115: {  	v4 =	vmul.f32 $4.802000000e+03, v0  }
0x116: {  	v47 =	vmul.f32 $7.007000450e+00, v41;
	v48 =	vpop (erf)  }
0x117: {  	v4 =	vsub.f32 $-2.873907090e-01, v4;
	v49 =	vpop (erf)  }
0x118: {  	v7 =	vadd.f32 $-4.003499980e+00, v47;
	v11 =	vadd.f32 $1.000000000e+00, v49  }
0x119: {  	v4 =	vmul.f32 $1.442695020e+00, v4  }
0x11a: {  	v7 =	vadd.f32 $1.258291200e+07, v7;
	(erf) = vrcp.f32 v11  }
0x11b: {  	(erf) = vpow2.f32 v4  }
0x11c: {  	v50 =	vadd.f32 $-1.258291200e+07, v7;
	_ =	sdelay $0x1  }
0x11d: {  	v4 =	vmul.f32 $7.288630000e-04, v50;
	_ =	sdelay $0x1  }
0x11e: {  	v2 =	vsub.f32 v2, v4;
	_ =	sdelay $0x1  }
0x11f: {  	v4 =	vmul.f32 $4.802000000e+03, v2  }
0x120: {  	v51 =	vpop (erf)  }
0x121: {  	v4 =	vsub.f32 $-2.873907090e-01, v4;
	v52 =	vpop (erf)  }
0x122: {  	v9 =	vmul.f32 $4.004000190e+00, v44;
	v11 =	vadd.f32 $1.000000000e+00, v52  }
0x123: {  	v4 =	vmul.f32 $1.442695020e+00, v4  }
0x124: {  	v9 =	vadd.f32 $-2.002000090e+00, v9;
	(erf) = vrcp.f32 v11  }
0x125: {  	(erf) = vpow2.f32 v4  }
0x126: {  	v53 =	vadd.f32 $1.258291200e+07, v9;
	_ =	sdelay $0x1  }
0x127: {  	v4 =	vadd.f32 $-1.258291200e+07, v53;
	_ =	sdelay $0x1  }
0x128: {  	[tilespmem:$0x1FD30] =	vst v4;
	v4 =	vmul.f32 $7.812500000e-03, v4;
	_ =	sdelay $0x1  }
0x129: {  	v3 =	vsub.f32 v3, v4  }
0x12a: {  	v54 =	vpop (erf)  }
0x12b: {  	v56 =	vmul.f32 $-5.120000000e+02, v3;
	v55 =	vpop (erf)  }
0x12c: {  	v10 =	vmul.f32 $4.004000190e+00, v10;
	v9 =	vadd.f32 $1.000000000e+00, v55  }
0x12d: {  	v11 =	vmul.f32 $1.442695020e+00, v56  }
0x12e: {  	v10 =	vadd.f32 $-2.002000090e+00, v10;
	(erf) = vrcp.f32 v9  }
0x12f: {  	(erf) = vpow2.f32 v11  }
0x130: {  	v57 =	vadd.f32 $1.258291200e+07, v10;
	_ =	sdelay $0x1  }
0x131: {  	v9 =	vadd.f32 $-1.258291200e+07, v57;
	_ =	sdelay $0x1  }
0x132: {  	[tilespmem:$0x1FD50] =	vst v9;
	v9 =	vmul.f32 $7.812500000e-03, v9;
	_ =	sdelay $0x1  }
0x133: {  	v5 =	vsub.f32 v5, v9  }
0x134: {  	v58 =	vpop (erf)  }
0x135: {  	v60 =	vmul.f32 $-5.120000000e+02, v5;
	v59 =	vpop (erf)  }
0x136: {  	v8 =	vmul.f32 $4.004000190e+00, v48;
	v10 =	vadd.f32 $1.000000000e+00, v59  }
0x137: {  	v11 =	vmul.f32 $1.442695020e+00, v60  }
0x138: {  	v8 =	vadd.f32 $-2.002000090e+00, v8;
	(erf) = vrcp.f32 v10  }
0x139: {  	(erf) = vpow2.f32 v11  }
0x13a: {  	v8 =	vadd.f32 $1.258291200e+07, v8;
	_ =	sdelay $0x1  }
0x13b: {  	v8 =	vadd.f32 $-1.258291200e+07, v8;
	_ =	sdelay $0x1  }
0x13c: {  	[tilespmem:$0x1FD80] =	vst v8;
	v8 =	vmul.f32 $7.812500000e-03, v8;
	_ =	sdelay $0x1  }
0x13d: {  	v6 =	vsub.f32 v6, v8  }
0x13e: {  	[tilespmem:$0x1FC80] =	vst v61;
	v7 =	vmul.f32 $7.007000450e+00, v51;
	v61 =	vpop (erf)  }
0x13f: {  	v63 =	vmul.f32 $-5.120000000e+02, v6;
	v62 =	vpop (erf)  }
0x140: {  	v7 =	vadd.f32 $-4.003499980e+00, v7;
	v10 =	vadd.f32 $1.000000000e+00, v62  }
0x141: {  	v11 =	vmul.f32 $1.442695020e+00, v63  }
0x142: {  	v7 =	vadd.f32 $1.258291200e+07, v7;
	(erf) = vrcp.f32 v10  }
0x143: {  	(erf) = vpow2.f32 v11  }
0x144: {  	v7 =	vadd.f32 $-1.258291200e+07, v7;
	_ =	sdelay $0x1  }
0x145: {  	[tilespmem:$0x1FD90] =	vst v7;
	v7 =	vmul.f32 $1.041232830e-04, v7;
	_ =	sdelay $0x1  }
0x146: {  	v1 =	vsub.f32 v1, v7;
	_ =	sdelay $0x1  }
0x147: {  	v7 =	vmul.f32 $3.361400000e+04, v1  }
0x148: {  	v4 =	vmul.f32 $7.007000450e+00, v54;
	v10 =	vpop (erf)  }
0x149: {  	v7 =	vsub.f32 $-2.873907090e-01, v7;
	v11 =	vpop (erf)  }
0x14a: {  	v4 =	vadd.f32 $-4.003499980e+00, v4;
	v11 =	vadd.f32 $1.000000000e+00, v11  }
0x14b: {  	v7 =	vmul.f32 $1.442695020e+00, v7  }
0x14c: {  	v4 =	vadd.f32 $1.258291200e+07, v4;
	(erf) = vrcp.f32 v11  }
0x14d: {  	(erf) = vpow2.f32 v7  }
0x14e: {  	v4 =	vadd.f32 $-1.258291200e+07, v4;
	_ =	sdelay $0x1  }
0x14f: {  	[tilespmem:$0x1FD60] =	vst v4;
	v4 =	vmul.f32 $1.041232830e-04, v4;
	_ =	sdelay $0x1  }
0x150: {  	v0 =	vsub.f32 v0, v4;
	_ =	sdelay $0x1  }
0x151: {  	v4 =	vmul.f32 $3.361400000e+04, v0  }
0x152: {  	v12 =	vmul.f32 $7.007000450e+00, v58;
	v13 =	vpop (erf)  }
0x153: {  	v4 =	vsub.f32 $-2.873907090e-01, v4;
	v14 =	vpop (erf)  }
0x154: {  	v7 =	vadd.f32 $-4.003499980e+00, v12;
	v11 =	vadd.f32 $1.000000000e+00, v14  }
0x155: {  	v4 =	vmul.f32 $1.442695020e+00, v4  }
0x156: {  	v7 =	vadd.f32 $1.258291200e+07, v7;
	(erf) = vrcp.f32 v11  }
0x157: {  	(erf) = vpow2.f32 v4  }
0x158: {  	v15 =	vadd.f32 $-1.258291200e+07, v7;
	_ =	sdelay $0x1  }
0x159: {  	v4 =	vmul.f32 $1.041232830e-04, v15;
	_ =	sdelay $0x1  }
0x15a: {  	v2 =	vsub.f32 v2, v4;
	_ =	sdelay $0x1  }
0x15b: {  	v4 =	vmul.f32 $3.361400000e+04, v2  }
0x15c: {  	v16 =	vpop (erf)  }
0x15d: {  	v4 =	vsub.f32 $-2.873907090e-01, v4;
	v20 =	vpop (erf)  }
0x15e: {  	v8 =	vmul.f32 $4.004000190e+00, v61;
	v11 =	vadd.f32 $1.000000000e+00, v20  }
0x15f: {  	v4 =	vmul.f32 $1.442695020e+00, v4  }
0x160: {  	v8 =	vadd.f32 $-2.002000090e+00, v8;
	(erf) = vrcp.f32 v11  }
0x161: {  	(erf) = vpow2.f32 v4  }
0x162: {  	v21 =	vadd.f32 $1.258291200e+07, v8;
	_ =	sdelay $0x1  }
0x163: {  	v4 =	vadd.f32 $-1.258291200e+07, v21;
	_ =	sdelay $0x1  }
0x164: {  	[tilespmem:$0x1FDC0] =	vst v4;
	v4 =	vmul.f32 $1.953125000e-03, v4;
	_ =	sdelay $0x1  }
0x165: {  	v3 =	vsub.f32 v3, v4  }
0x166: {  	v23 =	vpop (erf)  }
0x167: {  	v25 =	vmul.f32 $-2.048000000e+03, v3;
	v24 =	vpop (erf)  }
0x168: {  	v10 =	vmul.f32 $4.004000190e+00, v10;
	v8 =	vadd.f32 $1.000000000e+00, v24  }
0x169: {  	v11 =	vmul.f32 $1.442695020e+00, v25  }
0x16a: {  	v10 =	vadd.f32 $-2.002000090e+00, v10;
	(erf) = vrcp.f32 v8  }
0x16b: {  	(erf) = vpow2.f32 v11  }
0x16c: {  	v26 =	vadd.f32 $1.258291200e+07, v10;
	_ =	sdelay $0x1  }
0x16d: {  	v8 =	vadd.f32 $-1.258291200e+07, v26;
	_ =	sdelay $0x1  }
0x16e: {  	[tilespmem:$0x1FDF0] =	vst v8;
	v8 =	vmul.f32 $1.953125000e-03, v8;
	_ =	sdelay $0x1  }
0x16f: {  	v5 =	vsub.f32 v5, v8  }
0x170: {  	v27 =	vpop (erf)  }
0x171: {  	v30 =	vmul.f32 $-2.048000000e+03, v5;
	v29 =	vpop (erf)  }
0x172: {  	v9 =	vmul.f32 $4.004000190e+00, v13;
	v10 =	vadd.f32 $1.000000000e+00, v29  }
0x173: {  	v11 =	vmul.f32 $1.442695020e+00, v30  }
0x174: {  	v9 =	vadd.f32 $-2.002000090e+00, v9;
	(erf) = vrcp.f32 v10  }
0x175: {  	(erf) = vpow2.f32 v11  }
0x176: {  	v9 =	vadd.f32 $1.258291200e+07, v9;
	_ =	sdelay $0x1  }
0x177: {  	v9 =	vadd.f32 $-1.258291200e+07, v9;
	_ =	sdelay $0x1  }
0x178: {  	[tilespmem:$0x1FE10] =	vst v9;
	v9 =	vmul.f32 $1.953125000e-03, v9;
	_ =	sdelay $0x1  }
0x179: {  	v6 =	vsub.f32 v6, v9  }
0x17a: {  	[tilespmem:$0x1FCE0] =	vst v33;
	v7 =	vmul.f32 $7.007000450e+00, v16;
	v33 =	vpop (erf)  }
0x17b: {  	v35 =	vmul.f32 $-2.048000000e+03, v6;
	v34 =	vpop (erf)  }
0x17c: {  	v7 =	vadd.f32 $-4.003499980e+00, v7;
	v10 =	vadd.f32 $1.000000000e+00, v34  }
0x17d: {  	v11 =	vmul.f32 $1.442695020e+00, v35  }
0x17e: {  	v7 =	vadd.f32 $1.258291200e+07, v7;
	(erf) = vrcp.f32 v10  }
0x17f: {  	(erf) = vpow2.f32 v11  }
0x180: {  	v7 =	vadd.f32 $-1.258291200e+07, v7;
	_ =	sdelay $0x1  }
0x181: {  	[tilespmem:$0x1FDD0] =	vst v7;
	v7 =	vmul.f32 $1.487475490e-05, v7;
	_ =	sdelay $0x1  }
0x182: {  	v1 =	vsub.f32 v1, v7;
	_ =	sdelay $0x1  }
0x183: {  	v7 =	vmul.f32 $2.352980000e+05, v1  }
0x184: {  	v4 =	vmul.f32 $7.007000450e+00, v23;
	v10 =	vpop (erf)  }
0x185: {  	v7 =	vsub.f32 $-2.873907090e-01, v7;
	v11 =	vpop (erf)  }
0x186: {  	v4 =	vadd.f32 $-4.003499980e+00, v4;
	v11 =	vadd.f32 $1.000000000e+00, v11  }
0x187: {  	v7 =	vmul.f32 $1.442695020e+00, v7  }
0x188: {  	v4 =	vadd.f32 $1.258291200e+07, v4;
	(erf) = vrcp.f32 v11  }
0x189: {  	(erf) = vpow2.f32 v7  }
0x18a: {  	v4 =	vadd.f32 $-1.258291200e+07, v4;
	_ =	sdelay $0x1  }
0x18b: {  	[tilespmem:$0x1FDB0] =	vst v4;
	v4 =	vmul.f32 $1.487475490e-05, v4;
	_ =	sdelay $0x1  }
0x18c: {  	v0 =	vsub.f32 v0, v4;
	_ =	sdelay $0x1  }
0x18d: {  	v4 =	vmul.f32 $2.352980000e+05, v0  }
0x18e: {  	v36 =	vmul.f32 $7.007000450e+00, v27;
	v37 =	vpop (erf)  }
0x18f: {  	v4 =	vsub.f32 $-2.873907090e-01, v4;
	v38 =	vpop (erf)  }
0x190: {  	v7 =	vadd.f32 $-4.003499980e+00, v36;
	v11 =	vadd.f32 $1.000000000e+00, v38  }
0x191: {  	v4 =	vmul.f32 $1.442695020e+00, v4  }
0x192: {  	v7 =	vadd.f32 $1.258291200e+07, v7;
	(erf) = vrcp.f32 v11  }
0x193: {  	(erf) = vpow2.f32 v4  }
0x194: {  	v39 =	vadd.f32 $-1.258291200e+07, v7;
	_ =	sdelay $0x1  }
0x195: {  	v4 =	vmul.f32 $1.487475490e-05, v39;
	_ =	sdelay $0x1  }
0x196: {  	v2 =	vsub.f32 v2, v4;
	_ =	sdelay $0x1  }
0x197: {  	v4 =	vmul.f32 $2.352980000e+05, v2  }
0x198: {  	v40 =	vpop (erf)  }
0x199: {  	v4 =	vsub.f32 $-2.873907090e-01, v4;
	v41 =	vpop (erf)  }
0x19a: {  	v9 =	vmul.f32 $4.004000190e+00, v33;
	v11 =	vadd.f32 $1.000000000e+00, v41  }
0x19b: {  	v4 =	vmul.f32 $1.442695020e+00, v4  }
0x19c: {  	v9 =	vadd.f32 $-2.002000090e+00, v9;
	(erf) = vrcp.f32 v11  }
0x19d: {  	(erf) = vpow2.f32 v4  }
0x19e: {  	v42 =	vadd.f32 $1.258291200e+07, v9;
	_ =	sdelay $0x1  }
0x19f: {  	v4 =	vadd.f32 $-1.258291200e+07, v42;
	_ =	sdelay $0x1  }
0x1a0: {  	[tilespmem:$0x1FE00] =	vst v4;
	v4 =	vmul.f32 $4.882812500e-04, v4;
	_ =	sdelay $0x1  }
0x1a1: {  	v3 =	vsub.f32 v3, v4  }
0x1a2: {  	v43 =	vpop (erf)  }
0x1a3: {  	v45 =	vmul.f32 $-8.192000000e+03, v3;
	v44 =	vpop (erf)  }
0x1a4: {  	v10 =	vmul.f32 $4.004000190e+00, v10;
	v9 =	vadd.f32 $1.000000000e+00, v44  }
0x1a5: {  	v11 =	vmul.f32 $1.442695020e+00, v45  }
0x1a6: {  	v10 =	vadd.f32 $-2.002000090e+00, v10;
	(erf) = vrcp.f32 v9  }
0x1a7: {  	(erf) = vpow2.f32 v11  }
0x1a8: {  	v46 =	vadd.f32 $1.258291200e+07, v10;
	_ =	sdelay $0x1  }
0x1a9: {  	v62 =	vadd.f32 $-1.258291200e+07, v46;
	_ =	sdelay $0x1  }
0x1aa: {  	v9 =	vmul.f32 $4.882812500e-04, v62;
	_ =	sdelay $0x1  }
0x1ab: {  	v5 =	vsub.f32 v5, v9  }
0x1ac: {  	v47 =	vpop (erf)  }
0x1ad: {  	v49 =	vmul.f32 $-8.192000000e+03, v5;
	v48 =	vpop (erf)  }
0x1ae: {  	v8 =	vmul.f32 $4.004000190e+00, v37;
	v10 =	vadd.f32 $1.000000000e+00, v48  }
0x1af: {  	v11 =	vmul.f32 $1.442695020e+00, v49  }
0x1b0: {  	v8 =	vadd.f32 $-2.002000090e+00, v8;
	(erf) = vrcp.f32 v10  }
0x1b1: {  	(erf) = vpow2.f32 v11  }
0x1b2: {  	v8 =	vadd.f32 $1.258291200e+07, v8;
	_ =	sdelay $0x1  }
0x1b3: {  	v8 =	vadd.f32 $-1.258291200e+07, v8;
	_ =	sdelay $0x1  }
0x1b4: {  	[tilespmem:$0x1FE30] =	vst v8;
	v8 =	vmul.f32 $4.882812500e-04, v8;
	_ =	sdelay $0x1  }
0x1b5: {  	v6 =	vsub.f32 v6, v8  }
0x1b6: {  	[tilespmem:$0x1FD00] =	vst v50;
	v7 =	vmul.f32 $7.007000450e+00, v40;
	v50 =	vpop (erf)  }
0x1b7: {  	v52 =	vmul.f32 $-8.192000000e+03, v6;
	v51 =	vpop (erf)  }
0x1b8: {  	v7 =	vadd.f32 $-4.003499980e+00, v7;
	v10 =	vadd.f32 $1.000000000e+00, v51  }
0x1b9: {  	v11 =	vmul.f32 $1.442695020e+00, v52  }
0x1ba: {  	v7 =	vadd.f32 $1.258291200e+07, v7;
	(erf) = vrcp.f32 v10  }
0x1bb: {  	(erf) = vpow2.f32 v11  }
0x1bc: {  	v59 =	vadd.f32 $-1.258291200e+07, v7;
	_ =	sdelay $0x1  }
0x1bd: {  	v7 =	vmul.f32 $2.124965020e-06, v59;
	_ =	sdelay $0x1  }
0x1be: {  	v1 =	vsub.f32 v1, v7;
	_ =	sdelay $0x1  }
0x1bf: {  	[tilespmem:$0x1FE60] =	vst v1;
	v1 =	vmul.f32 $1.647086000e+06, v1  }
0x1c0: {  	v4 =	vmul.f32 $7.007000450e+00, v43;
	v53 =	vpop (erf)  }
0x1c1: {  	v1 =	vsub.f32 $-2.873907090e-01, v1;
	v63 =	vpop (erf)  }
0x1c2: {  	v4 =	vadd.f32 $-4.003499980e+00, v4;
	v10 =	vadd.f32 $1.000000000e+00, v63  }
0x1c3: {  	v1 =	vmul.f32 $1.442695020e+00, v1  }
0x1c4: {  	v4 =	vadd.f32 $1.258291200e+07, v4;
	(erf) = vrcp.f32 v10  }
0x1c5: {  	(erf) = vpow2.f32 v1  }
0x1c6: {  	v57 =	vadd.f32 $-1.258291200e+07, v4;
	_ =	sdelay $0x1  }
0x1c7: {  	v12 =	vmul.f32 $2.124965020e-06, v57;
	_ =	sdelay $0x1  }
0x1c8: {  	v0 =	vsub.f32 v0, v12;
	_ =	sdelay $0x1  }
0x1c9: {  	[tilespmem:$0x1FEA0] =	vst v0;
	v0 =	vmul.f32 $1.647086000e+06, v0  }
0x1ca: {  	v13 =	vmul.f32 $7.007000450e+00, v47;
	v14 =	vpop (erf)  }
0x1cb: {  	[tilespmem:$0x1FDA0] =	vst v15;
	v0 =	vsub.f32 $-2.873907090e-01, v0;
	v15 =	vpop (erf)  }
0x1cc: {  	v1 =	vadd.f32 $-4.003499980e+00, v13;
	v9 =	vadd.f32 $1.000000000e+00, v15  }
0x1cd: {  	v0 =	vmul.f32 $1.442695020e+00, v0  }
0x1ce: {  	v1 =	vadd.f32 $1.258291200e+07, v1;
	(erf) = vrcp.f32 v9  }
0x1cf: {  	(erf) = vpow2.f32 v0  }
0x1d0: {  	v56 =	vadd.f32 $-1.258291200e+07, v1;
	_ =	sdelay $0x1  }
0x1d1: {  	v16 =	vmul.f32 $2.124965020e-06, v56;
	_ =	sdelay $0x1  }
0x1d2: {  	v0 =	vsub.f32 v2, v16;
	_ =	sdelay $0x1  }
0x1d3: {  	[tilespmem:$0x1FEB0] =	vst v0;
	v0 =	vmul.f32 $1.647086000e+06, v0  }
0x1d4: {  	v20 =	vpop (erf)  }
0x1d5: {  	v0 =	vsub.f32 $-2.873907090e-01, v0;
	v21 =	vpop (erf)  }
0x1d6: {  	v23 =	vmul.f32 $4.004000190e+00, v50;
	v1 =	vadd.f32 $1.000000000e+00, v21  }
0x1d7: {  	v0 =	vmul.f32 $1.442695020e+00, v0  }
0x1d8: {  	v2 =	vadd.f32 $-2.002000090e+00, v23;
	(erf) = vrcp.f32 v1  }
0x1d9: {  	(erf) = vpow2.f32 v0  }
0x1da: {  	v24 =	vadd.f32 $1.258291200e+07, v2;
	_ =	sdelay $0x1  }
0x1db: {  	v60 =	vadd.f32 $-1.258291200e+07, v24;
	_ =	sdelay $0x1  }
0x1dc: {  	v0 =	vmul.f32 $1.220703130e-04, v60;
	_ =	sdelay $0x1  }
0x1dd: {  	v25 =	vsub.f32 v3, v0  }
0x1de: {  	v26 =	vpop (erf)  }
0x1df: {  	v1 =	vmul.f32 $-3.276800000e+04, v25;
	v27 =	vpop (erf)  }
0x1e0: {  	v29 =	vmul.f32 $4.004000190e+00, v53;
	v0 =	vadd.f32 $1.000000000e+00, v27  }
0x1e1: {  	v1 =	vmul.f32 $1.442695020e+00, v1  }
0x1e2: {  	v2 =	vadd.f32 $-2.002000090e+00, v29;
	(erf) = vrcp.f32 v0  }
0x1e3: {  	(erf) = vpow2.f32 v1  }
0x1e4: {  	v30 =	vadd.f32 $1.258291200e+07, v2;
	_ =	sdelay $0x1  }
0x1e5: {  	v44 =	vadd.f32 $-1.258291200e+07, v30;
	_ =	sdelay $0x1  }
0x1e6: {  	v0 =	vmul.f32 $1.220703130e-04, v44;
	_ =	sdelay $0x1  }
0x1e7: {  	v33 =	vsub.f32 v5, v0  }
0x1e8: {  	v34 =	vpop (erf)  }
0x1e9: {  	v1 =	vmul.f32 $-3.276800000e+04, v33;
	v35 =	vpop (erf)  }
0x1ea: {  	v36 =	vmul.f32 $4.004000190e+00, v14;
	v0 =	vadd.f32 $1.000000000e+00, v35  }
0x1eb: {  	v1 =	vmul.f32 $1.442695020e+00, v1  }
0x1ec: {  	v2 =	vadd.f32 $-2.002000090e+00, v36;
	(erf) = vrcp.f32 v0  }
0x1ed: {  	(erf) = vpow2.f32 v1  }
0x1ee: {  	v37 =	vadd.f32 $1.258291200e+07, v2;
	_ =	sdelay $0x1  }
0x1ef: {  	[tilespmem:$0x1FDE0] =	vst v39;
	v39 =	vadd.f32 $-1.258291200e+07, v37;
	_ =	sdelay $0x1  }
0x1f0: {  	v0 =	vmul.f32 $1.220703130e-04, v39;
	_ =	sdelay $0x1  }
0x1f1: {  	v38 =	vsub.f32 v6, v0  }
0x1f2: {  	v40 =	vpop (erf)  }
0x1f3: {  	v1 =	vmul.f32 $-3.276800000e+04, v38;
	v41 =	vpop (erf)  }
0x1f4: {  	v0 =	vadd.f32 $1.000000000e+00, v41  }
0x1f5: {  	v1 =	vmul.f32 $1.442695020e+00, v1  }
0x1f6: {  	(erf) = vrcp.f32 v0  }
0x1f7: {  	(erf) = vpow2.f32 v1;
	_ =	sdelay $0x1  }
0x1f8: {  	v42 =	vld [tilespmem:s31+$0x90];
	_ =	sdelay $0x4  }
0x1f9: {  	v43 =	vadd.f32 v42, v42  }
0x1fa: {  	v45 =	vpop (erf)  }
0x1fb: {  	v0 =	vsub.f32 $-2.873907090e-01, v43;
	v46 =	vpop (erf)  }
0x1fc: {  	v1 =	vadd.f32 $1.000000000e+00, v46  }
0x1fd: {  	v0 =	vmul.f32 $1.442695020e+00, v0  }
0x1fe: {  	(erf) = vrcp.f32 v1  }
0x1ff: {  	(erf) = vpow2.f32 v0;
	_ =	sdelay $0x1  }
0x200: {  	v47 =	vld [tilespmem:s31+$0x110];
	_ =	sdelay $0x4  }
0x201: {  	v52 =	vadd.f32 v47, v47  }
0x202: {  	v1 =	vpop (erf)  }
0x203: {  	v0 =	vsub.f32 $-2.873907090e-01, v52;
	v53 =	vpop (erf)  }
0x204: {  	[tilespmem:$0x1FE90] =	vst v1;
	v1 =	vadd.f32 $1.000000000e+00, v53  }
0x205: {  	v0 =	vmul.f32 $1.442695020e+00, v0  }
0x206: {  	(erf) = vrcp.f32 v1  }
0x207: {  	(erf) = vpow2.f32 v0;
	_ =	sdelay $0x1  }
0x208: {  	v54 =	vld [tilespmem:s31+$0x190];
	_ =	sdelay $0x4  }
0x209: {  	v55 =	vadd.f32 v54, v54  }
0x20a: {  	v1 =	vpop (erf)  }
0x20b: {  	v0 =	vsub.f32 $-2.873907090e-01, v55;
	v58 =	vpop (erf)  }
0x20c: {  	v2 =	vadd.f32 $1.000000000e+00, v58  }
0x20d: {  	v0 =	vmul.f32 $1.442695020e+00, v0  }
0x20e: {  	(erf) = vrcp.f32 v2  }
0x20f: {  	(erf) = vpow2.f32 v0;
	_ =	sdelay $0x3  }
0x210: {  	v61 =	vld [tilespmem:s31+$0x210];
	_ =	sdelay $0x3  }
0x211: {  	v63 =	vpop (erf)  }
0x212: {  	v13 =	vmul.f32 $-2.000000000e+00, v61;
	v12 =	vpop (erf)  }
0x213: {  	v2 =	vadd.f32 $1.000000000e+00, v12  }
0x214: {  	v3 =	vmul.f32 $1.442695020e+00, v13  }
0x215: {  	(erf) = vrcp.f32 v2  }
0x216: {  	(erf) = vpow2.f32 v3;
	_ =	sdelay $0x3  }
0x217: {  	v14 =	vld [tilespmem:s31+$0x290];
	_ =	sdelay $0x3  }
0x218: {  	v2 =	vpop (erf)  }
0x219: {  	v15 =	vmul.f32 $-2.000000000e+00, v14;
	v3 =	vpop (erf)  }
0x21a: {  	v3 =	vadd.f32 $1.000000000e+00, v3  }
0x21b: {  	v4 =	vmul.f32 $1.442695020e+00, v15  }
0x21c: {  	(erf) = vrcp.f32 v3  }
0x21d: {  	(erf) = vpow2.f32 v4;
	_ =	sdelay $0x3  }
0x21e: {  	v16 =	vld [tilespmem:s31+$0x310];
	_ =	sdelay $0x3  }
0x21f: {  	v1 =	vmul.f32 $7.007000450e+00, v1;
	v3 =	vpop (erf)  }
0x220: {  	[tilespmem:$0x1FE20] =	vst v20;
	v20 =	vmul.f32 $-2.000000000e+00, v16;
	v4 =	vpop (erf)  }
0x221: {  	v1 =	vadd.f32 $-4.003499980e+00, v1;
	v4 =	vadd.f32 $1.000000000e+00, v4  }
0x222: {  	v5 =	vmul.f32 $1.442695020e+00, v20  }
0x223: {  	v1 =	vadd.f32 $1.258291200e+07, v1;
	(erf) = vrcp.f32 v4  }
0x224: {  	(erf) = vpow2.f32 v5  }
0x225: {  	v1 =	vadd.f32 $-1.258291200e+07, v1;
	_ =	sdelay $0x1  }
0x226: {  	[tilespmem:$0x1FF20] =	vst v1;
	v1 =	vmul.f32 $2.500000000e-01, v1;
	_ =	sdelay $0x1  }
0x227: {  	v1 =	vsub.f32 v42, v1;
	_ =	sdelay $0x1  }
0x228: {  	v21 =	vmul.f32 $1.400000000e+01, v1  }
0x229: {  	v0 =	vmul.f32 $7.007000450e+00, v63;
	v23 =	vpop (erf)  }
0x22a: {  	v4 =	vsub.f32 $-2.873907090e-01, v21;
	v24 =	vpop (erf)  }
0x22b: {  	v0 =	vadd.f32 $-4.003499980e+00, v0;
	v6 =	vadd.f32 $1.000000000e+00, v24  }
0x22c: {  	v4 =	vmul.f32 $1.442695020e+00, v4  }
0x22d: {  	v0 =	vadd.f32 $1.258291200e+07, v0;
	(erf) = vrcp.f32 v6  }
0x22e: {  	(erf) = vpow2.f32 v4  }
0x22f: {  	v50 =	vadd.f32 $-1.258291200e+07, v0;
	_ =	sdelay $0x1  }
0x230: {  	v0 =	vmul.f32 $2.500000000e-01, v50;
	_ =	sdelay $0x1  }
0x231: {  	v0 =	vsub.f32 v47, v0;
	_ =	sdelay $0x1  }
0x232: {  	[tilespmem:$0x1FEC0] =	vst v25;
	v25 =	vmul.f32 $1.400000000e+01, v0  }
0x233: {  	v2 =	vmul.f32 $7.007000450e+00, v2;
	v6 =	vpop (erf)  }
0x234: {  	[tilespmem:$0x1FE40] =	vst v26;
	v4 =	vsub.f32 $-2.873907090e-01, v25;
	v26 =	vpop (erf)  }
0x235: {  	v2 =	vadd.f32 $-4.003499980e+00, v2;
	v7 =	vadd.f32 $1.000000000e+00, v26  }
0x236: {  	v4 =	vmul.f32 $1.442695020e+00, v4  }
0x237: {  	v2 =	vadd.f32 $1.258291200e+07, v2;
	(erf) = vrcp.f32 v7  }
0x238: {  	(erf) = vpow2.f32 v4  }
0x239: {  	v2 =	vadd.f32 $-1.258291200e+07, v2;
	_ =	sdelay $0x1  }
0x23a: {  	[tilespmem:$0x1FF30] =	vst v2;
	v2 =	vmul.f32 $2.500000000e-01, v2;
	_ =	sdelay $0x1  }
0x23b: {  	v2 =	vsub.f32 v54, v2;
	_ =	sdelay $0x1  }
0x23c: {  	v27 =	vmul.f32 $1.400000000e+01, v2  }
0x23d: {  	v7 =	vpop (erf)  }
0x23e: {  	v4 =	vsub.f32 $-2.873907090e-01, v27;
	v29 =	vpop (erf)  }
0x23f: {  	v3 =	vmul.f32 $4.004000190e+00, v3;
	v8 =	vadd.f32 $1.000000000e+00, v29  }
0x240: {  	v4 =	vmul.f32 $1.442695020e+00, v4  }
0x241: {  	v3 =	vadd.f32 $-2.002000090e+00, v3;
	(erf) = vrcp.f32 v8  }
0x242: {  	(erf) = vpow2.f32 v4  }
0x243: {  	v3 =	vadd.f32 $1.258291200e+07, v3;
	_ =	sdelay $0x1  }
0x244: {  	v3 =	vadd.f32 $-1.258291200e+07, v3;
	_ =	sdelay $0x1  }
0x245: {  	[tilespmem:$0x1FF50] =	vst v3;
	v3 =	vmul.f32 $5.000000000e-01, v3;
	_ =	sdelay $0x1  }
0x246: {  	v3 =	vsub.f32 v61, v3  }
0x247: {  	v30 =	vpop (erf)  }
0x248: {  	[tilespmem:$0x1FED0] =	vst v33;
	v9 =	vmul.f32 $-8.000000000e+00, v3;
	v33 =	vpop (erf)  }
0x249: {  	v5 =	vmul.f32 $4.004000190e+00, v23;
	v8 =	vadd.f32 $1.000000000e+00, v33  }
0x24a: {  	v9 =	vmul.f32 $1.442695020e+00, v9  }
0x24b: {  	v5 =	vadd.f32 $-2.002000090e+00, v5;
	(erf) = vrcp.f32 v8  }
0x24c: {  	(erf) = vpow2.f32 v9  }
0x24d: {  	v5 =	vadd.f32 $1.258291200e+07, v5;
	_ =	sdelay $0x1  }
0x24e: {  	v5 =	vadd.f32 $-1.258291200e+07, v5;
	_ =	sdelay $0x1  }
0x24f: {  	[tilespmem:$0x1FF70] =	vst v5;
	v5 =	vmul.f32 $5.000000000e-01, v5;
	_ =	sdelay $0x1  }
0x250: {  	v5 =	vsub.f32 v14, v5  }
0x251: {  	v8 =	vpop (erf)  }
0x252: {  	v10 =	vmul.f32 $-8.000000000e+00, v5;
	v9 =	vpop (erf)  }
0x253: {  	v6 =	vmul.f32 $4.004000190e+00, v6;
	v9 =	vadd.f32 $1.000000000e+00, v9  }
0x254: {  	v10 =	vmul.f32 $1.442695020e+00, v10  }
0x255: {  	v6 =	vadd.f32 $-2.002000090e+00, v6;
	(erf) = vrcp.f32 v9  }
0x256: {  	(erf) = vpow2.f32 v10  }
0x257: {  	v6 =	vadd.f32 $1.258291200e+07, v6;
	_ =	sdelay $0x1  }
0x258: {  	v6 =	vadd.f32 $-1.258291200e+07, v6;
	_ =	sdelay $0x1  }
0x259: {  	[tilespmem:$0x1FF90] =	vst v6;
	v6 =	vmul.f32 $5.000000000e-01, v6;
	_ =	sdelay $0x1  }
0x25a: {  	v6 =	vsub.f32 v16, v6  }
0x25b: {  	v7 =	vmul.f32 $7.007000450e+00, v7;
	v9 =	vpop (erf)  }
0x25c: {  	v11 =	vmul.f32 $-8.000000000e+00, v6;
	v10 =	vpop (erf)  }
0x25d: {  	v7 =	vadd.f32 $-4.003499980e+00, v7;
	v10 =	vadd.f32 $1.000000000e+00, v10  }
0x25e: {  	v11 =	vmul.f32 $1.442695020e+00, v11  }
0x25f: {  	v7 =	vadd.f32 $1.258291200e+07, v7;
	(erf) = vrcp.f32 v10  }
0x260: {  	(erf) = vpow2.f32 v11  }
0x261: {  	v63 =	vadd.f32 $-1.258291200e+07, v7;
	_ =	sdelay $0x1  }
0x262: {  	v7 =	vmul.f32 $3.571428730e-02, v63;
	_ =	sdelay $0x1  }
0x263: {  	v1 =	vsub.f32 v1, v7;
	_ =	sdelay $0x1  }
0x264: {  	v7 =	vmul.f32 $9.800000000e+01, v1  }
0x265: {  	v4 =	vmul.f32 $7.007000450e+00, v30;
	v10 =	vpop (erf)  }
0x266: {  	v7 =	vsub.f32 $-2.873907090e-01, v7;
	v11 =	vpop (erf)  }
0x267: {  	v4 =	vadd.f32 $-4.003499980e+00, v4;
	v11 =	vadd.f32 $1.000000000e+00, v11  }
0x268: {  	v7 =	vmul.f32 $1.442695020e+00, v7  }
0x269: {  	v4 =	vadd.f32 $1.258291200e+07, v4;
	(erf) = vrcp.f32 v11  }
0x26a: {  	(erf) = vpow2.f32 v7  }
0x26b: {  	v43 =	vadd.f32 $-1.258291200e+07, v4;
	_ =	sdelay $0x1  }
0x26c: {  	v4 =	vmul.f32 $3.571428730e-02, v43;
	_ =	sdelay $0x1  }
0x26d: {  	v0 =	vsub.f32 v0, v4;
	_ =	sdelay $0x1  }
0x26e: {  	v4 =	vmul.f32 $9.800000000e+01, v0  }
0x26f: {  	[tilespmem:$0x1FE50] =	vst v34;
	v34 =	vmul.f32 $7.007000450e+00, v8;
	v35 =	vpop (erf)  }
0x270: {  	v4 =	vsub.f32 $-2.873907090e-01, v4;
	v36 =	vpop (erf)  }
0x271: {  	v7 =	vadd.f32 $-4.003499980e+00, v34;
	v11 =	vadd.f32 $1.000000000e+00, v36  }
0x272: {  	v4 =	vmul.f32 $1.442695020e+00, v4  }
0x273: {  	v7 =	vadd.f32 $1.258291200e+07, v7;
	(erf) = vrcp.f32 v11  }
0x274: {  	(erf) = vpow2.f32 v4  }
0x275: {  	[tilespmem:$0x1FFA0] =	vst v42;
	v42 =	vadd.f32 $-1.258291200e+07, v7;
	_ =	sdelay $0x1  }
0x276: {  	v37 =	vmul.f32 $3.571428730e-02, v42;
	_ =	sdelay $0x1  }
0x277: {  	v2 =	vsub.f32 v2, v37;
	_ =	sdelay $0x1  }
0x278: {  	v4 =	vmul.f32 $9.800000000e+01, v2  }
0x279: {  	[tilespmem:$0x1FEE0] =	vst v38;
	v38 =	vpop (erf)  }
0x27a: {  	v4 =	vsub.f32 $-2.873907090e-01, v4;
	v41 =	vpop (erf)  }
0x27b: {  	v9 =	vmul.f32 $4.004000190e+00, v9;
	v11 =	vadd.f32 $1.000000000e+00, v41  }
0x27c: {  	v4 =	vmul.f32 $1.442695020e+00, v4  }
0x27d: {  	v9 =	vadd.f32 $-2.002000090e+00, v9;
	(erf) = vrcp.f32 v11  }
0x27e: {  	(erf) = vpow2.f32 v4  }
0x27f: {  	[tilespmem:$0x1FE80] =	vst v45;
	v45 =	vadd.f32 $1.258291200e+07, v9;
	_ =	sdelay $0x1  }
0x280: {  	v41 =	vadd.f32 $-1.258291200e+07, v45;
	_ =	sdelay $0x1  }
0x281: {  	v4 =	vmul.f32 $1.250000000e-01, v41;
	_ =	sdelay $0x1  }
0x282: {  	v3 =	vsub.f32 v3, v4  }
0x283: {  	v46 =	vpop (erf)  }
0x284: {  	[tilespmem:$0x1FFB0] =	vst v47;
	v48 =	vmul.f32 $-3.200000000e+01, v3;
	v47 =	vpop (erf)  }
0x285: {  	v10 =	vmul.f32 $4.004000190e+00, v10;
	v9 =	vadd.f32 $1.000000000e+00, v47  }
0x286: {  	v11 =	vmul.f32 $1.442695020e+00, v48  }
0x287: {  	v49 =	vadd.f32 $-2.002000090e+00, v10;
	(erf) = vrcp.f32 v9  }
0x288: {  	(erf) = vpow2.f32 v11  }
0x289: {  	v9 =	vadd.f32 $1.258291200e+07, v49;
	_ =	sdelay $0x1  }
0x28a: {  	[tilespmem:$0x1FE70] =	vst v40;
	v40 =	vadd.f32 $-1.258291200e+07, v9;
	_ =	sdelay $0x1  }
0x28b: {  	v9 =	vmul.f32 $1.250000000e-01, v40;
	_ =	sdelay $0x1  }
0x28c: {  	v5 =	vsub.f32 v5, v9  }
0x28d: {  	v51 =	vpop (erf)  }
0x28e: {  	v13 =	vmul.f32 $-3.200000000e+01, v5;
	v12 =	vpop (erf)  }
0x28f: {  	v8 =	vmul.f32 $4.004000190e+00, v35;
	v10 =	vadd.f32 $1.000000000e+00, v12  }
0x290: {  	v11 =	vmul.f32 $1.442695020e+00, v13  }
0x291: {  	v8 =	vadd.f32 $-2.002000090e+00, v8;
	(erf) = vrcp.f32 v10  }
0x292: {  	(erf) = vpow2.f32 v11  }
0x293: {  	v8 =	vadd.f32 $1.258291200e+07, v8;
	_ =	sdelay $0x1  }
0x294: {  	[tilespmem:$0x1FFD0] =	vst v61;
	v61 =	vadd.f32 $-1.258291200e+07, v8;
	_ =	sdelay $0x1  }
0x295: {  	v8 =	vmul.f32 $1.250000000e-01, v61;
	_ =	sdelay $0x1  }
0x296: {  	v6 =	vsub.f32 v6, v8  }
0x297: {  	[tilespmem:$0x1FFE0] =	vst v14;
	v7 =	vmul.f32 $7.007000450e+00, v38;
	v14 =	vpop (erf)  }
0x298: {  	[tilespmem:$0x1FFF0] =	vst v16;
	v16 =	vmul.f32 $-3.200000000e+01, v6;
	v15 =	vpop (erf)  }
0x299: {  	v7 =	vadd.f32 $-4.003499980e+00, v7;
	v10 =	vadd.f32 $1.000000000e+00, v15  }
0x29a: {  	v11 =	vmul.f32 $1.442695020e+00, v16  }
0x29b: {  	v7 =	vadd.f32 $1.258291200e+07, v7;
	(erf) = vrcp.f32 v10  }
0x29c: {  	(erf) = vpow2.f32 v11  }
0x29d: {  	v58 =	vadd.f32 $-1.258291200e+07, v7;
	_ =	sdelay $0x1  }
0x29e: {  	v7 =	vmul.f32 $5.102041180e-03, v58;
	_ =	sdelay $0x1  }
0x29f: {  	v1 =	vsub.f32 v1, v7;
	_ =	sdelay $0x1  }
0x2a0: {  	v7 =	vmul.f32 $6.860000000e+02, v1  }
0x2a1: {  	v4 =	vmul.f32 $7.007000450e+00, v46;
	v10 =	vpop (erf)  }
0x2a2: {  	v7 =	vsub.f32 $-2.873907090e-01, v7;
	v11 =	vpop (erf)  }
0x2a3: {  	v4 =	vadd.f32 $-4.003499980e+00, v4;
	v11 =	vadd.f32 $1.000000000e+00, v11  }
0x2a4: {  	v7 =	vmul.f32 $1.442695020e+00, v7  }
0x2a5: {  	v4 =	vadd.f32 $1.258291200e+07, v4;
	(erf) = vrcp.f32 v11  }
0x2a6: {  	(erf) = vpow2.f32 v7  }
0x2a7: {  	v55 =	vadd.f32 $-1.258291200e+07, v4;
	_ =	sdelay $0x1  }
0x2a8: {  	v4 =	vmul.f32 $5.102041180e-03, v55;
	_ =	sdelay $0x1  }
0x2a9: {  	v0 =	vsub.f32 v0, v4;
	_ =	sdelay $0x1  }
0x2aa: {  	v4 =	vmul.f32 $6.860000000e+02, v0  }
0x2ab: {  	v20 =	vmul.f32 $7.007000450e+00, v51;
	v21 =	vpop (erf)  }
0x2ac: {  	v4 =	vsub.f32 $-2.873907090e-01, v4;
	v23 =	vpop (erf)  }
0x2ad: {  	v7 =	vadd.f32 $-4.003499980e+00, v20;
	v11 =	vadd.f32 $1.000000000e+00, v23  }
0x2ae: {  	v4 =	vmul.f32 $1.442695020e+00, v4  }
0x2af: {  	v7 =	vadd.f32 $1.258291200e+07, v7;
	(erf) = vrcp.f32 v11  }
0x2b0: {  	(erf) = vpow2.f32 v4  }
0x2b1: {  	[tilespmem:$0x1FFC0] =	vst v54;
	v54 =	vadd.f32 $-1.258291200e+07, v7;
	_ =	sdelay $0x1  }
0x2b2: {  	v24 =	vmul.f32 $5.102041180e-03, v54;
	_ =	sdelay $0x1  }
0x2b3: {  	v2 =	vsub.f32 v2, v24;
	_ =	sdelay $0x1  }
0x2b4: {  	v4 =	vmul.f32 $6.860000000e+02, v2  }
0x2b5: {  	v25 =	vpop (erf)  }
0x2b6: {  	v4 =	vsub.f32 $-2.873907090e-01, v4;
	v26 =	vpop (erf)  }
0x2b7: {  	v8 =	vmul.f32 $4.004000190e+00, v14;
	v11 =	vadd.f32 $1.000000000e+00, v26  }
0x2b8: {  	v4 =	vmul.f32 $1.442695020e+00, v4  }
0x2b9: {  	v8 =	vadd.f32 $-2.002000090e+00, v8;
	(erf) = vrcp.f32 v11  }
0x2ba: {  	(erf) = vpow2.f32 v4  }
0x2bb: {  	v27 =	vadd.f32 $1.258291200e+07, v8;
	_ =	sdelay $0x1  }
0x2bc: {  	v53 =	vadd.f32 $-1.258291200e+07, v27;
	_ =	sdelay $0x1  }
0x2bd: {  	v4 =	vmul.f32 $3.125000000e-02, v53;
	_ =	sdelay $0x1  }
0x2be: {  	v3 =	vsub.f32 v3, v4  }
0x2bf: {  	v29 =	vpop (erf)  }
0x2c0: {  	v33 =	vmul.f32 $-1.280000000e+02, v3;
	v30 =	vpop (erf)  }
0x2c1: {  	v10 =	vmul.f32 $4.004000190e+00, v10;
	v8 =	vadd.f32 $1.000000000e+00, v30  }
0x2c2: {  	v11 =	vmul.f32 $1.442695020e+00, v33  }
0x2c3: {  	v34 =	vadd.f32 $-2.002000090e+00, v10;
	(erf) = vrcp.f32 v8  }
0x2c4: {  	(erf) = vpow2.f32 v11  }
0x2c5: {  	v8 =	vadd.f32 $1.258291200e+07, v34;
	_ =	sdelay $0x1  }
0x2c6: {  	v52 =	vadd.f32 $-1.258291200e+07, v8;
	_ =	sdelay $0x1  }
0x2c7: {  	v8 =	vmul.f32 $3.125000000e-02, v52;
	_ =	sdelay $0x1  }
0x2c8: {  	v5 =	vsub.f32 v5, v8  }
0x2c9: {  	v35 =	vpop (erf)  }
0x2ca: {  	v37 =	vmul.f32 $-1.280000000e+02, v5;
	v36 =	vpop (erf)  }
0x2cb: {  	v9 =	vmul.f32 $4.004000190e+00, v21;
	v10 =	vadd.f32 $1.000000000e+00, v36  }
0x2cc: {  	v11 =	vmul.f32 $1.442695020e+00, v37  }
0x2cd: {  	v9 =	vadd.f32 $-2.002000090e+00, v9;
	(erf) = vrcp.f32 v10  }
0x2ce: {  	(erf) = vpow2.f32 v11  }
0x2cf: {  	v9 =	vadd.f32 $1.258291200e+07, v9;
	_ =	sdelay $0x1  }
0x2d0: {  	v51 =	vadd.f32 $-1.258291200e+07, v9;
	_ =	sdelay $0x1  }
0x2d1: {  	v9 =	vmul.f32 $3.125000000e-02, v51;
	_ =	sdelay $0x1  }
0x2d2: {  	v6 =	vsub.f32 v6, v9  }
0x2d3: {  	v7 =	vmul.f32 $7.007000450e+00, v25;
	v38 =	vpop (erf)  }
0x2d4: {  	v46 =	vmul.f32 $-1.280000000e+02, v6;
	v45 =	vpop (erf)  }
0x2d5: {  	v7 =	vadd.f32 $-4.003499980e+00, v7;
	v10 =	vadd.f32 $1.000000000e+00, v45  }
0x2d6: {  	v11 =	vmul.f32 $1.442695020e+00, v46  }
0x2d7: {  	v7 =	vadd.f32 $1.258291200e+07, v7;
	(erf) = vrcp.f32 v10  }
0x2d8: {  	(erf) = vpow2.f32 v11  }
0x2d9: {  	v49 =	vadd.f32 $-1.258291200e+07, v7;
	_ =	sdelay $0x1  }
0x2da: {  	v7 =	vmul.f32 $7.288630000e-04, v49;
	_ =	sdelay $0x1  }
0x2db: {  	v1 =	vsub.f32 v1, v7;
	_ =	sdelay $0x1  }
0x2dc: {  	v7 =	vmul.f32 $4.802000000e+03, v1  }
0x2dd: {  	v4 =	vmul.f32 $7.007000450e+00, v29;
	v10 =	vpop (erf)  }
0x2de: {  	v7 =	vsub.f32 $-2.873907090e-01, v7;
	v11 =	vpop (erf)  }
0x2df: {  	v4 =	vadd.f32 $-4.003499980e+00, v4;
	v11 =	vadd.f32 $1.000000000e+00, v11  }
0x2e0: {  	v7 =	vmul.f32 $1.442695020e+00, v7  }
0x2e1: {  	v4 =	vadd.f32 $1.258291200e+07, v4;
	(erf) = vrcp.f32 v11  }
0x2e2: {  	(erf) = vpow2.f32 v7  }
0x2e3: {  	v48 =	vadd.f32 $-1.258291200e+07, v4;
	_ =	sdelay $0x1  }
0x2e4: {  	v4 =	vmul.f32 $7.288630000e-04, v48;
	_ =	sdelay $0x1  }
0x2e5: {  	v0 =	vsub.f32 v0, v4;
	_ =	sdelay $0x1  }
0x2e6: {  	v4 =	vmul.f32 $4.802000000e+03, v0  }
0x2e7: {  	v47 =	vmul.f32 $7.007000450e+00, v35;
	v12 =	vpop (erf)  }
0x2e8: {  	v4 =	vsub.f32 $-2.873907090e-01, v4;
	v13 =	vpop (erf)  }
0x2e9: {  	v7 =	vadd.f32 $-4.003499980e+00, v47;
	v11 =	vadd.f32 $1.000000000e+00, v13  }
0x2ea: {  	v4 =	vmul.f32 $1.442695020e+00, v4  }
0x2eb: {  	v7 =	vadd.f32 $1.258291200e+07, v7;
	(erf) = vrcp.f32 v11  }
0x2ec: {  	(erf) = vpow2.f32 v4  }
0x2ed: {  	v47 =	vadd.f32 $-1.258291200e+07, v7;
	_ =	sdelay $0x1  }
0x2ee: {  	v14 =	vmul.f32 $7.288630000e-04, v47;
	_ =	sdelay $0x1  }
0x2ef: {  	v2 =	vsub.f32 v2, v14;
	_ =	sdelay $0x1  }
0x2f0: {  	v4 =	vmul.f32 $4.802000000e+03, v2  }
0x2f1: {  	v15 =	vpop (erf)  }
0x2f2: {  	v4 =	vsub.f32 $-2.873907090e-01, v4;
	v16 =	vpop (erf)  }
0x2f3: {  	v9 =	vmul.f32 $4.004000190e+00, v38;
	v11 =	vadd.f32 $1.000000000e+00, v16  }
0x2f4: {  	v4 =	vmul.f32 $1.442695020e+00, v4  }
0x2f5: {  	v9 =	vadd.f32 $-2.002000090e+00, v9;
	(erf) = vrcp.f32 v11  }
0x2f6: {  	(erf) = vpow2.f32 v4  }
0x2f7: {  	v20 =	vadd.f32 $1.258291200e+07, v9;
	_ =	sdelay $0x1  }
0x2f8: {  	v46 =	vadd.f32 $-1.258291200e+07, v20;
	_ =	sdelay $0x1  }
0x2f9: {  	v4 =	vmul.f32 $7.812500000e-03, v46;
	_ =	sdelay $0x1  }
0x2fa: {  	v3 =	vsub.f32 v3, v4  }
0x2fb: {  	v21 =	vpop (erf)  }
0x2fc: {  	v24 =	vmul.f32 $-5.120000000e+02, v3;
	v23 =	vpop (erf)  }
0x2fd: {  	v10 =	vmul.f32 $4.004000190e+00, v10;
	v9 =	vadd.f32 $1.000000000e+00, v23  }
0x2fe: {  	v11 =	vmul.f32 $1.442695020e+00, v24  }
0x2ff: {  	v25 =	vadd.f32 $-2.002000090e+00, v10;
	(erf) = vrcp.f32 v9  }
0x300: {  	(erf) = vpow2.f32 v11  }
0x301: {  	v9 =	vadd.f32 $1.258291200e+07, v25;
	_ =	sdelay $0x1  }
0x302: {  	v45 =	vadd.f32 $-1.258291200e+07, v9;
	_ =	sdelay $0x1  }
0x303: {  	v9 =	vmul.f32 $7.812500000e-03, v45;
	_ =	sdelay $0x1  }
0x304: {  	v5 =	vsub.f32 v5, v9  }
0x305: {  	v26 =	vpop (erf)  }
0x306: {  	v29 =	vmul.f32 $-5.120000000e+02, v5;
	v27 =	vpop (erf)  }
0x307: {  	v8 =	vmul.f32 $4.004000190e+00, v12;
	v10 =	vadd.f32 $1.000000000e+00, v27  }
0x308: {  	v11 =	vmul.f32 $1.442695020e+00, v29  }
0x309: {  	v8 =	vadd.f32 $-2.002000090e+00, v8;
	(erf) = vrcp.f32 v10  }
0x30a: {  	(erf) = vpow2.f32 v11  }
0x30b: {  	v8 =	vadd.f32 $1.258291200e+07, v8;
	_ =	sdelay $0x1  }
0x30c: {  	v38 =	vadd.f32 $-1.258291200e+07, v8;
	_ =	sdelay $0x1  }
0x30d: {  	v8 =	vmul.f32 $7.812500000e-03, v38;
	_ =	sdelay $0x1  }
0x30e: {  	v6 =	vsub.f32 v6, v8  }
0x30f: {  	v7 =	vmul.f32 $7.007000450e+00, v15;
	v30 =	vpop (erf)  }
0x310: {  	v37 =	vmul.f32 $-5.120000000e+02, v6;
	v36 =	vpop (erf)  }
0x311: {  	v7 =	vadd.f32 $-4.003499980e+00, v7;
	v10 =	vadd.f32 $1.000000000e+00, v36  }
0x312: {  	v11 =	vmul.f32 $1.442695020e+00, v37  }
0x313: {  	v7 =	vadd.f32 $1.258291200e+07, v7;
	(erf) = vrcp.f32 v10  }
0x314: {  	(erf) = vpow2.f32 v11  }
0x315: {  	v37 =	vadd.f32 $-1.258291200e+07, v7;
	_ =	sdelay $0x1  }
0x316: {  	v7 =	vmul.f32 $1.041232830e-04, v37;
	_ =	sdelay $0x1  }
0x317: {  	v1 =	vsub.f32 v1, v7;
	_ =	sdelay $0x1  }
0x318: {  	v7 =	vmul.f32 $3.361400000e+04, v1  }
0x319: {  	v4 =	vmul.f32 $7.007000450e+00, v21;
	v10 =	vpop (erf)  }
0x31a: {  	v7 =	vsub.f32 $-2.873907090e-01, v7;
	v11 =	vpop (erf)  }
0x31b: {  	v4 =	vadd.f32 $-4.003499980e+00, v4;
	v11 =	vadd.f32 $1.000000000e+00, v11  }
0x31c: {  	v7 =	vmul.f32 $1.442695020e+00, v7  }
0x31d: {  	v4 =	vadd.f32 $1.258291200e+07, v4;
	(erf) = vrcp.f32 v11  }
0x31e: {  	(erf) = vpow2.f32 v7  }
0x31f: {  	v36 =	vadd.f32 $-1.258291200e+07, v4;
	_ =	sdelay $0x1  }
0x320: {  	v4 =	vmul.f32 $1.041232830e-04, v36;
	_ =	sdelay $0x1  }
0x321: {  	v0 =	vsub.f32 v0, v4;
	_ =	sdelay $0x1  }
0x322: {  	v4 =	vmul.f32 $3.361400000e+04, v0  }
0x323: {  	v12 =	vmul.f32 $7.007000450e+00, v26;
	v13 =	vpop (erf)  }
0x324: {  	v4 =	vsub.f32 $-2.873907090e-01, v4;
	v14 =	vpop (erf)  }
0x325: {  	v7 =	vadd.f32 $-4.003499980e+00, v12;
	v11 =	vadd.f32 $1.000000000e+00, v14  }
0x326: {  	v4 =	vmul.f32 $1.442695020e+00, v4  }
0x327: {  	v7 =	vadd.f32 $1.258291200e+07, v7;
	(erf) = vrcp.f32 v11  }
0x328: {  	(erf) = vpow2.f32 v4  }
0x329: {  	v34 =	vadd.f32 $-1.258291200e+07, v7;
	_ =	sdelay $0x1  }
0x32a: {  	v15 =	vmul.f32 $1.041232830e-04, v34;
	_ =	sdelay $0x1  }
0x32b: {  	v2 =	vsub.f32 v2, v15;
	_ =	sdelay $0x1  }
0x32c: {  	v4 =	vmul.f32 $3.361400000e+04, v2  }
0x32d: {  	v16 =	vpop (erf)  }
0x32e: {  	v4 =	vsub.f32 $-2.873907090e-01, v4;
	v20 =	vpop (erf)  }
0x32f: {  	v8 =	vmul.f32 $4.004000190e+00, v30;
	v11 =	vadd.f32 $1.000000000e+00, v20  }
0x330: {  	v4 =	vmul.f32 $1.442695020e+00, v4  }
0x331: {  	v8 =	vadd.f32 $-2.002000090e+00, v8;
	(erf) = vrcp.f32 v11  }
0x332: {  	(erf) = vpow2.f32 v4  }
0x333: {  	v21 =	vadd.f32 $1.258291200e+07, v8;
	_ =	sdelay $0x1  }
0x334: {  	v33 =	vadd.f32 $-1.258291200e+07, v21;
	_ =	sdelay $0x1  }
0x335: {  	v4 =	vmul.f32 $1.953125000e-03, v33;
	_ =	sdelay $0x1  }
0x336: {  	v3 =	vsub.f32 v3, v4  }
0x337: {  	v23 =	vpop (erf)  }
0x338: {  	v29 =	vmul.f32 $-2.048000000e+03, v3;
	v27 =	vpop (erf)  }
0x339: {  	v10 =	vmul.f32 $4.004000190e+00, v10;
	v8 =	vadd.f32 $1.000000000e+00, v27  }
0x33a: {  	v11 =	vmul.f32 $1.442695020e+00, v29  }
0x33b: {  	v30 =	vadd.f32 $-2.002000090e+00, v10;
	(erf) = vrcp.f32 v8  }
0x33c: {  	(erf) = vpow2.f32 v11  }
0x33d: {  	v8 =	vadd.f32 $1.258291200e+07, v30;
	_ =	sdelay $0x1  }
0x33e: {  	v30 =	vadd.f32 $-1.258291200e+07, v8;
	_ =	sdelay $0x1  }
0x33f: {  	v8 =	vmul.f32 $1.953125000e-03, v30;
	_ =	sdelay $0x1  }
0x340: {  	v5 =	vsub.f32 v5, v8  }
0x341: {  	v35 =	vpop (erf)  }
0x342: {  	v15 =	vmul.f32 $-2.048000000e+03, v5;
	v14 =	vpop (erf)  }
0x343: {  	v9 =	vmul.f32 $4.004000190e+00, v13;
	v10 =	vadd.f32 $1.000000000e+00, v14  }
0x344: {  	v11 =	vmul.f32 $1.442695020e+00, v15  }
0x345: {  	v9 =	vadd.f32 $-2.002000090e+00, v9;
	(erf) = vrcp.f32 v10  }
0x346: {  	(erf) = vpow2.f32 v11  }
0x347: {  	v9 =	vadd.f32 $1.258291200e+07, v9;
	_ =	sdelay $0x1  }
0x348: {  	v29 =	vadd.f32 $-1.258291200e+07, v9;
	_ =	sdelay $0x1  }
0x349: {  	v9 =	vmul.f32 $1.953125000e-03, v29;
	_ =	sdelay $0x1  }
0x34a: {  	v6 =	vsub.f32 v6, v9  }
0x34b: {  	v7 =	vmul.f32 $7.007000450e+00, v16;
	v16 =	vpop (erf)  }
0x34c: {  	v21 =	vmul.f32 $-2.048000000e+03, v6;
	v20 =	vpop (erf)  }
0x34d: {  	v7 =	vadd.f32 $-4.003499980e+00, v7;
	v10 =	vadd.f32 $1.000000000e+00, v20  }
0x34e: {  	v11 =	vmul.f32 $1.442695020e+00, v21  }
0x34f: {  	v7 =	vadd.f32 $1.258291200e+07, v7;
	(erf) = vrcp.f32 v10  }
0x350: {  	(erf) = vpow2.f32 v11  }
0x351: {  	v27 =	vadd.f32 $-1.258291200e+07, v7;
	_ =	sdelay $0x1  }
0x352: {  	v7 =	vmul.f32 $1.487475490e-05, v27;
	_ =	sdelay $0x1  }
0x353: {  	v13 =	vsub.f32 v1, v7;
	_ =	sdelay $0x1  }
0x354: {  	v1 =	vmul.f32 $2.352980000e+05, v13  }
0x355: {  	v4 =	vmul.f32 $7.007000450e+00, v23;
	v7 =	vpop (erf)  }
0x356: {  	v1 =	vsub.f32 $-2.873907090e-01, v1;
	v23 =	vpop (erf)  }
0x357: {  	v4 =	vadd.f32 $-4.003499980e+00, v4;
	v10 =	vadd.f32 $1.000000000e+00, v23  }
0x358: {  	v1 =	vmul.f32 $1.442695020e+00, v1  }
0x359: {  	v4 =	vadd.f32 $1.258291200e+07, v4;
	(erf) = vrcp.f32 v10  }
0x35a: {  	(erf) = vpow2.f32 v1  }
0x35b: {  	v26 =	vadd.f32 $-1.258291200e+07, v4;
	_ =	sdelay $0x1  }
0x35c: {  	v24 =	vmul.f32 $1.487475490e-05, v26;
	_ =	sdelay $0x1  }
0x35d: {  	v4 =	vsub.f32 v0, v24;
	_ =	sdelay $0x1  }
0x35e: {  	v0 =	vmul.f32 $2.352980000e+05, v4  }
0x35f: {  	v25 =	vmul.f32 $7.007000450e+00, v35;
	v35 =	vpop (erf)  }
0x360: {  	v0 =	vsub.f32 $-2.873907090e-01, v0;
	v12 =	vpop (erf)  }
0x361: {  	v1 =	vadd.f32 $-4.003499980e+00, v25;
	v10 =	vadd.f32 $1.000000000e+00, v12  }
0x362: {  	v0 =	vmul.f32 $1.442695020e+00, v0  }
0x363: {  	v1 =	vadd.f32 $1.258291200e+07, v1;
	(erf) = vrcp.f32 v10  }
0x364: {  	(erf) = vpow2.f32 v0  }
0x365: {  	v25 =	vadd.f32 $-1.258291200e+07, v1;
	_ =	sdelay $0x1  }
0x366: {  	v14 =	vmul.f32 $1.487475490e-05, v25;
	_ =	sdelay $0x1  }
0x367: {  	v14 =	vsub.f32 v2, v14;
	_ =	sdelay $0x1  }
0x368: {  	v0 =	vmul.f32 $2.352980000e+05, v14  }
0x369: {  	v2 =	vpop (erf)  }
0x36a: {  	v0 =	vsub.f32 $-2.873907090e-01, v0;
	v15 =	vpop (erf)  }
0x36b: {  	v9 =	vmul.f32 $4.004000190e+00, v16;
	v1 =	vadd.f32 $1.000000000e+00, v15  }
0x36c: {  	v0 =	vmul.f32 $1.442695020e+00, v0  }
0x36d: {  	v16 =	vadd.f32 $-2.002000090e+00, v9;
	(erf) = vrcp.f32 v1  }
0x36e: {  	(erf) = vpow2.f32 v0  }
0x36f: {  	v20 =	vadd.f32 $1.258291200e+07, v16;
	_ =	sdelay $0x1  }
0x370: {  	v24 =	vadd.f32 $-1.258291200e+07, v20;
	_ =	sdelay $0x1  }
0x371: {  	v0 =	vmul.f32 $4.882812500e-04, v24;
	_ =	sdelay $0x1  }
0x372: {  	v9 =	vsub.f32 v3, v0  }
0x373: {  	v15 =	vpop (erf)  }
0x374: {  	v3 =	vmul.f32 $-8.192000000e+03, v9;
	v21 =	vpop (erf)  }
0x375: {  	v7 =	vmul.f32 $4.004000190e+00, v7;
	v1 =	vadd.f32 $1.000000000e+00, v21  }
0x376: {  	v3 =	vmul.f32 $1.442695020e+00, v3  }
0x377: {  	v23 =	vadd.f32 $-2.002000090e+00, v7;
	(erf) = vrcp.f32 v1  }
0x378: {  	(erf) = vpow2.f32 v3  }
0x379: {  	v1 =	vadd.f32 $1.258291200e+07, v23;
	_ =	sdelay $0x1  }
0x37a: {  	v23 =	vadd.f32 $-1.258291200e+07, v1;
	_ =	sdelay $0x1  }
0x37b: {  	v1 =	vmul.f32 $4.882812500e-04, v23;
	_ =	sdelay $0x1  }
0x37c: {  	v10 =	vsub.f32 v5, v1  }
0x37d: {  	v16 =	vpop (erf)  }
0x37e: {  	v5 =	vmul.f32 $-8.192000000e+03, v10;
	v3 =	vpop (erf)  }
0x37f: {  	v35 =	vmul.f32 $4.004000190e+00, v35;
	v3 =	vadd.f32 $1.000000000e+00, v3  }
0x380: {  	v5 =	vmul.f32 $1.442695020e+00, v5  }
0x381: {  	v8 =	vadd.f32 $-2.002000090e+00, v35;
	(erf) = vrcp.f32 v3  }
0x382: {  	(erf) = vpow2.f32 v5  }
0x383: {  	v3 =	vadd.f32 $1.258291200e+07, v8;
	_ =	sdelay $0x1  }
0x384: {  	v21 =	vadd.f32 $-1.258291200e+07, v3;
	_ =	sdelay $0x1  }
0x385: {  	v3 =	vmul.f32 $4.882812500e-04, v21;
	_ =	sdelay $0x1  }
0x386: {  	v12 =	vsub.f32 v6, v3  }
0x387: {  	v7 =	vpop (erf)  }
0x388: {  	v6 =	vmul.f32 $-8.192000000e+03, v12;
	v5 =	vpop (erf)  }
0x389: {  	v5 =	vadd.f32 $1.000000000e+00, v5  }
0x38a: {  	v6 =	vmul.f32 $1.442695020e+00, v6  }
0x38b: {  	(erf) = vrcp.f32 v5  }
0x38c: {  	v2 =	vmul.f32 $7.007000450e+00, v2;
	(erf) = vpow2.f32 v6;
	_ =	sdelay $0x1  }
0x38d: {  	v2 =	vadd.f32 $-4.003499980e+00, v2;
	_ =	sdelay $0x1  }
0x38e: {  	v2 =	vadd.f32 $1.258291200e+07, v2;
	_ =	sdelay $0x1  }
0x38f: {  	v20 =	vadd.f32 $-1.258291200e+07, v2;
	_ =	sdelay $0x1  }
0x390: {  	v2 =	vmul.f32 $2.124965020e-06, v20;
	v5 =	vpop (erf)  }
0x391: {  	v11 =	vpop (erf)  }
0x392: {  	v35 =	vsub.f32 v13, v2;
	v13 =	vadd.f32 $1.000000000e+00, v11;
	v11 =	vmul.f32 $6.400000000e+01, v19;
	v19 =	vld [tilespmem:$0x1FC70];
	_ =	sdelay $0x4  }
0x393: {  	v8 =	vmul.f32 $8.000000000e+00, v19  }
0x394: {  	v6 =	vmul.f32 $7.007000450e+00, v15  }
0x395: {  	v15 =	vadd.f32 v8, v31;
	v31 =	vld [tilespmem:$0x1FC80]  }
0x396: {  	v6 =	vadd.f32 $-4.003499980e+00, v6  }
0x397: {  	v2 =	vmul.f32 $1.647086000e+06, v35  }
0x398: {  	v18 =	vmul.f32 $8.000000000e+00, v18;
	v6 =	vadd.f32 $1.258291200e+07, v6  }
0x399: {  	v2 =	vsub.f32 $-2.873907090e-01, v2;
	(erf) = vrcp.f32 v13  }
0x39a: {  	v13 =	vadd.f32 v18, v17;
	v18 =	vadd.f32 $-1.258291200e+07, v6;
	v6 =	vmul.f32 $6.400000000e+01, v31  }
0x39b: {  	v2 =	vmul.f32 $1.442695020e+00, v2  }
0x39c: {  	v15 =	vadd.f32 v6, v15;
	v6 =	vld [tilespmem:$0x1FC90]  }
0x39d: {  	(erf) = vpow2.f32 v2  }
0x39e: {  	v2 =	vadd.f32 v11, v13;
	v11 =	vmul.f32 $5.120000000e+02, v22;
	v19 =	vld [tilespmem:$0x1FCA0]  }
0x39f: {  	v8 =	vmul.f32 $2.124965020e-06, v18  }
0x3a0: {  	v2 =	vadd.f32 v2, v11;
	v11 =	vmul.f32 $2.560000000e+03, v28  }
0x3a1: {  	v31 =	vsub.f32 v4, v8;
	v8 =	vmul.f32 $5.120000000e+02, v6;
	v6 =	vld [tilespmem:$0x1FCB0]  }
0x3a2: {  	v2 =	vadd.f32 v2, v11;
	v11 =	vmul.f32 $1.280000000e+04, v32  }
0x3a3: {  	v22 =	vmul.f32 $2.560000000e+03, v19;
	v19 =	vld [tilespmem:$0x1FCC0];
	v4 =	vmul.f32 $7.007000450e+00, v16  }
0x3a4: {  	v15 =	vadd.f32 v15, v8  }
0x3a5: {  	v32 =	vadd.f32 v2, v11;
	v17 =	vpop (erf);
	v2 =	vadd.f32 $-4.003499980e+00, v4;
	v4 =	vld [tilespmem:$0x1FCE0]  }
0x3a6: {  	v11 =	vpop (erf);
	v28 =	vmul.f32 $1.647086000e+06, v31;
	v13 =	vadd.f32 v15, v22;
	v22 =	vld [tilespmem:$0x1FCD0];
	v8 =	vmul.f32 $8.000000000e+00, v6  }
0x3a7: {  	v16 =	vadd.f32 $1.000000000e+00, v11;
	v11 =	vld [tilespmem:$0x1FD00]  }
0x3a8: {  	v0 =	vsub.f32 $-2.873907090e-01, v28;
	v15 =	vadd.f32 v8, v19;
	v8 =	vld [tilespmem:$0x1FCF0];
	_ =	sdelay $0x1  }
0x3a9: {  	v0 =	vmul.f32 $1.442695020e+00, v0;
	v6 =	vmul.f32 $6.400000000e+01, v4;
	v4 =	vld [tilespmem:$0x1FD20]  }
0x3aa: {  	(erf) = vrcp.f32 v16;
	v2 =	vadd.f32 $1.258291200e+07, v2;
	v28 =	vmul.f32 $8.000000000e+00, v22  }
0x3ab: {  	(erf) = vpow2.f32 v0;
	v22 =	vld [tilespmem:$0x1FD10]  }
0x3ac: {  	v0 =	vmul.f32 $6.400000000e+01, v11;
	v11 =	vadd.f32 $-1.258291200e+07, v2;
	v19 =	vadd.f32 v28, v8;
	v8 =	vld [tilespmem:$0x1FD30]  }
0x3ad: {  	v16 =	vld [tilespmem:$0x1FD40]  }
0x3ae: {  	v15 =	vadd.f32 v6, v15;
	v6 =	vmul.f32 $1.280000000e+04, v4;
	v4 =	vmul.f32 $2.124965020e-06, v11;
	_ =	sdelay $0x1  }
0x3af: {  	v28 =	vmul.f32 $5.120000000e+02, v22;
	v2 =	vadd.f32 v0, v19;
	v19 =	vsub.f32 v14, v4;
	v14 =	vld [tilespmem:$0x1FD70]  }
0x3b0: {  	v0 =	vmul.f32 $5.120000000e+02, v8;
	v8 =	vld [tilespmem:$0x1FD60]  }
0x3b1: {  	v22 =	vmul.f32 $2.560000000e+03, v16;
	v15 =	vadd.f32 v15, v28;
	v28 =	vadd.f32 v13, v6;
	v6 =	vld [tilespmem:$0x1FD50]  }
0x3b2: {  	v16 =	vld [tilespmem:$0x1FD90]  }
0x3b3: {  	v13 =	vadd.f32 v15, v22;
	v15 =	vld [tilespmem:$0x1FD80];
	_ =	sdelay $0x1  }
0x3b4: {  	v22 =	vld [tilespmem:$0x1FDA0];
	v1 =	vmul.f32 $8.000000000e+00, v8  }
0x3b5: {  	v0 =	vadd.f32 v2, v0;
	v2 =	vmul.f32 $2.560000000e+03, v6  }
0x3b6: {  	v4 =	vadd.f32 v1, v16;
	v16 =	vld [tilespmem:$0x1FDC0]  }
0x3b7: {  	v0 =	vadd.f32 v0, v2;
	v2 =	vmul.f32 $1.280000000e+04, v14;
	v14 =	vmul.f32 $1.280000000e+04, v15;
	_ =	sdelay $0x1  }
0x3b8: {  	v8 =	vmul.f32 $1.647086000e+06, v19;
	v6 =	vmul.f32 $6.400000000e+01, v22;
	v22 =	vadd.f32 v0, v14;
	v14 =	vld [tilespmem:$0x1FDB0];
	_ =	sdelay $0x1  }
0x3b9: {  	v3 =	vsub.f32 $-2.873907090e-01, v8;
	v8 =	vld [tilespmem:$0x1FDD0];
	v4 =	vadd.f32 v6, v4;
	v16 =	vmul.f32 $5.120000000e+02, v16;
	_ =	sdelay $0x1  }
0x3ba: {  	v4 =	vadd.f32 v4, v16;
	v16 =	vld [tilespmem:$0x1FDF0]  }
0x3bb: {  	v15 =	vadd.f32 v13, v2;
	v13 =	vld [tilespmem:$0x1FDE0];
	v1 =	vmul.f32 $8.000000000e+00, v14;
	_ =	sdelay $0x1  }
0x3bc: {  	v14 =	vpop (erf);
	v2 =	vadd.f32 v1, v8;
	v8 =	vld [tilespmem:$0x1FE00]  }
0x3bd: {  	v6 =	vpop (erf)  }
0x3be: {  	v0 =	vadd.f32 $1.000000000e+00, v6;
	v6 =	vmul.f32 $2.560000000e+03, v16;
	v16 =	vmul.f32 $8.000000000e+00, v57;
	v57 =	vld [tilespmem:$0x1FE10]  }
0x3bf: {  	v1 =	vmul.f32 $6.400000000e+01, v13;
	_ =	sdelay $0x1  }
0x3c0: {  	v1 =	vadd.f32 v1, v2;
	(erf) = vrcp.f32 v0;
	v0 =	vmul.f32 $5.120000000e+02, v8  }
0x3c1: {  	v3 =	vmul.f32 $1.442695020e+00, v3  }
0x3c2: {  	v13 =	vadd.f32 v4, v6;
	v0 =	vadd.f32 v1, v0;
	v1 =	vmul.f32 $1.280000000e+04, v57;
	_ =	sdelay $0x1  }
0x3c3: {  	(erf) = vpow2.f32 v3;
	v4 =	vmul.f32 $4.004000190e+00, v7;
	v57 =	vadd.f32 v13, v1;
	v13 =	vld [tilespmem:$0x1FE20]  }
0x3c4: {  	v3 =	vadd.f32 v16, v59;
	v59 =	vmul.f32 $5.120000000e+02, v60;
	v60 =	vld [tilespmem:$0x1FE30]  }
0x3c5: {  	v8 =	vmul.f32 $6.400000000e+01, v56;
	v56 =	vadd.f32 $-2.002000090e+00, v4  }
0x3c6: {  	v62 =	vmul.f32 $2.560000000e+03, v62  }
0x3c7: {  	v2 =	vadd.f32 $1.258291200e+07, v56  }
0x3c8: {  	v3 =	vadd.f32 v8, v3;
	v0 =	vadd.f32 v0, v62;
	v1 =	vmul.f32 $7.007000450e+00, v13  }
0x3c9: {  	v62 =	vmul.f32 $2.560000000e+03, v44;
	v4 =	vmul.f32 $1.280000000e+04, v60;
	v44 =	vadd.f32 $-1.258291200e+07, v2  }
0x3ca: {  	v3 =	vadd.f32 v3, v59;
	v1 =	vadd.f32 $-4.003499980e+00, v1  }
0x3cb: {  	v60 =	vpop (erf);
	v59 =	vadd.f32 v0, v4;
	v13 =	vmul.f32 $1.220703130e-04, v44  }
0x3cc: {  	v8 =	vld [tilespmem:$0x1FE40];
	v0 =	vadd.f32 v3, v62;
	v3 =	vmul.f32 $1.280000000e+04, v39;
	v39 =	vpop (erf);
	v1 =	vadd.f32 $1.258291200e+07, v1  }
0x3cd: {  	v7 =	vadd.f32 $1.000000000e+00, v39;
	v39 =	vsub.f32 v9, v13;
	v13 =	vld [tilespmem:$0x1FE60]  }
0x3ce: {  	v56 =	vld [tilespmem:$0x1FE50];
	v1 =	vadd.f32 $-1.258291200e+07, v1;
	_ =	sdelay $0x1  }
0x3cf: {  	v9 =	vmul.f32 $3.035663950e-07, v1  }
0x3d0: {  	v16 =	vld [tilespmem:$0x1FE70];
	v2 =	vmul.f32 $7.007000450e+00, v8  }
0x3d1: {  	v8 =	vsub.f32 v13, v9;
	v9 =	vld [tilespmem:$0x1FE80]  }
0x3d2: {  	v2 =	vadd.f32 $-4.003499980e+00, v2;
	v62 =	vmul.f32 $7.007000450e+00, v56  }
0x3d3: {  	v56 =	vadd.f32 v0, v3  }
0x3d4: {  	v5 =	vmul.f32 $4.004000190e+00, v5;
	v2 =	vadd.f32 $1.258291200e+07, v2;
	v3 =	vadd.f32 $-4.003499980e+00, v62  }
0x3d5: {  	v0 =	vmul.f32 $4.004000190e+00, v16;
	v62 =	vmul.f32 $-3.276800000e+04, v39  }
0x3d6: {  	v2 =	vadd.f32 $-1.258291200e+07, v2;
	v3 =	vadd.f32 $1.258291200e+07, v3;
	v13 =	vmul.f32 $4.004000190e+00, v9  }
0x3d7: {  	v16 =	vld [tilespmem:$0x1FE90];
	(erf) = vrcp.f32 v7;
	v0 =	vadd.f32 $-2.002000090e+00, v0;
	v7 =	vmul.f32 $1.442695020e+00, v62  }
0x3d8: {  	v3 =	vadd.f32 $-1.258291200e+07, v3;
	v62 =	vmul.f32 $8.000000000e+00, v2;
	v13 =	vadd.f32 $-2.002000090e+00, v13  }
0x3d9: {  	v5 =	vadd.f32 $-2.002000090e+00, v5;
	v0 =	vadd.f32 $1.258291200e+07, v0;
	(erf) = vpow2.f32 v7  }
0x3da: {  	v4 =	vadd.f32 v62, v1;
	v7 =	vadd.f32 $1.258291200e+07, v13;
	v13 =	vmul.f32 $6.400000000e+01, v3  }
0x3db: {  	v5 =	vadd.f32 $1.258291200e+07, v5  }
0x3dc: {  	v62 =	vmul.f32 $4.004000190e+00, v16;
	v16 =	vadd.f32 $-1.258291200e+07, v0;
	v0 =	vadd.f32 v13, v4;
	v13 =	vld [tilespmem:$0x1FEA0]  }
0x3dd: {  	v9 =	vadd.f32 $-1.258291200e+07, v5;
	_ =	sdelay $0x1  }
0x3de: {  	v2 =	vmul.f32 $3.035663950e-07, v2;
	v5 =	vmul.f32 $1.220703130e-04, v9;
	_ =	sdelay $0x1  }
0x3df: {  	v6 =	vsub.f32 v13, v2;
	v13 =	vsub.f32 v10, v5;
	v10 =	vld [tilespmem:$0x1FEB0]  }
0x3e0: {  	v1 =	vadd.f32 $-2.002000090e+00, v62;
	v62 =	vmul.f32 $5.120000000e+02, v16;
	v7 =	vadd.f32 $-1.258291200e+07, v7;
	_ =	sdelay $0x1  }
0x3e1: {  	v3 =	vmul.f32 $3.035663950e-07, v3;
	v0 =	vadd.f32 v0, v62;
	v62 =	vmul.f32 $2.560000000e+03, v7;
	_ =	sdelay $0x1  }
0x3e2: {  	v5 =	vsub.f32 v10, v3;
	v3 =	vadd.f32 v0, v62;
	v62 =	vld [tilespmem:$0x1FEC0];
	_ =	sdelay $0x2  }
0x3e3: {  	v10 =	vmul.f32 $3.051757810e-05, v16;
	_ =	sdelay $0x1  }
0x3e4: {  	v10 =	vsub.f32 v62, v10;
	v62 =	vld [tilespmem:$0x1FED0];
	_ =	sdelay $0x1  }
0x3e5: {  	v1 =	vadd.f32 $1.258291200e+07, v1  }
0x3e6: {  	v7 =	vmul.f32 $3.051757810e-05, v7;
	v16 =	vpop (erf)  }
0x3e7: {  	v1 =	vadd.f32 $-1.258291200e+07, v1;
	v0 =	vpop (erf)  }
0x3e8: {  	v0 =	vadd.f32 $1.000000000e+00, v0;
	v7 =	vsub.f32 v62, v7;
	v62 =	vld [tilespmem:$0x1FEE0]  }
0x3e9: {  	v4 =	vmul.f32 $1.280000000e+04, v1  }
0x3ea: {  	(erf) = vrcp.f32 v0;
	v0 =	vmul.f32 $4.004000190e+00, v17;
	v17 =	vld [tilespmem:$0x1FF00]  }
0x3eb: {  	v1 =	vmul.f32 $3.051757810e-05, v1;
	v2 =	vmul.f32 $-3.276800000e+04, v13  }
0x3ec: {  	v4 =	vadd.f32 v3, v4;
	v3 =	vmul.f32 $8.000000000e+00, v43;
	v43 =	vld [tilespmem:$0x1FF10]  }
0x3ed: {  	v2 =	vmul.f32 $1.442695020e+00, v2;
	v1 =	vsub.f32 v62, v1;
	v62 =	vld [tilespmem:$0x1FEF0]  }
0x3ee: {  	v3 =	vadd.f32 v3, v63;
	v63 =	vld [tilespmem:$0x1FF40]  }
0x3ef: {  	(erf) = vpow2.f32 v2;
	v2 =	vmul.f32 $8.000000000e+00, v50;
	v50 =	vsub.f32 v17, v6;
	v17 =	vld [tilespmem:$0x1FF30]  }
0x3f0: {  	v48 =	vmul.f32 $8.000000000e+00, v48;
	v14 =	vmul.f32 $7.007000450e+00, v14  }
0x3f1: {  	v24 =	vmul.f32 $5.120000000e+02, v24;
	v11 =	vmul.f32 $6.400000000e+01, v11;
	v15 =	vadd.f32 $3.203600000e+04, v15  }
0x3f2: {  	v14 =	vadd.f32 $-4.003499980e+00, v14;
	v16 =	vmul.f32 $7.007000450e+00, v16;
	v62 =	vsub.f32 v62, v8;
	v8 =	vld [tilespmem:$0x1FF20]  }
0x3f3: {  	v0 =	vadd.f32 $-2.002000090e+00, v0;
	v6 =	vmul.f32 $6.400000000e+01, v42;
	v42 =	vsub.f32 v63, v10;
	v63 =	vld [tilespmem:$0x1FF60]  }
0x3f4: {  	v14 =	vadd.f32 $1.258291200e+07, v14;
	v43 =	vsub.f32 v43, v5;
	v5 =	vmul.f32 $6.400000000e+01, v17;
	v17 =	vld [tilespmem:$0x1FF50]  }
0x3f5: {  	v15 =	vtrunc.f32 v15;
	v16 =	vadd.f32 $-4.003499980e+00, v16;
	v0 =	vadd.f32 $1.258291200e+07, v0  }
0x3f6: {  	v4 =	vadd.f32 $3.203600000e+04, v4;
	v3 =	vadd.f32 v6, v3;
	v6 =	vmul.f32 $5.120000000e+02, v41  }
0x3f7: {  	v15 =	vcvt.f32.s32 v15;
	v0 =	vadd.f32 $-1.258291200e+07, v0;
	v2 =	vadd.f32 v2, v8  }
0x3f8: {  	v9 =	vmul.f32 $2.560000000e+03, v9;
	v3 =	vadd.f32 v3, v6;
	v41 =	vsub.f32 v63, v7;
	v63 =	vld [tilespmem:$0x1FF80]  }
0x3f9: {  	v6 =	vmul.f32 $2.560000000e+03, v40;
	v2 =	vadd.f32 v5, v2;
	v5 =	vmul.f32 $5.120000000e+02, v17;
	v17 =	vld [tilespmem:$0x1FF70]  }
0x3fa: {  	v59 =	vadd.f32 $3.203600000e+04, v59;
	v4 =	vtrunc.f32 v4;
	v7 =	vmul.f32 $1.220703130e-04, v0  }
0x3fb: {  	v16 =	vadd.f32 $1.258291200e+07, v16;
	v4 =	vcvt.f32.s32 v4;
	v6 =	vadd.f32 v3, v6  }
0x3fc: {  	v0 =	vmul.f32 $1.280000000e+04, v0;
	v3 =	vsub.f32 v12, v7;
	v7 =	vadd.f32 v48, v49  }
0x3fd: {  	v48 =	vmul.f32 $5.120000000e+02, v46;
	v46 =	vmul.f32 $8.000000000e+00, v18;
	v40 =	vsub.f32 v63, v1  }
0x3fe: {  	v63 =	vmul.f32 $1.280000000e+04, v61;
	v2 =	vadd.f32 v2, v5;
	v5 =	vmul.f32 $2.560000000e+03, v17;
	v17 =	vld [tilespmem:$0x1FF90]  }
0x3ff: {  	v16 =	vadd.f32 $-1.258291200e+07, v16;
	v61 =	vmul.f32 $6.400000000e+01, v47;
	v47 =	vmul.f32 $8.000000000e+00, v36  }
0x400: {  	v36 =	vmul.f32 $1.280000000e+04, v38;
	v6 =	vadd.f32 v6, v63;
	v63 =	vmul.f32 $5.120000000e+02, v53  }
0x401: {  	v7 =	vadd.f32 v61, v7;
	v53 =	vmul.f32 $6.400000000e+01, v34;
	v61 =	vmul.f32 $5.120000000e+02, v33  }
0x402: {  	v49 =	vadd.f32 v47, v37;
	v33 =	vmul.f32 $2.560000000e+03, v30;
	v34 =	vmul.f32 $1.280000000e+04, v51  }
0x403: {  	v37 =	vmul.f32 $1.280000000e+04, v29;
	v1 =	vadd.f32 v2, v5;
	v5 =	vpop (erf);
	v2 =	vmul.f32 $1.280000000e+04, v17  }
0x404: {  	v6 =	vadd.f32 $3.203600000e+04, v6;
	v12 =	vpop (erf);
	v17 =	vmul.f32 $8.000000000e+00, v55;
	v55 =	vmul.f32 $-3.276800000e+04, v3  }
0x405: {  	v7 =	vadd.f32 v7, v48;
	v48 =	vmul.f32 $1.280000000e+04, v21;
	v8 =	vadd.f32 $1.000000000e+00, v12  }
0x406: {  	v51 =	vadd.f32 $3.203600000e+04, v28;
	v6 =	vtrunc.f32 v6;
	v10 =	vmul.f32 $1.442695020e+00, v55  }
0x407: {  	v28 =	vadd.f32 $3.203600000e+04, v56;
	v6 =	vcvt.f32.s32 v6;
	(erf) = vrcp.f32 v8  }
0x408: {  	v5 =	vmul.f32 $4.004000190e+00, v5;
	v12 =	vadd.f32 v46, v20;
	(erf) = vpow2.f32 v10  }
0x409: {  	v1 =	vadd.f32 v1, v2;
	v2 =	vadd.f32 v17, v58;
	v58 =	vmul.f32 $6.400000000e+01, v54  }
0x40a: {  	v54 =	vmul.f32 $2.560000000e+03, v52;
	v55 =	vmul.f32 $8.000000000e+00, v26;
	v5 =	vadd.f32 $-2.002000090e+00, v5  }
0x40b: {  	v17 =	vtrunc.f32 v51;
	v8 =	vadd.f32 v53, v49;
	v49 =	vadd.f32 $3.203600000e+04, v32  }
0x40c: {  	v11 =	vadd.f32 v11, v12;
	v53 =	vmul.f32 $5.120000000e+02, v44;
	v17 =	vcvt.f32.s32 v17  }
0x40d: {  	v2 =	vadd.f32 v58, v2;
	v58 =	vmul.f32 $2.560000000e+03, v45;
	v5 =	vadd.f32 $1.258291200e+07, v5  }
0x40e: {  	v45 =	vmul.f32 $2.560000000e+03, v23;
	v1 =	vadd.f32 $3.203600000e+04, v1;
	v8 =	vadd.f32 v8, v61  }
0x40f: {  	v52 =	vtrunc.f32 v49;
	v11 =	vadd.f32 v11, v53;
	v2 =	vadd.f32 v2, v63  }
0x410: {  	[tilespmem:s31+$0x900] =	vst v17;
	v17 =	vtrunc.f32 v28;
	v63 =	vadd.f32 v55, v27;
	v7 =	vadd.f32 v7, v58;
	v38 =	vpop (erf)  }
0x411: {  	v27 =	vmul.f32 $6.400000000e+01, v25;
	v55 =	vadd.f32 $3.203600000e+04, v22;
	v58 =	vadd.f32 $3.203600000e+04, v57;
	v47 =	vpop (erf)  }
0x412: {  	v12 =	vcvt.f32.s32 v52;
	v5 =	vadd.f32 $-1.258291200e+07, v5;
	v18 =	vadd.f32 $1.000000000e+00, v47  }
0x413: {  	v1 =	vtrunc.f32 v1;
	v52 =	vmul.f32 $3.035663950e-07, v16;
	v8 =	vadd.f32 v8, v33  }
0x414: {  	v9 =	vadd.f32 v11, v9;
	v1 =	vcvt.f32.s32 v1;
	(erf) = vrcp.f32 v18  }
0x415: {  	v2 =	vadd.f32 v2, v54;
	v10 =	vadd.f32 v27, v63;
	v54 =	vmul.f32 $7.007000450e+00, v60  }
0x416: {  	[tilespmem:s31+$0x980] =	vst v15;
	v7 =	vadd.f32 v7, v36;
	v20 =	vtrunc.f32 v55;
	v21 =	vtrunc.f32 v58  }
0x417: {  	[tilespmem:s31+$0xC00] =	vst v4;
	v60 =	vadd.f32 $-1.258291200e+07, v14;
	v27 =	vmul.f32 $6.400000000e+01, v16;
	v8 =	vadd.f32 v8, v37  }
0x418: {  	[tilespmem:s31+$0x580] =	vst v43;
	v20 =	vcvt.f32.s32 v20;
	v0 =	vadd.f32 v9, v0;
	v18 =	vadd.f32 $-4.003499980e+00, v54  }
0x419: {  	[tilespmem:s31+$0x500] =	vst v50;
	v63 =	vcvt.f32.s32 v21;
	v37 =	vmul.f32 $5.120000000e+02, v5;
	v2 =	vadd.f32 v2, v34  }
0x41a: {  	[tilespmem:s31+$0x600] =	vst v42;
	v5 =	vmul.f32 $3.051757810e-05, v5;
	v10 =	vadd.f32 v10, v24;
	v18 =	vadd.f32 $1.258291200e+07, v18  }
0x41b: {  	[tilespmem:s31+$0x680] =	vst v41;
	v24 =	vtrunc.f32 v59;
	v7 =	vadd.f32 $3.203600000e+04, v7;
	v29 =	vmul.f32 $4.004000190e+00, v38  }
0x41c: {  	[tilespmem:s31+$0x700] =	vst v40;
	v34 =	vcvt.f32.s32 v17;
	v8 =	vadd.f32 $3.203600000e+04, v8;
	v18 =	vadd.f32 $-1.258291200e+07, v18  }
0x41d: {  	v49 =	vmul.f32 $3.035663950e-07, v60;
	v0 =	vadd.f32 $3.203600000e+04, v0;
	v33 =	vadd.f32 $-2.002000090e+00, v29;
	v32 =	vpop (erf)  }
0x41e: {  	[tilespmem:s31+$0x480] =	vst v62;
	v5 =	vsub.f32 v39, v5;
	v61 =	vmul.f32 $8.000000000e+00, v18;
	v14 =	vmul.f32 $4.004000190e+00, v32  }
0x41f: {  	[tilespmem:s31+$0x910] =	vst v6;
	v30 =	vcvt.f32.s32 v24;
	v10 =	vadd.f32 v10, v45;
	v36 =	vadd.f32 $1.258291200e+07, v33  }
0x420: {  	[tilespmem:s31+$0x880] =	vst v12;
	v7 =	vtrunc.f32 v7;
	v25 =	vadd.f32 v61, v60;
	v14 =	vadd.f32 $-2.002000090e+00, v14  }
0x421: {  	[tilespmem:s31+$0x890] =	vst v1;
	v2 =	vadd.f32 $3.203600000e+04, v2;
	v7 =	vcvt.f32.s32 v7;
	v38 =	vadd.f32 $-1.258291200e+07, v36  }
0x422: {  	[tilespmem:s31+$0xA00] =	vst v20;
	v46 =	vtrunc.f32 v8;
	v12 =	vadd.f32 v27, v25;
	v14 =	vadd.f32 $1.258291200e+07, v14  }
0x423: {  	v55 =	vld [tilespmem:$0x1FFA0];
	[tilespmem:s31+$0xA80] =	vst v63;
	v51 =	vsub.f32 v35, v49;
	v0 =	vtrunc.f32 v0;
	v2 =	vtrunc.f32 v2  }
0x424: {  	v59 =	vld [tilespmem:$0x1FFC0];
	[tilespmem:s31+$0xB80] =	vst v34;
	v44 =	vmul.f32 $2.560000000e+03, v38;
	v4 =	vadd.f32 v12, v37;
	v14 =	vadd.f32 $-1.258291200e+07, v14  }
0x425: {  	[tilespmem:s31+$0xB00] =	vst v30;
	v10 =	vadd.f32 v10, v48;
	v1 =	vcvt.f32.s32 v46;
	v0 =	vcvt.f32.s32 v0  }
0x426: {  	v62 =	vld [tilespmem:$0x1FFE0];
	v2 =	vcvt.f32.s32 v2;
	[tilespmem:s31+$0xA10] =	vst v7;
	v4 =	vadd.f32 v4, v44;
	v45 =	vmul.f32 $1.280000000e+04, v14  }
0x427: {  	v10 =	vadd.f32 $3.203600000e+04, v10;
	[tilespmem:s31+$0xA90] =	vst v1;
	v54 =	vsub.f32 v19, v52;
	v56 =	vmul.f32 $3.051757810e-05, v38;
	v61 =	vld [tilespmem:$0x1FFD0]  }
0x428: {  	[tilespmem:s31+$0xB90] =	vst v0;
	v1 =	vsub.f32 v55, v51;
	v4 =	vadd.f32 v4, v45  }
0x429: {  	v63 =	vld [tilespmem:$0x1FFF0];
	[tilespmem:s31+$0x990] =	vst v2;
	v47 =	vtrunc.f32 v10;
	v0 =	vsub.f32 v59, v54;
	v2 =	vsub.f32 v13, v56  }
0x42a: {  	v58 =	vld [tilespmem:$0x1FFB0];
	[tilespmem:s31+$0x490] =	vst v1;
	v48 =	vcvt.f32.s32 v47;
	v57 =	vmul.f32 $3.051757810e-05, v14;
	v4 =	vadd.f32 $3.203600000e+04, v4  }
0x42b: {  	[tilespmem:s31+$0x590] =	vst v0;
	v50 =	vmul.f32 $3.035663950e-07, v18;
	v0 =	vsub.f32 v62, v2  }
0x42c: {  	p0 =	sne.s32 s30, $0xFFFFFF80;
	[tilespmem:s31+$0xB10] =	vst v48;
	v60 =	vsub.f32 v3, v57;
	v3 =	vsub.f32 v61, v5;
	v4 =	vtrunc.f32 v4  }
.Ltmp0:
0x42d: {  	v53 =	vsub.f32 v31, v50;
	[tilespmem:s31+$0x690] =	vst v0;
	v4 =	vcvt.f32.s32 v4;
	(pc) =	sbr.rel @p0 .LBB2_2-.Ltmp0, $4  }
0x42e: {  	[tilespmem:s31+$0x610] =	vst v3;
	v1 =	vsub.f32 v63, v60  }
0x42f: {  	[tilespmem:s31+$0xC10] =	vst v4;
	v4 =	vsub.f32 v58, v53  }
0x430: {  	[tilespmem:s31+$0x710] =	vst v1  }
0x431: {  	s30 =	sadd.s32 $0x80, s30;
	[tilespmem:s31+$0x510] =	vst v4  }
0x432: {  	s30 =	simm.s32 $0x400  }
0x433: {  	[hbm4b:s9+s1] =	stream.linear.scatter [tilespmem:s30], [sflag:$0x1], $0x80, $0x38;
	[tilespmem:$0xC00] =	vst v63  }
0x434: {  	_ =	swait.ge [sflag:s24], $0x80  }
0x435: {  	[sflag:s24] =	ssyncset.done $0x0  }
0x436: {  	s31 =	simm.s32 $0x480;
	[sflag:s24] =	ssyncadd.s32 $0xFFFFFF80  }
0x437: {  	[hbm4b:s10+s1] =	stream.linear.scatter [tilespmem:s31], [sflag:$0x1], $0x80, $0x38;
	[tilespmem:$0xC00] =	vst v63  }
0x438: {  	_ =	swait.ge [sflag:s24], $0x80  }
0x439: {  	[sflag:s24] =	ssyncset.done $0x0  }
0x43a: {  	s31 =	simm.s32 $0x500;
	[sflag:s24] =	ssyncadd.s32 $0xFFFFFF80  }
0x43b: {  	[hbm4b:s11+s1] =	stream.linear.scatter [tilespmem:s31], [sflag:$0x1], $0x80, $0x38;
	[tilespmem:$0xC00] =	vst v63  }
0x43c: {  	_ =	swait.ge [sflag:s24], $0x80  }
0x43d: {  	[sflag:s24] =	ssyncset.done $0x0  }
0x43e: {  	s31 =	simm.s32 $0x580;
	[sflag:s24] =	ssyncadd.s32 $0xFFFFFF80  }
0x43f: {  	[hbm4b:s12+s1] =	stream.linear.scatter [tilespmem:s31], [sflag:$0x1], $0x80, $0x38;
	[tilespmem:$0xC00] =	vst v63  }
0x440: {  	_ =	swait.ge [sflag:s24], $0x80  }
0x441: {  	[sflag:s24] =	ssyncset.done $0x0  }
0x442: {  	s31 =	simm.s32 $0x600;
	[sflag:s24] =	ssyncadd.s32 $0xFFFFFF80  }
0x443: {  	[hbm4b:s13+s1] =	stream.linear.scatter [tilespmem:s31], [sflag:$0x1], $0x80, $0x38;
	[tilespmem:$0xC00] =	vst v63  }
0x444: {  	_ =	swait.ge [sflag:s24], $0x80  }
0x445: {  	[sflag:s24] =	ssyncset.done $0x0  }
0x446: {  	s31 =	simm.s32 $0x680;
	[sflag:s24] =	ssyncadd.s32 $0xFFFFFF80  }
0x447: {  	[hbm4b:s14+s1] =	stream.linear.scatter [tilespmem:s31], [sflag:$0x1], $0x80, $0x38;
	[tilespmem:$0xC00] =	vst v63  }
0x448: {  	_ =	swait.ge [sflag:s24], $0x80  }
0x449: {  	[sflag:s24] =	ssyncset.done $0x0  }
0x44a: {  	s31 =	simm.s32 $0x800;
	[sflag:s24] =	ssyncadd.s32 $0xFFFFFF80  }
0x44b: {  	[hbm4b:s15+s1] =	stream.linear.scatter [tilespmem:s31], [sflag:$0x1], $0x80, $0x38;
	[tilespmem:$0xC00] =	vst v63  }
0x44c: {  	_ =	swait.ge [sflag:s24], $0x80  }
0x44d: {  	[sflag:s24] =	ssyncset.done $0x0  }
0x44e: {  	s31 =	simm.s32 $0x880;
	[sflag:s24] =	ssyncadd.s32 $0xFFFFFF80  }
0x44f: {  	[hbm4b:s16+s1] =	stream.linear.scatter [tilespmem:s31], [sflag:$0x1], $0x80, $0x38;
	[tilespmem:$0xC00] =	vst v63  }
0x450: {  	_ =	swait.ge [sflag:s24], $0x80  }
0x451: {  	[sflag:s24] =	ssyncset.done $0x0  }
0x452: {  	s31 =	simm.s32 $0x900;
	[sflag:s24] =	ssyncadd.s32 $0xFFFFFF80  }
0x453: {  	[hbm4b:s17+s1] =	stream.linear.scatter [tilespmem:s31], [sflag:$0x1], $0x80, $0x38;
	[tilespmem:$0xC00] =	vst v63  }
0x454: {  	_ =	swait.ge [sflag:s24], $0x80  }
0x455: {  	[sflag:s24] =	ssyncset.done $0x0  }
0x456: {  	[sflag:s24] =	ssyncadd.s32 $0xFFFFFF80  }
0x457: {  	[hbm4b:s18+s1] =	stream.linear.scatter [tilespmem:s0], [sflag:$0x1], $0x80, $0x38;
	[tilespmem:$0xC00] =	vst v63  }
0x458: {  	_ =	swait.ge [sflag:s24], $0x80  }
0x459: {  	[sflag:s24] =	ssyncset.done $0x0  }
0x45a: {  	[sflag:s24] =	ssyncadd.s32 $0xFFFFFF80  }
0x45b: {  	[hbm4b:s19+s1] =	stream.linear.scatter [tilespmem:s2], [sflag:$0x1], $0x80, $0x38;
	[tilespmem:$0xC00] =	vst v63  }
0x45c: {  	_ =	swait.ge [sflag:s24], $0x80  }
0x45d: {  	[sflag:s24] =	ssyncset.done $0x0  }
0x45e: {  	[sflag:s24] =	ssyncadd.s32 $0xFFFFFF80  }
0x45f: {  	[hbm4b:s20+s1] =	stream.linear.scatter [tilespmem:s25], [sflag:$0x1], $0x80, $0x38;
	[tilespmem:$0xC00] =	vst v63  }
0x460: {  	_ =	swait.ge [sflag:s24], $0x80  }
0x461: {  	[sflag:s24] =	ssyncset.done $0x0  }
0x462: {  	[sflag:s24] =	ssyncadd.s32 $0xFFFFFF80  }
0x463: {  	[hbm4b:s21+s1] =	stream.linear.scatter [tilespmem:s26], [sflag:$0x1], $0x80, $0x38;
	[tilespmem:$0xC00] =	vst v63  }
0x464: {  	s29 =	sadd.s32 $0x1, s29;
	_ =	swait.ge [sflag:s24], $0x80  }
0x465: {  	p0 =	sne.s32 s29, s23;
	[sflag:s24] =	ssyncset.done $0x0  }
.Ltmp1:
0x466: {  	[sflag:s24] =	ssyncadd.s32 $0xFFFFFF80;
	(pc) =	sbr.rel @p0 .LBB2_1-.Ltmp1, $4  }
0x467: {  	[hbm4b:s22+s1] =	stream.linear.scatter [tilespmem:s28], [sflag:$0x1], $0x80, $0x38;
	[tilespmem:$0xC00] =	vst v63  }
0x468: {  	_ =	swait.ge [sflag:s24], $0x80  }
0x469: {  	[sflag:s24] =	ssyncset.done $0x0  }
0x46a: {  	[sflag:s24] =	ssyncadd.s32 $0xFFFFFF80  }
0x46b: {  	_ =	sfence.sel $0x180000  }
0x46c: {  	[bflag:$0x0] =	sbarrier.arrive $0xFFFF  }
0x46d: {  	_ =	strace $0x90000047  }
0x46e: {  	s0 =	stileid.u32;
	[bflag:$0x2] =	sbarrier.arrive $0xFFFF  }
0x46f: {  	p0 =	sne.s32 s0, $0x0;
	s0 =	rddreg [dreg:$0x2]  }
0x470: {  	s0 =	sadd.s32 @!p0 $0x100000, s0  }
0x471: {  	[sflag:s0] =	ssyncadd.tile.s32 @!p0 $0x1;
	_ =	shalt  }
.Lfunc_end2:
_tile_overlayer_lowered:
.L_overlay_start_2:
0x472: {  	(tag) =	ssettag $0x2  }
0x473: {  	s0 =	rddreg [dreg:$0x0];
	s2 =	stileid.u32  }
0x474: {  	s1 =	rddreg [dreg:$0x1];
	p0 =	sne.s32 s2, $0x0  }
0x475: {  	s3 =	rddreg [dreg:$0x2];
	[bflag:$0x3] =	sbarrier.arrive $0xFFFF;
	s2 =	simm.s32 @!p0 $0x1C01  }
0x476: {  	[timem:s3], [sflag:s2] =	dma.local @!p0 [hbm:s0], s1  }
0x477: {  	s0 =	simm.s32 @!p0 $0x1  }
0x478: {  	_ =	swait.ge @!p0 [sflag:s0], s1  }
0x479: {  	s1 =	ssub.s32 @!p0 $0x0, s1;
	[sflag:s0] =	ssyncset.done @!p0 $0x0  }
0x47a: {  	[sflag:s0] =	ssyncadd.s32 @!p0 s1  }
0x47b: {  	[bflag:$0x3] =	sbarrier.arrive $0xFFFF  }
0x47c: {  	_ =	shalt  }

</sc_bundles>
